<compile_context>
chip_gen: v7x
topology: tpu7x:2x2x1
jax: 0.10.2.dev20260603
libtpu: 0.0.44.dev20260713+nightly
codegen_flags: <defaults>
</compile_context>

<pallas_src>
import functools

import jax
import jax.numpy as jnp
from jax import lax
from jax.experimental import pallas as pl
from jax.experimental.pallas import tpu as pltpu
from jax.experimental.pallas import tpu_sc as plsc

B = 1024
LT = 50
LTP = 64
LD = 200
DC0 = 112
DC1 = 96
CS = 16
EMB = 512
NV = EMB // 16
K = 8
NC, NS = 2, 16
NW = NC * NS
BPW = B // NW


def _pool(rows_ref, n, vb, init_m, init_s):
    def rb(r, carry):
        ms, ss = carry[:K], carry[K:]
        nm, ns = [], []
        for i in range(K):
            x = rows_ref[r, pl.ds((vb * K + i) * 16, 16)]
            nm.append(jnp.maximum(ms[i], x))
            ns.append(ss[i] + x)
        return tuple(nm) + tuple(ns)

    res = plsc.parallel_loop(0, n, carry=tuple(init_m) + tuple(init_s),
                             unroll=2)(rb)
    return res[:K], res[K:]


def _fire(table_hbm, idx_ref, j, nstreams, dst_ref, sem):
    def fk(k, carry):
        pltpu.make_async_copy(
            table_hbm.at[idx_ref.at[j, pl.ds(k * CS, CS)]],
            dst_ref.at[pl.ds(k * CS, CS)], sem).start()
        return carry

    lax.fori_loop(0, 0, fk, None)


def _drain(table_hbm, idx_ref, j, nstreams, dst_ref, sem):
    def fk(k, carry):
        pltpu.make_async_copy(
            table_hbm.at[idx_ref.at[j, pl.ds(k * CS, CS)]],
            dst_ref.at[pl.ds(k * CS, CS)], sem).wait()
        return carry

    lax.fori_loop(0, 0, fk, None)


def _tec_body(title_hbm, desc0_hbm, desc1_hbm, tlen_hbm, dlen_hbm,
              tinv_hbm, dinv_hbm, table_hbm, out_hbm,
              idx_t, idx_d0, idx_d1, lens_vm, inv_vm, tlen_v, dlen_v,
              tinv_v, dinv_v, rows_a, rows_b, out_row, sem_a, sem_b, sem_o):
    wid = lax.axis_index("s") * NC + lax.axis_index("c")
    base = wid * BPW
    pltpu.sync_copy(title_hbm.at[pl.ds(base, BPW)], idx_t)
    pltpu.sync_copy(desc0_hbm.at[pl.ds(base, BPW)], idx_d0)
    pltpu.sync_copy(desc1_hbm.at[pl.ds(base, BPW)], idx_d1)
    pltpu.sync_copy(tlen_hbm.at[pl.ds(base, BPW)], lens_vm.at[0])
    pltpu.sync_copy(dlen_hbm.at[pl.ds(base, BPW)], lens_vm.at[1])
    pltpu.sync_copy(tinv_hbm.at[pl.ds(base, BPW)], inv_vm.at[0])
    pltpu.sync_copy(dinv_hbm.at[pl.ds(base, BPW)], inv_vm.at[1])
    for g in range(BPW // 16):
        tl = lens_vm[0, pl.ds(g * 16, 16)]
        dl = lens_vm[1, pl.ds(g * 16, 16)]
        ti = inv_vm[0, pl.ds(g * 16, 16)]
        di = inv_vm[1, pl.ds(g * 16, 16)]
        for l in range(16):
            tlen_v[g * 16 + l] = tl[l]
            dlen_v[g * 16 + l] = dl[l]
            tinv_v[g * 16 + l] = ti[l]
            dinv_v[g * 16 + l] = di[l]

    neg_inf = jnp.full((16,), -jnp.inf, jnp.float32)
    zeros = jnp.zeros((16,), jnp.float32)
    minit = [neg_inf] * K
    sinit = [zeros] * K

    def _fire_title(j):
        ntn = (jnp.minimum(tlen_v[j], LT) + CS - 1) // CS
        _fire(table_hbm, idx_t, j, ntn, rows_b, sem_a)

    def _fire_d0(j):
        n0n = (jnp.minimum(jnp.minimum(dlen_v[j], LD), DC0) + CS - 1) // CS
        _fire(table_hbm, idx_d0, j, n0n, rows_a, sem_b)

    _fire_title(0)
    _fire_d0(0)

    def row_body(j, _):
        tlen = jnp.minimum(tlen_v[j], LT)
        dlen = jnp.minimum(dlen_v[j], LD)
        t_inv = tinv_v[j]
        d_inv = dinv_v[j]

        nt = (tlen + CS - 1) // CS
        n0 = jnp.minimum(dlen, DC0)
        n0s = (n0 + CS - 1) // CS
        n1 = jnp.clip(dlen - DC0, 0, LD - DC0)
        n1s = (n1 + CS - 1) // CS

        _drain(table_hbm, idx_t, j, nt, rows_b, sem_a)

        @pl.when(j > 0)
        def _():
            pltpu.make_async_copy(out_row, out_hbm.at[base + j - 1], sem_o).wait()

        t_valid = tlen > 0
        for vb in range(NV // K):
            m, s = _pool(rows_b, tlen, vb, minit, sinit)
            for i in range(K):
                v = vb * K + i
                out_row[pl.ds(v * 16, 16)] = jnp.where(t_valid, m[i], zeros)
                out_row[pl.ds(2 * EMB + v * 16, 16)] = s[i] * t_inv

        _fire(table_hbm, idx_d1, j, n1s, rows_b, sem_a)

        _drain(table_hbm, idx_d0, j, n0s, rows_a, sem_b)
        d_valid = dlen > 0
        for vb in range(NV // K):
            m, s = _pool(rows_a, n0, vb, minit, sinit)
            for i in range(K):
                v = vb * K + i
                out_row[pl.ds(EMB + v * 16, 16)] = jnp.where(d_valid, m[i], zeros)
                out_row[pl.ds(3 * EMB + v * 16, 16)] = s[i] * d_inv

        @pl.when(j + 1 < BPW)
        def _():
            _fire_d0(j + 1)

        @pl.when(n1 > 0)
        def _():
            _drain(table_hbm, idx_d1, j, n1s, rows_b, sem_a)
            for vb in range(NV // K):
                m, s = _pool(rows_b, n1, vb, minit, sinit)
                for i in range(K):
                    v = vb * K + i
                    mp = out_row[pl.ds(EMB + v * 16, 16)]
                    sp = out_row[pl.ds(3 * EMB + v * 16, 16)]
                    out_row[pl.ds(EMB + v * 16, 16)] = jnp.maximum(mp, m[i])
                    out_row[pl.ds(3 * EMB + v * 16, 16)] = sp + s[i] * d_inv

        @pl.when(j + 1 < BPW)
        def _():
            _fire_title(j + 1)

        pltpu.make_async_copy(out_row, out_hbm.at[base + j], sem_o).start()
        return _

    lax.fori_loop(0, BPW, row_body, None)
    pltpu.make_async_copy(out_row, out_hbm.at[base + BPW - 1], sem_o).wait()


@jax.jit
def _swem_cat_sc(title, desc0, desc1, t_len, d_len, t_inv, d_inv, table):
    mesh = plsc.VectorSubcoreMesh(core_axis_name="c", subcore_axis_name="s")
    k = pl.kernel(
        _tec_body,
        mesh=mesh,
        out_type=jax.ShapeDtypeStruct((B, 4 * EMB), jnp.float32),
        scratch_types=[
            pltpu.VMEM((BPW, LTP), jnp.int32),
            pltpu.VMEM((BPW, DC0), jnp.int32),
            pltpu.VMEM((BPW, DC1), jnp.int32),
            pltpu.VMEM((2, BPW), jnp.int32),
            pltpu.VMEM((2, BPW), jnp.float32),
            pltpu.SMEM((BPW,), jnp.int32),
            pltpu.SMEM((BPW,), jnp.int32),
            pltpu.SMEM((BPW,), jnp.float32),
            pltpu.SMEM((BPW,), jnp.float32),
            pltpu.VMEM((DC0, EMB), jnp.float32),
            pltpu.VMEM((DC1, EMB), jnp.float32),
            pltpu.VMEM((4 * EMB,), jnp.float32),
            pltpu.SemaphoreType.DMA,
            pltpu.SemaphoreType.DMA,
            pltpu.SemaphoreType.DMA,
        ],
    )
    return k(title, desc0, desc1, t_len, d_len, t_inv, d_inv, table)


def kernel(title, desc, t_len, d_len, mode, table):
    title = jnp.pad(title.astype(jnp.int32), ((0, 0), (0, LTP - LT)))
    desc = desc.astype(jnp.int32)
    desc0 = desc[:, :DC0]
    desc1 = jnp.pad(desc[:, DC0:], ((0, 0), (0, DC0 + DC1 - LD)))
    t_len = t_len.astype(jnp.int32)
    d_len = d_len.astype(jnp.int32)
    t_inv = 1.0 / jnp.maximum(t_len, 1).astype(jnp.float32)
    d_inv = 1.0 / jnp.maximum(d_len, 1).astype(jnp.float32)
    return _swem_cat_sc(title, desc0, desc1, t_len, d_len, t_inv, d_inv, table)

# --- scband reference (transcript-rebuilt; emitter-appended) ---
"""Pipeline reference for scband-swem-cat-20572893348703 (READ-ONLY COPY).

The authoritative reference and input builder live on the scoring server;
editing this copy changes nothing except your own understanding.
"""

import jax, jax.numpy as jnp
import numpy as np

WORDS_CNT = 34835
EMB = 512


def setup_inputs(seed: int = 0) -> dict:
    key = jax.random.key(seed)
    k1, k2, k3, k4, k5 = jax.random.split(key, 5)
    B, LT, LD = 1024, 50, 200
    title = jax.random.randint(k1, (B, LT), 0, WORDS_CNT + 1, dtype=jnp.int64) if jax.config.jax_enable_x64 else jax.random.randint(k1, (B, LT), 0, WORDS_CNT + 1)
    desc = jax.random.randint(k2, (B, LD), 0, WORDS_CNT + 1)
    t_len = jax.random.randint(k3, (B,), 0, LT + 1)
    d_len = jax.random.randint(k4, (B,), 0, LD + 1)
    table = jax.random.normal(k5, (WORDS_CNT + 1, EMB), dtype=jnp.float32)
    table = table.at[0].set(0.0)  # padding_idx=0
    return {"title": title, "desc": desc, "t_len": t_len, "d_len": d_len, "mode": 0, "table": table}


def _swem_max(vec, lens):
    # torch code calls .data (detach) before pooling
    vec = jax.lax.stop_gradient(vec)
    L = vec.shape[1]
    mask = jnp.arange(L)[None, :] < lens[:, None]
    filled = jnp.where(mask[:, :, None], vec, -jnp.inf)
    m = jnp.max(filled, axis=1)
    return jnp.where((lens > 0)[:, None], m, jnp.zeros_like(m))


def _swem_avg(vec, lens):
    vec = jax.lax.stop_gradient(vec)
    L = vec.shape[1]
    mask = (jnp.arange(L)[None, :] < lens[:, None]).astype(vec.dtype)
    s = jnp.sum(vec * mask[:, :, None], axis=1)
    denom = jnp.maximum(lens, 1).astype(vec.dtype)[:, None]
    avg = s / denom
    return jnp.where((lens > 0)[:, None], avg, jnp.zeros_like(avg))


def reference(title, desc, t_len, d_len, mode, table):
    title_vec = jnp.take(table, title, axis=0)
    desc_vec = jnp.take(table, desc, axis=0)
    out = jnp.concatenate([
        _swem_max(title_vec, t_len),
        _swem_max(desc_vec, d_len),
        _swem_avg(title_vec, t_len),
        _swem_avg(desc_vec, d_len),
    ], axis=1)
    return out

if __name__ == "__main__":
    import jax
    _d = setup_inputs()
    print(jax.jit(kernel)(*tuple(_d.values())))

</pallas_src>

<mosaic_0001>
#map = affine_map<(d0, d1) -> (0, 0)>
#map1 = affine_map<(d0, d1) -> (0)>
module attributes {stable_mosaic.version = 14 : i64} {
  func.func @_tec_body(%arg0: i32, %arg1: i32, %arg2: memref<1024x64xi32, #tpu.memory_space<hbm>>, %arg3: memref<1024x112xi32, #tpu.memory_space<hbm>>, %arg4: memref<1024x96xi32, #tpu.memory_space<hbm>>, %arg5: memref<1024xi32, #tpu.memory_space<hbm>>, %arg6: memref<1024xi32, #tpu.memory_space<hbm>>, %arg7: memref<1024xf32, #tpu.memory_space<hbm>>, %arg8: memref<1024xf32, #tpu.memory_space<hbm>>, %arg9: memref<34836x512xf32, #tpu.memory_space<hbm>>, %arg10: memref<1024x2048xf32, #tpu.memory_space<hbm>>, %arg11: memref<32x64xi32, #tpu.memory_space<vmem>>, %arg12: memref<32x112xi32, #tpu.memory_space<vmem>>, %arg13: memref<32x96xi32, #tpu.memory_space<vmem>>, %arg14: memref<2x32xi32, #tpu.memory_space<vmem>>, %arg15: memref<2x32xf32, #tpu.memory_space<vmem>>, %arg16: memref<32xi32, #tpu.memory_space<smem>>, %arg17: memref<32xi32, #tpu.memory_space<smem>>, %arg18: memref<32xf32, #tpu.memory_space<smem>>, %arg19: memref<32xf32, #tpu.memory_space<smem>>, %arg20: memref<112x512xf32, #tpu.memory_space<vmem>>, %arg21: memref<96x512xf32, #tpu.memory_space<vmem>>, %arg22: memref<2048xf32, #tpu.memory_space<vmem>>, %arg23: memref<!tpu.dma_semaphore, #tpu.memory_space<semaphore_mem>>, %arg24: memref<!tpu.dma_semaphore, #tpu.memory_space<semaphore_mem>>, %arg25: memref<!tpu.dma_semaphore, #tpu.memory_space<semaphore_mem>>) attributes {dimension_semantics = [#tpu.dimension_semantics<core_parallel>, #tpu.dimension_semantics<subcore_parallel>], iteration_bounds = array<i64: 2, 16>, scalar_prefetch = 0 : i64, scratch_operands = 15 : i64, tpu.core_type = #tpu.core_type<sc_vector_subcore>, window_params = [{transform_indices = #map}, {transform_indices = #map}, {transform_indices = #map}, {transform_indices = #map1}, {transform_indices = #map1}, {transform_indices = #map1}, {transform_indices = #map1}, {transform_indices = #map}, {transform_indices = #map}]} {
    %mul3A = arith.constant 2 : i32
    %mul3A_0 = arith.muli %arg1, %mul3A : i32
    %add3A = arith.addi %mul3A_0, %arg0 : i32
    %mul3A_1 = arith.constant 32 : i32
    %mul3A_2 = arith.muli %add3A, %mul3A_1 : i32
    "tpu.region"() ({
      %run_scoped3A_765 = tpu.sem_alloc : memref<!tpu.dma_semaphore, #tpu.memory_space<semaphore_mem>>
      %dma_start3A = arith.constant 0 : i32
      %dma_start3A_766 = tpu.memref_slice %arg2[%mul3A_2, %dma_start3A] : memref<1024x64xi32, #tpu.memory_space<hbm>> -> memref<32x64xi32, #tpu.memory_space<hbm>>
      %dma_start3A_767 = arith.constant 0 : i32
      %dma_start3A_768 = tpu.memref_slice %arg2[%mul3A_2, %dma_start3A_767] : memref<1024x64xi32, #tpu.memory_space<hbm>> -> memref<32x64xi32, #tpu.memory_space<hbm>>
      tpu.enqueue_dma source(%dma_start3A_768 : memref<32x64xi32, #tpu.memory_space<hbm>>) target(%arg11 : memref<32x64xi32, #tpu.memory_space<vmem>>) target_semaphore(%run_scoped3A_765 : memref<!tpu.dma_semaphore, #tpu.memory_space<semaphore_mem>>)
      %dma_wait3A_769 = arith.constant 0 : i32
      %dma_wait3A_770 = tpu.memref_slice %arg2[%mul3A_2, %dma_wait3A_769] : memref<1024x64xi32, #tpu.memory_space<hbm>> -> memref<32x64xi32, #tpu.memory_space<hbm>>
      %dma_wait3A_771 = arith.constant 0 : i32
      %dma_wait3A_772 = tpu.memref_slice %arg2[%mul3A_2, %dma_wait3A_771] : memref<1024x64xi32, #tpu.memory_space<hbm>> -> memref<32x64xi32, #tpu.memory_space<hbm>>
      tpu.wait_dma2 semaphore(%run_scoped3A_765 : memref<!tpu.dma_semaphore, #tpu.memory_space<semaphore_mem>>) src(%dma_wait3A_772 : memref<32x64xi32, #tpu.memory_space<hbm>>) dst(%arg11 : memref<32x64xi32, #tpu.memory_space<vmem>>)
      tpu.yield
    }) : () -> ()
    "tpu.region"() ({
      %run_scoped3A_765 = tpu.sem_alloc : memref<!tpu.dma_semaphore, #tpu.memory_space<semaphore_mem>>
      %dma_start3A = arith.constant 0 : i32
      %dma_start3A_766 = tpu.memref_slice %arg3[%mul3A_2, %dma_start3A] : memref<1024x112xi32, #tpu.memory_space<hbm>> -> memref<32x112xi32, #tpu.memory_space<hbm>>
      %dma_start3A_767 = arith.constant 0 : i32
      %dma_start3A_768 = tpu.memref_slice %arg3[%mul3A_2, %dma_start3A_767] : memref<1024x112xi32, #tpu.memory_space<hbm>> -> memref<32x112xi32, #tpu.memory_space<hbm>>
      tpu.enqueue_dma source(%dma_start3A_768 : memref<32x112xi32, #tpu.memory_space<hbm>>) target(%arg12 : memref<32x112xi32, #tpu.memory_space<vmem>>) target_semaphore(%run_scoped3A_765 : memref<!tpu.dma_semaphore, #tpu.memory_space<semaphore_mem>>)
      %dma_wait3A_769 = arith.constant 0 : i32
      %dma_wait3A_770 = tpu.memref_slice %arg3[%mul3A_2, %dma_wait3A_769] : memref<1024x112xi32, #tpu.memory_space<hbm>> -> memref<32x112xi32, #tpu.memory_space<hbm>>
      %dma_wait3A_771 = arith.constant 0 : i32
      %dma_wait3A_772 = tpu.memref_slice %arg3[%mul3A_2, %dma_wait3A_771] : memref<1024x112xi32, #tpu.memory_space<hbm>> -> memref<32x112xi32, #tpu.memory_space<hbm>>
      tpu.wait_dma2 semaphore(%run_scoped3A_765 : memref<!tpu.dma_semaphore, #tpu.memory_space<semaphore_mem>>) src(%dma_wait3A_772 : memref<32x112xi32, #tpu.memory_space<hbm>>) dst(%arg12 : memref<32x112xi32, #tpu.memory_space<vmem>>)
      tpu.yield
    }) : () -> ()
    "tpu.region"() ({
      %run_scoped3A_765 = tpu.sem_alloc : memref<!tpu.dma_semaphore, #tpu.memory_space<semaphore_mem>>
      %dma_start3A = arith.constant 0 : i32
      %dma_start3A_766 = tpu.memref_slice %arg4[%mul3A_2, %dma_start3A] : memref<1024x96xi32, #tpu.memory_space<hbm>> -> memref<32x96xi32, #tpu.memory_space<hbm>>
      %dma_start3A_767 = arith.constant 0 : i32
      %dma_start3A_768 = tpu.memref_slice %arg4[%mul3A_2, %dma_start3A_767] : memref<1024x96xi32, #tpu.memory_space<hbm>> -> memref<32x96xi32, #tpu.memory_space<hbm>>
      tpu.enqueue_dma source(%dma_start3A_768 : memref<32x96xi32, #tpu.memory_space<hbm>>) target(%arg13 : memref<32x96xi32, #tpu.memory_space<vmem>>) target_semaphore(%run_scoped3A_765 : memref<!tpu.dma_semaphore, #tpu.memory_space<semaphore_mem>>)
      %dma_wait3A_769 = arith.constant 0 : i32
      %dma_wait3A_770 = tpu.memref_slice %arg4[%mul3A_2, %dma_wait3A_769] : memref<1024x96xi32, #tpu.memory_space<hbm>> -> memref<32x96xi32, #tpu.memory_space<hbm>>
      %dma_wait3A_771 = arith.constant 0 : i32
      %dma_wait3A_772 = tpu.memref_slice %arg4[%mul3A_2, %dma_wait3A_771] : memref<1024x96xi32, #tpu.memory_space<hbm>> -> memref<32x96xi32, #tpu.memory_space<hbm>>
      tpu.wait_dma2 semaphore(%run_scoped3A_765 : memref<!tpu.dma_semaphore, #tpu.memory_space<semaphore_mem>>) src(%dma_wait3A_772 : memref<32x96xi32, #tpu.memory_space<hbm>>) dst(%arg13 : memref<32x96xi32, #tpu.memory_space<vmem>>)
      tpu.yield
    }) : () -> ()
    %run_scoped3A = arith.constant 0 : i32
    "tpu.region"() ({
      %run_scoped3A_765 = tpu.sem_alloc : memref<!tpu.dma_semaphore, #tpu.memory_space<semaphore_mem>>
      %dma_start3A = arith.constant 0 : i32
      %dma_start3A_766 = tpu.memref_slice %arg14[%run_scoped3A, %dma_start3A] : memref<2x32xi32, #tpu.memory_space<vmem>> -> memref<1x32xi32, #tpu.memory_space<vmem>>
      %dma_start3A_767 = tpu.memref_squeeze %dma_start3A_766 : memref<1x32xi32, #tpu.memory_space<vmem>> -> memref<32xi32, #tpu.memory_space<vmem>>
      %dma_start3A_768 = tpu.memref_slice %arg5[%mul3A_2] : memref<1024xi32, #tpu.memory_space<hbm>> -> memref<32xi32, #tpu.memory_space<hbm>>
      %dma_start3A_769 = arith.constant 0 : i32
      %dma_start3A_770 = tpu.memref_slice %arg14[%run_scoped3A, %dma_start3A_769] : memref<2x32xi32, #tpu.memory_space<vmem>> -> memref<1x32xi32, #tpu.memory_space<vmem>>
      %dma_start3A_771 = tpu.memref_squeeze %dma_start3A_770 : memref<1x32xi32, #tpu.memory_space<vmem>> -> memref<32xi32, #tpu.memory_space<vmem>>
      %dma_start3A_772 = tpu.memref_slice %arg5[%mul3A_2] : memref<1024xi32, #tpu.memory_space<hbm>> -> memref<32xi32, #tpu.memory_space<hbm>>
      tpu.enqueue_dma source(%dma_start3A_772 : memref<32xi32, #tpu.memory_space<hbm>>) target(%dma_start3A_771 : memref<32xi32, #tpu.memory_space<vmem>>) target_semaphore(%run_scoped3A_765 : memref<!tpu.dma_semaphore, #tpu.memory_space<semaphore_mem>>)
      %dma_wait3A_773 = arith.constant 0 : i32
      %dma_wait3A_774 = tpu.memref_slice %arg14[%run_scoped3A, %dma_wait3A_773] : memref<2x32xi32, #tpu.memory_space<vmem>> -> memref<1x32xi32, #tpu.memory_space<vmem>>
      %dma_wait3A_775 = tpu.memref_squeeze %dma_wait3A_774 : memref<1x32xi32, #tpu.memory_space<vmem>> -> memref<32xi32, #tpu.memory_space<vmem>>
      %dma_wait3A_776 = tpu.memref_slice %arg5[%mul3A_2] : memref<1024xi32, #tpu.memory_space<hbm>> -> memref<32xi32, #tpu.memory_space<hbm>>
      %dma_wait3A_777 = arith.constant 0 : i32
      %dma_wait3A_778 = tpu.memref_slice %arg14[%run_scoped3A, %dma_wait3A_777] : memref<2x32xi32, #tpu.memory_space<vmem>> -> memref<1x32xi32, #tpu.memory_space<vmem>>
      %dma_wait3A_779 = tpu.memref_squeeze %dma_wait3A_778 : memref<1x32xi32, #tpu.memory_space<vmem>> -> memref<32xi32, #tpu.memory_space<vmem>>
      %dma_wait3A_780 = tpu.memref_slice %arg5[%mul3A_2] : memref<1024xi32, #tpu.memory_space<hbm>> -> memref<32xi32, #tpu.memory_space<hbm>>
      tpu.wait_dma2 semaphore(%run_scoped3A_765 : memref<!tpu.dma_semaphore, #tpu.memory_space<semaphore_mem>>) src(%dma_wait3A_780 : memref<32xi32, #tpu.memory_space<hbm>>) dst(%dma_wait3A_779 : memref<32xi32, #tpu.memory_space<vmem>>)
      tpu.yield
    }) : () -> ()
    %run_scoped3A_3 = arith.constant 1 : i32
    "tpu.region"() ({
      %run_scoped3A_765 = tpu.sem_alloc : memref<!tpu.dma_semaphore, #tpu.memory_space<semaphore_mem>>
      %dma_start3A = arith.constant 0 : i32
      %dma_start3A_766 = tpu.memref_slice %arg14[%run_scoped3A_3, %dma_start3A] : memref<2x32xi32, #tpu.memory_space<vmem>> -> memref<1x32xi32, #tpu.memory_space<vmem>>
      %dma_start3A_767 = tpu.memref_squeeze %dma_start3A_766 : memref<1x32xi32, #tpu.memory_space<vmem>> -> memref<32xi32, #tpu.memory_space<vmem>>
      %dma_start3A_768 = tpu.memref_slice %arg6[%mul3A_2] : memref<1024xi32, #tpu.memory_space<hbm>> -> memref<32xi32, #tpu.memory_space<hbm>>
      %dma_start3A_769 = arith.constant 0 : i32
      %dma_start3A_770 = tpu.memref_slice %arg14[%run_scoped3A_3, %dma_start3A_769] : memref<2x32xi32, #tpu.memory_space<vmem>> -> memref<1x32xi32, #tpu.memory_space<vmem>>
      %dma_start3A_771 = tpu.memref_squeeze %dma_start3A_770 : memref<1x32xi32, #tpu.memory_space<vmem>> -> memref<32xi32, #tpu.memory_space<vmem>>
      %dma_start3A_772 = tpu.memref_slice %arg6[%mul3A_2] : memref<1024xi32, #tpu.memory_space<hbm>> -> memref<32xi32, #tpu.memory_space<hbm>>
      tpu.enqueue_dma source(%dma_start3A_772 : memref<32xi32, #tpu.memory_space<hbm>>) target(%dma_start3A_771 : memref<32xi32, #tpu.memory_space<vmem>>) target_semaphore(%run_scoped3A_765 : memref<!tpu.dma_semaphore, #tpu.memory_space<semaphore_mem>>)
      %dma_wait3A_773 = arith.constant 0 : i32
      %dma_wait3A_774 = tpu.memref_slice %arg14[%run_scoped3A_3, %dma_wait3A_773] : memref<2x32xi32, #tpu.memory_space<vmem>> -> memref<1x32xi32, #tpu.memory_space<vmem>>
      %dma_wait3A_775 = tpu.memref_squeeze %dma_wait3A_774 : memref<1x32xi32, #tpu.memory_space<vmem>> -> memref<32xi32, #tpu.memory_space<vmem>>
      %dma_wait3A_776 = tpu.memref_slice %arg6[%mul3A_2] : memref<1024xi32, #tpu.memory_space<hbm>> -> memref<32xi32, #tpu.memory_space<hbm>>
      %dma_wait3A_777 = arith.constant 0 : i32
      %dma_wait3A_778 = tpu.memref_slice %arg14[%run_scoped3A_3, %dma_wait3A_777] : memref<2x32xi32, #tpu.memory_space<vmem>> -> memref<1x32xi32, #tpu.memory_space<vmem>>
      %dma_wait3A_779 = tpu.memref_squeeze %dma_wait3A_778 : memref<1x32xi32, #tpu.memory_space<vmem>> -> memref<32xi32, #tpu.memory_space<vmem>>
      %dma_wait3A_780 = tpu.memref_slice %arg6[%mul3A_2] : memref<1024xi32, #tpu.memory_space<hbm>> -> memref<32xi32, #tpu.memory_space<hbm>>
      tpu.wait_dma2 semaphore(%run_scoped3A_765 : memref<!tpu.dma_semaphore, #tpu.memory_space<semaphore_mem>>) src(%dma_wait3A_780 : memref<32xi32, #tpu.memory_space<hbm>>) dst(%dma_wait3A_779 : memref<32xi32, #tpu.memory_space<vmem>>)
      tpu.yield
    }) : () -> ()
    %run_scoped3A_4 = arith.constant 0 : i32
    "tpu.region"() ({
      %run_scoped3A_765 = tpu.sem_alloc : memref<!tpu.dma_semaphore, #tpu.memory_space<semaphore_mem>>
      %dma_start3A = arith.constant 0 : i32
      %dma_start3A_766 = tpu.memref_slice %arg15[%run_scoped3A_4, %dma_start3A] : memref<2x32xf32, #tpu.memory_space<vmem>> -> memref<1x32xf32, #tpu.memory_space<vmem>>
      %dma_start3A_767 = tpu.memref_squeeze %dma_start3A_766 : memref<1x32xf32, #tpu.memory_space<vmem>> -> memref<32xf32, #tpu.memory_space<vmem>>
      %dma_start3A_768 = tpu.memref_slice %arg7[%mul3A_2] : memref<1024xf32, #tpu.memory_space<hbm>> -> memref<32xf32, #tpu.memory_space<hbm>>
      %dma_start3A_769 = arith.constant 0 : i32
      %dma_start3A_770 = tpu.memref_slice %arg15[%run_scoped3A_4, %dma_start3A_769] : memref<2x32xf32, #tpu.memory_space<vmem>> -> memref<1x32xf32, #tpu.memory_space<vmem>>
      %dma_start3A_771 = tpu.memref_squeeze %dma_start3A_770 : memref<1x32xf32, #tpu.memory_space<vmem>> -> memref<32xf32, #tpu.memory_space<vmem>>
      %dma_start3A_772 = tpu.memref_slice %arg7[%mul3A_2] : memref<1024xf32, #tpu.memory_space<hbm>> -> memref<32xf32, #tpu.memory_space<hbm>>
      tpu.enqueue_dma source(%dma_start3A_772 : memref<32xf32, #tpu.memory_space<hbm>>) target(%dma_start3A_771 : memref<32xf32, #tpu.memory_space<vmem>>) target_semaphore(%run_scoped3A_765 : memref<!tpu.dma_semaphore, #tpu.memory_space<semaphore_mem>>)
      %dma_wait3A_773 = arith.constant 0 : i32
      %dma_wait3A_774 = tpu.memref_slice %arg15[%run_scoped3A_4, %dma_wait3A_773] : memref<2x32xf32, #tpu.memory_space<vmem>> -> memref<1x32xf32, #tpu.memory_space<vmem>>
      %dma_wait3A_775 = tpu.memref_squeeze %dma_wait3A_774 : memref<1x32xf32, #tpu.memory_space<vmem>> -> memref<32xf32, #tpu.memory_space<vmem>>
      %dma_wait3A_776 = tpu.memref_slice %arg7[%mul3A_2] : memref<1024xf32, #tpu.memory_space<hbm>> -> memref<32xf32, #tpu.memory_space<hbm>>
      %dma_wait3A_777 = arith.constant 0 : i32
      %dma_wait3A_778 = tpu.memref_slice %arg15[%run_scoped3A_4, %dma_wait3A_777] : memref<2x32xf32, #tpu.memory_space<vmem>> -> memref<1x32xf32, #tpu.memory_space<vmem>>
      %dma_wait3A_779 = tpu.memref_squeeze %dma_wait3A_778 : memref<1x32xf32, #tpu.memory_space<vmem>> -> memref<32xf32, #tpu.memory_space<vmem>>
      %dma_wait3A_780 = tpu.memref_slice %arg7[%mul3A_2] : memref<1024xf32, #tpu.memory_space<hbm>> -> memref<32xf32, #tpu.memory_space<hbm>>
      tpu.wait_dma2 semaphore(%run_scoped3A_765 : memref<!tpu.dma_semaphore, #tpu.memory_space<semaphore_mem>>) src(%dma_wait3A_780 : memref<32xf32, #tpu.memory_space<hbm>>) dst(%dma_wait3A_779 : memref<32xf32, #tpu.memory_space<vmem>>)
      tpu.yield
    }) : () -> ()
    %run_scoped3A_5 = arith.constant 1 : i32
    "tpu.region"() ({
      %run_scoped3A_765 = tpu.sem_alloc : memref<!tpu.dma_semaphore, #tpu.memory_space<semaphore_mem>>
      %dma_start3A = arith.constant 0 : i32
      %dma_start3A_766 = tpu.memref_slice %arg15[%run_scoped3A_5, %dma_start3A] : memref<2x32xf32, #tpu.memory_space<vmem>> -> memref<1x32xf32, #tpu.memory_space<vmem>>
      %dma_start3A_767 = tpu.memref_squeeze %dma_start3A_766 : memref<1x32xf32, #tpu.memory_space<vmem>> -> memref<32xf32, #tpu.memory_space<vmem>>
      %dma_start3A_768 = tpu.memref_slice %arg8[%mul3A_2] : memref<1024xf32, #tpu.memory_space<hbm>> -> memref<32xf32, #tpu.memory_space<hbm>>
      %dma_start3A_769 = arith.constant 0 : i32
      %dma_start3A_770 = tpu.memref_slice %arg15[%run_scoped3A_5, %dma_start3A_769] : memref<2x32xf32, #tpu.memory_space<vmem>> -> memref<1x32xf32, #tpu.memory_space<vmem>>
      %dma_start3A_771 = tpu.memref_squeeze %dma_start3A_770 : memref<1x32xf32, #tpu.memory_space<vmem>> -> memref<32xf32, #tpu.memory_space<vmem>>
      %dma_start3A_772 = tpu.memref_slice %arg8[%mul3A_2] : memref<1024xf32, #tpu.memory_space<hbm>> -> memref<32xf32, #tpu.memory_space<hbm>>
      tpu.enqueue_dma source(%dma_start3A_772 : memref<32xf32, #tpu.memory_space<hbm>>) target(%dma_start3A_771 : memref<32xf32, #tpu.memory_space<vmem>>) target_semaphore(%run_scoped3A_765 : memref<!tpu.dma_semaphore, #tpu.memory_space<semaphore_mem>>)
      %dma_wait3A_773 = arith.constant 0 : i32
      %dma_wait3A_774 = tpu.memref_slice %arg15[%run_scoped3A_5, %dma_wait3A_773] : memref<2x32xf32, #tpu.memory_space<vmem>> -> memref<1x32xf32, #tpu.memory_space<vmem>>
      %dma_wait3A_775 = tpu.memref_squeeze %dma_wait3A_774 : memref<1x32xf32, #tpu.memory_space<vmem>> -> memref<32xf32, #tpu.memory_space<vmem>>
      %dma_wait3A_776 = tpu.memref_slice %arg8[%mul3A_2] : memref<1024xf32, #tpu.memory_space<hbm>> -> memref<32xf32, #tpu.memory_space<hbm>>
      %dma_wait3A_777 = arith.constant 0 : i32
      %dma_wait3A_778 = tpu.memref_slice %arg15[%run_scoped3A_5, %dma_wait3A_777] : memref<2x32xf32, #tpu.memory_space<vmem>> -> memref<1x32xf32, #tpu.memory_space<vmem>>
      %dma_wait3A_779 = tpu.memref_squeeze %dma_wait3A_778 : memref<1x32xf32, #tpu.memory_space<vmem>> -> memref<32xf32, #tpu.memory_space<vmem>>
      %dma_wait3A_780 = tpu.memref_slice %arg8[%mul3A_2] : memref<1024xf32, #tpu.memory_space<hbm>> -> memref<32xf32, #tpu.memory_space<hbm>>
      tpu.wait_dma2 semaphore(%run_scoped3A_765 : memref<!tpu.dma_semaphore, #tpu.memory_space<semaphore_mem>>) src(%dma_wait3A_780 : memref<32xf32, #tpu.memory_space<hbm>>) dst(%dma_wait3A_779 : memref<32xf32, #tpu.memory_space<vmem>>)
      tpu.yield
    }) : () -> ()
    %get3A = arith.constant 0 : i32
    %get3A_6 = arith.index_cast %get3A : i32 to index
    %get3A_7 = arith.constant 0 : index
    %get3A_8 = tpu.vector_load %arg14[%get3A_6, %get3A_7] {strides = array<i32>} : memref<2x32xi32, #tpu.memory_space<vmem>>, vector<1x16xi32>,
    %get3A_9 = vector.shape_cast %get3A_8 : vector<1x16xi32> to vector<16xi32>
    %get3A_10 = arith.constant 1 : i32
    %get3A_11 = arith.index_cast %get3A_10 : i32 to index
    %get3A_12 = arith.constant 0 : index
    %get3A_13 = tpu.vector_load %arg14[%get3A_11, %get3A_12] {strides = array<i32>} : memref<2x32xi32, #tpu.memory_space<vmem>>, vector<1x16xi32>,
    %get3A_14 = vector.shape_cast %get3A_13 : vector<1x16xi32> to vector<16xi32>
    %get3A_15 = arith.constant 0 : i32
    %get3A_16 = arith.index_cast %get3A_15 : i32 to index
    %get3A_17 = arith.constant 0 : index
    %get3A_18 = tpu.vector_load %arg15[%get3A_16, %get3A_17] {strides = array<i32>} : memref<2x32xf32, #tpu.memory_space<vmem>>, vector<1x16xf32>,
    %get3A_19 = vector.shape_cast %get3A_18 : vector<1x16xf32> to vector<16xf32>
    %get3A_20 = arith.constant 1 : i32
    %get3A_21 = arith.index_cast %get3A_20 : i32 to index
    %get3A_22 = arith.constant 0 : index
    %get3A_23 = tpu.vector_load %arg15[%get3A_21, %get3A_22] {strides = array<i32>} : memref<2x32xf32, #tpu.memory_space<vmem>>, vector<1x16xf32>,
    %get3A_24 = vector.shape_cast %get3A_23 : vector<1x16xf32> to vector<16xf32>
    %slice3A = vector.extract_strided_slice %get3A_9 {offsets = [0], sizes = [1], strides = [1]} : vector<16xi32> to vector<1xi32>
    %squeeze3A = vector.extract %slice3A[0] : i32 from vector<1xi32>
    %swap3A = arith.constant 0 : i32
    %swap3A_25 = arith.index_cast %swap3A : i32 to index
    %swap3A_26 = memref.load %arg16[%swap3A_25] : memref<32xi32, #tpu.memory_space<smem>>
    memref.store %squeeze3A, %arg16[%swap3A_25] : memref<32xi32, #tpu.memory_space<smem>>
    %slice3A_27 = vector.extract_strided_slice %get3A_14 {offsets = [0], sizes = [1], strides = [1]} : vector<16xi32> to vector<1xi32>
    %squeeze3A_28 = vector.extract %slice3A_27[0] : i32 from vector<1xi32>
    %swap3A_29 = arith.constant 0 : i32
    %swap3A_30 = arith.index_cast %swap3A_29 : i32 to index
    %swap3A_31 = memref.load %arg17[%swap3A_30] : memref<32xi32, #tpu.memory_space<smem>>
    memref.store %squeeze3A_28, %arg17[%swap3A_30] : memref<32xi32, #tpu.memory_space<smem>>
    %slice3A_32 = vector.extract_strided_slice %get3A_19 {offsets = [0], sizes = [1], strides = [1]} : vector<16xf32> to vector<1xf32>
    %squeeze3A_33 = vector.extract %slice3A_32[0] : f32 from vector<1xf32>
    %swap3A_34 = arith.constant 0 : i32
    %swap3A_35 = arith.index_cast %swap3A_34 : i32 to index
    %swap3A_36 = memref.load %arg18[%swap3A_35] : memref<32xf32, #tpu.memory_space<smem>>
    memref.store %squeeze3A_33, %arg18[%swap3A_35] : memref<32xf32, #tpu.memory_space<smem>>
    %slice3A_37 = vector.extract_strided_slice %get3A_24 {offsets = [0], sizes = [1], strides = [1]} : vector<16xf32> to vector<1xf32>
    %squeeze3A_38 = vector.extract %slice3A_37[0] : f32 from vector<1xf32>
    %swap3A_39 = arith.constant 0 : i32
    %swap3A_40 = arith.index_cast %swap3A_39 : i32 to index
    %swap3A_41 = memref.load %arg19[%swap3A_40] : memref<32xf32, #tpu.memory_space<smem>>
    memref.store %squeeze3A_38, %arg19[%swap3A_40] : memref<32xf32, #tpu.memory_space<smem>>
    %slice3A_42 = vector.extract_strided_slice %get3A_9 {offsets = [1], sizes = [1], strides = [1]} : vector<16xi32> to vector<1xi32>
    %squeeze3A_43 = vector.extract %slice3A_42[0] : i32 from vector<1xi32>
    %swap3A_44 = arith.constant 1 : i32
    %swap3A_45 = arith.index_cast %swap3A_44 : i32 to index
    %swap3A_46 = memref.load %arg16[%swap3A_45] : memref<32xi32, #tpu.memory_space<smem>>
    memref.store %squeeze3A_43, %arg16[%swap3A_45] : memref<32xi32, #tpu.memory_space<smem>>
    %slice3A_47 = vector.extract_strided_slice %get3A_14 {offsets = [1], sizes = [1], strides = [1]} : vector<16xi32> to vector<1xi32>
    %squeeze3A_48 = vector.extract %slice3A_47[0] : i32 from vector<1xi32>
    %swap3A_49 = arith.constant 1 : i32
    %swap3A_50 = arith.index_cast %swap3A_49 : i32 to index
    %swap3A_51 = memref.load %arg17[%swap3A_50] : memref<32xi32, #tpu.memory_space<smem>>
    memref.store %squeeze3A_48, %arg17[%swap3A_50] : memref<32xi32, #tpu.memory_space<smem>>
    %slice3A_52 = vector.extract_strided_slice %get3A_19 {offsets = [1], sizes = [1], strides = [1]} : vector<16xf32> to vector<1xf32>
    %squeeze3A_53 = vector.extract %slice3A_52[0] : f32 from vector<1xf32>
    %swap3A_54 = arith.constant 1 : i32
    %swap3A_55 = arith.index_cast %swap3A_54 : i32 to index
    %swap3A_56 = memref.load %arg18[%swap3A_55] : memref<32xf32, #tpu.memory_space<smem>>
    memref.store %squeeze3A_53, %arg18[%swap3A_55] : memref<32xf32, #tpu.memory_space<smem>>
    %slice3A_57 = vector.extract_strided_slice %get3A_24 {offsets = [1], sizes = [1], strides = [1]} : vector<16xf32> to vector<1xf32>
    %squeeze3A_58 = vector.extract %slice3A_57[0] : f32 from vector<1xf32>
    %swap3A_59 = arith.constant 1 : i32
    %swap3A_60 = arith.index_cast %swap3A_59 : i32 to index
    %swap3A_61 = memref.load %arg19[%swap3A_60] : memref<32xf32, #tpu.memory_space<smem>>
    memref.store %squeeze3A_58, %arg19[%swap3A_60] : memref<32xf32, #tpu.memory_space<smem>>
    %slice3A_62 = vector.extract_strided_slice %get3A_9 {offsets = [2], sizes = [1], strides = [1]} : vector<16xi32> to vector<1xi32>
    %squeeze3A_63 = vector.extract %slice3A_62[0] : i32 from vector<1xi32>
    %swap3A_64 = arith.constant 2 : i32
    %swap3A_65 = arith.index_cast %swap3A_64 : i32 to index
    %swap3A_66 = memref.load %arg16[%swap3A_65] : memref<32xi32, #tpu.memory_space<smem>>
    memref.store %squeeze3A_63, %arg16[%swap3A_65] : memref<32xi32, #tpu.memory_space<smem>>
    %slice3A_67 = vector.extract_strided_slice %get3A_14 {offsets = [2], sizes = [1], strides = [1]} : vector<16xi32> to vector<1xi32>
    %squeeze3A_68 = vector.extract %slice3A_67[0] : i32 from vector<1xi32>
    %swap3A_69 = arith.constant 2 : i32
    %swap3A_70 = arith.index_cast %swap3A_69 : i32 to index
    %swap3A_71 = memref.load %arg17[%swap3A_70] : memref<32xi32, #tpu.memory_space<smem>>
    memref.store %squeeze3A_68, %arg17[%swap3A_70] : memref<32xi32, #tpu.memory_space<smem>>
    %slice3A_72 = vector.extract_strided_slice %get3A_19 {offsets = [2], sizes = [1], strides = [1]} : vector<16xf32> to vector<1xf32>
    %squeeze3A_73 = vector.extract %slice3A_72[0] : f32 from vector<1xf32>
    %swap3A_74 = arith.constant 2 : i32
    %swap3A_75 = arith.index_cast %swap3A_74 : i32 to index
    %swap3A_76 = memref.load %arg18[%swap3A_75] : memref<32xf32, #tpu.memory_space<smem>>
    memref.store %squeeze3A_73, %arg18[%swap3A_75] : memref<32xf32, #tpu.memory_space<smem>>
    %slice3A_77 = vector.extract_strided_slice %get3A_24 {offsets = [2], sizes = [1], strides = [1]} : vector<16xf32> to vector<1xf32>
    %squeeze3A_78 = vector.extract %slice3A_77[0] : f32 from vector<1xf32>
    %swap3A_79 = arith.constant 2 : i32
    %swap3A_80 = arith.index_cast %swap3A_79 : i32 to index
    %swap3A_81 = memref.load %arg19[%swap3A_80] : memref<32xf32, #tpu.memory_space<smem>>
    memref.store %squeeze3A_78, %arg19[%swap3A_80] : memref<32xf32, #tpu.memory_space<smem>>
    %slice3A_82 = vector.extract_strided_slice %get3A_9 {offsets = [3], sizes = [1], strides = [1]} : vector<16xi32> to vector<1xi32>
    %squeeze3A_83 = vector.extract %slice3A_82[0] : i32 from vector<1xi32>
    %swap3A_84 = arith.constant 3 : i32
    %swap3A_85 = arith.index_cast %swap3A_84 : i32 to index
    %swap3A_86 = memref.load %arg16[%swap3A_85] : memref<32xi32, #tpu.memory_space<smem>>
    memref.store %squeeze3A_83, %arg16[%swap3A_85] : memref<32xi32, #tpu.memory_space<smem>>
    %slice3A_87 = vector.extract_strided_slice %get3A_14 {offsets = [3], sizes = [1], strides = [1]} : vector<16xi32> to vector<1xi32>
    %squeeze3A_88 = vector.extract %slice3A_87[0] : i32 from vector<1xi32>
    %swap3A_89 = arith.constant 3 : i32
    %swap3A_90 = arith.index_cast %swap3A_89 : i32 to index
    %swap3A_91 = memref.load %arg17[%swap3A_90] : memref<32xi32, #tpu.memory_space<smem>>
    memref.store %squeeze3A_88, %arg17[%swap3A_90] : memref<32xi32, #tpu.memory_space<smem>>
    %slice3A_92 = vector.extract_strided_slice %get3A_19 {offsets = [3], sizes = [1], strides = [1]} : vector<16xf32> to vector<1xf32>
    %squeeze3A_93 = vector.extract %slice3A_92[0] : f32 from vector<1xf32>
    %swap3A_94 = arith.constant 3 : i32
    %swap3A_95 = arith.index_cast %swap3A_94 : i32 to index
    %swap3A_96 = memref.load %arg18[%swap3A_95] : memref<32xf32, #tpu.memory_space<smem>>
    memref.store %squeeze3A_93, %arg18[%swap3A_95] : memref<32xf32, #tpu.memory_space<smem>>
    %slice3A_97 = vector.extract_strided_slice %get3A_24 {offsets = [3], sizes = [1], strides = [1]} : vector<16xf32> to vector<1xf32>
    %squeeze3A_98 = vector.extract %slice3A_97[0] : f32 from vector<1xf32>
    %swap3A_99 = arith.constant 3 : i32
    %swap3A_100 = arith.index_cast %swap3A_99 : i32 to index
    %swap3A_101 = memref.load %arg19[%swap3A_100] : memref<32xf32, #tpu.memory_space<smem>>
    memref.store %squeeze3A_98, %arg19[%swap3A_100] : memref<32xf32, #tpu.memory_space<smem>>
    %slice3A_102 = vector.extract_strided_slice %get3A_9 {offsets = [4], sizes = [1], strides = [1]} : vector<16xi32> to vector<1xi32>
    %squeeze3A_103 = vector.extract %slice3A_102[0] : i32 from vector<1xi32>
    %swap3A_104 = arith.constant 4 : i32
    %swap3A_105 = arith.index_cast %swap3A_104 : i32 to index
    %swap3A_106 = memref.load %arg16[%swap3A_105] : memref<32xi32, #tpu.memory_space<smem>>
    memref.store %squeeze3A_103, %arg16[%swap3A_105] : memref<32xi32, #tpu.memory_space<smem>>
    %slice3A_107 = vector.extract_strided_slice %get3A_14 {offsets = [4], sizes = [1], strides = [1]} : vector<16xi32> to vector<1xi32>
    %squeeze3A_108 = vector.extract %slice3A_107[0] : i32 from vector<1xi32>
    %swap3A_109 = arith.constant 4 : i32
    %swap3A_110 = arith.index_cast %swap3A_109 : i32 to index
    %swap3A_111 = memref.load %arg17[%swap3A_110] : memref<32xi32, #tpu.memory_space<smem>>
    memref.store %squeeze3A_108, %arg17[%swap3A_110] : memref<32xi32, #tpu.memory_space<smem>>
    %slice3A_112 = vector.extract_strided_slice %get3A_19 {offsets = [4], sizes = [1], strides = [1]} : vector<16xf32> to vector<1xf32>
    %squeeze3A_113 = vector.extract %slice3A_112[0] : f32 from vector<1xf32>
    %swap3A_114 = arith.constant 4 : i32
    %swap3A_115 = arith.index_cast %swap3A_114 : i32 to index
    %swap3A_116 = memref.load %arg18[%swap3A_115] : memref<32xf32, #tpu.memory_space<smem>>
    memref.store %squeeze3A_113, %arg18[%swap3A_115] : memref<32xf32, #tpu.memory_space<smem>>
    %slice3A_117 = vector.extract_strided_slice %get3A_24 {offsets = [4], sizes = [1], strides = [1]} : vector<16xf32> to vector<1xf32>
    %squeeze3A_118 = vector.extract %slice3A_117[0] : f32 from vector<1xf32>
    %swap3A_119 = arith.constant 4 : i32
    %swap3A_120 = arith.index_cast %swap3A_119 : i32 to index
    %swap3A_121 = memref.load %arg19[%swap3A_120] : memref<32xf32, #tpu.memory_space<smem>>
    memref.store %squeeze3A_118, %arg19[%swap3A_120] : memref<32xf32, #tpu.memory_space<smem>>
    %slice3A_122 = vector.extract_strided_slice %get3A_9 {offsets = [5], sizes = [1], strides = [1]} : vector<16xi32> to vector<1xi32>
    %squeeze3A_123 = vector.extract %slice3A_122[0] : i32 from vector<1xi32>
    %swap3A_124 = arith.constant 5 : i32
    %swap3A_125 = arith.index_cast %swap3A_124 : i32 to index
    %swap3A_126 = memref.load %arg16[%swap3A_125] : memref<32xi32, #tpu.memory_space<smem>>
    memref.store %squeeze3A_123, %arg16[%swap3A_125] : memref<32xi32, #tpu.memory_space<smem>>
    %slice3A_127 = vector.extract_strided_slice %get3A_14 {offsets = [5], sizes = [1], strides = [1]} : vector<16xi32> to vector<1xi32>
    %squeeze3A_128 = vector.extract %slice3A_127[0] : i32 from vector<1xi32>
    %swap3A_129 = arith.constant 5 : i32
    %swap3A_130 = arith.index_cast %swap3A_129 : i32 to index
    %swap3A_131 = memref.load %arg17[%swap3A_130] : memref<32xi32, #tpu.memory_space<smem>>
    memref.store %squeeze3A_128, %arg17[%swap3A_130] : memref<32xi32, #tpu.memory_space<smem>>
    %slice3A_132 = vector.extract_strided_slice %get3A_19 {offsets = [5], sizes = [1], strides = [1]} : vector<16xf32> to vector<1xf32>
    %squeeze3A_133 = vector.extract %slice3A_132[0] : f32 from vector<1xf32>
    %swap3A_134 = arith.constant 5 : i32
    %swap3A_135 = arith.index_cast %swap3A_134 : i32 to index
    %swap3A_136 = memref.load %arg18[%swap3A_135] : memref<32xf32, #tpu.memory_space<smem>>
    memref.store %squeeze3A_133, %arg18[%swap3A_135] : memref<32xf32, #tpu.memory_space<smem>>
    %slice3A_137 = vector.extract_strided_slice %get3A_24 {offsets = [5], sizes = [1], strides = [1]} : vector<16xf32> to vector<1xf32>
    %squeeze3A_138 = vector.extract %slice3A_137[0] : f32 from vector<1xf32>
    %swap3A_139 = arith.constant 5 : i32
    %swap3A_140 = arith.index_cast %swap3A_139 : i32 to index
    %swap3A_141 = memref.load %arg19[%swap3A_140] : memref<32xf32, #tpu.memory_space<smem>>
    memref.store %squeeze3A_138, %arg19[%swap3A_140] : memref<32xf32, #tpu.memory_space<smem>>
    %slice3A_142 = vector.extract_strided_slice %get3A_9 {offsets = [6], sizes = [1], strides = [1]} : vector<16xi32> to vector<1xi32>
    %squeeze3A_143 = vector.extract %slice3A_142[0] : i32 from vector<1xi32>
    %swap3A_144 = arith.constant 6 : i32
    %swap3A_145 = arith.index_cast %swap3A_144 : i32 to index
    %swap3A_146 = memref.load %arg16[%swap3A_145] : memref<32xi32, #tpu.memory_space<smem>>
    memref.store %squeeze3A_143, %arg16[%swap3A_145] : memref<32xi32, #tpu.memory_space<smem>>
    %slice3A_147 = vector.extract_strided_slice %get3A_14 {offsets = [6], sizes = [1], strides = [1]} : vector<16xi32> to vector<1xi32>
    %squeeze3A_148 = vector.extract %slice3A_147[0] : i32 from vector<1xi32>
    %swap3A_149 = arith.constant 6 : i32
    %swap3A_150 = arith.index_cast %swap3A_149 : i32 to index
    %swap3A_151 = memref.load %arg17[%swap3A_150] : memref<32xi32, #tpu.memory_space<smem>>
    memref.store %squeeze3A_148, %arg17[%swap3A_150] : memref<32xi32, #tpu.memory_space<smem>>
    %slice3A_152 = vector.extract_strided_slice %get3A_19 {offsets = [6], sizes = [1], strides = [1]} : vector<16xf32> to vector<1xf32>
    %squeeze3A_153 = vector.extract %slice3A_152[0] : f32 from vector<1xf32>
    %swap3A_154 = arith.constant 6 : i32
    %swap3A_155 = arith.index_cast %swap3A_154 : i32 to index
    %swap3A_156 = memref.load %arg18[%swap3A_155] : memref<32xf32, #tpu.memory_space<smem>>
    memref.store %squeeze3A_153, %arg18[%swap3A_155] : memref<32xf32, #tpu.memory_space<smem>>
    %slice3A_157 = vector.extract_strided_slice %get3A_24 {offsets = [6], sizes = [1], strides = [1]} : vector<16xf32> to vector<1xf32>
    %squeeze3A_158 = vector.extract %slice3A_157[0] : f32 from vector<1xf32>
    %swap3A_159 = arith.constant 6 : i32
    %swap3A_160 = arith.index_cast %swap3A_159 : i32 to index
    %swap3A_161 = memref.load %arg19[%swap3A_160] : memref<32xf32, #tpu.memory_space<smem>>
    memref.store %squeeze3A_158, %arg19[%swap3A_160] : memref<32xf32, #tpu.memory_space<smem>>
    %slice3A_162 = vector.extract_strided_slice %get3A_9 {offsets = [7], sizes = [1], strides = [1]} : vector<16xi32> to vector<1xi32>
    %squeeze3A_163 = vector.extract %slice3A_162[0] : i32 from vector<1xi32>
    %swap3A_164 = arith.constant 7 : i32
    %swap3A_165 = arith.index_cast %swap3A_164 : i32 to index
    %swap3A_166 = memref.load %arg16[%swap3A_165] : memref<32xi32, #tpu.memory_space<smem>>
    memref.store %squeeze3A_163, %arg16[%swap3A_165] : memref<32xi32, #tpu.memory_space<smem>>
    %slice3A_167 = vector.extract_strided_slice %get3A_14 {offsets = [7], sizes = [1], strides = [1]} : vector<16xi32> to vector<1xi32>
    %squeeze3A_168 = vector.extract %slice3A_167[0] : i32 from vector<1xi32>
    %swap3A_169 = arith.constant 7 : i32
    %swap3A_170 = arith.index_cast %swap3A_169 : i32 to index
    %swap3A_171 = memref.load %arg17[%swap3A_170] : memref<32xi32, #tpu.memory_space<smem>>
    memref.store %squeeze3A_168, %arg17[%swap3A_170] : memref<32xi32, #tpu.memory_space<smem>>
    %slice3A_172 = vector.extract_strided_slice %get3A_19 {offsets = [7], sizes = [1], strides = [1]} : vector<16xf32> to vector<1xf32>
    %squeeze3A_173 = vector.extract %slice3A_172[0] : f32 from vector<1xf32>
    %swap3A_174 = arith.constant 7 : i32
    %swap3A_175 = arith.index_cast %swap3A_174 : i32 to index
    %swap3A_176 = memref.load %arg18[%swap3A_175] : memref<32xf32, #tpu.memory_space<smem>>
    memref.store %squeeze3A_173, %arg18[%swap3A_175] : memref<32xf32, #tpu.memory_space<smem>>
    %slice3A_177 = vector.extract_strided_slice %get3A_24 {offsets = [7], sizes = [1], strides = [1]} : vector<16xf32> to vector<1xf32>
    %squeeze3A_178 = vector.extract %slice3A_177[0] : f32 from vector<1xf32>
    %swap3A_179 = arith.constant 7 : i32
    %swap3A_180 = arith.index_cast %swap3A_179 : i32 to index
    %swap3A_181 = memref.load %arg19[%swap3A_180] : memref<32xf32, #tpu.memory_space<smem>>
    memref.store %squeeze3A_178, %arg19[%swap3A_180] : memref<32xf32, #tpu.memory_space<smem>>
    %slice3A_182 = vector.extract_strided_slice %get3A_9 {offsets = [8], sizes = [1], strides = [1]} : vector<16xi32> to vector<1xi32>
    %squeeze3A_183 = vector.extract %slice3A_182[0] : i32 from vector<1xi32>
    %swap3A_184 = arith.constant 8 : i32
    %swap3A_185 = arith.index_cast %swap3A_184 : i32 to index
    %swap3A_186 = memref.load %arg16[%swap3A_185] : memref<32xi32, #tpu.memory_space<smem>>
    memref.store %squeeze3A_183, %arg16[%swap3A_185] : memref<32xi32, #tpu.memory_space<smem>>
    %slice3A_187 = vector.extract_strided_slice %get3A_14 {offsets = [8], sizes = [1], strides = [1]} : vector<16xi32> to vector<1xi32>
    %squeeze3A_188 = vector.extract %slice3A_187[0] : i32 from vector<1xi32>
    %swap3A_189 = arith.constant 8 : i32
    %swap3A_190 = arith.index_cast %swap3A_189 : i32 to index
    %swap3A_191 = memref.load %arg17[%swap3A_190] : memref<32xi32, #tpu.memory_space<smem>>
    memref.store %squeeze3A_188, %arg17[%swap3A_190] : memref<32xi32, #tpu.memory_space<smem>>
    %slice3A_192 = vector.extract_strided_slice %get3A_19 {offsets = [8], sizes = [1], strides = [1]} : vector<16xf32> to vector<1xf32>
    %squeeze3A_193 = vector.extract %slice3A_192[0] : f32 from vector<1xf32>
    %swap3A_194 = arith.constant 8 : i32
    %swap3A_195 = arith.index_cast %swap3A_194 : i32 to index
    %swap3A_196 = memref.load %arg18[%swap3A_195] : memref<32xf32, #tpu.memory_space<smem>>
    memref.store %squeeze3A_193, %arg18[%swap3A_195] : memref<32xf32, #tpu.memory_space<smem>>
    %slice3A_197 = vector.extract_strided_slice %get3A_24 {offsets = [8], sizes = [1], strides = [1]} : vector<16xf32> to vector<1xf32>
    %squeeze3A_198 = vector.extract %slice3A_197[0] : f32 from vector<1xf32>
    %swap3A_199 = arith.constant 8 : i32
    %swap3A_200 = arith.index_cast %swap3A_199 : i32 to index
    %swap3A_201 = memref.load %arg19[%swap3A_200] : memref<32xf32, #tpu.memory_space<smem>>
    memref.store %squeeze3A_198, %arg19[%swap3A_200] : memref<32xf32, #tpu.memory_space<smem>>
    %slice3A_202 = vector.extract_strided_slice %get3A_9 {offsets = [9], sizes = [1], strides = [1]} : vector<16xi32> to vector<1xi32>
    %squeeze3A_203 = vector.extract %slice3A_202[0] : i32 from vector<1xi32>
    %swap3A_204 = arith.constant 9 : i32
    %swap3A_205 = arith.index_cast %swap3A_204 : i32 to index
    %swap3A_206 = memref.load %arg16[%swap3A_205] : memref<32xi32, #tpu.memory_space<smem>>
    memref.store %squeeze3A_203, %arg16[%swap3A_205] : memref<32xi32, #tpu.memory_space<smem>>
    %slice3A_207 = vector.extract_strided_slice %get3A_14 {offsets = [9], sizes = [1], strides = [1]} : vector<16xi32> to vector<1xi32>
    %squeeze3A_208 = vector.extract %slice3A_207[0] : i32 from vector<1xi32>
    %swap3A_209 = arith.constant 9 : i32
    %swap3A_210 = arith.index_cast %swap3A_209 : i32 to index
    %swap3A_211 = memref.load %arg17[%swap3A_210] : memref<32xi32, #tpu.memory_space<smem>>
    memref.store %squeeze3A_208, %arg17[%swap3A_210] : memref<32xi32, #tpu.memory_space<smem>>
    %slice3A_212 = vector.extract_strided_slice %get3A_19 {offsets = [9], sizes = [1], strides = [1]} : vector<16xf32> to vector<1xf32>
    %squeeze3A_213 = vector.extract %slice3A_212[0] : f32 from vector<1xf32>
    %swap3A_214 = arith.constant 9 : i32
    %swap3A_215 = arith.index_cast %swap3A_214 : i32 to index
    %swap3A_216 = memref.load %arg18[%swap3A_215] : memref<32xf32, #tpu.memory_space<smem>>
    memref.store %squeeze3A_213, %arg18[%swap3A_215] : memref<32xf32, #tpu.memory_space<smem>>
    %slice3A_217 = vector.extract_strided_slice %get3A_24 {offsets = [9], sizes = [1], strides = [1]} : vector<16xf32> to vector<1xf32>
    %squeeze3A_218 = vector.extract %slice3A_217[0] : f32 from vector<1xf32>
    %swap3A_219 = arith.constant 9 : i32
    %swap3A_220 = arith.index_cast %swap3A_219 : i32 to index
    %swap3A_221 = memref.load %arg19[%swap3A_220] : memref<32xf32, #tpu.memory_space<smem>>
    memref.store %squeeze3A_218, %arg19[%swap3A_220] : memref<32xf32, #tpu.memory_space<smem>>
    %slice3A_222 = vector.extract_strided_slice %get3A_9 {offsets = [10], sizes = [1], strides = [1]} : vector<16xi32> to vector<1xi32>
    %squeeze3A_223 = vector.extract %slice3A_222[0] : i32 from vector<1xi32>
    %swap3A_224 = arith.constant 10 : i32
    %swap3A_225 = arith.index_cast %swap3A_224 : i32 to index
    %swap3A_226 = memref.load %arg16[%swap3A_225] : memref<32xi32, #tpu.memory_space<smem>>
    memref.store %squeeze3A_223, %arg16[%swap3A_225] : memref<32xi32, #tpu.memory_space<smem>>
    %slice3A_227 = vector.extract_strided_slice %get3A_14 {offsets = [10], sizes = [1], strides = [1]} : vector<16xi32> to vector<1xi32>
    %squeeze3A_228 = vector.extract %slice3A_227[0] : i32 from vector<1xi32>
    %swap3A_229 = arith.constant 10 : i32
    %swap3A_230 = arith.index_cast %swap3A_229 : i32 to index
    %swap3A_231 = memref.load %arg17[%swap3A_230] : memref<32xi32, #tpu.memory_space<smem>>
    memref.store %squeeze3A_228, %arg17[%swap3A_230] : memref<32xi32, #tpu.memory_space<smem>>
    %slice3A_232 = vector.extract_strided_slice %get3A_19 {offsets = [10], sizes = [1], strides = [1]} : vector<16xf32> to vector<1xf32>
    %squeeze3A_233 = vector.extract %slice3A_232[0] : f32 from vector<1xf32>
    %swap3A_234 = arith.constant 10 : i32
    %swap3A_235 = arith.index_cast %swap3A_234 : i32 to index
    %swap3A_236 = memref.load %arg18[%swap3A_235] : memref<32xf32, #tpu.memory_space<smem>>
    memref.store %squeeze3A_233, %arg18[%swap3A_235] : memref<32xf32, #tpu.memory_space<smem>>
    %slice3A_237 = vector.extract_strided_slice %get3A_24 {offsets = [10], sizes = [1], strides = [1]} : vector<16xf32> to vector<1xf32>
    %squeeze3A_238 = vector.extract %slice3A_237[0] : f32 from vector<1xf32>
    %swap3A_239 = arith.constant 10 : i32
    %swap3A_240 = arith.index_cast %swap3A_239 : i32 to index
    %swap3A_241 = memref.load %arg19[%swap3A_240] : memref<32xf32, #tpu.memory_space<smem>>
    memref.store %squeeze3A_238, %arg19[%swap3A_240] : memref<32xf32, #tpu.memory_space<smem>>
    %slice3A_242 = vector.extract_strided_slice %get3A_9 {offsets = [11], sizes = [1], strides = [1]} : vector<16xi32> to vector<1xi32>
    %squeeze3A_243 = vector.extract %slice3A_242[0] : i32 from vector<1xi32>
    %swap3A_244 = arith.constant 11 : i32
    %swap3A_245 = arith.index_cast %swap3A_244 : i32 to index
    %swap3A_246 = memref.load %arg16[%swap3A_245] : memref<32xi32, #tpu.memory_space<smem>>
    memref.store %squeeze3A_243, %arg16[%swap3A_245] : memref<32xi32, #tpu.memory_space<smem>>
    %slice3A_247 = vector.extract_strided_slice %get3A_14 {offsets = [11], sizes = [1], strides = [1]} : vector<16xi32> to vector<1xi32>
    %squeeze3A_248 = vector.extract %slice3A_247[0] : i32 from vector<1xi32>
    %swap3A_249 = arith.constant 11 : i32
    %swap3A_250 = arith.index_cast %swap3A_249 : i32 to index
    %swap3A_251 = memref.load %arg17[%swap3A_250] : memref<32xi32, #tpu.memory_space<smem>>
    memref.store %squeeze3A_248, %arg17[%swap3A_250] : memref<32xi32, #tpu.memory_space<smem>>
    %slice3A_252 = vector.extract_strided_slice %get3A_19 {offsets = [11], sizes = [1], strides = [1]} : vector<16xf32> to vector<1xf32>
    %squeeze3A_253 = vector.extract %slice3A_252[0] : f32 from vector<1xf32>
    %swap3A_254 = arith.constant 11 : i32
    %swap3A_255 = arith.index_cast %swap3A_254 : i32 to index
    %swap3A_256 = memref.load %arg18[%swap3A_255] : memref<32xf32, #tpu.memory_space<smem>>
    memref.store %squeeze3A_253, %arg18[%swap3A_255] : memref<32xf32, #tpu.memory_space<smem>>
    %slice3A_257 = vector.extract_strided_slice %get3A_24 {offsets = [11], sizes = [1], strides = [1]} : vector<16xf32> to vector<1xf32>
    %squeeze3A_258 = vector.extract %slice3A_257[0] : f32 from vector<1xf32>
    %swap3A_259 = arith.constant 11 : i32
    %swap3A_260 = arith.index_cast %swap3A_259 : i32 to index
    %swap3A_261 = memref.load %arg19[%swap3A_260] : memref<32xf32, #tpu.memory_space<smem>>
    memref.store %squeeze3A_258, %arg19[%swap3A_260] : memref<32xf32, #tpu.memory_space<smem>>
    %slice3A_262 = vector.extract_strided_slice %get3A_9 {offsets = [12], sizes = [1], strides = [1]} : vector<16xi32> to vector<1xi32>
    %squeeze3A_263 = vector.extract %slice3A_262[0] : i32 from vector<1xi32>
    %swap3A_264 = arith.constant 12 : i32
    %swap3A_265 = arith.index_cast %swap3A_264 : i32 to index
    %swap3A_266 = memref.load %arg16[%swap3A_265] : memref<32xi32, #tpu.memory_space<smem>>
    memref.store %squeeze3A_263, %arg16[%swap3A_265] : memref<32xi32, #tpu.memory_space<smem>>
    %slice3A_267 = vector.extract_strided_slice %get3A_14 {offsets = [12], sizes = [1], strides = [1]} : vector<16xi32> to vector<1xi32>
    %squeeze3A_268 = vector.extract %slice3A_267[0] : i32 from vector<1xi32>
    %swap3A_269 = arith.constant 12 : i32
    %swap3A_270 = arith.index_cast %swap3A_269 : i32 to index
    %swap3A_271 = memref.load %arg17[%swap3A_270] : memref<32xi32, #tpu.memory_space<smem>>
    memref.store %squeeze3A_268, %arg17[%swap3A_270] : memref<32xi32, #tpu.memory_space<smem>>
    %slice3A_272 = vector.extract_strided_slice %get3A_19 {offsets = [12], sizes = [1], strides = [1]} : vector<16xf32> to vector<1xf32>
    %squeeze3A_273 = vector.extract %slice3A_272[0] : f32 from vector<1xf32>
    %swap3A_274 = arith.constant 12 : i32
    %swap3A_275 = arith.index_cast %swap3A_274 : i32 to index
    %swap3A_276 = memref.load %arg18[%swap3A_275] : memref<32xf32, #tpu.memory_space<smem>>
    memref.store %squeeze3A_273, %arg18[%swap3A_275] : memref<32xf32, #tpu.memory_space<smem>>
    %slice3A_277 = vector.extract_strided_slice %get3A_24 {offsets = [12], sizes = [1], strides = [1]} : vector<16xf32> to vector<1xf32>
    %squeeze3A_278 = vector.extract %slice3A_277[0] : f32 from vector<1xf32>
    %swap3A_279 = arith.constant 12 : i32
    %swap3A_280 = arith.index_cast %swap3A_279 : i32 to index
    %swap3A_281 = memref.load %arg19[%swap3A_280] : memref<32xf32, #tpu.memory_space<smem>>
    memref.store %squeeze3A_278, %arg19[%swap3A_280] : memref<32xf32, #tpu.memory_space<smem>>
    %slice3A_282 = vector.extract_strided_slice %get3A_9 {offsets = [13], sizes = [1], strides = [1]} : vector<16xi32> to vector<1xi32>
    %squeeze3A_283 = vector.extract %slice3A_282[0] : i32 from vector<1xi32>
    %swap3A_284 = arith.constant 13 : i32
    %swap3A_285 = arith.index_cast %swap3A_284 : i32 to index
    %swap3A_286 = memref.load %arg16[%swap3A_285] : memref<32xi32, #tpu.memory_space<smem>>
    memref.store %squeeze3A_283, %arg16[%swap3A_285] : memref<32xi32, #tpu.memory_space<smem>>
    %slice3A_287 = vector.extract_strided_slice %get3A_14 {offsets = [13], sizes = [1], strides = [1]} : vector<16xi32> to vector<1xi32>
    %squeeze3A_288 = vector.extract %slice3A_287[0] : i32 from vector<1xi32>
    %swap3A_289 = arith.constant 13 : i32
    %swap3A_290 = arith.index_cast %swap3A_289 : i32 to index
    %swap3A_291 = memref.load %arg17[%swap3A_290] : memref<32xi32, #tpu.memory_space<smem>>
    memref.store %squeeze3A_288, %arg17[%swap3A_290] : memref<32xi32, #tpu.memory_space<smem>>
    %slice3A_292 = vector.extract_strided_slice %get3A_19 {offsets = [13], sizes = [1], strides = [1]} : vector<16xf32> to vector<1xf32>
    %squeeze3A_293 = vector.extract %slice3A_292[0] : f32 from vector<1xf32>
    %swap3A_294 = arith.constant 13 : i32
    %swap3A_295 = arith.index_cast %swap3A_294 : i32 to index
    %swap3A_296 = memref.load %arg18[%swap3A_295] : memref<32xf32, #tpu.memory_space<smem>>
    memref.store %squeeze3A_293, %arg18[%swap3A_295] : memref<32xf32, #tpu.memory_space<smem>>
    %slice3A_297 = vector.extract_strided_slice %get3A_24 {offsets = [13], sizes = [1], strides = [1]} : vector<16xf32> to vector<1xf32>
    %squeeze3A_298 = vector.extract %slice3A_297[0] : f32 from vector<1xf32>
    %swap3A_299 = arith.constant 13 : i32
    %swap3A_300 = arith.index_cast %swap3A_299 : i32 to index
    %swap3A_301 = memref.load %arg19[%swap3A_300] : memref<32xf32, #tpu.memory_space<smem>>
    memref.store %squeeze3A_298, %arg19[%swap3A_300] : memref<32xf32, #tpu.memory_space<smem>>
    %slice3A_302 = vector.extract_strided_slice %get3A_9 {offsets = [14], sizes = [1], strides = [1]} : vector<16xi32> to vector<1xi32>
    %squeeze3A_303 = vector.extract %slice3A_302[0] : i32 from vector<1xi32>
    %swap3A_304 = arith.constant 14 : i32
    %swap3A_305 = arith.index_cast %swap3A_304 : i32 to index
    %swap3A_306 = memref.load %arg16[%swap3A_305] : memref<32xi32, #tpu.memory_space<smem>>
    memref.store %squeeze3A_303, %arg16[%swap3A_305] : memref<32xi32, #tpu.memory_space<smem>>
    %slice3A_307 = vector.extract_strided_slice %get3A_14 {offsets = [14], sizes = [1], strides = [1]} : vector<16xi32> to vector<1xi32>
    %squeeze3A_308 = vector.extract %slice3A_307[0] : i32 from vector<1xi32>
    %swap3A_309 = arith.constant 14 : i32
    %swap3A_310 = arith.index_cast %swap3A_309 : i32 to index
    %swap3A_311 = memref.load %arg17[%swap3A_310] : memref<32xi32, #tpu.memory_space<smem>>
    memref.store %squeeze3A_308, %arg17[%swap3A_310] : memref<32xi32, #tpu.memory_space<smem>>
    %slice3A_312 = vector.extract_strided_slice %get3A_19 {offsets = [14], sizes = [1], strides = [1]} : vector<16xf32> to vector<1xf32>
    %squeeze3A_313 = vector.extract %slice3A_312[0] : f32 from vector<1xf32>
    %swap3A_314 = arith.constant 14 : i32
    %swap3A_315 = arith.index_cast %swap3A_314 : i32 to index
    %swap3A_316 = memref.load %arg18[%swap3A_315] : memref<32xf32, #tpu.memory_space<smem>>
    memref.store %squeeze3A_313, %arg18[%swap3A_315] : memref<32xf32, #tpu.memory_space<smem>>
    %slice3A_317 = vector.extract_strided_slice %get3A_24 {offsets = [14], sizes = [1], strides = [1]} : vector<16xf32> to vector<1xf32>
    %squeeze3A_318 = vector.extract %slice3A_317[0] : f32 from vector<1xf32>
    %swap3A_319 = arith.constant 14 : i32
    %swap3A_320 = arith.index_cast %swap3A_319 : i32 to index
    %swap3A_321 = memref.load %arg19[%swap3A_320] : memref<32xf32, #tpu.memory_space<smem>>
    memref.store %squeeze3A_318, %arg19[%swap3A_320] : memref<32xf32, #tpu.memory_space<smem>>
    %slice3A_322 = vector.extract_strided_slice %get3A_9 {offsets = [15], sizes = [1], strides = [1]} : vector<16xi32> to vector<1xi32>
    %squeeze3A_323 = vector.extract %slice3A_322[0] : i32 from vector<1xi32>
    %swap3A_324 = arith.constant 15 : i32
    %swap3A_325 = arith.index_cast %swap3A_324 : i32 to index
    %swap3A_326 = memref.load %arg16[%swap3A_325] : memref<32xi32, #tpu.memory_space<smem>>
    memref.store %squeeze3A_323, %arg16[%swap3A_325] : memref<32xi32, #tpu.memory_space<smem>>
    %slice3A_327 = vector.extract_strided_slice %get3A_14 {offsets = [15], sizes = [1], strides = [1]} : vector<16xi32> to vector<1xi32>
    %squeeze3A_328 = vector.extract %slice3A_327[0] : i32 from vector<1xi32>
    %swap3A_329 = arith.constant 15 : i32
    %swap3A_330 = arith.index_cast %swap3A_329 : i32 to index
    %swap3A_331 = memref.load %arg17[%swap3A_330] : memref<32xi32, #tpu.memory_space<smem>>
    memref.store %squeeze3A_328, %arg17[%swap3A_330] : memref<32xi32, #tpu.memory_space<smem>>
    %slice3A_332 = vector.extract_strided_slice %get3A_19 {offsets = [15], sizes = [1], strides = [1]} : vector<16xf32> to vector<1xf32>
    %squeeze3A_333 = vector.extract %slice3A_332[0] : f32 from vector<1xf32>
    %swap3A_334 = arith.constant 15 : i32
    %swap3A_335 = arith.index_cast %swap3A_334 : i32 to index
    %swap3A_336 = memref.load %arg18[%swap3A_335] : memref<32xf32, #tpu.memory_space<smem>>
    memref.store %squeeze3A_333, %arg18[%swap3A_335] : memref<32xf32, #tpu.memory_space<smem>>
    %slice3A_337 = vector.extract_strided_slice %get3A_24 {offsets = [15], sizes = [1], strides = [1]} : vector<16xf32> to vector<1xf32>
    %squeeze3A_338 = vector.extract %slice3A_337[0] : f32 from vector<1xf32>
    %swap3A_339 = arith.constant 15 : i32
    %swap3A_340 = arith.index_cast %swap3A_339 : i32 to index
    %swap3A_341 = memref.load %arg19[%swap3A_340] : memref<32xf32, #tpu.memory_space<smem>>
    memref.store %squeeze3A_338, %arg19[%swap3A_340] : memref<32xf32, #tpu.memory_space<smem>>
    %get3A_342 = arith.constant 0 : i32
    %get3A_343 = arith.index_cast %get3A_342 : i32 to index
    %get3A_344 = arith.constant 16 : index
    %get3A_345 = tpu.vector_load %arg14[%get3A_343, %get3A_344] {strides = array<i32>} : memref<2x32xi32, #tpu.memory_space<vmem>>, vector<1x16xi32>,
    %get3A_346 = vector.shape_cast %get3A_345 : vector<1x16xi32> to vector<16xi32>
    %get3A_347 = arith.constant 1 : i32
    %get3A_348 = arith.index_cast %get3A_347 : i32 to index
    %get3A_349 = arith.constant 16 : index
    %get3A_350 = tpu.vector_load %arg14[%get3A_348, %get3A_349] {strides = array<i32>} : memref<2x32xi32, #tpu.memory_space<vmem>>, vector<1x16xi32>,
    %get3A_351 = vector.shape_cast %get3A_350 : vector<1x16xi32> to vector<16xi32>
    %get3A_352 = arith.constant 0 : i32
    %get3A_353 = arith.index_cast %get3A_352 : i32 to index
    %get3A_354 = arith.constant 16 : index
    %get3A_355 = tpu.vector_load %arg15[%get3A_353, %get3A_354] {strides = array<i32>} : memref<2x32xf32, #tpu.memory_space<vmem>>, vector<1x16xf32>,
    %get3A_356 = vector.shape_cast %get3A_355 : vector<1x16xf32> to vector<16xf32>
    %get3A_357 = arith.constant 1 : i32
    %get3A_358 = arith.index_cast %get3A_357 : i32 to index
    %get3A_359 = arith.constant 16 : index
    %get3A_360 = tpu.vector_load %arg15[%get3A_358, %get3A_359] {strides = array<i32>} : memref<2x32xf32, #tpu.memory_space<vmem>>, vector<1x16xf32>,
    %get3A_361 = vector.shape_cast %get3A_360 : vector<1x16xf32> to vector<16xf32>
    %slice3A_362 = vector.extract_strided_slice %get3A_346 {offsets = [0], sizes = [1], strides = [1]} : vector<16xi32> to vector<1xi32>
    %squeeze3A_363 = vector.extract %slice3A_362[0] : i32 from vector<1xi32>
    %swap3A_364 = arith.constant 16 : i32
    %swap3A_365 = arith.index_cast %swap3A_364 : i32 to index
    %swap3A_366 = memref.load %arg16[%swap3A_365] : memref<32xi32, #tpu.memory_space<smem>>
    memref.store %squeeze3A_363, %arg16[%swap3A_365] : memref<32xi32, #tpu.memory_space<smem>>
    %slice3A_367 = vector.extract_strided_slice %get3A_351 {offsets = [0], sizes = [1], strides = [1]} : vector<16xi32> to vector<1xi32>
    %squeeze3A_368 = vector.extract %slice3A_367[0] : i32 from vector<1xi32>
    %swap3A_369 = arith.constant 16 : i32
    %swap3A_370 = arith.index_cast %swap3A_369 : i32 to index
    %swap3A_371 = memref.load %arg17[%swap3A_370] : memref<32xi32, #tpu.memory_space<smem>>
    memref.store %squeeze3A_368, %arg17[%swap3A_370] : memref<32xi32, #tpu.memory_space<smem>>
    %slice3A_372 = vector.extract_strided_slice %get3A_356 {offsets = [0], sizes = [1], strides = [1]} : vector<16xf32> to vector<1xf32>
    %squeeze3A_373 = vector.extract %slice3A_372[0] : f32 from vector<1xf32>
    %swap3A_374 = arith.constant 16 : i32
    %swap3A_375 = arith.index_cast %swap3A_374 : i32 to index
    %swap3A_376 = memref.load %arg18[%swap3A_375] : memref<32xf32, #tpu.memory_space<smem>>
    memref.store %squeeze3A_373, %arg18[%swap3A_375] : memref<32xf32, #tpu.memory_space<smem>>
    %slice3A_377 = vector.extract_strided_slice %get3A_361 {offsets = [0], sizes = [1], strides = [1]} : vector<16xf32> to vector<1xf32>
    %squeeze3A_378 = vector.extract %slice3A_377[0] : f32 from vector<1xf32>
    %swap3A_379 = arith.constant 16 : i32
    %swap3A_380 = arith.index_cast %swap3A_379 : i32 to index
    %swap3A_381 = memref.load %arg19[%swap3A_380] : memref<32xf32, #tpu.memory_space<smem>>
    memref.store %squeeze3A_378, %arg19[%swap3A_380] : memref<32xf32, #tpu.memory_space<smem>>
    %slice3A_382 = vector.extract_strided_slice %get3A_346 {offsets = [1], sizes = [1], strides = [1]} : vector<16xi32> to vector<1xi32>
    %squeeze3A_383 = vector.extract %slice3A_382[0] : i32 from vector<1xi32>
    %swap3A_384 = arith.constant 17 : i32
    %swap3A_385 = arith.index_cast %swap3A_384 : i32 to index
    %swap3A_386 = memref.load %arg16[%swap3A_385] : memref<32xi32, #tpu.memory_space<smem>>
    memref.store %squeeze3A_383, %arg16[%swap3A_385] : memref<32xi32, #tpu.memory_space<smem>>
    %slice3A_387 = vector.extract_strided_slice %get3A_351 {offsets = [1], sizes = [1], strides = [1]} : vector<16xi32> to vector<1xi32>
    %squeeze3A_388 = vector.extract %slice3A_387[0] : i32 from vector<1xi32>
    %swap3A_389 = arith.constant 17 : i32
    %swap3A_390 = arith.index_cast %swap3A_389 : i32 to index
    %swap3A_391 = memref.load %arg17[%swap3A_390] : memref<32xi32, #tpu.memory_space<smem>>
    memref.store %squeeze3A_388, %arg17[%swap3A_390] : memref<32xi32, #tpu.memory_space<smem>>
    %slice3A_392 = vector.extract_strided_slice %get3A_356 {offsets = [1], sizes = [1], strides = [1]} : vector<16xf32> to vector<1xf32>
    %squeeze3A_393 = vector.extract %slice3A_392[0] : f32 from vector<1xf32>
    %swap3A_394 = arith.constant 17 : i32
    %swap3A_395 = arith.index_cast %swap3A_394 : i32 to index
    %swap3A_396 = memref.load %arg18[%swap3A_395] : memref<32xf32, #tpu.memory_space<smem>>
    memref.store %squeeze3A_393, %arg18[%swap3A_395] : memref<32xf32, #tpu.memory_space<smem>>
    %slice3A_397 = vector.extract_strided_slice %get3A_361 {offsets = [1], sizes = [1], strides = [1]} : vector<16xf32> to vector<1xf32>
    %squeeze3A_398 = vector.extract %slice3A_397[0] : f32 from vector<1xf32>
    %swap3A_399 = arith.constant 17 : i32
    %swap3A_400 = arith.index_cast %swap3A_399 : i32 to index
    %swap3A_401 = memref.load %arg19[%swap3A_400] : memref<32xf32, #tpu.memory_space<smem>>
    memref.store %squeeze3A_398, %arg19[%swap3A_400] : memref<32xf32, #tpu.memory_space<smem>>
    %slice3A_402 = vector.extract_strided_slice %get3A_346 {offsets = [2], sizes = [1], strides = [1]} : vector<16xi32> to vector<1xi32>
    %squeeze3A_403 = vector.extract %slice3A_402[0] : i32 from vector<1xi32>
    %swap3A_404 = arith.constant 18 : i32
    %swap3A_405 = arith.index_cast %swap3A_404 : i32 to index
    %swap3A_406 = memref.load %arg16[%swap3A_405] : memref<32xi32, #tpu.memory_space<smem>>
    memref.store %squeeze3A_403, %arg16[%swap3A_405] : memref<32xi32, #tpu.memory_space<smem>>
    %slice3A_407 = vector.extract_strided_slice %get3A_351 {offsets = [2], sizes = [1], strides = [1]} : vector<16xi32> to vector<1xi32>
    %squeeze3A_408 = vector.extract %slice3A_407[0] : i32 from vector<1xi32>
    %swap3A_409 = arith.constant 18 : i32
    %swap3A_410 = arith.index_cast %swap3A_409 : i32 to index
    %swap3A_411 = memref.load %arg17[%swap3A_410] : memref<32xi32, #tpu.memory_space<smem>>
    memref.store %squeeze3A_408, %arg17[%swap3A_410] : memref<32xi32, #tpu.memory_space<smem>>
    %slice3A_412 = vector.extract_strided_slice %get3A_356 {offsets = [2], sizes = [1], strides = [1]} : vector<16xf32> to vector<1xf32>
    %squeeze3A_413 = vector.extract %slice3A_412[0] : f32 from vector<1xf32>
    %swap3A_414 = arith.constant 18 : i32
    %swap3A_415 = arith.index_cast %swap3A_414 : i32 to index
    %swap3A_416 = memref.load %arg18[%swap3A_415] : memref<32xf32, #tpu.memory_space<smem>>
    memref.store %squeeze3A_413, %arg18[%swap3A_415] : memref<32xf32, #tpu.memory_space<smem>>
    %slice3A_417 = vector.extract_strided_slice %get3A_361 {offsets = [2], sizes = [1], strides = [1]} : vector<16xf32> to vector<1xf32>
    %squeeze3A_418 = vector.extract %slice3A_417[0] : f32 from vector<1xf32>
    %swap3A_419 = arith.constant 18 : i32
    %swap3A_420 = arith.index_cast %swap3A_419 : i32 to index
    %swap3A_421 = memref.load %arg19[%swap3A_420] : memref<32xf32, #tpu.memory_space<smem>>
    memref.store %squeeze3A_418, %arg19[%swap3A_420] : memref<32xf32, #tpu.memory_space<smem>>
    %slice3A_422 = vector.extract_strided_slice %get3A_346 {offsets = [3], sizes = [1], strides = [1]} : vector<16xi32> to vector<1xi32>
    %squeeze3A_423 = vector.extract %slice3A_422[0] : i32 from vector<1xi32>
    %swap3A_424 = arith.constant 19 : i32
    %swap3A_425 = arith.index_cast %swap3A_424 : i32 to index
    %swap3A_426 = memref.load %arg16[%swap3A_425] : memref<32xi32, #tpu.memory_space<smem>>
    memref.store %squeeze3A_423, %arg16[%swap3A_425] : memref<32xi32, #tpu.memory_space<smem>>
    %slice3A_427 = vector.extract_strided_slice %get3A_351 {offsets = [3], sizes = [1], strides = [1]} : vector<16xi32> to vector<1xi32>
    %squeeze3A_428 = vector.extract %slice3A_427[0] : i32 from vector<1xi32>
    %swap3A_429 = arith.constant 19 : i32
    %swap3A_430 = arith.index_cast %swap3A_429 : i32 to index
    %swap3A_431 = memref.load %arg17[%swap3A_430] : memref<32xi32, #tpu.memory_space<smem>>
    memref.store %squeeze3A_428, %arg17[%swap3A_430] : memref<32xi32, #tpu.memory_space<smem>>
    %slice3A_432 = vector.extract_strided_slice %get3A_356 {offsets = [3], sizes = [1], strides = [1]} : vector<16xf32> to vector<1xf32>
    %squeeze3A_433 = vector.extract %slice3A_432[0] : f32 from vector<1xf32>
    %swap3A_434 = arith.constant 19 : i32
    %swap3A_435 = arith.index_cast %swap3A_434 : i32 to index
    %swap3A_436 = memref.load %arg18[%swap3A_435] : memref<32xf32, #tpu.memory_space<smem>>
    memref.store %squeeze3A_433, %arg18[%swap3A_435] : memref<32xf32, #tpu.memory_space<smem>>
    %slice3A_437 = vector.extract_strided_slice %get3A_361 {offsets = [3], sizes = [1], strides = [1]} : vector<16xf32> to vector<1xf32>
    %squeeze3A_438 = vector.extract %slice3A_437[0] : f32 from vector<1xf32>
    %swap3A_439 = arith.constant 19 : i32
    %swap3A_440 = arith.index_cast %swap3A_439 : i32 to index
    %swap3A_441 = memref.load %arg19[%swap3A_440] : memref<32xf32, #tpu.memory_space<smem>>
    memref.store %squeeze3A_438, %arg19[%swap3A_440] : memref<32xf32, #tpu.memory_space<smem>>
    %slice3A_442 = vector.extract_strided_slice %get3A_346 {offsets = [4], sizes = [1], strides = [1]} : vector<16xi32> to vector<1xi32>
    %squeeze3A_443 = vector.extract %slice3A_442[0] : i32 from vector<1xi32>
    %swap3A_444 = arith.constant 20 : i32
    %swap3A_445 = arith.index_cast %swap3A_444 : i32 to index
    %swap3A_446 = memref.load %arg16[%swap3A_445] : memref<32xi32, #tpu.memory_space<smem>>
    memref.store %squeeze3A_443, %arg16[%swap3A_445] : memref<32xi32, #tpu.memory_space<smem>>
    %slice3A_447 = vector.extract_strided_slice %get3A_351 {offsets = [4], sizes = [1], strides = [1]} : vector<16xi32> to vector<1xi32>
    %squeeze3A_448 = vector.extract %slice3A_447[0] : i32 from vector<1xi32>
    %swap3A_449 = arith.constant 20 : i32
    %swap3A_450 = arith.index_cast %swap3A_449 : i32 to index
    %swap3A_451 = memref.load %arg17[%swap3A_450] : memref<32xi32, #tpu.memory_space<smem>>
    memref.store %squeeze3A_448, %arg17[%swap3A_450] : memref<32xi32, #tpu.memory_space<smem>>
    %slice3A_452 = vector.extract_strided_slice %get3A_356 {offsets = [4], sizes = [1], strides = [1]} : vector<16xf32> to vector<1xf32>
    %squeeze3A_453 = vector.extract %slice3A_452[0] : f32 from vector<1xf32>
    %swap3A_454 = arith.constant 20 : i32
    %swap3A_455 = arith.index_cast %swap3A_454 : i32 to index
    %swap3A_456 = memref.load %arg18[%swap3A_455] : memref<32xf32, #tpu.memory_space<smem>>
    memref.store %squeeze3A_453, %arg18[%swap3A_455] : memref<32xf32, #tpu.memory_space<smem>>
    %slice3A_457 = vector.extract_strided_slice %get3A_361 {offsets = [4], sizes = [1], strides = [1]} : vector<16xf32> to vector<1xf32>
    %squeeze3A_458 = vector.extract %slice3A_457[0] : f32 from vector<1xf32>
    %swap3A_459 = arith.constant 20 : i32
    %swap3A_460 = arith.index_cast %swap3A_459 : i32 to index
    %swap3A_461 = memref.load %arg19[%swap3A_460] : memref<32xf32, #tpu.memory_space<smem>>
    memref.store %squeeze3A_458, %arg19[%swap3A_460] : memref<32xf32, #tpu.memory_space<smem>>
    %slice3A_462 = vector.extract_strided_slice %get3A_346 {offsets = [5], sizes = [1], strides = [1]} : vector<16xi32> to vector<1xi32>
    %squeeze3A_463 = vector.extract %slice3A_462[0] : i32 from vector<1xi32>
    %swap3A_464 = arith.constant 21 : i32
    %swap3A_465 = arith.index_cast %swap3A_464 : i32 to index
    %swap3A_466 = memref.load %arg16[%swap3A_465] : memref<32xi32, #tpu.memory_space<smem>>
    memref.store %squeeze3A_463, %arg16[%swap3A_465] : memref<32xi32, #tpu.memory_space<smem>>
    %slice3A_467 = vector.extract_strided_slice %get3A_351 {offsets = [5], sizes = [1], strides = [1]} : vector<16xi32> to vector<1xi32>
    %squeeze3A_468 = vector.extract %slice3A_467[0] : i32 from vector<1xi32>
    %swap3A_469 = arith.constant 21 : i32
    %swap3A_470 = arith.index_cast %swap3A_469 : i32 to index
    %swap3A_471 = memref.load %arg17[%swap3A_470] : memref<32xi32, #tpu.memory_space<smem>>
    memref.store %squeeze3A_468, %arg17[%swap3A_470] : memref<32xi32, #tpu.memory_space<smem>>
    %slice3A_472 = vector.extract_strided_slice %get3A_356 {offsets = [5], sizes = [1], strides = [1]} : vector<16xf32> to vector<1xf32>
    %squeeze3A_473 = vector.extract %slice3A_472[0] : f32 from vector<1xf32>
    %swap3A_474 = arith.constant 21 : i32
    %swap3A_475 = arith.index_cast %swap3A_474 : i32 to index
    %swap3A_476 = memref.load %arg18[%swap3A_475] : memref<32xf32, #tpu.memory_space<smem>>
    memref.store %squeeze3A_473, %arg18[%swap3A_475] : memref<32xf32, #tpu.memory_space<smem>>
    %slice3A_477 = vector.extract_strided_slice %get3A_361 {offsets = [5], sizes = [1], strides = [1]} : vector<16xf32> to vector<1xf32>
    %squeeze3A_478 = vector.extract %slice3A_477[0] : f32 from vector<1xf32>
    %swap3A_479 = arith.constant 21 : i32
    %swap3A_480 = arith.index_cast %swap3A_479 : i32 to index
    %swap3A_481 = memref.load %arg19[%swap3A_480] : memref<32xf32, #tpu.memory_space<smem>>
    memref.store %squeeze3A_478, %arg19[%swap3A_480] : memref<32xf32, #tpu.memory_space<smem>>
    %slice3A_482 = vector.extract_strided_slice %get3A_346 {offsets = [6], sizes = [1], strides = [1]} : vector<16xi32> to vector<1xi32>
    %squeeze3A_483 = vector.extract %slice3A_482[0] : i32 from vector<1xi32>
    %swap3A_484 = arith.constant 22 : i32
    %swap3A_485 = arith.index_cast %swap3A_484 : i32 to index
    %swap3A_486 = memref.load %arg16[%swap3A_485] : memref<32xi32, #tpu.memory_space<smem>>
    memref.store %squeeze3A_483, %arg16[%swap3A_485] : memref<32xi32, #tpu.memory_space<smem>>
    %slice3A_487 = vector.extract_strided_slice %get3A_351 {offsets = [6], sizes = [1], strides = [1]} : vector<16xi32> to vector<1xi32>
    %squeeze3A_488 = vector.extract %slice3A_487[0] : i32 from vector<1xi32>
    %swap3A_489 = arith.constant 22 : i32
    %swap3A_490 = arith.index_cast %swap3A_489 : i32 to index
    %swap3A_491 = memref.load %arg17[%swap3A_490] : memref<32xi32, #tpu.memory_space<smem>>
    memref.store %squeeze3A_488, %arg17[%swap3A_490] : memref<32xi32, #tpu.memory_space<smem>>
    %slice3A_492 = vector.extract_strided_slice %get3A_356 {offsets = [6], sizes = [1], strides = [1]} : vector<16xf32> to vector<1xf32>
    %squeeze3A_493 = vector.extract %slice3A_492[0] : f32 from vector<1xf32>
    %swap3A_494 = arith.constant 22 : i32
    %swap3A_495 = arith.index_cast %swap3A_494 : i32 to index
    %swap3A_496 = memref.load %arg18[%swap3A_495] : memref<32xf32, #tpu.memory_space<smem>>
    memref.store %squeeze3A_493, %arg18[%swap3A_495] : memref<32xf32, #tpu.memory_space<smem>>
    %slice3A_497 = vector.extract_strided_slice %get3A_361 {offsets = [6], sizes = [1], strides = [1]} : vector<16xf32> to vector<1xf32>
    %squeeze3A_498 = vector.extract %slice3A_497[0] : f32 from vector<1xf32>
    %swap3A_499 = arith.constant 22 : i32
    %swap3A_500 = arith.index_cast %swap3A_499 : i32 to index
    %swap3A_501 = memref.load %arg19[%swap3A_500] : memref<32xf32, #tpu.memory_space<smem>>
    memref.store %squeeze3A_498, %arg19[%swap3A_500] : memref<32xf32, #tpu.memory_space<smem>>
    %slice3A_502 = vector.extract_strided_slice %get3A_346 {offsets = [7], sizes = [1], strides = [1]} : vector<16xi32> to vector<1xi32>
    %squeeze3A_503 = vector.extract %slice3A_502[0] : i32 from vector<1xi32>
    %swap3A_504 = arith.constant 23 : i32
    %swap3A_505 = arith.index_cast %swap3A_504 : i32 to index
    %swap3A_506 = memref.load %arg16[%swap3A_505] : memref<32xi32, #tpu.memory_space<smem>>
    memref.store %squeeze3A_503, %arg16[%swap3A_505] : memref<32xi32, #tpu.memory_space<smem>>
    %slice3A_507 = vector.extract_strided_slice %get3A_351 {offsets = [7], sizes = [1], strides = [1]} : vector<16xi32> to vector<1xi32>
    %squeeze3A_508 = vector.extract %slice3A_507[0] : i32 from vector<1xi32>
    %swap3A_509 = arith.constant 23 : i32
    %swap3A_510 = arith.index_cast %swap3A_509 : i32 to index
    %swap3A_511 = memref.load %arg17[%swap3A_510] : memref<32xi32, #tpu.memory_space<smem>>
    memref.store %squeeze3A_508, %arg17[%swap3A_510] : memref<32xi32, #tpu.memory_space<smem>>
    %slice3A_512 = vector.extract_strided_slice %get3A_356 {offsets = [7], sizes = [1], strides = [1]} : vector<16xf32> to vector<1xf32>
    %squeeze3A_513 = vector.extract %slice3A_512[0] : f32 from vector<1xf32>
    %swap3A_514 = arith.constant 23 : i32
    %swap3A_515 = arith.index_cast %swap3A_514 : i32 to index
    %swap3A_516 = memref.load %arg18[%swap3A_515] : memref<32xf32, #tpu.memory_space<smem>>
    memref.store %squeeze3A_513, %arg18[%swap3A_515] : memref<32xf32, #tpu.memory_space<smem>>
    %slice3A_517 = vector.extract_strided_slice %get3A_361 {offsets = [7], sizes = [1], strides = [1]} : vector<16xf32> to vector<1xf32>
    %squeeze3A_518 = vector.extract %slice3A_517[0] : f32 from vector<1xf32>
    %swap3A_519 = arith.constant 23 : i32
    %swap3A_520 = arith.index_cast %swap3A_519 : i32 to index
    %swap3A_521 = memref.load %arg19[%swap3A_520] : memref<32xf32, #tpu.memory_space<smem>>
    memref.store %squeeze3A_518, %arg19[%swap3A_520] : memref<32xf32, #tpu.memory_space<smem>>
    %slice3A_522 = vector.extract_strided_slice %get3A_346 {offsets = [8], sizes = [1], strides = [1]} : vector<16xi32> to vector<1xi32>
    %squeeze3A_523 = vector.extract %slice3A_522[0] : i32 from vector<1xi32>
    %swap3A_524 = arith.constant 24 : i32
    %swap3A_525 = arith.index_cast %swap3A_524 : i32 to index
    %swap3A_526 = memref.load %arg16[%swap3A_525] : memref<32xi32, #tpu.memory_space<smem>>
    memref.store %squeeze3A_523, %arg16[%swap3A_525] : memref<32xi32, #tpu.memory_space<smem>>
    %slice3A_527 = vector.extract_strided_slice %get3A_351 {offsets = [8], sizes = [1], strides = [1]} : vector<16xi32> to vector<1xi32>
    %squeeze3A_528 = vector.extract %slice3A_527[0] : i32 from vector<1xi32>
    %swap3A_529 = arith.constant 24 : i32
    %swap3A_530 = arith.index_cast %swap3A_529 : i32 to index
    %swap3A_531 = memref.load %arg17[%swap3A_530] : memref<32xi32, #tpu.memory_space<smem>>
    memref.store %squeeze3A_528, %arg17[%swap3A_530] : memref<32xi32, #tpu.memory_space<smem>>
    %slice3A_532 = vector.extract_strided_slice %get3A_356 {offsets = [8], sizes = [1], strides = [1]} : vector<16xf32> to vector<1xf32>
    %squeeze3A_533 = vector.extract %slice3A_532[0] : f32 from vector<1xf32>
    %swap3A_534 = arith.constant 24 : i32
    %swap3A_535 = arith.index_cast %swap3A_534 : i32 to index
    %swap3A_536 = memref.load %arg18[%swap3A_535] : memref<32xf32, #tpu.memory_space<smem>>
    memref.store %squeeze3A_533, %arg18[%swap3A_535] : memref<32xf32, #tpu.memory_space<smem>>
    %slice3A_537 = vector.extract_strided_slice %get3A_361 {offsets = [8], sizes = [1], strides = [1]} : vector<16xf32> to vector<1xf32>
    %squeeze3A_538 = vector.extract %slice3A_537[0] : f32 from vector<1xf32>
    %swap3A_539 = arith.constant 24 : i32
    %swap3A_540 = arith.index_cast %swap3A_539 : i32 to index
    %swap3A_541 = memref.load %arg19[%swap3A_540] : memref<32xf32, #tpu.memory_space<smem>>
    memref.store %squeeze3A_538, %arg19[%swap3A_540] : memref<32xf32, #tpu.memory_space<smem>>
    %slice3A_542 = vector.extract_strided_slice %get3A_346 {offsets = [9], sizes = [1], strides = [1]} : vector<16xi32> to vector<1xi32>
    %squeeze3A_543 = vector.extract %slice3A_542[0] : i32 from vector<1xi32>
    %swap3A_544 = arith.constant 25 : i32
    %swap3A_545 = arith.index_cast %swap3A_544 : i32 to index
    %swap3A_546 = memref.load %arg16[%swap3A_545] : memref<32xi32, #tpu.memory_space<smem>>
    memref.store %squeeze3A_543, %arg16[%swap3A_545] : memref<32xi32, #tpu.memory_space<smem>>
    %slice3A_547 = vector.extract_strided_slice %get3A_351 {offsets = [9], sizes = [1], strides = [1]} : vector<16xi32> to vector<1xi32>
    %squeeze3A_548 = vector.extract %slice3A_547[0] : i32 from vector<1xi32>
    %swap3A_549 = arith.constant 25 : i32
    %swap3A_550 = arith.index_cast %swap3A_549 : i32 to index
    %swap3A_551 = memref.load %arg17[%swap3A_550] : memref<32xi32, #tpu.memory_space<smem>>
    memref.store %squeeze3A_548, %arg17[%swap3A_550] : memref<32xi32, #tpu.memory_space<smem>>
    %slice3A_552 = vector.extract_strided_slice %get3A_356 {offsets = [9], sizes = [1], strides = [1]} : vector<16xf32> to vector<1xf32>
    %squeeze3A_553 = vector.extract %slice3A_552[0] : f32 from vector<1xf32>
    %swap3A_554 = arith.constant 25 : i32
    %swap3A_555 = arith.index_cast %swap3A_554 : i32 to index
    %swap3A_556 = memref.load %arg18[%swap3A_555] : memref<32xf32, #tpu.memory_space<smem>>
    memref.store %squeeze3A_553, %arg18[%swap3A_555] : memref<32xf32, #tpu.memory_space<smem>>
    %slice3A_557 = vector.extract_strided_slice %get3A_361 {offsets = [9], sizes = [1], strides = [1]} : vector<16xf32> to vector<1xf32>
    %squeeze3A_558 = vector.extract %slice3A_557[0] : f32 from vector<1xf32>
    %swap3A_559 = arith.constant 25 : i32
    %swap3A_560 = arith.index_cast %swap3A_559 : i32 to index
    %swap3A_561 = memref.load %arg19[%swap3A_560] : memref<32xf32, #tpu.memory_space<smem>>
    memref.store %squeeze3A_558, %arg19[%swap3A_560] : memref<32xf32, #tpu.memory_space<smem>>
    %slice3A_562 = vector.extract_strided_slice %get3A_346 {offsets = [10], sizes = [1], strides = [1]} : vector<16xi32> to vector<1xi32>
    %squeeze3A_563 = vector.extract %slice3A_562[0] : i32 from vector<1xi32>
    %swap3A_564 = arith.constant 26 : i32
    %swap3A_565 = arith.index_cast %swap3A_564 : i32 to index
    %swap3A_566 = memref.load %arg16[%swap3A_565] : memref<32xi32, #tpu.memory_space<smem>>
    memref.store %squeeze3A_563, %arg16[%swap3A_565] : memref<32xi32, #tpu.memory_space<smem>>
    %slice3A_567 = vector.extract_strided_slice %get3A_351 {offsets = [10], sizes = [1], strides = [1]} : vector<16xi32> to vector<1xi32>
    %squeeze3A_568 = vector.extract %slice3A_567[0] : i32 from vector<1xi32>
    %swap3A_569 = arith.constant 26 : i32
    %swap3A_570 = arith.index_cast %swap3A_569 : i32 to index
    %swap3A_571 = memref.load %arg17[%swap3A_570] : memref<32xi32, #tpu.memory_space<smem>>
    memref.store %squeeze3A_568, %arg17[%swap3A_570] : memref<32xi32, #tpu.memory_space<smem>>
    %slice3A_572 = vector.extract_strided_slice %get3A_356 {offsets = [10], sizes = [1], strides = [1]} : vector<16xf32> to vector<1xf32>
    %squeeze3A_573 = vector.extract %slice3A_572[0] : f32 from vector<1xf32>
    %swap3A_574 = arith.constant 26 : i32
    %swap3A_575 = arith.index_cast %swap3A_574 : i32 to index
    %swap3A_576 = memref.load %arg18[%swap3A_575] : memref<32xf32, #tpu.memory_space<smem>>
    memref.store %squeeze3A_573, %arg18[%swap3A_575] : memref<32xf32, #tpu.memory_space<smem>>
    %slice3A_577 = vector.extract_strided_slice %get3A_361 {offsets = [10], sizes = [1], strides = [1]} : vector<16xf32> to vector<1xf32>
    %squeeze3A_578 = vector.extract %slice3A_577[0] : f32 from vector<1xf32>
    %swap3A_579 = arith.constant 26 : i32
    %swap3A_580 = arith.index_cast %swap3A_579 : i32 to index
    %swap3A_581 = memref.load %arg19[%swap3A_580] : memref<32xf32, #tpu.memory_space<smem>>
    memref.store %squeeze3A_578, %arg19[%swap3A_580] : memref<32xf32, #tpu.memory_space<smem>>
    %slice3A_582 = vector.extract_strided_slice %get3A_346 {offsets = [11], sizes = [1], strides = [1]} : vector<16xi32> to vector<1xi32>
    %squeeze3A_583 = vector.extract %slice3A_582[0] : i32 from vector<1xi32>
    %swap3A_584 = arith.constant 27 : i32
    %swap3A_585 = arith.index_cast %swap3A_584 : i32 to index
    %swap3A_586 = memref.load %arg16[%swap3A_585] : memref<32xi32, #tpu.memory_space<smem>>
    memref.store %squeeze3A_583, %arg16[%swap3A_585] : memref<32xi32, #tpu.memory_space<smem>>
    %slice3A_587 = vector.extract_strided_slice %get3A_351 {offsets = [11], sizes = [1], strides = [1]} : vector<16xi32> to vector<1xi32>
    %squeeze3A_588 = vector.extract %slice3A_587[0] : i32 from vector<1xi32>
    %swap3A_589 = arith.constant 27 : i32
    %swap3A_590 = arith.index_cast %swap3A_589 : i32 to index
    %swap3A_591 = memref.load %arg17[%swap3A_590] : memref<32xi32, #tpu.memory_space<smem>>
    memref.store %squeeze3A_588, %arg17[%swap3A_590] : memref<32xi32, #tpu.memory_space<smem>>
    %slice3A_592 = vector.extract_strided_slice %get3A_356 {offsets = [11], sizes = [1], strides = [1]} : vector<16xf32> to vector<1xf32>
    %squeeze3A_593 = vector.extract %slice3A_592[0] : f32 from vector<1xf32>
    %swap3A_594 = arith.constant 27 : i32
    %swap3A_595 = arith.index_cast %swap3A_594 : i32 to index
    %swap3A_596 = memref.load %arg18[%swap3A_595] : memref<32xf32, #tpu.memory_space<smem>>
    memref.store %squeeze3A_593, %arg18[%swap3A_595] : memref<32xf32, #tpu.memory_space<smem>>
    %slice3A_597 = vector.extract_strided_slice %get3A_361 {offsets = [11], sizes = [1], strides = [1]} : vector<16xf32> to vector<1xf32>
    %squeeze3A_598 = vector.extract %slice3A_597[0] : f32 from vector<1xf32>
    %swap3A_599 = arith.constant 27 : i32
    %swap3A_600 = arith.index_cast %swap3A_599 : i32 to index
    %swap3A_601 = memref.load %arg19[%swap3A_600] : memref<32xf32, #tpu.memory_space<smem>>
    memref.store %squeeze3A_598, %arg19[%swap3A_600] : memref<32xf32, #tpu.memory_space<smem>>
    %slice3A_602 = vector.extract_strided_slice %get3A_346 {offsets = [12], sizes = [1], strides = [1]} : vector<16xi32> to vector<1xi32>
    %squeeze3A_603 = vector.extract %slice3A_602[0] : i32 from vector<1xi32>
    %swap3A_604 = arith.constant 28 : i32
    %swap3A_605 = arith.index_cast %swap3A_604 : i32 to index
    %swap3A_606 = memref.load %arg16[%swap3A_605] : memref<32xi32, #tpu.memory_space<smem>>
    memref.store %squeeze3A_603, %arg16[%swap3A_605] : memref<32xi32, #tpu.memory_space<smem>>
    %slice3A_607 = vector.extract_strided_slice %get3A_351 {offsets = [12], sizes = [1], strides = [1]} : vector<16xi32> to vector<1xi32>
    %squeeze3A_608 = vector.extract %slice3A_607[0] : i32 from vector<1xi32>
    %swap3A_609 = arith.constant 28 : i32
    %swap3A_610 = arith.index_cast %swap3A_609 : i32 to index
    %swap3A_611 = memref.load %arg17[%swap3A_610] : memref<32xi32, #tpu.memory_space<smem>>
    memref.store %squeeze3A_608, %arg17[%swap3A_610] : memref<32xi32, #tpu.memory_space<smem>>
    %slice3A_612 = vector.extract_strided_slice %get3A_356 {offsets = [12], sizes = [1], strides = [1]} : vector<16xf32> to vector<1xf32>
    %squeeze3A_613 = vector.extract %slice3A_612[0] : f32 from vector<1xf32>
    %swap3A_614 = arith.constant 28 : i32
    %swap3A_615 = arith.index_cast %swap3A_614 : i32 to index
    %swap3A_616 = memref.load %arg18[%swap3A_615] : memref<32xf32, #tpu.memory_space<smem>>
    memref.store %squeeze3A_613, %arg18[%swap3A_615] : memref<32xf32, #tpu.memory_space<smem>>
    %slice3A_617 = vector.extract_strided_slice %get3A_361 {offsets = [12], sizes = [1], strides = [1]} : vector<16xf32> to vector<1xf32>
    %squeeze3A_618 = vector.extract %slice3A_617[0] : f32 from vector<1xf32>
    %swap3A_619 = arith.constant 28 : i32
    %swap3A_620 = arith.index_cast %swap3A_619 : i32 to index
    %swap3A_621 = memref.load %arg19[%swap3A_620] : memref<32xf32, #tpu.memory_space<smem>>
    memref.store %squeeze3A_618, %arg19[%swap3A_620] : memref<32xf32, #tpu.memory_space<smem>>
    %slice3A_622 = vector.extract_strided_slice %get3A_346 {offsets = [13], sizes = [1], strides = [1]} : vector<16xi32> to vector<1xi32>
    %squeeze3A_623 = vector.extract %slice3A_622[0] : i32 from vector<1xi32>
    %swap3A_624 = arith.constant 29 : i32
    %swap3A_625 = arith.index_cast %swap3A_624 : i32 to index
    %swap3A_626 = memref.load %arg16[%swap3A_625] : memref<32xi32, #tpu.memory_space<smem>>
    memref.store %squeeze3A_623, %arg16[%swap3A_625] : memref<32xi32, #tpu.memory_space<smem>>
    %slice3A_627 = vector.extract_strided_slice %get3A_351 {offsets = [13], sizes = [1], strides = [1]} : vector<16xi32> to vector<1xi32>
    %squeeze3A_628 = vector.extract %slice3A_627[0] : i32 from vector<1xi32>
    %swap3A_629 = arith.constant 29 : i32
    %swap3A_630 = arith.index_cast %swap3A_629 : i32 to index
    %swap3A_631 = memref.load %arg17[%swap3A_630] : memref<32xi32, #tpu.memory_space<smem>>
    memref.store %squeeze3A_628, %arg17[%swap3A_630] : memref<32xi32, #tpu.memory_space<smem>>
    %slice3A_632 = vector.extract_strided_slice %get3A_356 {offsets = [13], sizes = [1], strides = [1]} : vector<16xf32> to vector<1xf32>
    %squeeze3A_633 = vector.extract %slice3A_632[0] : f32 from vector<1xf32>
    %swap3A_634 = arith.constant 29 : i32
    %swap3A_635 = arith.index_cast %swap3A_634 : i32 to index
    %swap3A_636 = memref.load %arg18[%swap3A_635] : memref<32xf32, #tpu.memory_space<smem>>
    memref.store %squeeze3A_633, %arg18[%swap3A_635] : memref<32xf32, #tpu.memory_space<smem>>
    %slice3A_637 = vector.extract_strided_slice %get3A_361 {offsets = [13], sizes = [1], strides = [1]} : vector<16xf32> to vector<1xf32>
    %squeeze3A_638 = vector.extract %slice3A_637[0] : f32 from vector<1xf32>
    %swap3A_639 = arith.constant 29 : i32
    %swap3A_640 = arith.index_cast %swap3A_639 : i32 to index
    %swap3A_641 = memref.load %arg19[%swap3A_640] : memref<32xf32, #tpu.memory_space<smem>>
    memref.store %squeeze3A_638, %arg19[%swap3A_640] : memref<32xf32, #tpu.memory_space<smem>>
    %slice3A_642 = vector.extract_strided_slice %get3A_346 {offsets = [14], sizes = [1], strides = [1]} : vector<16xi32> to vector<1xi32>
    %squeeze3A_643 = vector.extract %slice3A_642[0] : i32 from vector<1xi32>
    %swap3A_644 = arith.constant 30 : i32
    %swap3A_645 = arith.index_cast %swap3A_644 : i32 to index
    %swap3A_646 = memref.load %arg16[%swap3A_645] : memref<32xi32, #tpu.memory_space<smem>>
    memref.store %squeeze3A_643, %arg16[%swap3A_645] : memref<32xi32, #tpu.memory_space<smem>>
    %slice3A_647 = vector.extract_strided_slice %get3A_351 {offsets = [14], sizes = [1], strides = [1]} : vector<16xi32> to vector<1xi32>
    %squeeze3A_648 = vector.extract %slice3A_647[0] : i32 from vector<1xi32>
    %swap3A_649 = arith.constant 30 : i32
    %swap3A_650 = arith.index_cast %swap3A_649 : i32 to index
    %swap3A_651 = memref.load %arg17[%swap3A_650] : memref<32xi32, #tpu.memory_space<smem>>
    memref.store %squeeze3A_648, %arg17[%swap3A_650] : memref<32xi32, #tpu.memory_space<smem>>
    %slice3A_652 = vector.extract_strided_slice %get3A_356 {offsets = [14], sizes = [1], strides = [1]} : vector<16xf32> to vector<1xf32>
    %squeeze3A_653 = vector.extract %slice3A_652[0] : f32 from vector<1xf32>
    %swap3A_654 = arith.constant 30 : i32
    %swap3A_655 = arith.index_cast %swap3A_654 : i32 to index
    %swap3A_656 = memref.load %arg18[%swap3A_655] : memref<32xf32, #tpu.memory_space<smem>>
    memref.store %squeeze3A_653, %arg18[%swap3A_655] : memref<32xf32, #tpu.memory_space<smem>>
    %slice3A_657 = vector.extract_strided_slice %get3A_361 {offsets = [14], sizes = [1], strides = [1]} : vector<16xf32> to vector<1xf32>
    %squeeze3A_658 = vector.extract %slice3A_657[0] : f32 from vector<1xf32>
    %swap3A_659 = arith.constant 30 : i32
    %swap3A_660 = arith.index_cast %swap3A_659 : i32 to index
    %swap3A_661 = memref.load %arg19[%swap3A_660] : memref<32xf32, #tpu.memory_space<smem>>
    memref.store %squeeze3A_658, %arg19[%swap3A_660] : memref<32xf32, #tpu.memory_space<smem>>
    %slice3A_662 = vector.extract_strided_slice %get3A_346 {offsets = [15], sizes = [1], strides = [1]} : vector<16xi32> to vector<1xi32>
    %squeeze3A_663 = vector.extract %slice3A_662[0] : i32 from vector<1xi32>
    %swap3A_664 = arith.constant 31 : i32
    %swap3A_665 = arith.index_cast %swap3A_664 : i32 to index
    %swap3A_666 = memref.load %arg16[%swap3A_665] : memref<32xi32, #tpu.memory_space<smem>>
    memref.store %squeeze3A_663, %arg16[%swap3A_665] : memref<32xi32, #tpu.memory_space<smem>>
    %slice3A_667 = vector.extract_strided_slice %get3A_351 {offsets = [15], sizes = [1], strides = [1]} : vector<16xi32> to vector<1xi32>
    %squeeze3A_668 = vector.extract %slice3A_667[0] : i32 from vector<1xi32>
    %swap3A_669 = arith.constant 31 : i32
    %swap3A_670 = arith.index_cast %swap3A_669 : i32 to index
    %swap3A_671 = memref.load %arg17[%swap3A_670] : memref<32xi32, #tpu.memory_space<smem>>
    memref.store %squeeze3A_668, %arg17[%swap3A_670] : memref<32xi32, #tpu.memory_space<smem>>
    %slice3A_672 = vector.extract_strided_slice %get3A_356 {offsets = [15], sizes = [1], strides = [1]} : vector<16xf32> to vector<1xf32>
    %squeeze3A_673 = vector.extract %slice3A_672[0] : f32 from vector<1xf32>
    %swap3A_674 = arith.constant 31 : i32
    %swap3A_675 = arith.index_cast %swap3A_674 : i32 to index
    %swap3A_676 = memref.load %arg18[%swap3A_675] : memref<32xf32, #tpu.memory_space<smem>>
    memref.store %squeeze3A_673, %arg18[%swap3A_675] : memref<32xf32, #tpu.memory_space<smem>>
    %slice3A_677 = vector.extract_strided_slice %get3A_361 {offsets = [15], sizes = [1], strides = [1]} : vector<16xf32> to vector<1xf32>
    %squeeze3A_678 = vector.extract %slice3A_677[0] : f32 from vector<1xf32>
    %swap3A_679 = arith.constant 31 : i32
    %swap3A_680 = arith.index_cast %swap3A_679 : i32 to index
    %swap3A_681 = memref.load %arg19[%swap3A_680] : memref<32xf32, #tpu.memory_space<smem>>
    memref.store %squeeze3A_678, %arg19[%swap3A_680] : memref<32xf32, #tpu.memory_space<smem>>
    %broadcast_in_dim3A = arith.constant 0xFF800000 : f32
    %broadcast_in_dim3A_682 = vector.broadcast %broadcast_in_dim3A : f32 to vector<16xf32>
    %broadcast_in_dim3A_683 = arith.constant 0.000000e+00 : f32
    %broadcast_in_dim3A_684 = vector.broadcast %broadcast_in_dim3A_683 : f32 to vector<16xf32>
    %get3A_685 = arith.constant 0 : i32
    %get3A_686 = arith.index_cast %get3A_685 : i32 to index
    %get3A_687 = memref.load %arg16[%get3A_686] : memref<32xi32, #tpu.memory_space<smem>>
    %min3A = arith.constant 50 : i32
    %min3A_688 = arith.minsi %get3A_687, %min3A : i32
    %add3A_689 = arith.constant 16 : i32
    %add3A_690 = arith.addi %min3A_688, %add3A_689 : i32
    %sub3A = arith.constant 1 : i32
    %sub3A_691 = arith.subi %add3A_690, %sub3A : i32
    %jit3A = arith.constant 16 : i32
    %div3A = arith.divsi %sub3A_691, %jit3A : i32
    %sign3A = arith.constant 0 : i32
    %sign3A_692 = arith.cmpi sgt, %sub3A_691, %sign3A : i32
    %sign3A_693 = arith.extui %sign3A_692 : i1 to i32
    %sign3A_694 = arith.constant 0 : i32
    %sign3A_695 = arith.cmpi slt, %sub3A_691, %sign3A_694 : i32
    %sign3A_696 = arith.extui %sign3A_695 : i1 to i32
    %sign3A_697 = arith.subi %sign3A_693, %sign3A_696 : i32
    %sign3A_698 = arith.constant 0 : i32
    %sign3A_699 = arith.cmpi sgt, %jit3A, %sign3A_698 : i32
    %sign3A_700 = arith.extui %sign3A_699 : i1 to i32
    %sign3A_701 = arith.constant 0 : i32
    %sign3A_702 = arith.cmpi slt, %jit3A, %sign3A_701 : i32
    %sign3A_703 = arith.extui %sign3A_702 : i1 to i32
    %sign3A_704 = arith.subi %sign3A_700, %sign3A_703 : i32
    %ne3A = arith.cmpi ne, %sign3A_697, %sign3A_704 : i32
    %rem3A = arith.remsi %sub3A_691, %jit3A : i32
    %ne3A_705 = arith.constant 0 : i32
    %ne3A_706 = arith.cmpi ne, %rem3A, %ne3A_705 : i32
    %and3A = arith.andi %ne3A, %ne3A_706 : i1
    %sub3A_707 = arith.constant 1 : i32
    %sub3A_708 = arith.subi %div3A, %sub3A_707 : i32
    %select_n3A = arith.select %and3A, %sub3A_708, %div3A : i32
    %scan3A = arith.constant 0 : i32
    %scan3A_709 = arith.constant 0 : i32
    %scan3A_710 = arith.addi %scan3A, %scan3A_709 : i32
    %scan3A_711 = arith.constant 0 : i32
    %get3A_712 = arith.constant 0 : i32
    %get3A_713 = arith.index_cast %get3A_712 : i32 to index
    %get3A_714 = memref.load %arg17[%get3A_713] : memref<32xi32, #tpu.memory_space<smem>>
    %min3A_715 = arith.constant 200 : i32
    %min3A_716 = arith.minsi %get3A_714, %min3A_715 : i32
    %min3A_717 = arith.constant 112 : i32
    %min3A_718 = arith.minsi %min3A_716, %min3A_717 : i32
    %add3A_719 = arith.constant 16 : i32
    %add3A_720 = arith.addi %min3A_718, %add3A_719 : i32
    %sub3A_721 = arith.constant 1 : i32
    %sub3A_722 = arith.subi %add3A_720, %sub3A_721 : i32
    %jit3A_723 = arith.constant 16 : i32
    %div3A_724 = arith.divsi %sub3A_722, %jit3A_723 : i32
    %sign3A_725 = arith.constant 0 : i32
    %sign3A_726 = arith.cmpi sgt, %sub3A_722, %sign3A_725 : i32
    %sign3A_727 = arith.extui %sign3A_726 : i1 to i32
    %sign3A_728 = arith.constant 0 : i32
    %sign3A_729 = arith.cmpi slt, %sub3A_722, %sign3A_728 : i32
    %sign3A_730 = arith.extui %sign3A_729 : i1 to i32
    %sign3A_731 = arith.subi %sign3A_727, %sign3A_730 : i32
    %sign3A_732 = arith.constant 0 : i32
    %sign3A_733 = arith.cmpi sgt, %jit3A_723, %sign3A_732 : i32
    %sign3A_734 = arith.extui %sign3A_733 : i1 to i32
    %sign3A_735 = arith.constant 0 : i32
    %sign3A_736 = arith.cmpi slt, %jit3A_723, %sign3A_735 : i32
    %sign3A_737 = arith.extui %sign3A_736 : i1 to i32
    %sign3A_738 = arith.subi %sign3A_734, %sign3A_737 : i32
    %ne3A_739 = arith.cmpi ne, %sign3A_731, %sign3A_738 : i32
    %rem3A_740 = arith.remsi %sub3A_722, %jit3A_723 : i32
    %ne3A_741 = arith.constant 0 : i32
    %ne3A_742 = arith.cmpi ne, %rem3A_740, %ne3A_741 : i32
    %and3A_743 = arith.andi %ne3A_739, %ne3A_742 : i1
    %sub3A_744 = arith.constant 1 : i32
    %sub3A_745 = arith.subi %div3A_724, %sub3A_744 : i32
    %select_n3A_746 = arith.select %and3A_743, %sub3A_745, %div3A_724 : i32
    %scan3A_747 = arith.constant 0 : i32
    %scan3A_748 = arith.constant 0 : i32
    %scan3A_749 = arith.addi %scan3A_747, %scan3A_748 : i32
    %scan3A_750 = arith.constant 0 : i32
    %scan3A_751 = arith.constant 0 : i32
    %scan3A_752 = arith.constant 32 : i32
    %scan3A_753 = arith.addi %scan3A_751, %scan3A_752 : i32
    %scan3A_754 = arith.constant 1 : i32
    scf.for %scan3A_765 = %scan3A_751 to %scan3A_753 step %scan3A_754  : i32 {
      %get3A_766 = arith.index_cast %scan3A_765 : i32 to index
      %get3A_767 = memref.load %arg16[%get3A_766] : memref<32xi32, #tpu.memory_space<smem>>
      %min3A_768 = arith.constant 50 : i32
      %min3A_769 = arith.minsi %get3A_767, %min3A_768 : i32
      %get3A_770 = arith.index_cast %scan3A_765 : i32 to index
      %get3A_771 = memref.load %arg17[%get3A_770] : memref<32xi32, #tpu.memory_space<smem>>
      %min3A_772 = arith.constant 200 : i32
      %min3A_773 = arith.minsi %get3A_771, %min3A_772 : i32
      %get3A_774 = arith.index_cast %scan3A_765 : i32 to index
      %get3A_775 = memref.load %arg18[%get3A_774] : memref<32xf32, #tpu.memory_space<smem>>
      %get3A_776 = arith.index_cast %scan3A_765 : i32 to index
      %get3A_777 = memref.load %arg19[%get3A_776] : memref<32xf32, #tpu.memory_space<smem>>
      %add3A_778 = arith.constant 16 : i32
      %add3A_779 = arith.addi %min3A_769, %add3A_778 : i32
      %sub3A_780 = arith.constant 1 : i32
      %sub3A_781 = arith.subi %add3A_779, %sub3A_780 : i32
      %jit3A_782 = arith.constant 16 : i32
      %div3A_783 = arith.divsi %sub3A_781, %jit3A_782 : i32
      %sign3A_784 = arith.constant 0 : i32
      %sign3A_785 = arith.cmpi sgt, %sub3A_781, %sign3A_784 : i32
      %sign3A_786 = arith.extui %sign3A_785 : i1 to i32
      %sign3A_787 = arith.constant 0 : i32
      %sign3A_788 = arith.cmpi slt, %sub3A_781, %sign3A_787 : i32
      %sign3A_789 = arith.extui %sign3A_788 : i1 to i32
      %sign3A_790 = arith.subi %sign3A_786, %sign3A_789 : i32
      %sign3A_791 = arith.constant 0 : i32
      %sign3A_792 = arith.cmpi sgt, %jit3A_782, %sign3A_791 : i32
      %sign3A_793 = arith.extui %sign3A_792 : i1 to i32
      %sign3A_794 = arith.constant 0 : i32
      %sign3A_795 = arith.cmpi slt, %jit3A_782, %sign3A_794 : i32
      %sign3A_796 = arith.extui %sign3A_795 : i1 to i32
      %sign3A_797 = arith.subi %sign3A_793, %sign3A_796 : i32
      %ne3A_798 = arith.cmpi ne, %sign3A_790, %sign3A_797 : i32
      %rem3A_799 = arith.remsi %sub3A_781, %jit3A_782 : i32
      %ne3A_800 = arith.constant 0 : i32
      %ne3A_801 = arith.cmpi ne, %rem3A_799, %ne3A_800 : i32
      %and3A_802 = arith.andi %ne3A_798, %ne3A_801 : i1
      %sub3A_803 = arith.constant 1 : i32
      %sub3A_804 = arith.subi %div3A_783, %sub3A_803 : i32
      %select_n3A_805 = arith.select %and3A_802, %sub3A_804, %div3A_783 : i32
      %min3A_806 = arith.constant 112 : i32
      %min3A_807 = arith.minsi %min3A_773, %min3A_806 : i32
      %add3A_808 = arith.constant 16 : i32
      %add3A_809 = arith.addi %min3A_807, %add3A_808 : i32
      %sub3A_810 = arith.constant 1 : i32
      %sub3A_811 = arith.subi %add3A_809, %sub3A_810 : i32
      %jit3A_812 = arith.constant 16 : i32
      %div3A_813 = arith.divsi %sub3A_811, %jit3A_812 : i32
      %sign3A_814 = arith.constant 0 : i32
      %sign3A_815 = arith.cmpi sgt, %sub3A_811, %sign3A_814 : i32
      %sign3A_816 = arith.extui %sign3A_815 : i1 to i32
      %sign3A_817 = arith.constant 0 : i32
      %sign3A_818 = arith.cmpi slt, %sub3A_811, %sign3A_817 : i32
      %sign3A_819 = arith.extui %sign3A_818 : i1 to i32
      %sign3A_820 = arith.subi %sign3A_816, %sign3A_819 : i32
      %sign3A_821 = arith.constant 0 : i32
      %sign3A_822 = arith.cmpi sgt, %jit3A_812, %sign3A_821 : i32
      %sign3A_823 = arith.extui %sign3A_822 : i1 to i32
      %sign3A_824 = arith.constant 0 : i32
      %sign3A_825 = arith.cmpi slt, %jit3A_812, %sign3A_824 : i32
      %sign3A_826 = arith.extui %sign3A_825 : i1 to i32
      %sign3A_827 = arith.subi %sign3A_823, %sign3A_826 : i32
      %ne3A_828 = arith.cmpi ne, %sign3A_820, %sign3A_827 : i32
      %rem3A_829 = arith.remsi %sub3A_811, %jit3A_812 : i32
      %ne3A_830 = arith.constant 0 : i32
      %ne3A_831 = arith.cmpi ne, %rem3A_829, %ne3A_830 : i32
      %and3A_832 = arith.andi %ne3A_828, %ne3A_831 : i1
      %sub3A_833 = arith.constant 1 : i32
      %sub3A_834 = arith.subi %div3A_813, %sub3A_833 : i32
      %select_n3A_835 = arith.select %and3A_832, %sub3A_834, %div3A_813 : i32
      %sub3A_836 = arith.constant 112 : i32
      %sub3A_837 = arith.subi %min3A_773, %sub3A_836 : i32
      %jit3A_838 = arith.constant 0 : i32
      %jit3A_839 = arith.constant 88 : i32
      %max3A = arith.maxsi %jit3A_838, %sub3A_837 : i32
      %min3A_840 = arith.minsi %jit3A_839, %max3A : i32
      %add3A_841 = arith.constant 16 : i32
      %add3A_842 = arith.addi %min3A_840, %add3A_841 : i32
      %sub3A_843 = arith.constant 1 : i32
      %sub3A_844 = arith.subi %add3A_842, %sub3A_843 : i32
      %jit3A_845 = arith.constant 16 : i32
      %div3A_846 = arith.divsi %sub3A_844, %jit3A_845 : i32
      %sign3A_847 = arith.constant 0 : i32
      %sign3A_848 = arith.cmpi sgt, %sub3A_844, %sign3A_847 : i32
      %sign3A_849 = arith.extui %sign3A_848 : i1 to i32
      %sign3A_850 = arith.constant 0 : i32
      %sign3A_851 = arith.cmpi slt, %sub3A_844, %sign3A_850 : i32
      %sign3A_852 = arith.extui %sign3A_851 : i1 to i32
      %sign3A_853 = arith.subi %sign3A_849, %sign3A_852 : i32
      %sign3A_854 = arith.constant 0 : i32
      %sign3A_855 = arith.cmpi sgt, %jit3A_845, %sign3A_854 : i32
      %sign3A_856 = arith.extui %sign3A_855 : i1 to i32
      %sign3A_857 = arith.constant 0 : i32
      %sign3A_858 = arith.cmpi slt, %jit3A_845, %sign3A_857 : i32
      %sign3A_859 = arith.extui %sign3A_858 : i1 to i32
      %sign3A_860 = arith.subi %sign3A_856, %sign3A_859 : i32
      %ne3A_861 = arith.cmpi ne, %sign3A_853, %sign3A_860 : i32
      %rem3A_862 = arith.remsi %sub3A_844, %jit3A_845 : i32
      %ne3A_863 = arith.constant 0 : i32
      %ne3A_864 = arith.cmpi ne, %rem3A_862, %ne3A_863 : i32
      %and3A_865 = arith.andi %ne3A_861, %ne3A_864 : i1
      %sub3A_866 = arith.constant 1 : i32
      %sub3A_867 = arith.subi %div3A_846, %sub3A_866 : i32
      %select_n3A_868 = arith.select %and3A_865, %sub3A_867, %div3A_846 : i32
      %scan3A_869 = arith.constant 0 : i32
      %scan3A_870 = arith.constant 0 : i32
      %scan3A_871 = arith.addi %scan3A_869, %scan3A_870 : i32
      %scan3A_872 = arith.constant 0 : i32
      %gt3A = arith.constant 0 : i32
      %gt3A_873 = arith.cmpi sgt, %scan3A_765, %gt3A : i32
      %convert_element_type3A = arith.extui %gt3A_873 : i1 to i32
      %cond3A = arith.constant 0 : i32
      %cond3A_874 = arith.cmpi ne, %convert_element_type3A, %cond3A : i32
      scf.if %cond3A_874 {
        %add3A_1638 = arith.addi %mul3A_2, %scan3A_765 : i32
        %sub3A_1639 = arith.constant 1 : i32
        %sub3A_1640 = arith.subi %add3A_1638, %sub3A_1639 : i32
        %dma_wait3A_1641 = arith.constant 0 : i32
        %dma_wait3A_1642 = tpu.memref_slice %arg10[%sub3A_1640, %dma_wait3A_1641] : memref<1024x2048xf32, #tpu.memory_space<hbm>> -> memref<1x2048xf32, #tpu.memory_space<hbm>>
        %dma_wait3A_1643 = tpu.memref_squeeze %dma_wait3A_1642 : memref<1x2048xf32, #tpu.memory_space<hbm>> -> memref<2048xf32, #tpu.memory_space<hbm>>
        %dma_wait3A_1644 = arith.constant 0 : i32
        %dma_wait3A_1645 = tpu.memref_slice %arg10[%sub3A_1640, %dma_wait3A_1644] : memref<1024x2048xf32, #tpu.memory_space<hbm>> -> memref<1x2048xf32, #tpu.memory_space<hbm>>
        %dma_wait3A_1646 = tpu.memref_squeeze %dma_wait3A_1645 : memref<1x2048xf32, #tpu.memory_space<hbm>> -> memref<2048xf32, #tpu.memory_space<hbm>>
        tpu.wait_dma2 semaphore(%arg25 : memref<!tpu.dma_semaphore, #tpu.memory_space<semaphore_mem>>) src(%arg22 : memref<2048xf32, #tpu.memory_space<vmem>>) dst(%dma_wait3A_1646 : memref<2048xf32, #tpu.memory_space<hbm>>)
      } else {
      }
      %gt3A_875 = arith.constant 0 : i32
      %gt3A_876 = arith.cmpi sgt, %min3A_769, %gt3A_875 : i32
      %parallel_loop3A = arith.constant 0 : i32
      %parallel_loop3A_877 = arith.constant 1 : i32
      %parallel_loop3A_878:16 = scf.for %parallel_loop3A_1638 = %parallel_loop3A to %min3A_769 step %parallel_loop3A_877 iter_args(%parallel_loop3A_1639 = %broadcast_in_dim3A_682, %parallel_loop3A_1640 = %broadcast_in_dim3A_682, %parallel_loop3A_1641 = %broadcast_in_dim3A_682, %parallel_loop3A_1642 = %broadcast_in_dim3A_682, %parallel_loop3A_1643 = %broadcast_in_dim3A_682, %parallel_loop3A_1644 = %broadcast_in_dim3A_682, %parallel_loop3A_1645 = %broadcast_in_dim3A_682, %parallel_loop3A_1646 = %broadcast_in_dim3A_682, %parallel_loop3A_1647 = %broadcast_in_dim3A_684, %parallel_loop3A_1648 = %broadcast_in_dim3A_684, %parallel_loop3A_1649 = %broadcast_in_dim3A_684, %parallel_loop3A_1650 = %broadcast_in_dim3A_684, %parallel_loop3A_1651 = %broadcast_in_dim3A_684, %parallel_loop3A_1652 = %broadcast_in_dim3A_684, %parallel_loop3A_1653 = %broadcast_in_dim3A_684, %parallel_loop3A_1654 = %broadcast_in_dim3A_684) -> (vector<16xf32>, vector<16xf32>, vector<16xf32>, vector<16xf32>, vector<16xf32>, vector<16xf32>, vector<16xf32>, vector<16xf32>, vector<16xf32>, vector<16xf32>, vector<16xf32>, vector<16xf32>, vector<16xf32>, vector<16xf32>, vector<16xf32>, vector<16xf32>)  : i32 {
        %parallel_loop3A_1655 = arith.index_cast %parallel_loop3A_1638 : i32 to index
        %parallel_loop3A_1656 = arith.constant 0 : index
        %parallel_loop3A_1657 = tpu.vector_load %arg21[%parallel_loop3A_1655, %parallel_loop3A_1656] {strides = array<i32>} : memref<96x512xf32, #tpu.memory_space<vmem>>, vector<1x16xf32>,
        %parallel_loop3A_1658 = vector.shape_cast %parallel_loop3A_1657 : vector<1x16xf32> to vector<16xf32>
        %parallel_loop3A_1659 = arith.maximumf %parallel_loop3A_1639, %parallel_loop3A_1658 : vector<16xf32>
        %parallel_loop3A_1660 = arith.addf %parallel_loop3A_1647, %parallel_loop3A_1658 : vector<16xf32>
        %parallel_loop3A_1661 = arith.index_cast %parallel_loop3A_1638 : i32 to index
        %parallel_loop3A_1662 = arith.constant 16 : index
        %parallel_loop3A_1663 = tpu.vector_load %arg21[%parallel_loop3A_1661, %parallel_loop3A_1662] {strides = array<i32>} : memref<96x512xf32, #tpu.memory_space<vmem>>, vector<1x16xf32>,
        %parallel_loop3A_1664 = vector.shape_cast %parallel_loop3A_1663 : vector<1x16xf32> to vector<16xf32>
        %parallel_loop3A_1665 = arith.maximumf %parallel_loop3A_1640, %parallel_loop3A_1664 : vector<16xf32>
        %parallel_loop3A_1666 = arith.addf %parallel_loop3A_1648, %parallel_loop3A_1664 : vector<16xf32>
        %parallel_loop3A_1667 = arith.index_cast %parallel_loop3A_1638 : i32 to index
        %parallel_loop3A_1668 = arith.constant 32 : index
        %parallel_loop3A_1669 = tpu.vector_load %arg21[%parallel_loop3A_1667, %parallel_loop3A_1668] {strides = array<i32>} : memref<96x512xf32, #tpu.memory_space<vmem>>, vector<1x16xf32>,
        %parallel_loop3A_1670 = vector.shape_cast %parallel_loop3A_1669 : vector<1x16xf32> to vector<16xf32>
        %parallel_loop3A_1671 = arith.maximumf %parallel_loop3A_1641, %parallel_loop3A_1670 : vector<16xf32>
        %parallel_loop3A_1672 = arith.addf %parallel_loop3A_1649, %parallel_loop3A_1670 : vector<16xf32>
        %parallel_loop3A_1673 = arith.index_cast %parallel_loop3A_1638 : i32 to index
        %parallel_loop3A_1674 = arith.constant 48 : index
        %parallel_loop3A_1675 = tpu.vector_load %arg21[%parallel_loop3A_1673, %parallel_loop3A_1674] {strides = array<i32>} : memref<96x512xf32, #tpu.memory_space<vmem>>, vector<1x16xf32>,
        %parallel_loop3A_1676 = vector.shape_cast %parallel_loop3A_1675 : vector<1x16xf32> to vector<16xf32>
        %parallel_loop3A_1677 = arith.maximumf %parallel_loop3A_1642, %parallel_loop3A_1676 : vector<16xf32>
        %parallel_loop3A_1678 = arith.addf %parallel_loop3A_1650, %parallel_loop3A_1676 : vector<16xf32>
        %parallel_loop3A_1679 = arith.index_cast %parallel_loop3A_1638 : i32 to index
        %parallel_loop3A_1680 = arith.constant 64 : index
        %parallel_loop3A_1681 = tpu.vector_load %arg21[%parallel_loop3A_1679, %parallel_loop3A_1680] {strides = array<i32>} : memref<96x512xf32, #tpu.memory_space<vmem>>, vector<1x16xf32>,
        %parallel_loop3A_1682 = vector.shape_cast %parallel_loop3A_1681 : vector<1x16xf32> to vector<16xf32>
        %parallel_loop3A_1683 = arith.maximumf %parallel_loop3A_1643, %parallel_loop3A_1682 : vector<16xf32>
        %parallel_loop3A_1684 = arith.addf %parallel_loop3A_1651, %parallel_loop3A_1682 : vector<16xf32>
        %parallel_loop3A_1685 = arith.index_cast %parallel_loop3A_1638 : i32 to index
        %parallel_loop3A_1686 = arith.constant 80 : index
        %parallel_loop3A_1687 = tpu.vector_load %arg21[%parallel_loop3A_1685, %parallel_loop3A_1686] {strides = array<i32>} : memref<96x512xf32, #tpu.memory_space<vmem>>, vector<1x16xf32>,
        %parallel_loop3A_1688 = vector.shape_cast %parallel_loop3A_1687 : vector<1x16xf32> to vector<16xf32>
        %parallel_loop3A_1689 = arith.maximumf %parallel_loop3A_1644, %parallel_loop3A_1688 : vector<16xf32>
        %parallel_loop3A_1690 = arith.addf %parallel_loop3A_1652, %parallel_loop3A_1688 : vector<16xf32>
        %parallel_loop3A_1691 = arith.index_cast %parallel_loop3A_1638 : i32 to index
        %parallel_loop3A_1692 = arith.constant 96 : index
        %parallel_loop3A_1693 = tpu.vector_load %arg21[%parallel_loop3A_1691, %parallel_loop3A_1692] {strides = array<i32>} : memref<96x512xf32, #tpu.memory_space<vmem>>, vector<1x16xf32>,
        %parallel_loop3A_1694 = vector.shape_cast %parallel_loop3A_1693 : vector<1x16xf32> to vector<16xf32>
        %parallel_loop3A_1695 = arith.maximumf %parallel_loop3A_1645, %parallel_loop3A_1694 : vector<16xf32>
        %parallel_loop3A_1696 = arith.addf %parallel_loop3A_1653, %parallel_loop3A_1694 : vector<16xf32>
        %parallel_loop3A_1697 = arith.index_cast %parallel_loop3A_1638 : i32 to index
        %parallel_loop3A_1698 = arith.constant 112 : index
        %parallel_loop3A_1699 = tpu.vector_load %arg21[%parallel_loop3A_1697, %parallel_loop3A_1698] {strides = array<i32>} : memref<96x512xf32, #tpu.memory_space<vmem>>, vector<1x16xf32>,
        %parallel_loop3A_1700 = vector.shape_cast %parallel_loop3A_1699 : vector<1x16xf32> to vector<16xf32>
        %parallel_loop3A_1701 = arith.maximumf %parallel_loop3A_1646, %parallel_loop3A_1700 : vector<16xf32>
        %parallel_loop3A_1702 = arith.addf %parallel_loop3A_1654, %parallel_loop3A_1700 : vector<16xf32>
        scf.yield %parallel_loop3A_1659, %parallel_loop3A_1665, %parallel_loop3A_1671, %parallel_loop3A_1677, %parallel_loop3A_1683, %parallel_loop3A_1689, %parallel_loop3A_1695, %parallel_loop3A_1701, %parallel_loop3A_1660, %parallel_loop3A_1666, %parallel_loop3A_1672, %parallel_loop3A_1678, %parallel_loop3A_1684, %parallel_loop3A_1690, %parallel_loop3A_1696, %parallel_loop3A_1702 : vector<16xf32>, vector<16xf32>, vector<16xf32>, vector<16xf32>, vector<16xf32>, vector<16xf32>, vector<16xf32>, vector<16xf32>, vector<16xf32>, vector<16xf32>, vector<16xf32>, vector<16xf32>, vector<16xf32>, vector<16xf32>, vector<16xf32>, vector<16xf32>
      } {sc.loop_unroll_factor = 2 : i64, sc.parallel_access}
      %select_n3A_879 = arith.select %gt3A_876, %parallel_loop3A_878#0, %broadcast_in_dim3A_684 : vector<16xf32>
      %swap3A_880 = arith.constant 0 : index
      %swap3A_881 = tpu.vector_load %arg22[%swap3A_880] {strides = array<i32>} : memref<2048xf32, #tpu.memory_space<vmem>>, vector<16xf32>,
      %swap3A_882 = vector.shape_cast %swap3A_881 : vector<16xf32> to vector<16xf32>
      %swap3A_883 = vector.shape_cast %select_n3A_879 : vector<16xf32> to vector<16xf32>
      tpu.vector_store %arg22[%swap3A_880], %swap3A_883 {strides = array<i32>} : memref<2048xf32, #tpu.memory_space<vmem>>, vector<16xf32>,
      %mul3A_884 = vector.broadcast %get3A_775 : f32 to vector<16xf32>
      %mul3A_885 = arith.mulf %parallel_loop3A_878#8, %mul3A_884 : vector<16xf32>
      %swap3A_886 = arith.constant 1024 : index
      %swap3A_887 = tpu.vector_load %arg22[%swap3A_886] {strides = array<i32>} : memref<2048xf32, #tpu.memory_space<vmem>>, vector<16xf32>,
      %swap3A_888 = vector.shape_cast %swap3A_887 : vector<16xf32> to vector<16xf32>
      %swap3A_889 = vector.shape_cast %mul3A_885 : vector<16xf32> to vector<16xf32>
      tpu.vector_store %arg22[%swap3A_886], %swap3A_889 {strides = array<i32>} : memref<2048xf32, #tpu.memory_space<vmem>>, vector<16xf32>,
      %select_n3A_890 = arith.select %gt3A_876, %parallel_loop3A_878#1, %broadcast_in_dim3A_684 : vector<16xf32>
      %swap3A_891 = arith.constant 16 : index
      %swap3A_892 = tpu.vector_load %arg22[%swap3A_891] {strides = array<i32>} : memref<2048xf32, #tpu.memory_space<vmem>>, vector<16xf32>,
      %swap3A_893 = vector.shape_cast %swap3A_892 : vector<16xf32> to vector<16xf32>
      %swap3A_894 = vector.shape_cast %select_n3A_890 : vector<16xf32> to vector<16xf32>
      tpu.vector_store %arg22[%swap3A_891], %swap3A_894 {strides = array<i32>} : memref<2048xf32, #tpu.memory_space<vmem>>, vector<16xf32>,
      %mul3A_895 = vector.broadcast %get3A_775 : f32 to vector<16xf32>
      %mul3A_896 = arith.mulf %parallel_loop3A_878#9, %mul3A_895 : vector<16xf32>
      %swap3A_897 = arith.constant 1040 : index
      %swap3A_898 = tpu.vector_load %arg22[%swap3A_897] {strides = array<i32>} : memref<2048xf32, #tpu.memory_space<vmem>>, vector<16xf32>,
      %swap3A_899 = vector.shape_cast %swap3A_898 : vector<16xf32> to vector<16xf32>
      %swap3A_900 = vector.shape_cast %mul3A_896 : vector<16xf32> to vector<16xf32>
      tpu.vector_store %arg22[%swap3A_897], %swap3A_900 {strides = array<i32>} : memref<2048xf32, #tpu.memory_space<vmem>>, vector<16xf32>,
      %select_n3A_901 = arith.select %gt3A_876, %parallel_loop3A_878#2, %broadcast_in_dim3A_684 : vector<16xf32>
      %swap3A_902 = arith.constant 32 : index
      %swap3A_903 = tpu.vector_load %arg22[%swap3A_902] {strides = array<i32>} : memref<2048xf32, #tpu.memory_space<vmem>>, vector<16xf32>,
      %swap3A_904 = vector.shape_cast %swap3A_903 : vector<16xf32> to vector<16xf32>
      %swap3A_905 = vector.shape_cast %select_n3A_901 : vector<16xf32> to vector<16xf32>
      tpu.vector_store %arg22[%swap3A_902], %swap3A_905 {strides = array<i32>} : memref<2048xf32, #tpu.memory_space<vmem>>, vector<16xf32>,
      %mul3A_906 = vector.broadcast %get3A_775 : f32 to vector<16xf32>
      %mul3A_907 = arith.mulf %parallel_loop3A_878#10, %mul3A_906 : vector<16xf32>
      %swap3A_908 = arith.constant 1056 : index
      %swap3A_909 = tpu.vector_load %arg22[%swap3A_908] {strides = array<i32>} : memref<2048xf32, #tpu.memory_space<vmem>>, vector<16xf32>,
      %swap3A_910 = vector.shape_cast %swap3A_909 : vector<16xf32> to vector<16xf32>
      %swap3A_911 = vector.shape_cast %mul3A_907 : vector<16xf32> to vector<16xf32>
      tpu.vector_store %arg22[%swap3A_908], %swap3A_911 {strides = array<i32>} : memref<2048xf32, #tpu.memory_space<vmem>>, vector<16xf32>,
      %select_n3A_912 = arith.select %gt3A_876, %parallel_loop3A_878#3, %broadcast_in_dim3A_684 : vector<16xf32>
      %swap3A_913 = arith.constant 48 : index
      %swap3A_914 = tpu.vector_load %arg22[%swap3A_913] {strides = array<i32>} : memref<2048xf32, #tpu.memory_space<vmem>>, vector<16xf32>,
      %swap3A_915 = vector.shape_cast %swap3A_914 : vector<16xf32> to vector<16xf32>
      %swap3A_916 = vector.shape_cast %select_n3A_912 : vector<16xf32> to vector<16xf32>
      tpu.vector_store %arg22[%swap3A_913], %swap3A_916 {strides = array<i32>} : memref<2048xf32, #tpu.memory_space<vmem>>, vector<16xf32>,
      %mul3A_917 = vector.broadcast %get3A_775 : f32 to vector<16xf32>
      %mul3A_918 = arith.mulf %parallel_loop3A_878#11, %mul3A_917 : vector<16xf32>
      %swap3A_919 = arith.constant 1072 : index
      %swap3A_920 = tpu.vector_load %arg22[%swap3A_919] {strides = array<i32>} : memref<2048xf32, #tpu.memory_space<vmem>>, vector<16xf32>,
      %swap3A_921 = vector.shape_cast %swap3A_920 : vector<16xf32> to vector<16xf32>
      %swap3A_922 = vector.shape_cast %mul3A_918 : vector<16xf32> to vector<16xf32>
      tpu.vector_store %arg22[%swap3A_919], %swap3A_922 {strides = array<i32>} : memref<2048xf32, #tpu.memory_space<vmem>>, vector<16xf32>,
      %select_n3A_923 = arith.select %gt3A_876, %parallel_loop3A_878#4, %broadcast_in_dim3A_684 : vector<16xf32>
      %swap3A_924 = arith.constant 64 : index
      %swap3A_925 = tpu.vector_load %arg22[%swap3A_924] {strides = array<i32>} : memref<2048xf32, #tpu.memory_space<vmem>>, vector<16xf32>,
      %swap3A_926 = vector.shape_cast %swap3A_925 : vector<16xf32> to vector<16xf32>
      %swap3A_927 = vector.shape_cast %select_n3A_923 : vector<16xf32> to vector<16xf32>
      tpu.vector_store %arg22[%swap3A_924], %swap3A_927 {strides = array<i32>} : memref<2048xf32, #tpu.memory_space<vmem>>, vector<16xf32>,
      %mul3A_928 = vector.broadcast %get3A_775 : f32 to vector<16xf32>
      %mul3A_929 = arith.mulf %parallel_loop3A_878#12, %mul3A_928 : vector<16xf32>
      %swap3A_930 = arith.constant 1088 : index
      %swap3A_931 = tpu.vector_load %arg22[%swap3A_930] {strides = array<i32>} : memref<2048xf32, #tpu.memory_space<vmem>>, vector<16xf32>,
      %swap3A_932 = vector.shape_cast %swap3A_931 : vector<16xf32> to vector<16xf32>
      %swap3A_933 = vector.shape_cast %mul3A_929 : vector<16xf32> to vector<16xf32>
      tpu.vector_store %arg22[%swap3A_930], %swap3A_933 {strides = array<i32>} : memref<2048xf32, #tpu.memory_space<vmem>>, vector<16xf32>,
      %select_n3A_934 = arith.select %gt3A_876, %parallel_loop3A_878#5, %broadcast_in_dim3A_684 : vector<16xf32>
      %swap3A_935 = arith.constant 80 : index
      %swap3A_936 = tpu.vector_load %arg22[%swap3A_935] {strides = array<i32>} : memref<2048xf32, #tpu.memory_space<vmem>>, vector<16xf32>,
      %swap3A_937 = vector.shape_cast %swap3A_936 : vector<16xf32> to vector<16xf32>
      %swap3A_938 = vector.shape_cast %select_n3A_934 : vector<16xf32> to vector<16xf32>
      tpu.vector_store %arg22[%swap3A_935], %swap3A_938 {strides = array<i32>} : memref<2048xf32, #tpu.memory_space<vmem>>, vector<16xf32>,
      %mul3A_939 = vector.broadcast %get3A_775 : f32 to vector<16xf32>
      %mul3A_940 = arith.mulf %parallel_loop3A_878#13, %mul3A_939 : vector<16xf32>
      %swap3A_941 = arith.constant 1104 : index
      %swap3A_942 = tpu.vector_load %arg22[%swap3A_941] {strides = array<i32>} : memref<2048xf32, #tpu.memory_space<vmem>>, vector<16xf32>,
      %swap3A_943 = vector.shape_cast %swap3A_942 : vector<16xf32> to vector<16xf32>
      %swap3A_944 = vector.shape_cast %mul3A_940 : vector<16xf32> to vector<16xf32>
      tpu.vector_store %arg22[%swap3A_941], %swap3A_944 {strides = array<i32>} : memref<2048xf32, #tpu.memory_space<vmem>>, vector<16xf32>,
      %select_n3A_945 = arith.select %gt3A_876, %parallel_loop3A_878#6, %broadcast_in_dim3A_684 : vector<16xf32>
      %swap3A_946 = arith.constant 96 : index
      %swap3A_947 = tpu.vector_load %arg22[%swap3A_946] {strides = array<i32>} : memref<2048xf32, #tpu.memory_space<vmem>>, vector<16xf32>,
      %swap3A_948 = vector.shape_cast %swap3A_947 : vector<16xf32> to vector<16xf32>
      %swap3A_949 = vector.shape_cast %select_n3A_945 : vector<16xf32> to vector<16xf32>
      tpu.vector_store %arg22[%swap3A_946], %swap3A_949 {strides = array<i32>} : memref<2048xf32, #tpu.memory_space<vmem>>, vector<16xf32>,
      %mul3A_950 = vector.broadcast %get3A_775 : f32 to vector<16xf32>
      %mul3A_951 = arith.mulf %parallel_loop3A_878#14, %mul3A_950 : vector<16xf32>
      %swap3A_952 = arith.constant 1120 : index
      %swap3A_953 = tpu.vector_load %arg22[%swap3A_952] {strides = array<i32>} : memref<2048xf32, #tpu.memory_space<vmem>>, vector<16xf32>,
      %swap3A_954 = vector.shape_cast %swap3A_953 : vector<16xf32> to vector<16xf32>
      %swap3A_955 = vector.shape_cast %mul3A_951 : vector<16xf32> to vector<16xf32>
      tpu.vector_store %arg22[%swap3A_952], %swap3A_955 {strides = array<i32>} : memref<2048xf32, #tpu.memory_space<vmem>>, vector<16xf32>,
      %select_n3A_956 = arith.select %gt3A_876, %parallel_loop3A_878#7, %broadcast_in_dim3A_684 : vector<16xf32>
      %swap3A_957 = arith.constant 112 : index
      %swap3A_958 = tpu.vector_load %arg22[%swap3A_957] {strides = array<i32>} : memref<2048xf32, #tpu.memory_space<vmem>>, vector<16xf32>,
      %swap3A_959 = vector.shape_cast %swap3A_958 : vector<16xf32> to vector<16xf32>
      %swap3A_960 = vector.shape_cast %select_n3A_956 : vector<16xf32> to vector<16xf32>
      tpu.vector_store %arg22[%swap3A_957], %swap3A_960 {strides = array<i32>} : memref<2048xf32, #tpu.memory_space<vmem>>, vector<16xf32>,
      %mul3A_961 = vector.broadcast %get3A_775 : f32 to vector<16xf32>
      %mul3A_962 = arith.mulf %parallel_loop3A_878#15, %mul3A_961 : vector<16xf32>
      %swap3A_963 = arith.constant 1136 : index
      %swap3A_964 = tpu.vector_load %arg22[%swap3A_963] {strides = array<i32>} : memref<2048xf32, #tpu.memory_space<vmem>>, vector<16xf32>,
      %swap3A_965 = vector.shape_cast %swap3A_964 : vector<16xf32> to vector<16xf32>
      %swap3A_966 = vector.shape_cast %mul3A_962 : vector<16xf32> to vector<16xf32>
      tpu.vector_store %arg22[%swap3A_963], %swap3A_966 {strides = array<i32>} : memref<2048xf32, #tpu.memory_space<vmem>>, vector<16xf32>,
      %parallel_loop3A_967 = arith.constant 0 : i32
      %parallel_loop3A_968 = arith.constant 1 : i32
      %parallel_loop3A_969:16 = scf.for %parallel_loop3A_1638 = %parallel_loop3A_967 to %min3A_769 step %parallel_loop3A_968 iter_args(%parallel_loop3A_1639 = %broadcast_in_dim3A_682, %parallel_loop3A_1640 = %broadcast_in_dim3A_682, %parallel_loop3A_1641 = %broadcast_in_dim3A_682, %parallel_loop3A_1642 = %broadcast_in_dim3A_682, %parallel_loop3A_1643 = %broadcast_in_dim3A_682, %parallel_loop3A_1644 = %broadcast_in_dim3A_682, %parallel_loop3A_1645 = %broadcast_in_dim3A_682, %parallel_loop3A_1646 = %broadcast_in_dim3A_682, %parallel_loop3A_1647 = %broadcast_in_dim3A_684, %parallel_loop3A_1648 = %broadcast_in_dim3A_684, %parallel_loop3A_1649 = %broadcast_in_dim3A_684, %parallel_loop3A_1650 = %broadcast_in_dim3A_684, %parallel_loop3A_1651 = %broadcast_in_dim3A_684, %parallel_loop3A_1652 = %broadcast_in_dim3A_684, %parallel_loop3A_1653 = %broadcast_in_dim3A_684, %parallel_loop3A_1654 = %broadcast_in_dim3A_684) -> (vector<16xf32>, vector<16xf32>, vector<16xf32>, vector<16xf32>, vector<16xf32>, vector<16xf32>, vector<16xf32>, vector<16xf32>, vector<16xf32>, vector<16xf32>, vector<16xf32>, vector<16xf32>, vector<16xf32>, vector<16xf32>, vector<16xf32>, vector<16xf32>)  : i32 {
        %parallel_loop3A_1655 = arith.index_cast %parallel_loop3A_1638 : i32 to index
        %parallel_loop3A_1656 = arith.constant 128 : index
        %parallel_loop3A_1657 = tpu.vector_load %arg21[%parallel_loop3A_1655, %parallel_loop3A_1656] {strides = array<i32>} : memref<96x512xf32, #tpu.memory_space<vmem>>, vector<1x16xf32>,
        %parallel_loop3A_1658 = vector.shape_cast %parallel_loop3A_1657 : vector<1x16xf32> to vector<16xf32>
        %parallel_loop3A_1659 = arith.maximumf %parallel_loop3A_1639, %parallel_loop3A_1658 : vector<16xf32>
        %parallel_loop3A_1660 = arith.addf %parallel_loop3A_1647, %parallel_loop3A_1658 : vector<16xf32>
        %parallel_loop3A_1661 = arith.index_cast %parallel_loop3A_1638 : i32 to index
        %parallel_loop3A_1662 = arith.constant 144 : index
        %parallel_loop3A_1663 = tpu.vector_load %arg21[%parallel_loop3A_1661, %parallel_loop3A_1662] {strides = array<i32>} : memref<96x512xf32, #tpu.memory_space<vmem>>, vector<1x16xf32>,
        %parallel_loop3A_1664 = vector.shape_cast %parallel_loop3A_1663 : vector<1x16xf32> to vector<16xf32>
        %parallel_loop3A_1665 = arith.maximumf %parallel_loop3A_1640, %parallel_loop3A_1664 : vector<16xf32>
        %parallel_loop3A_1666 = arith.addf %parallel_loop3A_1648, %parallel_loop3A_1664 : vector<16xf32>
        %parallel_loop3A_1667 = arith.index_cast %parallel_loop3A_1638 : i32 to index
        %parallel_loop3A_1668 = arith.constant 160 : index
        %parallel_loop3A_1669 = tpu.vector_load %arg21[%parallel_loop3A_1667, %parallel_loop3A_1668] {strides = array<i32>} : memref<96x512xf32, #tpu.memory_space<vmem>>, vector<1x16xf32>,
        %parallel_loop3A_1670 = vector.shape_cast %parallel_loop3A_1669 : vector<1x16xf32> to vector<16xf32>
        %parallel_loop3A_1671 = arith.maximumf %parallel_loop3A_1641, %parallel_loop3A_1670 : vector<16xf32>
        %parallel_loop3A_1672 = arith.addf %parallel_loop3A_1649, %parallel_loop3A_1670 : vector<16xf32>
        %parallel_loop3A_1673 = arith.index_cast %parallel_loop3A_1638 : i32 to index
        %parallel_loop3A_1674 = arith.constant 176 : index
        %parallel_loop3A_1675 = tpu.vector_load %arg21[%parallel_loop3A_1673, %parallel_loop3A_1674] {strides = array<i32>} : memref<96x512xf32, #tpu.memory_space<vmem>>, vector<1x16xf32>,
        %parallel_loop3A_1676 = vector.shape_cast %parallel_loop3A_1675 : vector<1x16xf32> to vector<16xf32>
        %parallel_loop3A_1677 = arith.maximumf %parallel_loop3A_1642, %parallel_loop3A_1676 : vector<16xf32>
        %parallel_loop3A_1678 = arith.addf %parallel_loop3A_1650, %parallel_loop3A_1676 : vector<16xf32>
        %parallel_loop3A_1679 = arith.index_cast %parallel_loop3A_1638 : i32 to index
        %parallel_loop3A_1680 = arith.constant 192 : index
        %parallel_loop3A_1681 = tpu.vector_load %arg21[%parallel_loop3A_1679, %parallel_loop3A_1680] {strides = array<i32>} : memref<96x512xf32, #tpu.memory_space<vmem>>, vector<1x16xf32>,
        %parallel_loop3A_1682 = vector.shape_cast %parallel_loop3A_1681 : vector<1x16xf32> to vector<16xf32>
        %parallel_loop3A_1683 = arith.maximumf %parallel_loop3A_1643, %parallel_loop3A_1682 : vector<16xf32>
        %parallel_loop3A_1684 = arith.addf %parallel_loop3A_1651, %parallel_loop3A_1682 : vector<16xf32>
        %parallel_loop3A_1685 = arith.index_cast %parallel_loop3A_1638 : i32 to index
        %parallel_loop3A_1686 = arith.constant 208 : index
        %parallel_loop3A_1687 = tpu.vector_load %arg21[%parallel_loop3A_1685, %parallel_loop3A_1686] {strides = array<i32>} : memref<96x512xf32, #tpu.memory_space<vmem>>, vector<1x16xf32>,
        %parallel_loop3A_1688 = vector.shape_cast %parallel_loop3A_1687 : vector<1x16xf32> to vector<16xf32>
        %parallel_loop3A_1689 = arith.maximumf %parallel_loop3A_1644, %parallel_loop3A_1688 : vector<16xf32>
        %parallel_loop3A_1690 = arith.addf %parallel_loop3A_1652, %parallel_loop3A_1688 : vector<16xf32>
        %parallel_loop3A_1691 = arith.index_cast %parallel_loop3A_1638 : i32 to index
        %parallel_loop3A_1692 = arith.constant 224 : index
        %parallel_loop3A_1693 = tpu.vector_load %arg21[%parallel_loop3A_1691, %parallel_loop3A_1692] {strides = array<i32>} : memref<96x512xf32, #tpu.memory_space<vmem>>, vector<1x16xf32>,
        %parallel_loop3A_1694 = vector.shape_cast %parallel_loop3A_1693 : vector<1x16xf32> to vector<16xf32>
        %parallel_loop3A_1695 = arith.maximumf %parallel_loop3A_1645, %parallel_loop3A_1694 : vector<16xf32>
        %parallel_loop3A_1696 = arith.addf %parallel_loop3A_1653, %parallel_loop3A_1694 : vector<16xf32>
        %parallel_loop3A_1697 = arith.index_cast %parallel_loop3A_1638 : i32 to index
        %parallel_loop3A_1698 = arith.constant 240 : index
        %parallel_loop3A_1699 = tpu.vector_load %arg21[%parallel_loop3A_1697, %parallel_loop3A_1698] {strides = array<i32>} : memref<96x512xf32, #tpu.memory_space<vmem>>, vector<1x16xf32>,
        %parallel_loop3A_1700 = vector.shape_cast %parallel_loop3A_1699 : vector<1x16xf32> to vector<16xf32>
        %parallel_loop3A_1701 = arith.maximumf %parallel_loop3A_1646, %parallel_loop3A_1700 : vector<16xf32>
        %parallel_loop3A_1702 = arith.addf %parallel_loop3A_1654, %parallel_loop3A_1700 : vector<16xf32>
        scf.yield %parallel_loop3A_1659, %parallel_loop3A_1665, %parallel_loop3A_1671, %parallel_loop3A_1677, %parallel_loop3A_1683, %parallel_loop3A_1689, %parallel_loop3A_1695, %parallel_loop3A_1701, %parallel_loop3A_1660, %parallel_loop3A_1666, %parallel_loop3A_1672, %parallel_loop3A_1678, %parallel_loop3A_1684, %parallel_loop3A_1690, %parallel_loop3A_1696, %parallel_loop3A_1702 : vector<16xf32>, vector<16xf32>, vector<16xf32>, vector<16xf32>, vector<16xf32>, vector<16xf32>, vector<16xf32>, vector<16xf32>, vector<16xf32>, vector<16xf32>, vector<16xf32>, vector<16xf32>, vector<16xf32>, vector<16xf32>, vector<16xf32>, vector<16xf32>
      } {sc.loop_unroll_factor = 2 : i64, sc.parallel_access}
      %select_n3A_970 = arith.select %gt3A_876, %parallel_loop3A_969#0, %broadcast_in_dim3A_684 : vector<16xf32>
      %swap3A_971 = arith.constant 128 : index
      %swap3A_972 = tpu.vector_load %arg22[%swap3A_971] {strides = array<i32>} : memref<2048xf32, #tpu.memory_space<vmem>>, vector<16xf32>,
      %swap3A_973 = vector.shape_cast %swap3A_972 : vector<16xf32> to vector<16xf32>
      %swap3A_974 = vector.shape_cast %select_n3A_970 : vector<16xf32> to vector<16xf32>
      tpu.vector_store %arg22[%swap3A_971], %swap3A_974 {strides = array<i32>} : memref<2048xf32, #tpu.memory_space<vmem>>, vector<16xf32>,
      %mul3A_975 = vector.broadcast %get3A_775 : f32 to vector<16xf32>
      %mul3A_976 = arith.mulf %parallel_loop3A_969#8, %mul3A_975 : vector<16xf32>
      %swap3A_977 = arith.constant 1152 : index
      %swap3A_978 = tpu.vector_load %arg22[%swap3A_977] {strides = array<i32>} : memref<2048xf32, #tpu.memory_space<vmem>>, vector<16xf32>,
      %swap3A_979 = vector.shape_cast %swap3A_978 : vector<16xf32> to vector<16xf32>
      %swap3A_980 = vector.shape_cast %mul3A_976 : vector<16xf32> to vector<16xf32>
      tpu.vector_store %arg22[%swap3A_977], %swap3A_980 {strides = array<i32>} : memref<2048xf32, #tpu.memory_space<vmem>>, vector<16xf32>,
      %select_n3A_981 = arith.select %gt3A_876, %parallel_loop3A_969#1, %broadcast_in_dim3A_684 : vector<16xf32>
      %swap3A_982 = arith.constant 144 : index
      %swap3A_983 = tpu.vector_load %arg22[%swap3A_982] {strides = array<i32>} : memref<2048xf32, #tpu.memory_space<vmem>>, vector<16xf32>,
      %swap3A_984 = vector.shape_cast %swap3A_983 : vector<16xf32> to vector<16xf32>
      %swap3A_985 = vector.shape_cast %select_n3A_981 : vector<16xf32> to vector<16xf32>
      tpu.vector_store %arg22[%swap3A_982], %swap3A_985 {strides = array<i32>} : memref<2048xf32, #tpu.memory_space<vmem>>, vector<16xf32>,
      %mul3A_986 = vector.broadcast %get3A_775 : f32 to vector<16xf32>
      %mul3A_987 = arith.mulf %parallel_loop3A_969#9, %mul3A_986 : vector<16xf32>
      %swap3A_988 = arith.constant 1168 : index
      %swap3A_989 = tpu.vector_load %arg22[%swap3A_988] {strides = array<i32>} : memref<2048xf32, #tpu.memory_space<vmem>>, vector<16xf32>,
      %swap3A_990 = vector.shape_cast %swap3A_989 : vector<16xf32> to vector<16xf32>
      %swap3A_991 = vector.shape_cast %mul3A_987 : vector<16xf32> to vector<16xf32>
      tpu.vector_store %arg22[%swap3A_988], %swap3A_991 {strides = array<i32>} : memref<2048xf32, #tpu.memory_space<vmem>>, vector<16xf32>,
      %select_n3A_992 = arith.select %gt3A_876, %parallel_loop3A_969#2, %broadcast_in_dim3A_684 : vector<16xf32>
      %swap3A_993 = arith.constant 160 : index
      %swap3A_994 = tpu.vector_load %arg22[%swap3A_993] {strides = array<i32>} : memref<2048xf32, #tpu.memory_space<vmem>>, vector<16xf32>,
      %swap3A_995 = vector.shape_cast %swap3A_994 : vector<16xf32> to vector<16xf32>
      %swap3A_996 = vector.shape_cast %select_n3A_992 : vector<16xf32> to vector<16xf32>
      tpu.vector_store %arg22[%swap3A_993], %swap3A_996 {strides = array<i32>} : memref<2048xf32, #tpu.memory_space<vmem>>, vector<16xf32>,
      %mul3A_997 = vector.broadcast %get3A_775 : f32 to vector<16xf32>
      %mul3A_998 = arith.mulf %parallel_loop3A_969#10, %mul3A_997 : vector<16xf32>
      %swap3A_999 = arith.constant 1184 : index
      %swap3A_1000 = tpu.vector_load %arg22[%swap3A_999] {strides = array<i32>} : memref<2048xf32, #tpu.memory_space<vmem>>, vector<16xf32>,
      %swap3A_1001 = vector.shape_cast %swap3A_1000 : vector<16xf32> to vector<16xf32>
      %swap3A_1002 = vector.shape_cast %mul3A_998 : vector<16xf32> to vector<16xf32>
      tpu.vector_store %arg22[%swap3A_999], %swap3A_1002 {strides = array<i32>} : memref<2048xf32, #tpu.memory_space<vmem>>, vector<16xf32>,
      %select_n3A_1003 = arith.select %gt3A_876, %parallel_loop3A_969#3, %broadcast_in_dim3A_684 : vector<16xf32>
      %swap3A_1004 = arith.constant 176 : index
      %swap3A_1005 = tpu.vector_load %arg22[%swap3A_1004] {strides = array<i32>} : memref<2048xf32, #tpu.memory_space<vmem>>, vector<16xf32>,
      %swap3A_1006 = vector.shape_cast %swap3A_1005 : vector<16xf32> to vector<16xf32>
      %swap3A_1007 = vector.shape_cast %select_n3A_1003 : vector<16xf32> to vector<16xf32>
      tpu.vector_store %arg22[%swap3A_1004], %swap3A_1007 {strides = array<i32>} : memref<2048xf32, #tpu.memory_space<vmem>>, vector<16xf32>,
      %mul3A_1008 = vector.broadcast %get3A_775 : f32 to vector<16xf32>
      %mul3A_1009 = arith.mulf %parallel_loop3A_969#11, %mul3A_1008 : vector<16xf32>
      %swap3A_1010 = arith.constant 1200 : index
      %swap3A_1011 = tpu.vector_load %arg22[%swap3A_1010] {strides = array<i32>} : memref<2048xf32, #tpu.memory_space<vmem>>, vector<16xf32>,
      %swap3A_1012 = vector.shape_cast %swap3A_1011 : vector<16xf32> to vector<16xf32>
      %swap3A_1013 = vector.shape_cast %mul3A_1009 : vector<16xf32> to vector<16xf32>
      tpu.vector_store %arg22[%swap3A_1010], %swap3A_1013 {strides = array<i32>} : memref<2048xf32, #tpu.memory_space<vmem>>, vector<16xf32>,
      %select_n3A_1014 = arith.select %gt3A_876, %parallel_loop3A_969#4, %broadcast_in_dim3A_684 : vector<16xf32>
      %swap3A_1015 = arith.constant 192 : index
      %swap3A_1016 = tpu.vector_load %arg22[%swap3A_1015] {strides = array<i32>} : memref<2048xf32, #tpu.memory_space<vmem>>, vector<16xf32>,
      %swap3A_1017 = vector.shape_cast %swap3A_1016 : vector<16xf32> to vector<16xf32>
      %swap3A_1018 = vector.shape_cast %select_n3A_1014 : vector<16xf32> to vector<16xf32>
      tpu.vector_store %arg22[%swap3A_1015], %swap3A_1018 {strides = array<i32>} : memref<2048xf32, #tpu.memory_space<vmem>>, vector<16xf32>,
      %mul3A_1019 = vector.broadcast %get3A_775 : f32 to vector<16xf32>
      %mul3A_1020 = arith.mulf %parallel_loop3A_969#12, %mul3A_1019 : vector<16xf32>
      %swap3A_1021 = arith.constant 1216 : index
      %swap3A_1022 = tpu.vector_load %arg22[%swap3A_1021] {strides = array<i32>} : memref<2048xf32, #tpu.memory_space<vmem>>, vector<16xf32>,
      %swap3A_1023 = vector.shape_cast %swap3A_1022 : vector<16xf32> to vector<16xf32>
      %swap3A_1024 = vector.shape_cast %mul3A_1020 : vector<16xf32> to vector<16xf32>
      tpu.vector_store %arg22[%swap3A_1021], %swap3A_1024 {strides = array<i32>} : memref<2048xf32, #tpu.memory_space<vmem>>, vector<16xf32>,
      %select_n3A_1025 = arith.select %gt3A_876, %parallel_loop3A_969#5, %broadcast_in_dim3A_684 : vector<16xf32>
      %swap3A_1026 = arith.constant 208 : index
      %swap3A_1027 = tpu.vector_load %arg22[%swap3A_1026] {strides = array<i32>} : memref<2048xf32, #tpu.memory_space<vmem>>, vector<16xf32>,
      %swap3A_1028 = vector.shape_cast %swap3A_1027 : vector<16xf32> to vector<16xf32>
      %swap3A_1029 = vector.shape_cast %select_n3A_1025 : vector<16xf32> to vector<16xf32>
      tpu.vector_store %arg22[%swap3A_1026], %swap3A_1029 {strides = array<i32>} : memref<2048xf32, #tpu.memory_space<vmem>>, vector<16xf32>,
      %mul3A_1030 = vector.broadcast %get3A_775 : f32 to vector<16xf32>
      %mul3A_1031 = arith.mulf %parallel_loop3A_969#13, %mul3A_1030 : vector<16xf32>
      %swap3A_1032 = arith.constant 1232 : index
      %swap3A_1033 = tpu.vector_load %arg22[%swap3A_1032] {strides = array<i32>} : memref<2048xf32, #tpu.memory_space<vmem>>, vector<16xf32>,
      %swap3A_1034 = vector.shape_cast %swap3A_1033 : vector<16xf32> to vector<16xf32>
      %swap3A_1035 = vector.shape_cast %mul3A_1031 : vector<16xf32> to vector<16xf32>
      tpu.vector_store %arg22[%swap3A_1032], %swap3A_1035 {strides = array<i32>} : memref<2048xf32, #tpu.memory_space<vmem>>, vector<16xf32>,
      %select_n3A_1036 = arith.select %gt3A_876, %parallel_loop3A_969#6, %broadcast_in_dim3A_684 : vector<16xf32>
      %swap3A_1037 = arith.constant 224 : index
      %swap3A_1038 = tpu.vector_load %arg22[%swap3A_1037] {strides = array<i32>} : memref<2048xf32, #tpu.memory_space<vmem>>, vector<16xf32>,
      %swap3A_1039 = vector.shape_cast %swap3A_1038 : vector<16xf32> to vector<16xf32>
      %swap3A_1040 = vector.shape_cast %select_n3A_1036 : vector<16xf32> to vector<16xf32>
      tpu.vector_store %arg22[%swap3A_1037], %swap3A_1040 {strides = array<i32>} : memref<2048xf32, #tpu.memory_space<vmem>>, vector<16xf32>,
      %mul3A_1041 = vector.broadcast %get3A_775 : f32 to vector<16xf32>
      %mul3A_1042 = arith.mulf %parallel_loop3A_969#14, %mul3A_1041 : vector<16xf32>
      %swap3A_1043 = arith.constant 1248 : index
      %swap3A_1044 = tpu.vector_load %arg22[%swap3A_1043] {strides = array<i32>} : memref<2048xf32, #tpu.memory_space<vmem>>, vector<16xf32>,
      %swap3A_1045 = vector.shape_cast %swap3A_1044 : vector<16xf32> to vector<16xf32>
      %swap3A_1046 = vector.shape_cast %mul3A_1042 : vector<16xf32> to vector<16xf32>
      tpu.vector_store %arg22[%swap3A_1043], %swap3A_1046 {strides = array<i32>} : memref<2048xf32, #tpu.memory_space<vmem>>, vector<16xf32>,
      %select_n3A_1047 = arith.select %gt3A_876, %parallel_loop3A_969#7, %broadcast_in_dim3A_684 : vector<16xf32>
      %swap3A_1048 = arith.constant 240 : index
      %swap3A_1049 = tpu.vector_load %arg22[%swap3A_1048] {strides = array<i32>} : memref<2048xf32, #tpu.memory_space<vmem>>, vector<16xf32>,
      %swap3A_1050 = vector.shape_cast %swap3A_1049 : vector<16xf32> to vector<16xf32>
      %swap3A_1051 = vector.shape_cast %select_n3A_1047 : vector<16xf32> to vector<16xf32>
      tpu.vector_store %arg22[%swap3A_1048], %swap3A_1051 {strides = array<i32>} : memref<2048xf32, #tpu.memory_space<vmem>>, vector<16xf32>,
      %mul3A_1052 = vector.broadcast %get3A_775 : f32 to vector<16xf32>
      %mul3A_1053 = arith.mulf %parallel_loop3A_969#15, %mul3A_1052 : vector<16xf32>
      %swap3A_1054 = arith.constant 1264 : index
      %swap3A_1055 = tpu.vector_load %arg22[%swap3A_1054] {strides = array<i32>} : memref<2048xf32, #tpu.memory_space<vmem>>, vector<16xf32>,
      %swap3A_1056 = vector.shape_cast %swap3A_1055 : vector<16xf32> to vector<16xf32>
      %swap3A_1057 = vector.shape_cast %mul3A_1053 : vector<16xf32> to vector<16xf32>
      tpu.vector_store %arg22[%swap3A_1054], %swap3A_1057 {strides = array<i32>} : memref<2048xf32, #tpu.memory_space<vmem>>, vector<16xf32>,
      %parallel_loop3A_1058 = arith.constant 0 : i32
      %parallel_loop3A_1059 = arith.constant 1 : i32
      %parallel_loop3A_1060:16 = scf.for %parallel_loop3A_1638 = %parallel_loop3A_1058 to %min3A_769 step %parallel_loop3A_1059 iter_args(%parallel_loop3A_1639 = %broadcast_in_dim3A_682, %parallel_loop3A_1640 = %broadcast_in_dim3A_682, %parallel_loop3A_1641 = %broadcast_in_dim3A_682, %parallel_loop3A_1642 = %broadcast_in_dim3A_682, %parallel_loop3A_1643 = %broadcast_in_dim3A_682, %parallel_loop3A_1644 = %broadcast_in_dim3A_682, %parallel_loop3A_1645 = %broadcast_in_dim3A_682, %parallel_loop3A_1646 = %broadcast_in_dim3A_682, %parallel_loop3A_1647 = %broadcast_in_dim3A_684, %parallel_loop3A_1648 = %broadcast_in_dim3A_684, %parallel_loop3A_1649 = %broadcast_in_dim3A_684, %parallel_loop3A_1650 = %broadcast_in_dim3A_684, %parallel_loop3A_1651 = %broadcast_in_dim3A_684, %parallel_loop3A_1652 = %broadcast_in_dim3A_684, %parallel_loop3A_1653 = %broadcast_in_dim3A_684, %parallel_loop3A_1654 = %broadcast_in_dim3A_684) -> (vector<16xf32>, vector<16xf32>, vector<16xf32>, vector<16xf32>, vector<16xf32>, vector<16xf32>, vector<16xf32>, vector<16xf32>, vector<16xf32>, vector<16xf32>, vector<16xf32>, vector<16xf32>, vector<16xf32>, vector<16xf32>, vector<16xf32>, vector<16xf32>)  : i32 {
        %parallel_loop3A_1655 = arith.index_cast %parallel_loop3A_1638 : i32 to index
        %parallel_loop3A_1656 = arith.constant 256 : index
        %parallel_loop3A_1657 = tpu.vector_load %arg21[%parallel_loop3A_1655, %parallel_loop3A_1656] {strides = array<i32>} : memref<96x512xf32, #tpu.memory_space<vmem>>, vector<1x16xf32>,
        %parallel_loop3A_1658 = vector.shape_cast %parallel_loop3A_1657 : vector<1x16xf32> to vector<16xf32>
        %parallel_loop3A_1659 = arith.maximumf %parallel_loop3A_1639, %parallel_loop3A_1658 : vector<16xf32>
        %parallel_loop3A_1660 = arith.addf %parallel_loop3A_1647, %parallel_loop3A_1658 : vector<16xf32>
        %parallel_loop3A_1661 = arith.index_cast %parallel_loop3A_1638 : i32 to index
        %parallel_loop3A_1662 = arith.constant 272 : index
        %parallel_loop3A_1663 = tpu.vector_load %arg21[%parallel_loop3A_1661, %parallel_loop3A_1662] {strides = array<i32>} : memref<96x512xf32, #tpu.memory_space<vmem>>, vector<1x16xf32>,
        %parallel_loop3A_1664 = vector.shape_cast %parallel_loop3A_1663 : vector<1x16xf32> to vector<16xf32>
        %parallel_loop3A_1665 = arith.maximumf %parallel_loop3A_1640, %parallel_loop3A_1664 : vector<16xf32>
        %parallel_loop3A_1666 = arith.addf %parallel_loop3A_1648, %parallel_loop3A_1664 : vector<16xf32>
        %parallel_loop3A_1667 = arith.index_cast %parallel_loop3A_1638 : i32 to index
        %parallel_loop3A_1668 = arith.constant 288 : index
        %parallel_loop3A_1669 = tpu.vector_load %arg21[%parallel_loop3A_1667, %parallel_loop3A_1668] {strides = array<i32>} : memref<96x512xf32, #tpu.memory_space<vmem>>, vector<1x16xf32>,
        %parallel_loop3A_1670 = vector.shape_cast %parallel_loop3A_1669 : vector<1x16xf32> to vector<16xf32>
        %parallel_loop3A_1671 = arith.maximumf %parallel_loop3A_1641, %parallel_loop3A_1670 : vector<16xf32>
        %parallel_loop3A_1672 = arith.addf %parallel_loop3A_1649, %parallel_loop3A_1670 : vector<16xf32>
        %parallel_loop3A_1673 = arith.index_cast %parallel_loop3A_1638 : i32 to index
        %parallel_loop3A_1674 = arith.constant 304 : index
        %parallel_loop3A_1675 = tpu.vector_load %arg21[%parallel_loop3A_1673, %parallel_loop3A_1674] {strides = array<i32>} : memref<96x512xf32, #tpu.memory_space<vmem>>, vector<1x16xf32>,
        %parallel_loop3A_1676 = vector.shape_cast %parallel_loop3A_1675 : vector<1x16xf32> to vector<16xf32>
        %parallel_loop3A_1677 = arith.maximumf %parallel_loop3A_1642, %parallel_loop3A_1676 : vector<16xf32>
        %parallel_loop3A_1678 = arith.addf %parallel_loop3A_1650, %parallel_loop3A_1676 : vector<16xf32>
        %parallel_loop3A_1679 = arith.index_cast %parallel_loop3A_1638 : i32 to index
        %parallel_loop3A_1680 = arith.constant 320 : index
        %parallel_loop3A_1681 = tpu.vector_load %arg21[%parallel_loop3A_1679, %parallel_loop3A_1680] {strides = array<i32>} : memref<96x512xf32, #tpu.memory_space<vmem>>, vector<1x16xf32>,
        %parallel_loop3A_1682 = vector.shape_cast %parallel_loop3A_1681 : vector<1x16xf32> to vector<16xf32>
        %parallel_loop3A_1683 = arith.maximumf %parallel_loop3A_1643, %parallel_loop3A_1682 : vector<16xf32>
        %parallel_loop3A_1684 = arith.addf %parallel_loop3A_1651, %parallel_loop3A_1682 : vector<16xf32>
        %parallel_loop3A_1685 = arith.index_cast %parallel_loop3A_1638 : i32 to index
        %parallel_loop3A_1686 = arith.constant 336 : index
        %parallel_loop3A_1687 = tpu.vector_load %arg21[%parallel_loop3A_1685, %parallel_loop3A_1686] {strides = array<i32>} : memref<96x512xf32, #tpu.memory_space<vmem>>, vector<1x16xf32>,
        %parallel_loop3A_1688 = vector.shape_cast %parallel_loop3A_1687 : vector<1x16xf32> to vector<16xf32>
        %parallel_loop3A_1689 = arith.maximumf %parallel_loop3A_1644, %parallel_loop3A_1688 : vector<16xf32>
        %parallel_loop3A_1690 = arith.addf %parallel_loop3A_1652, %parallel_loop3A_1688 : vector<16xf32>
        %parallel_loop3A_1691 = arith.index_cast %parallel_loop3A_1638 : i32 to index
        %parallel_loop3A_1692 = arith.constant 352 : index
        %parallel_loop3A_1693 = tpu.vector_load %arg21[%parallel_loop3A_1691, %parallel_loop3A_1692] {strides = array<i32>} : memref<96x512xf32, #tpu.memory_space<vmem>>, vector<1x16xf32>,
        %parallel_loop3A_1694 = vector.shape_cast %parallel_loop3A_1693 : vector<1x16xf32> to vector<16xf32>
        %parallel_loop3A_1695 = arith.maximumf %parallel_loop3A_1645, %parallel_loop3A_1694 : vector<16xf32>
        %parallel_loop3A_1696 = arith.addf %parallel_loop3A_1653, %parallel_loop3A_1694 : vector<16xf32>
        %parallel_loop3A_1697 = arith.index_cast %parallel_loop3A_1638 : i32 to index
        %parallel_loop3A_1698 = arith.constant 368 : index
        %parallel_loop3A_1699 = tpu.vector_load %arg21[%parallel_loop3A_1697, %parallel_loop3A_1698] {strides = array<i32>} : memref<96x512xf32, #tpu.memory_space<vmem>>, vector<1x16xf32>,
        %parallel_loop3A_1700 = vector.shape_cast %parallel_loop3A_1699 : vector<1x16xf32> to vector<16xf32>
        %parallel_loop3A_1701 = arith.maximumf %parallel_loop3A_1646, %parallel_loop3A_1700 : vector<16xf32>
        %parallel_loop3A_1702 = arith.addf %parallel_loop3A_1654, %parallel_loop3A_1700 : vector<16xf32>
        scf.yield %parallel_loop3A_1659, %parallel_loop3A_1665, %parallel_loop3A_1671, %parallel_loop3A_1677, %parallel_loop3A_1683, %parallel_loop3A_1689, %parallel_loop3A_1695, %parallel_loop3A_1701, %parallel_loop3A_1660, %parallel_loop3A_1666, %parallel_loop3A_1672, %parallel_loop3A_1678, %parallel_loop3A_1684, %parallel_loop3A_1690, %parallel_loop3A_1696, %parallel_loop3A_1702 : vector<16xf32>, vector<16xf32>, vector<16xf32>, vector<16xf32>, vector<16xf32>, vector<16xf32>, vector<16xf32>, vector<16xf32>, vector<16xf32>, vector<16xf32>, vector<16xf32>, vector<16xf32>, vector<16xf32>, vector<16xf32>, vector<16xf32>, vector<16xf32>
      } {sc.loop_unroll_factor = 2 : i64, sc.parallel_access}
      %select_n3A_1061 = arith.select %gt3A_876, %parallel_loop3A_1060#0, %broadcast_in_dim3A_684 : vector<16xf32>
      %swap3A_1062 = arith.constant 256 : index
      %swap3A_1063 = tpu.vector_load %arg22[%swap3A_1062] {strides = array<i32>} : memref<2048xf32, #tpu.memory_space<vmem>>, vector<16xf32>,
      %swap3A_1064 = vector.shape_cast %swap3A_1063 : vector<16xf32> to vector<16xf32>
      %swap3A_1065 = vector.shape_cast %select_n3A_1061 : vector<16xf32> to vector<16xf32>
      tpu.vector_store %arg22[%swap3A_1062], %swap3A_1065 {strides = array<i32>} : memref<2048xf32, #tpu.memory_space<vmem>>, vector<16xf32>,
      %mul3A_1066 = vector.broadcast %get3A_775 : f32 to vector<16xf32>
      %mul3A_1067 = arith.mulf %parallel_loop3A_1060#8, %mul3A_1066 : vector<16xf32>
      %swap3A_1068 = arith.constant 1280 : index
      %swap3A_1069 = tpu.vector_load %arg22[%swap3A_1068] {strides = array<i32>} : memref<2048xf32, #tpu.memory_space<vmem>>, vector<16xf32>,
      %swap3A_1070 = vector.shape_cast %swap3A_1069 : vector<16xf32> to vector<16xf32>
      %swap3A_1071 = vector.shape_cast %mul3A_1067 : vector<16xf32> to vector<16xf32>
      tpu.vector_store %arg22[%swap3A_1068], %swap3A_1071 {strides = array<i32>} : memref<2048xf32, #tpu.memory_space<vmem>>, vector<16xf32>,
      %select_n3A_1072 = arith.select %gt3A_876, %parallel_loop3A_1060#1, %broadcast_in_dim3A_684 : vector<16xf32>
      %swap3A_1073 = arith.constant 272 : index
      %swap3A_1074 = tpu.vector_load %arg22[%swap3A_1073] {strides = array<i32>} : memref<2048xf32, #tpu.memory_space<vmem>>, vector<16xf32>,
      %swap3A_1075 = vector.shape_cast %swap3A_1074 : vector<16xf32> to vector<16xf32>
      %swap3A_1076 = vector.shape_cast %select_n3A_1072 : vector<16xf32> to vector<16xf32>
      tpu.vector_store %arg22[%swap3A_1073], %swap3A_1076 {strides = array<i32>} : memref<2048xf32, #tpu.memory_space<vmem>>, vector<16xf32>,
      %mul3A_1077 = vector.broadcast %get3A_775 : f32 to vector<16xf32>
      %mul3A_1078 = arith.mulf %parallel_loop3A_1060#9, %mul3A_1077 : vector<16xf32>
      %swap3A_1079 = arith.constant 1296 : index
      %swap3A_1080 = tpu.vector_load %arg22[%swap3A_1079] {strides = array<i32>} : memref<2048xf32, #tpu.memory_space<vmem>>, vector<16xf32>,
      %swap3A_1081 = vector.shape_cast %swap3A_1080 : vector<16xf32> to vector<16xf32>
      %swap3A_1082 = vector.shape_cast %mul3A_1078 : vector<16xf32> to vector<16xf32>
      tpu.vector_store %arg22[%swap3A_1079], %swap3A_1082 {strides = array<i32>} : memref<2048xf32, #tpu.memory_space<vmem>>, vector<16xf32>,
      %select_n3A_1083 = arith.select %gt3A_876, %parallel_loop3A_1060#2, %broadcast_in_dim3A_684 : vector<16xf32>
      %swap3A_1084 = arith.constant 288 : index
      %swap3A_1085 = tpu.vector_load %arg22[%swap3A_1084] {strides = array<i32>} : memref<2048xf32, #tpu.memory_space<vmem>>, vector<16xf32>,
      %swap3A_1086 = vector.shape_cast %swap3A_1085 : vector<16xf32> to vector<16xf32>
      %swap3A_1087 = vector.shape_cast %select_n3A_1083 : vector<16xf32> to vector<16xf32>
      tpu.vector_store %arg22[%swap3A_1084], %swap3A_1087 {strides = array<i32>} : memref<2048xf32, #tpu.memory_space<vmem>>, vector<16xf32>,
      %mul3A_1088 = vector.broadcast %get3A_775 : f32 to vector<16xf32>
      %mul3A_1089 = arith.mulf %parallel_loop3A_1060#10, %mul3A_1088 : vector<16xf32>
      %swap3A_1090 = arith.constant 1312 : index
      %swap3A_1091 = tpu.vector_load %arg22[%swap3A_1090] {strides = array<i32>} : memref<2048xf32, #tpu.memory_space<vmem>>, vector<16xf32>,
      %swap3A_1092 = vector.shape_cast %swap3A_1091 : vector<16xf32> to vector<16xf32>
      %swap3A_1093 = vector.shape_cast %mul3A_1089 : vector<16xf32> to vector<16xf32>
      tpu.vector_store %arg22[%swap3A_1090], %swap3A_1093 {strides = array<i32>} : memref<2048xf32, #tpu.memory_space<vmem>>, vector<16xf32>,
      %select_n3A_1094 = arith.select %gt3A_876, %parallel_loop3A_1060#3, %broadcast_in_dim3A_684 : vector<16xf32>
      %swap3A_1095 = arith.constant 304 : index
      %swap3A_1096 = tpu.vector_load %arg22[%swap3A_1095] {strides = array<i32>} : memref<2048xf32, #tpu.memory_space<vmem>>, vector<16xf32>,
      %swap3A_1097 = vector.shape_cast %swap3A_1096 : vector<16xf32> to vector<16xf32>
      %swap3A_1098 = vector.shape_cast %select_n3A_1094 : vector<16xf32> to vector<16xf32>
      tpu.vector_store %arg22[%swap3A_1095], %swap3A_1098 {strides = array<i32>} : memref<2048xf32, #tpu.memory_space<vmem>>, vector<16xf32>,
      %mul3A_1099 = vector.broadcast %get3A_775 : f32 to vector<16xf32>
      %mul3A_1100 = arith.mulf %parallel_loop3A_1060#11, %mul3A_1099 : vector<16xf32>
      %swap3A_1101 = arith.constant 1328 : index
      %swap3A_1102 = tpu.vector_load %arg22[%swap3A_1101] {strides = array<i32>} : memref<2048xf32, #tpu.memory_space<vmem>>, vector<16xf32>,
      %swap3A_1103 = vector.shape_cast %swap3A_1102 : vector<16xf32> to vector<16xf32>
      %swap3A_1104 = vector.shape_cast %mul3A_1100 : vector<16xf32> to vector<16xf32>
      tpu.vector_store %arg22[%swap3A_1101], %swap3A_1104 {strides = array<i32>} : memref<2048xf32, #tpu.memory_space<vmem>>, vector<16xf32>,
      %select_n3A_1105 = arith.select %gt3A_876, %parallel_loop3A_1060#4, %broadcast_in_dim3A_684 : vector<16xf32>
      %swap3A_1106 = arith.constant 320 : index
      %swap3A_1107 = tpu.vector_load %arg22[%swap3A_1106] {strides = array<i32>} : memref<2048xf32, #tpu.memory_space<vmem>>, vector<16xf32>,
      %swap3A_1108 = vector.shape_cast %swap3A_1107 : vector<16xf32> to vector<16xf32>
      %swap3A_1109 = vector.shape_cast %select_n3A_1105 : vector<16xf32> to vector<16xf32>
      tpu.vector_store %arg22[%swap3A_1106], %swap3A_1109 {strides = array<i32>} : memref<2048xf32, #tpu.memory_space<vmem>>, vector<16xf32>,
      %mul3A_1110 = vector.broadcast %get3A_775 : f32 to vector<16xf32>
      %mul3A_1111 = arith.mulf %parallel_loop3A_1060#12, %mul3A_1110 : vector<16xf32>
      %swap3A_1112 = arith.constant 1344 : index
      %swap3A_1113 = tpu.vector_load %arg22[%swap3A_1112] {strides = array<i32>} : memref<2048xf32, #tpu.memory_space<vmem>>, vector<16xf32>,
      %swap3A_1114 = vector.shape_cast %swap3A_1113 : vector<16xf32> to vector<16xf32>
      %swap3A_1115 = vector.shape_cast %mul3A_1111 : vector<16xf32> to vector<16xf32>
      tpu.vector_store %arg22[%swap3A_1112], %swap3A_1115 {strides = array<i32>} : memref<2048xf32, #tpu.memory_space<vmem>>, vector<16xf32>,
      %select_n3A_1116 = arith.select %gt3A_876, %parallel_loop3A_1060#5, %broadcast_in_dim3A_684 : vector<16xf32>
      %swap3A_1117 = arith.constant 336 : index
      %swap3A_1118 = tpu.vector_load %arg22[%swap3A_1117] {strides = array<i32>} : memref<2048xf32, #tpu.memory_space<vmem>>, vector<16xf32>,
      %swap3A_1119 = vector.shape_cast %swap3A_1118 : vector<16xf32> to vector<16xf32>
      %swap3A_1120 = vector.shape_cast %select_n3A_1116 : vector<16xf32> to vector<16xf32>
      tpu.vector_store %arg22[%swap3A_1117], %swap3A_1120 {strides = array<i32>} : memref<2048xf32, #tpu.memory_space<vmem>>, vector<16xf32>,
      %mul3A_1121 = vector.broadcast %get3A_775 : f32 to vector<16xf32>
      %mul3A_1122 = arith.mulf %parallel_loop3A_1060#13, %mul3A_1121 : vector<16xf32>
      %swap3A_1123 = arith.constant 1360 : index
      %swap3A_1124 = tpu.vector_load %arg22[%swap3A_1123] {strides = array<i32>} : memref<2048xf32, #tpu.memory_space<vmem>>, vector<16xf32>,
      %swap3A_1125 = vector.shape_cast %swap3A_1124 : vector<16xf32> to vector<16xf32>
      %swap3A_1126 = vector.shape_cast %mul3A_1122 : vector<16xf32> to vector<16xf32>
      tpu.vector_store %arg22[%swap3A_1123], %swap3A_1126 {strides = array<i32>} : memref<2048xf32, #tpu.memory_space<vmem>>, vector<16xf32>,
      %select_n3A_1127 = arith.select %gt3A_876, %parallel_loop3A_1060#6, %broadcast_in_dim3A_684 : vector<16xf32>
      %swap3A_1128 = arith.constant 352 : index
      %swap3A_1129 = tpu.vector_load %arg22[%swap3A_1128] {strides = array<i32>} : memref<2048xf32, #tpu.memory_space<vmem>>, vector<16xf32>,
      %swap3A_1130 = vector.shape_cast %swap3A_1129 : vector<16xf32> to vector<16xf32>
      %swap3A_1131 = vector.shape_cast %select_n3A_1127 : vector<16xf32> to vector<16xf32>
      tpu.vector_store %arg22[%swap3A_1128], %swap3A_1131 {strides = array<i32>} : memref<2048xf32, #tpu.memory_space<vmem>>, vector<16xf32>,
      %mul3A_1132 = vector.broadcast %get3A_775 : f32 to vector<16xf32>
      %mul3A_1133 = arith.mulf %parallel_loop3A_1060#14, %mul3A_1132 : vector<16xf32>
      %swap3A_1134 = arith.constant 1376 : index
      %swap3A_1135 = tpu.vector_load %arg22[%swap3A_1134] {strides = array<i32>} : memref<2048xf32, #tpu.memory_space<vmem>>, vector<16xf32>,
      %swap3A_1136 = vector.shape_cast %swap3A_1135 : vector<16xf32> to vector<16xf32>
      %swap3A_1137 = vector.shape_cast %mul3A_1133 : vector<16xf32> to vector<16xf32>
      tpu.vector_store %arg22[%swap3A_1134], %swap3A_1137 {strides = array<i32>} : memref<2048xf32, #tpu.memory_space<vmem>>, vector<16xf32>,
      %select_n3A_1138 = arith.select %gt3A_876, %parallel_loop3A_1060#7, %broadcast_in_dim3A_684 : vector<16xf32>
      %swap3A_1139 = arith.constant 368 : index
      %swap3A_1140 = tpu.vector_load %arg22[%swap3A_1139] {strides = array<i32>} : memref<2048xf32, #tpu.memory_space<vmem>>, vector<16xf32>,
      %swap3A_1141 = vector.shape_cast %swap3A_1140 : vector<16xf32> to vector<16xf32>
      %swap3A_1142 = vector.shape_cast %select_n3A_1138 : vector<16xf32> to vector<16xf32>
      tpu.vector_store %arg22[%swap3A_1139], %swap3A_1142 {strides = array<i32>} : memref<2048xf32, #tpu.memory_space<vmem>>, vector<16xf32>,
      %mul3A_1143 = vector.broadcast %get3A_775 : f32 to vector<16xf32>
      %mul3A_1144 = arith.mulf %parallel_loop3A_1060#15, %mul3A_1143 : vector<16xf32>
      %swap3A_1145 = arith.constant 1392 : index
      %swap3A_1146 = tpu.vector_load %arg22[%swap3A_1145] {strides = array<i32>} : memref<2048xf32, #tpu.memory_space<vmem>>, vector<16xf32>,
      %swap3A_1147 = vector.shape_cast %swap3A_1146 : vector<16xf32> to vector<16xf32>
      %swap3A_1148 = vector.shape_cast %mul3A_1144 : vector<16xf32> to vector<16xf32>
      tpu.vector_store %arg22[%swap3A_1145], %swap3A_1148 {strides = array<i32>} : memref<2048xf32, #tpu.memory_space<vmem>>, vector<16xf32>,
      %parallel_loop3A_1149 = arith.constant 0 : i32
      %parallel_loop3A_1150 = arith.constant 1 : i32
      %parallel_loop3A_1151:16 = scf.for %parallel_loop3A_1638 = %parallel_loop3A_1149 to %min3A_769 step %parallel_loop3A_1150 iter_args(%parallel_loop3A_1639 = %broadcast_in_dim3A_682, %parallel_loop3A_1640 = %broadcast_in_dim3A_682, %parallel_loop3A_1641 = %broadcast_in_dim3A_682, %parallel_loop3A_1642 = %broadcast_in_dim3A_682, %parallel_loop3A_1643 = %broadcast_in_dim3A_682, %parallel_loop3A_1644 = %broadcast_in_dim3A_682, %parallel_loop3A_1645 = %broadcast_in_dim3A_682, %parallel_loop3A_1646 = %broadcast_in_dim3A_682, %parallel_loop3A_1647 = %broadcast_in_dim3A_684, %parallel_loop3A_1648 = %broadcast_in_dim3A_684, %parallel_loop3A_1649 = %broadcast_in_dim3A_684, %parallel_loop3A_1650 = %broadcast_in_dim3A_684, %parallel_loop3A_1651 = %broadcast_in_dim3A_684, %parallel_loop3A_1652 = %broadcast_in_dim3A_684, %parallel_loop3A_1653 = %broadcast_in_dim3A_684, %parallel_loop3A_1654 = %broadcast_in_dim3A_684) -> (vector<16xf32>, vector<16xf32>, vector<16xf32>, vector<16xf32>, vector<16xf32>, vector<16xf32>, vector<16xf32>, vector<16xf32>, vector<16xf32>, vector<16xf32>, vector<16xf32>, vector<16xf32>, vector<16xf32>, vector<16xf32>, vector<16xf32>, vector<16xf32>)  : i32 {
        %parallel_loop3A_1655 = arith.index_cast %parallel_loop3A_1638 : i32 to index
        %parallel_loop3A_1656 = arith.constant 384 : index
        %parallel_loop3A_1657 = tpu.vector_load %arg21[%parallel_loop3A_1655, %parallel_loop3A_1656] {strides = array<i32>} : memref<96x512xf32, #tpu.memory_space<vmem>>, vector<1x16xf32>,
        %parallel_loop3A_1658 = vector.shape_cast %parallel_loop3A_1657 : vector<1x16xf32> to vector<16xf32>
        %parallel_loop3A_1659 = arith.maximumf %parallel_loop3A_1639, %parallel_loop3A_1658 : vector<16xf32>
        %parallel_loop3A_1660 = arith.addf %parallel_loop3A_1647, %parallel_loop3A_1658 : vector<16xf32>
        %parallel_loop3A_1661 = arith.index_cast %parallel_loop3A_1638 : i32 to index
        %parallel_loop3A_1662 = arith.constant 400 : index
        %parallel_loop3A_1663 = tpu.vector_load %arg21[%parallel_loop3A_1661, %parallel_loop3A_1662] {strides = array<i32>} : memref<96x512xf32, #tpu.memory_space<vmem>>, vector<1x16xf32>,
        %parallel_loop3A_1664 = vector.shape_cast %parallel_loop3A_1663 : vector<1x16xf32> to vector<16xf32>
        %parallel_loop3A_1665 = arith.maximumf %parallel_loop3A_1640, %parallel_loop3A_1664 : vector<16xf32>
        %parallel_loop3A_1666 = arith.addf %parallel_loop3A_1648, %parallel_loop3A_1664 : vector<16xf32>
        %parallel_loop3A_1667 = arith.index_cast %parallel_loop3A_1638 : i32 to index
        %parallel_loop3A_1668 = arith.constant 416 : index
        %parallel_loop3A_1669 = tpu.vector_load %arg21[%parallel_loop3A_1667, %parallel_loop3A_1668] {strides = array<i32>} : memref<96x512xf32, #tpu.memory_space<vmem>>, vector<1x16xf32>,
        %parallel_loop3A_1670 = vector.shape_cast %parallel_loop3A_1669 : vector<1x16xf32> to vector<16xf32>
        %parallel_loop3A_1671 = arith.maximumf %parallel_loop3A_1641, %parallel_loop3A_1670 : vector<16xf32>
        %parallel_loop3A_1672 = arith.addf %parallel_loop3A_1649, %parallel_loop3A_1670 : vector<16xf32>
        %parallel_loop3A_1673 = arith.index_cast %parallel_loop3A_1638 : i32 to index
        %parallel_loop3A_1674 = arith.constant 432 : index
        %parallel_loop3A_1675 = tpu.vector_load %arg21[%parallel_loop3A_1673, %parallel_loop3A_1674] {strides = array<i32>} : memref<96x512xf32, #tpu.memory_space<vmem>>, vector<1x16xf32>,
        %parallel_loop3A_1676 = vector.shape_cast %parallel_loop3A_1675 : vector<1x16xf32> to vector<16xf32>
        %parallel_loop3A_1677 = arith.maximumf %parallel_loop3A_1642, %parallel_loop3A_1676 : vector<16xf32>
        %parallel_loop3A_1678 = arith.addf %parallel_loop3A_1650, %parallel_loop3A_1676 : vector<16xf32>
        %parallel_loop3A_1679 = arith.index_cast %parallel_loop3A_1638 : i32 to index
        %parallel_loop3A_1680 = arith.constant 448 : index
        %parallel_loop3A_1681 = tpu.vector_load %arg21[%parallel_loop3A_1679, %parallel_loop3A_1680] {strides = array<i32>} : memref<96x512xf32, #tpu.memory_space<vmem>>, vector<1x16xf32>,
        %parallel_loop3A_1682 = vector.shape_cast %parallel_loop3A_1681 : vector<1x16xf32> to vector<16xf32>
        %parallel_loop3A_1683 = arith.maximumf %parallel_loop3A_1643, %parallel_loop3A_1682 : vector<16xf32>
        %parallel_loop3A_1684 = arith.addf %parallel_loop3A_1651, %parallel_loop3A_1682 : vector<16xf32>
        %parallel_loop3A_1685 = arith.index_cast %parallel_loop3A_1638 : i32 to index
        %parallel_loop3A_1686 = arith.constant 464 : index
        %parallel_loop3A_1687 = tpu.vector_load %arg21[%parallel_loop3A_1685, %parallel_loop3A_1686] {strides = array<i32>} : memref<96x512xf32, #tpu.memory_space<vmem>>, vector<1x16xf32>,
        %parallel_loop3A_1688 = vector.shape_cast %parallel_loop3A_1687 : vector<1x16xf32> to vector<16xf32>
        %parallel_loop3A_1689 = arith.maximumf %parallel_loop3A_1644, %parallel_loop3A_1688 : vector<16xf32>
        %parallel_loop3A_1690 = arith.addf %parallel_loop3A_1652, %parallel_loop3A_1688 : vector<16xf32>
        %parallel_loop3A_1691 = arith.index_cast %parallel_loop3A_1638 : i32 to index
        %parallel_loop3A_1692 = arith.constant 480 : index
        %parallel_loop3A_1693 = tpu.vector_load %arg21[%parallel_loop3A_1691, %parallel_loop3A_1692] {strides = array<i32>} : memref<96x512xf32, #tpu.memory_space<vmem>>, vector<1x16xf32>,
        %parallel_loop3A_1694 = vector.shape_cast %parallel_loop3A_1693 : vector<1x16xf32> to vector<16xf32>
        %parallel_loop3A_1695 = arith.maximumf %parallel_loop3A_1645, %parallel_loop3A_1694 : vector<16xf32>
        %parallel_loop3A_1696 = arith.addf %parallel_loop3A_1653, %parallel_loop3A_1694 : vector<16xf32>
        %parallel_loop3A_1697 = arith.index_cast %parallel_loop3A_1638 : i32 to index
        %parallel_loop3A_1698 = arith.constant 496 : index
        %parallel_loop3A_1699 = tpu.vector_load %arg21[%parallel_loop3A_1697, %parallel_loop3A_1698] {strides = array<i32>} : memref<96x512xf32, #tpu.memory_space<vmem>>, vector<1x16xf32>,
        %parallel_loop3A_1700 = vector.shape_cast %parallel_loop3A_1699 : vector<1x16xf32> to vector<16xf32>
        %parallel_loop3A_1701 = arith.maximumf %parallel_loop3A_1646, %parallel_loop3A_1700 : vector<16xf32>
        %parallel_loop3A_1702 = arith.addf %parallel_loop3A_1654, %parallel_loop3A_1700 : vector<16xf32>
        scf.yield %parallel_loop3A_1659, %parallel_loop3A_1665, %parallel_loop3A_1671, %parallel_loop3A_1677, %parallel_loop3A_1683, %parallel_loop3A_1689, %parallel_loop3A_1695, %parallel_loop3A_1701, %parallel_loop3A_1660, %parallel_loop3A_1666, %parallel_loop3A_1672, %parallel_loop3A_1678, %parallel_loop3A_1684, %parallel_loop3A_1690, %parallel_loop3A_1696, %parallel_loop3A_1702 : vector<16xf32>, vector<16xf32>, vector<16xf32>, vector<16xf32>, vector<16xf32>, vector<16xf32>, vector<16xf32>, vector<16xf32>, vector<16xf32>, vector<16xf32>, vector<16xf32>, vector<16xf32>, vector<16xf32>, vector<16xf32>, vector<16xf32>, vector<16xf32>
      } {sc.loop_unroll_factor = 2 : i64, sc.parallel_access}
      %select_n3A_1152 = arith.select %gt3A_876, %parallel_loop3A_1151#0, %broadcast_in_dim3A_684 : vector<16xf32>
      %swap3A_1153 = arith.constant 384 : index
      %swap3A_1154 = tpu.vector_load %arg22[%swap3A_1153] {strides = array<i32>} : memref<2048xf32, #tpu.memory_space<vmem>>, vector<16xf32>,
      %swap3A_1155 = vector.shape_cast %swap3A_1154 : vector<16xf32> to vector<16xf32>
      %swap3A_1156 = vector.shape_cast %select_n3A_1152 : vector<16xf32> to vector<16xf32>
      tpu.vector_store %arg22[%swap3A_1153], %swap3A_1156 {strides = array<i32>} : memref<2048xf32, #tpu.memory_space<vmem>>, vector<16xf32>,
      %mul3A_1157 = vector.broadcast %get3A_775 : f32 to vector<16xf32>
      %mul3A_1158 = arith.mulf %parallel_loop3A_1151#8, %mul3A_1157 : vector<16xf32>
      %swap3A_1159 = arith.constant 1408 : index
      %swap3A_1160 = tpu.vector_load %arg22[%swap3A_1159] {strides = array<i32>} : memref<2048xf32, #tpu.memory_space<vmem>>, vector<16xf32>,
      %swap3A_1161 = vector.shape_cast %swap3A_1160 : vector<16xf32> to vector<16xf32>
      %swap3A_1162 = vector.shape_cast %mul3A_1158 : vector<16xf32> to vector<16xf32>
      tpu.vector_store %arg22[%swap3A_1159], %swap3A_1162 {strides = array<i32>} : memref<2048xf32, #tpu.memory_space<vmem>>, vector<16xf32>,
      %select_n3A_1163 = arith.select %gt3A_876, %parallel_loop3A_1151#1, %broadcast_in_dim3A_684 : vector<16xf32>
      %swap3A_1164 = arith.constant 400 : index
      %swap3A_1165 = tpu.vector_load %arg22[%swap3A_1164] {strides = array<i32>} : memref<2048xf32, #tpu.memory_space<vmem>>, vector<16xf32>,
      %swap3A_1166 = vector.shape_cast %swap3A_1165 : vector<16xf32> to vector<16xf32>
      %swap3A_1167 = vector.shape_cast %select_n3A_1163 : vector<16xf32> to vector<16xf32>
      tpu.vector_store %arg22[%swap3A_1164], %swap3A_1167 {strides = array<i32>} : memref<2048xf32, #tpu.memory_space<vmem>>, vector<16xf32>,
      %mul3A_1168 = vector.broadcast %get3A_775 : f32 to vector<16xf32>
      %mul3A_1169 = arith.mulf %parallel_loop3A_1151#9, %mul3A_1168 : vector<16xf32>
      %swap3A_1170 = arith.constant 1424 : index
      %swap3A_1171 = tpu.vector_load %arg22[%swap3A_1170] {strides = array<i32>} : memref<2048xf32, #tpu.memory_space<vmem>>, vector<16xf32>,
      %swap3A_1172 = vector.shape_cast %swap3A_1171 : vector<16xf32> to vector<16xf32>
      %swap3A_1173 = vector.shape_cast %mul3A_1169 : vector<16xf32> to vector<16xf32>
      tpu.vector_store %arg22[%swap3A_1170], %swap3A_1173 {strides = array<i32>} : memref<2048xf32, #tpu.memory_space<vmem>>, vector<16xf32>,
      %select_n3A_1174 = arith.select %gt3A_876, %parallel_loop3A_1151#2, %broadcast_in_dim3A_684 : vector<16xf32>
      %swap3A_1175 = arith.constant 416 : index
      %swap3A_1176 = tpu.vector_load %arg22[%swap3A_1175] {strides = array<i32>} : memref<2048xf32, #tpu.memory_space<vmem>>, vector<16xf32>,
      %swap3A_1177 = vector.shape_cast %swap3A_1176 : vector<16xf32> to vector<16xf32>
      %swap3A_1178 = vector.shape_cast %select_n3A_1174 : vector<16xf32> to vector<16xf32>
      tpu.vector_store %arg22[%swap3A_1175], %swap3A_1178 {strides = array<i32>} : memref<2048xf32, #tpu.memory_space<vmem>>, vector<16xf32>,
      %mul3A_1179 = vector.broadcast %get3A_775 : f32 to vector<16xf32>
      %mul3A_1180 = arith.mulf %parallel_loop3A_1151#10, %mul3A_1179 : vector<16xf32>
      %swap3A_1181 = arith.constant 1440 : index
      %swap3A_1182 = tpu.vector_load %arg22[%swap3A_1181] {strides = array<i32>} : memref<2048xf32, #tpu.memory_space<vmem>>, vector<16xf32>,
      %swap3A_1183 = vector.shape_cast %swap3A_1182 : vector<16xf32> to vector<16xf32>
      %swap3A_1184 = vector.shape_cast %mul3A_1180 : vector<16xf32> to vector<16xf32>
      tpu.vector_store %arg22[%swap3A_1181], %swap3A_1184 {strides = array<i32>} : memref<2048xf32, #tpu.memory_space<vmem>>, vector<16xf32>,
      %select_n3A_1185 = arith.select %gt3A_876, %parallel_loop3A_1151#3, %broadcast_in_dim3A_684 : vector<16xf32>
      %swap3A_1186 = arith.constant 432 : index
      %swap3A_1187 = tpu.vector_load %arg22[%swap3A_1186] {strides = array<i32>} : memref<2048xf32, #tpu.memory_space<vmem>>, vector<16xf32>,
      %swap3A_1188 = vector.shape_cast %swap3A_1187 : vector<16xf32> to vector<16xf32>
      %swap3A_1189 = vector.shape_cast %select_n3A_1185 : vector<16xf32> to vector<16xf32>
      tpu.vector_store %arg22[%swap3A_1186], %swap3A_1189 {strides = array<i32>} : memref<2048xf32, #tpu.memory_space<vmem>>, vector<16xf32>,
      %mul3A_1190 = vector.broadcast %get3A_775 : f32 to vector<16xf32>
      %mul3A_1191 = arith.mulf %parallel_loop3A_1151#11, %mul3A_1190 : vector<16xf32>
      %swap3A_1192 = arith.constant 1456 : index
      %swap3A_1193 = tpu.vector_load %arg22[%swap3A_1192] {strides = array<i32>} : memref<2048xf32, #tpu.memory_space<vmem>>, vector<16xf32>,
      %swap3A_1194 = vector.shape_cast %swap3A_1193 : vector<16xf32> to vector<16xf32>
      %swap3A_1195 = vector.shape_cast %mul3A_1191 : vector<16xf32> to vector<16xf32>
      tpu.vector_store %arg22[%swap3A_1192], %swap3A_1195 {strides = array<i32>} : memref<2048xf32, #tpu.memory_space<vmem>>, vector<16xf32>,
      %select_n3A_1196 = arith.select %gt3A_876, %parallel_loop3A_1151#4, %broadcast_in_dim3A_684 : vector<16xf32>
      %swap3A_1197 = arith.constant 448 : index
      %swap3A_1198 = tpu.vector_load %arg22[%swap3A_1197] {strides = array<i32>} : memref<2048xf32, #tpu.memory_space<vmem>>, vector<16xf32>,
      %swap3A_1199 = vector.shape_cast %swap3A_1198 : vector<16xf32> to vector<16xf32>
      %swap3A_1200 = vector.shape_cast %select_n3A_1196 : vector<16xf32> to vector<16xf32>
      tpu.vector_store %arg22[%swap3A_1197], %swap3A_1200 {strides = array<i32>} : memref<2048xf32, #tpu.memory_space<vmem>>, vector<16xf32>,
      %mul3A_1201 = vector.broadcast %get3A_775 : f32 to vector<16xf32>
      %mul3A_1202 = arith.mulf %parallel_loop3A_1151#12, %mul3A_1201 : vector<16xf32>
      %swap3A_1203 = arith.constant 1472 : index
      %swap3A_1204 = tpu.vector_load %arg22[%swap3A_1203] {strides = array<i32>} : memref<2048xf32, #tpu.memory_space<vmem>>, vector<16xf32>,
      %swap3A_1205 = vector.shape_cast %swap3A_1204 : vector<16xf32> to vector<16xf32>
      %swap3A_1206 = vector.shape_cast %mul3A_1202 : vector<16xf32> to vector<16xf32>
      tpu.vector_store %arg22[%swap3A_1203], %swap3A_1206 {strides = array<i32>} : memref<2048xf32, #tpu.memory_space<vmem>>, vector<16xf32>,
      %select_n3A_1207 = arith.select %gt3A_876, %parallel_loop3A_1151#5, %broadcast_in_dim3A_684 : vector<16xf32>
      %swap3A_1208 = arith.constant 464 : index
      %swap3A_1209 = tpu.vector_load %arg22[%swap3A_1208] {strides = array<i32>} : memref<2048xf32, #tpu.memory_space<vmem>>, vector<16xf32>,
      %swap3A_1210 = vector.shape_cast %swap3A_1209 : vector<16xf32> to vector<16xf32>
      %swap3A_1211 = vector.shape_cast %select_n3A_1207 : vector<16xf32> to vector<16xf32>
      tpu.vector_store %arg22[%swap3A_1208], %swap3A_1211 {strides = array<i32>} : memref<2048xf32, #tpu.memory_space<vmem>>, vector<16xf32>,
      %mul3A_1212 = vector.broadcast %get3A_775 : f32 to vector<16xf32>
      %mul3A_1213 = arith.mulf %parallel_loop3A_1151#13, %mul3A_1212 : vector<16xf32>
      %swap3A_1214 = arith.constant 1488 : index
      %swap3A_1215 = tpu.vector_load %arg22[%swap3A_1214] {strides = array<i32>} : memref<2048xf32, #tpu.memory_space<vmem>>, vector<16xf32>,
      %swap3A_1216 = vector.shape_cast %swap3A_1215 : vector<16xf32> to vector<16xf32>
      %swap3A_1217 = vector.shape_cast %mul3A_1213 : vector<16xf32> to vector<16xf32>
      tpu.vector_store %arg22[%swap3A_1214], %swap3A_1217 {strides = array<i32>} : memref<2048xf32, #tpu.memory_space<vmem>>, vector<16xf32>,
      %select_n3A_1218 = arith.select %gt3A_876, %parallel_loop3A_1151#6, %broadcast_in_dim3A_684 : vector<16xf32>
      %swap3A_1219 = arith.constant 480 : index
      %swap3A_1220 = tpu.vector_load %arg22[%swap3A_1219] {strides = array<i32>} : memref<2048xf32, #tpu.memory_space<vmem>>, vector<16xf32>,
      %swap3A_1221 = vector.shape_cast %swap3A_1220 : vector<16xf32> to vector<16xf32>
      %swap3A_1222 = vector.shape_cast %select_n3A_1218 : vector<16xf32> to vector<16xf32>
      tpu.vector_store %arg22[%swap3A_1219], %swap3A_1222 {strides = array<i32>} : memref<2048xf32, #tpu.memory_space<vmem>>, vector<16xf32>,
      %mul3A_1223 = vector.broadcast %get3A_775 : f32 to vector<16xf32>
      %mul3A_1224 = arith.mulf %parallel_loop3A_1151#14, %mul3A_1223 : vector<16xf32>
      %swap3A_1225 = arith.constant 1504 : index
      %swap3A_1226 = tpu.vector_load %arg22[%swap3A_1225] {strides = array<i32>} : memref<2048xf32, #tpu.memory_space<vmem>>, vector<16xf32>,
      %swap3A_1227 = vector.shape_cast %swap3A_1226 : vector<16xf32> to vector<16xf32>
      %swap3A_1228 = vector.shape_cast %mul3A_1224 : vector<16xf32> to vector<16xf32>
      tpu.vector_store %arg22[%swap3A_1225], %swap3A_1228 {strides = array<i32>} : memref<2048xf32, #tpu.memory_space<vmem>>, vector<16xf32>,
      %select_n3A_1229 = arith.select %gt3A_876, %parallel_loop3A_1151#7, %broadcast_in_dim3A_684 : vector<16xf32>
      %swap3A_1230 = arith.constant 496 : index
      %swap3A_1231 = tpu.vector_load %arg22[%swap3A_1230] {strides = array<i32>} : memref<2048xf32, #tpu.memory_space<vmem>>, vector<16xf32>,
      %swap3A_1232 = vector.shape_cast %swap3A_1231 : vector<16xf32> to vector<16xf32>
      %swap3A_1233 = vector.shape_cast %select_n3A_1229 : vector<16xf32> to vector<16xf32>
      tpu.vector_store %arg22[%swap3A_1230], %swap3A_1233 {strides = array<i32>} : memref<2048xf32, #tpu.memory_space<vmem>>, vector<16xf32>,
      %mul3A_1234 = vector.broadcast %get3A_775 : f32 to vector<16xf32>
      %mul3A_1235 = arith.mulf %parallel_loop3A_1151#15, %mul3A_1234 : vector<16xf32>
      %swap3A_1236 = arith.constant 1520 : index
      %swap3A_1237 = tpu.vector_load %arg22[%swap3A_1236] {strides = array<i32>} : memref<2048xf32, #tpu.memory_space<vmem>>, vector<16xf32>,
      %swap3A_1238 = vector.shape_cast %swap3A_1237 : vector<16xf32> to vector<16xf32>
      %swap3A_1239 = vector.shape_cast %mul3A_1235 : vector<16xf32> to vector<16xf32>
      tpu.vector_store %arg22[%swap3A_1236], %swap3A_1239 {strides = array<i32>} : memref<2048xf32, #tpu.memory_space<vmem>>, vector<16xf32>,
      %scan3A_1240 = arith.constant 0 : i32
      %scan3A_1241 = arith.constant 0 : i32
      %scan3A_1242 = arith.addi %scan3A_1240, %scan3A_1241 : i32
      %scan3A_1243 = arith.constant 0 : i32
      %scan3A_1244 = arith.constant 0 : i32
      %scan3A_1245 = arith.constant 0 : i32
      %scan3A_1246 = arith.addi %scan3A_1244, %scan3A_1245 : i32
      %scan3A_1247 = arith.constant 0 : i32
      %gt3A_1248 = arith.constant 0 : i32
      %gt3A_1249 = arith.cmpi sgt, %min3A_773, %gt3A_1248 : i32
      %parallel_loop3A_1250 = arith.constant 0 : i32
      %parallel_loop3A_1251 = arith.constant 1 : i32
      %parallel_loop3A_1252:16 = scf.for %parallel_loop3A_1638 = %parallel_loop3A_1250 to %min3A_807 step %parallel_loop3A_1251 iter_args(%parallel_loop3A_1639 = %broadcast_in_dim3A_682, %parallel_loop3A_1640 = %broadcast_in_dim3A_682, %parallel_loop3A_1641 = %broadcast_in_dim3A_682, %parallel_loop3A_1642 = %broadcast_in_dim3A_682, %parallel_loop3A_1643 = %broadcast_in_dim3A_682, %parallel_loop3A_1644 = %broadcast_in_dim3A_682, %parallel_loop3A_1645 = %broadcast_in_dim3A_682, %parallel_loop3A_1646 = %broadcast_in_dim3A_682, %parallel_loop3A_1647 = %broadcast_in_dim3A_684, %parallel_loop3A_1648 = %broadcast_in_dim3A_684, %parallel_loop3A_1649 = %broadcast_in_dim3A_684, %parallel_loop3A_1650 = %broadcast_in_dim3A_684, %parallel_loop3A_1651 = %broadcast_in_dim3A_684, %parallel_loop3A_1652 = %broadcast_in_dim3A_684, %parallel_loop3A_1653 = %broadcast_in_dim3A_684, %parallel_loop3A_1654 = %broadcast_in_dim3A_684) -> (vector<16xf32>, vector<16xf32>, vector<16xf32>, vector<16xf32>, vector<16xf32>, vector<16xf32>, vector<16xf32>, vector<16xf32>, vector<16xf32>, vector<16xf32>, vector<16xf32>, vector<16xf32>, vector<16xf32>, vector<16xf32>, vector<16xf32>, vector<16xf32>)  : i32 {
        %parallel_loop3A_1655 = arith.index_cast %parallel_loop3A_1638 : i32 to index
        %parallel_loop3A_1656 = arith.constant 0 : index
        %parallel_loop3A_1657 = tpu.vector_load %arg20[%parallel_loop3A_1655, %parallel_loop3A_1656] {strides = array<i32>} : memref<112x512xf32, #tpu.memory_space<vmem>>, vector<1x16xf32>,
        %parallel_loop3A_1658 = vector.shape_cast %parallel_loop3A_1657 : vector<1x16xf32> to vector<16xf32>
        %parallel_loop3A_1659 = arith.maximumf %parallel_loop3A_1639, %parallel_loop3A_1658 : vector<16xf32>
        %parallel_loop3A_1660 = arith.addf %parallel_loop3A_1647, %parallel_loop3A_1658 : vector<16xf32>
        %parallel_loop3A_1661 = arith.index_cast %parallel_loop3A_1638 : i32 to index
        %parallel_loop3A_1662 = arith.constant 16 : index
        %parallel_loop3A_1663 = tpu.vector_load %arg20[%parallel_loop3A_1661, %parallel_loop3A_1662] {strides = array<i32>} : memref<112x512xf32, #tpu.memory_space<vmem>>, vector<1x16xf32>,
        %parallel_loop3A_1664 = vector.shape_cast %parallel_loop3A_1663 : vector<1x16xf32> to vector<16xf32>
        %parallel_loop3A_1665 = arith.maximumf %parallel_loop3A_1640, %parallel_loop3A_1664 : vector<16xf32>
        %parallel_loop3A_1666 = arith.addf %parallel_loop3A_1648, %parallel_loop3A_1664 : vector<16xf32>
        %parallel_loop3A_1667 = arith.index_cast %parallel_loop3A_1638 : i32 to index
        %parallel_loop3A_1668 = arith.constant 32 : index
        %parallel_loop3A_1669 = tpu.vector_load %arg20[%parallel_loop3A_1667, %parallel_loop3A_1668] {strides = array<i32>} : memref<112x512xf32, #tpu.memory_space<vmem>>, vector<1x16xf32>,
        %parallel_loop3A_1670 = vector.shape_cast %parallel_loop3A_1669 : vector<1x16xf32> to vector<16xf32>
        %parallel_loop3A_1671 = arith.maximumf %parallel_loop3A_1641, %parallel_loop3A_1670 : vector<16xf32>
        %parallel_loop3A_1672 = arith.addf %parallel_loop3A_1649, %parallel_loop3A_1670 : vector<16xf32>
        %parallel_loop3A_1673 = arith.index_cast %parallel_loop3A_1638 : i32 to index
        %parallel_loop3A_1674 = arith.constant 48 : index
        %parallel_loop3A_1675 = tpu.vector_load %arg20[%parallel_loop3A_1673, %parallel_loop3A_1674] {strides = array<i32>} : memref<112x512xf32, #tpu.memory_space<vmem>>, vector<1x16xf32>,
        %parallel_loop3A_1676 = vector.shape_cast %parallel_loop3A_1675 : vector<1x16xf32> to vector<16xf32>
        %parallel_loop3A_1677 = arith.maximumf %parallel_loop3A_1642, %parallel_loop3A_1676 : vector<16xf32>
        %parallel_loop3A_1678 = arith.addf %parallel_loop3A_1650, %parallel_loop3A_1676 : vector<16xf32>
        %parallel_loop3A_1679 = arith.index_cast %parallel_loop3A_1638 : i32 to index
        %parallel_loop3A_1680 = arith.constant 64 : index
        %parallel_loop3A_1681 = tpu.vector_load %arg20[%parallel_loop3A_1679, %parallel_loop3A_1680] {strides = array<i32>} : memref<112x512xf32, #tpu.memory_space<vmem>>, vector<1x16xf32>,
        %parallel_loop3A_1682 = vector.shape_cast %parallel_loop3A_1681 : vector<1x16xf32> to vector<16xf32>
        %parallel_loop3A_1683 = arith.maximumf %parallel_loop3A_1643, %parallel_loop3A_1682 : vector<16xf32>
        %parallel_loop3A_1684 = arith.addf %parallel_loop3A_1651, %parallel_loop3A_1682 : vector<16xf32>
        %parallel_loop3A_1685 = arith.index_cast %parallel_loop3A_1638 : i32 to index
        %parallel_loop3A_1686 = arith.constant 80 : index
        %parallel_loop3A_1687 = tpu.vector_load %arg20[%parallel_loop3A_1685, %parallel_loop3A_1686] {strides = array<i32>} : memref<112x512xf32, #tpu.memory_space<vmem>>, vector<1x16xf32>,
        %parallel_loop3A_1688 = vector.shape_cast %parallel_loop3A_1687 : vector<1x16xf32> to vector<16xf32>
        %parallel_loop3A_1689 = arith.maximumf %parallel_loop3A_1644, %parallel_loop3A_1688 : vector<16xf32>
        %parallel_loop3A_1690 = arith.addf %parallel_loop3A_1652, %parallel_loop3A_1688 : vector<16xf32>
        %parallel_loop3A_1691 = arith.index_cast %parallel_loop3A_1638 : i32 to index
        %parallel_loop3A_1692 = arith.constant 96 : index
        %parallel_loop3A_1693 = tpu.vector_load %arg20[%parallel_loop3A_1691, %parallel_loop3A_1692] {strides = array<i32>} : memref<112x512xf32, #tpu.memory_space<vmem>>, vector<1x16xf32>,
        %parallel_loop3A_1694 = vector.shape_cast %parallel_loop3A_1693 : vector<1x16xf32> to vector<16xf32>
        %parallel_loop3A_1695 = arith.maximumf %parallel_loop3A_1645, %parallel_loop3A_1694 : vector<16xf32>
        %parallel_loop3A_1696 = arith.addf %parallel_loop3A_1653, %parallel_loop3A_1694 : vector<16xf32>
        %parallel_loop3A_1697 = arith.index_cast %parallel_loop3A_1638 : i32 to index
        %parallel_loop3A_1698 = arith.constant 112 : index
        %parallel_loop3A_1699 = tpu.vector_load %arg20[%parallel_loop3A_1697, %parallel_loop3A_1698] {strides = array<i32>} : memref<112x512xf32, #tpu.memory_space<vmem>>, vector<1x16xf32>,
        %parallel_loop3A_1700 = vector.shape_cast %parallel_loop3A_1699 : vector<1x16xf32> to vector<16xf32>
        %parallel_loop3A_1701 = arith.maximumf %parallel_loop3A_1646, %parallel_loop3A_1700 : vector<16xf32>
        %parallel_loop3A_1702 = arith.addf %parallel_loop3A_1654, %parallel_loop3A_1700 : vector<16xf32>
        scf.yield %parallel_loop3A_1659, %parallel_loop3A_1665, %parallel_loop3A_1671, %parallel_loop3A_1677, %parallel_loop3A_1683, %parallel_loop3A_1689, %parallel_loop3A_1695, %parallel_loop3A_1701, %parallel_loop3A_1660, %parallel_loop3A_1666, %parallel_loop3A_1672, %parallel_loop3A_1678, %parallel_loop3A_1684, %parallel_loop3A_1690, %parallel_loop3A_1696, %parallel_loop3A_1702 : vector<16xf32>, vector<16xf32>, vector<16xf32>, vector<16xf32>, vector<16xf32>, vector<16xf32>, vector<16xf32>, vector<16xf32>, vector<16xf32>, vector<16xf32>, vector<16xf32>, vector<16xf32>, vector<16xf32>, vector<16xf32>, vector<16xf32>, vector<16xf32>
      } {sc.loop_unroll_factor = 2 : i64, sc.parallel_access}
      %select_n3A_1253 = arith.select %gt3A_1249, %parallel_loop3A_1252#0, %broadcast_in_dim3A_684 : vector<16xf32>
      %swap3A_1254 = arith.constant 512 : index
      %swap3A_1255 = tpu.vector_load %arg22[%swap3A_1254] {strides = array<i32>} : memref<2048xf32, #tpu.memory_space<vmem>>, vector<16xf32>,
      %swap3A_1256 = vector.shape_cast %swap3A_1255 : vector<16xf32> to vector<16xf32>
      %swap3A_1257 = vector.shape_cast %select_n3A_1253 : vector<16xf32> to vector<16xf32>
      tpu.vector_store %arg22[%swap3A_1254], %swap3A_1257 {strides = array<i32>} : memref<2048xf32, #tpu.memory_space<vmem>>, vector<16xf32>,
      %mul3A_1258 = vector.broadcast %get3A_777 : f32 to vector<16xf32>
      %mul3A_1259 = arith.mulf %parallel_loop3A_1252#8, %mul3A_1258 : vector<16xf32>
      %swap3A_1260 = arith.constant 1536 : index
      %swap3A_1261 = tpu.vector_load %arg22[%swap3A_1260] {strides = array<i32>} : memref<2048xf32, #tpu.memory_space<vmem>>, vector<16xf32>,
      %swap3A_1262 = vector.shape_cast %swap3A_1261 : vector<16xf32> to vector<16xf32>
      %swap3A_1263 = vector.shape_cast %mul3A_1259 : vector<16xf32> to vector<16xf32>
      tpu.vector_store %arg22[%swap3A_1260], %swap3A_1263 {strides = array<i32>} : memref<2048xf32, #tpu.memory_space<vmem>>, vector<16xf32>,
      %select_n3A_1264 = arith.select %gt3A_1249, %parallel_loop3A_1252#1, %broadcast_in_dim3A_684 : vector<16xf32>
      %swap3A_1265 = arith.constant 528 : index
      %swap3A_1266 = tpu.vector_load %arg22[%swap3A_1265] {strides = array<i32>} : memref<2048xf32, #tpu.memory_space<vmem>>, vector<16xf32>,
      %swap3A_1267 = vector.shape_cast %swap3A_1266 : vector<16xf32> to vector<16xf32>
      %swap3A_1268 = vector.shape_cast %select_n3A_1264 : vector<16xf32> to vector<16xf32>
      tpu.vector_store %arg22[%swap3A_1265], %swap3A_1268 {strides = array<i32>} : memref<2048xf32, #tpu.memory_space<vmem>>, vector<16xf32>,
      %mul3A_1269 = vector.broadcast %get3A_777 : f32 to vector<16xf32>
      %mul3A_1270 = arith.mulf %parallel_loop3A_1252#9, %mul3A_1269 : vector<16xf32>
      %swap3A_1271 = arith.constant 1552 : index
      %swap3A_1272 = tpu.vector_load %arg22[%swap3A_1271] {strides = array<i32>} : memref<2048xf32, #tpu.memory_space<vmem>>, vector<16xf32>,
      %swap3A_1273 = vector.shape_cast %swap3A_1272 : vector<16xf32> to vector<16xf32>
      %swap3A_1274 = vector.shape_cast %mul3A_1270 : vector<16xf32> to vector<16xf32>
      tpu.vector_store %arg22[%swap3A_1271], %swap3A_1274 {strides = array<i32>} : memref<2048xf32, #tpu.memory_space<vmem>>, vector<16xf32>,
      %select_n3A_1275 = arith.select %gt3A_1249, %parallel_loop3A_1252#2, %broadcast_in_dim3A_684 : vector<16xf32>
      %swap3A_1276 = arith.constant 544 : index
      %swap3A_1277 = tpu.vector_load %arg22[%swap3A_1276] {strides = array<i32>} : memref<2048xf32, #tpu.memory_space<vmem>>, vector<16xf32>,
      %swap3A_1278 = vector.shape_cast %swap3A_1277 : vector<16xf32> to vector<16xf32>
      %swap3A_1279 = vector.shape_cast %select_n3A_1275 : vector<16xf32> to vector<16xf32>
      tpu.vector_store %arg22[%swap3A_1276], %swap3A_1279 {strides = array<i32>} : memref<2048xf32, #tpu.memory_space<vmem>>, vector<16xf32>,
      %mul3A_1280 = vector.broadcast %get3A_777 : f32 to vector<16xf32>
      %mul3A_1281 = arith.mulf %parallel_loop3A_1252#10, %mul3A_1280 : vector<16xf32>
      %swap3A_1282 = arith.constant 1568 : index
      %swap3A_1283 = tpu.vector_load %arg22[%swap3A_1282] {strides = array<i32>} : memref<2048xf32, #tpu.memory_space<vmem>>, vector<16xf32>,
      %swap3A_1284 = vector.shape_cast %swap3A_1283 : vector<16xf32> to vector<16xf32>
      %swap3A_1285 = vector.shape_cast %mul3A_1281 : vector<16xf32> to vector<16xf32>
      tpu.vector_store %arg22[%swap3A_1282], %swap3A_1285 {strides = array<i32>} : memref<2048xf32, #tpu.memory_space<vmem>>, vector<16xf32>,
      %select_n3A_1286 = arith.select %gt3A_1249, %parallel_loop3A_1252#3, %broadcast_in_dim3A_684 : vector<16xf32>
      %swap3A_1287 = arith.constant 560 : index
      %swap3A_1288 = tpu.vector_load %arg22[%swap3A_1287] {strides = array<i32>} : memref<2048xf32, #tpu.memory_space<vmem>>, vector<16xf32>,
      %swap3A_1289 = vector.shape_cast %swap3A_1288 : vector<16xf32> to vector<16xf32>
      %swap3A_1290 = vector.shape_cast %select_n3A_1286 : vector<16xf32> to vector<16xf32>
      tpu.vector_store %arg22[%swap3A_1287], %swap3A_1290 {strides = array<i32>} : memref<2048xf32, #tpu.memory_space<vmem>>, vector<16xf32>,
      %mul3A_1291 = vector.broadcast %get3A_777 : f32 to vector<16xf32>
      %mul3A_1292 = arith.mulf %parallel_loop3A_1252#11, %mul3A_1291 : vector<16xf32>
      %swap3A_1293 = arith.constant 1584 : index
      %swap3A_1294 = tpu.vector_load %arg22[%swap3A_1293] {strides = array<i32>} : memref<2048xf32, #tpu.memory_space<vmem>>, vector<16xf32>,
      %swap3A_1295 = vector.shape_cast %swap3A_1294 : vector<16xf32> to vector<16xf32>
      %swap3A_1296 = vector.shape_cast %mul3A_1292 : vector<16xf32> to vector<16xf32>
      tpu.vector_store %arg22[%swap3A_1293], %swap3A_1296 {strides = array<i32>} : memref<2048xf32, #tpu.memory_space<vmem>>, vector<16xf32>,
      %select_n3A_1297 = arith.select %gt3A_1249, %parallel_loop3A_1252#4, %broadcast_in_dim3A_684 : vector<16xf32>
      %swap3A_1298 = arith.constant 576 : index
      %swap3A_1299 = tpu.vector_load %arg22[%swap3A_1298] {strides = array<i32>} : memref<2048xf32, #tpu.memory_space<vmem>>, vector<16xf32>,
      %swap3A_1300 = vector.shape_cast %swap3A_1299 : vector<16xf32> to vector<16xf32>
      %swap3A_1301 = vector.shape_cast %select_n3A_1297 : vector<16xf32> to vector<16xf32>
      tpu.vector_store %arg22[%swap3A_1298], %swap3A_1301 {strides = array<i32>} : memref<2048xf32, #tpu.memory_space<vmem>>, vector<16xf32>,
      %mul3A_1302 = vector.broadcast %get3A_777 : f32 to vector<16xf32>
      %mul3A_1303 = arith.mulf %parallel_loop3A_1252#12, %mul3A_1302 : vector<16xf32>
      %swap3A_1304 = arith.constant 1600 : index
      %swap3A_1305 = tpu.vector_load %arg22[%swap3A_1304] {strides = array<i32>} : memref<2048xf32, #tpu.memory_space<vmem>>, vector<16xf32>,
      %swap3A_1306 = vector.shape_cast %swap3A_1305 : vector<16xf32> to vector<16xf32>
      %swap3A_1307 = vector.shape_cast %mul3A_1303 : vector<16xf32> to vector<16xf32>
      tpu.vector_store %arg22[%swap3A_1304], %swap3A_1307 {strides = array<i32>} : memref<2048xf32, #tpu.memory_space<vmem>>, vector<16xf32>,
      %select_n3A_1308 = arith.select %gt3A_1249, %parallel_loop3A_1252#5, %broadcast_in_dim3A_684 : vector<16xf32>
      %swap3A_1309 = arith.constant 592 : index
      %swap3A_1310 = tpu.vector_load %arg22[%swap3A_1309] {strides = array<i32>} : memref<2048xf32, #tpu.memory_space<vmem>>, vector<16xf32>,
      %swap3A_1311 = vector.shape_cast %swap3A_1310 : vector<16xf32> to vector<16xf32>
      %swap3A_1312 = vector.shape_cast %select_n3A_1308 : vector<16xf32> to vector<16xf32>
      tpu.vector_store %arg22[%swap3A_1309], %swap3A_1312 {strides = array<i32>} : memref<2048xf32, #tpu.memory_space<vmem>>, vector<16xf32>,
      %mul3A_1313 = vector.broadcast %get3A_777 : f32 to vector<16xf32>
      %mul3A_1314 = arith.mulf %parallel_loop3A_1252#13, %mul3A_1313 : vector<16xf32>
      %swap3A_1315 = arith.constant 1616 : index
      %swap3A_1316 = tpu.vector_load %arg22[%swap3A_1315] {strides = array<i32>} : memref<2048xf32, #tpu.memory_space<vmem>>, vector<16xf32>,
      %swap3A_1317 = vector.shape_cast %swap3A_1316 : vector<16xf32> to vector<16xf32>
      %swap3A_1318 = vector.shape_cast %mul3A_1314 : vector<16xf32> to vector<16xf32>
      tpu.vector_store %arg22[%swap3A_1315], %swap3A_1318 {strides = array<i32>} : memref<2048xf32, #tpu.memory_space<vmem>>, vector<16xf32>,
      %select_n3A_1319 = arith.select %gt3A_1249, %parallel_loop3A_1252#6, %broadcast_in_dim3A_684 : vector<16xf32>
      %swap3A_1320 = arith.constant 608 : index
      %swap3A_1321 = tpu.vector_load %arg22[%swap3A_1320] {strides = array<i32>} : memref<2048xf32, #tpu.memory_space<vmem>>, vector<16xf32>,
      %swap3A_1322 = vector.shape_cast %swap3A_1321 : vector<16xf32> to vector<16xf32>
      %swap3A_1323 = vector.shape_cast %select_n3A_1319 : vector<16xf32> to vector<16xf32>
      tpu.vector_store %arg22[%swap3A_1320], %swap3A_1323 {strides = array<i32>} : memref<2048xf32, #tpu.memory_space<vmem>>, vector<16xf32>,
      %mul3A_1324 = vector.broadcast %get3A_777 : f32 to vector<16xf32>
      %mul3A_1325 = arith.mulf %parallel_loop3A_1252#14, %mul3A_1324 : vector<16xf32>
      %swap3A_1326 = arith.constant 1632 : index
      %swap3A_1327 = tpu.vector_load %arg22[%swap3A_1326] {strides = array<i32>} : memref<2048xf32, #tpu.memory_space<vmem>>, vector<16xf32>,
      %swap3A_1328 = vector.shape_cast %swap3A_1327 : vector<16xf32> to vector<16xf32>
      %swap3A_1329 = vector.shape_cast %mul3A_1325 : vector<16xf32> to vector<16xf32>
      tpu.vector_store %arg22[%swap3A_1326], %swap3A_1329 {strides = array<i32>} : memref<2048xf32, #tpu.memory_space<vmem>>, vector<16xf32>,
      %select_n3A_1330 = arith.select %gt3A_1249, %parallel_loop3A_1252#7, %broadcast_in_dim3A_684 : vector<16xf32>
      %swap3A_1331 = arith.constant 624 : index
      %swap3A_1332 = tpu.vector_load %arg22[%swap3A_1331] {strides = array<i32>} : memref<2048xf32, #tpu.memory_space<vmem>>, vector<16xf32>,
      %swap3A_1333 = vector.shape_cast %swap3A_1332 : vector<16xf32> to vector<16xf32>
      %swap3A_1334 = vector.shape_cast %select_n3A_1330 : vector<16xf32> to vector<16xf32>
      tpu.vector_store %arg22[%swap3A_1331], %swap3A_1334 {strides = array<i32>} : memref<2048xf32, #tpu.memory_space<vmem>>, vector<16xf32>,
      %mul3A_1335 = vector.broadcast %get3A_777 : f32 to vector<16xf32>
      %mul3A_1336 = arith.mulf %parallel_loop3A_1252#15, %mul3A_1335 : vector<16xf32>
      %swap3A_1337 = arith.constant 1648 : index
      %swap3A_1338 = tpu.vector_load %arg22[%swap3A_1337] {strides = array<i32>} : memref<2048xf32, #tpu.memory_space<vmem>>, vector<16xf32>,
      %swap3A_1339 = vector.shape_cast %swap3A_1338 : vector<16xf32> to vector<16xf32>
      %swap3A_1340 = vector.shape_cast %mul3A_1336 : vector<16xf32> to vector<16xf32>
      tpu.vector_store %arg22[%swap3A_1337], %swap3A_1340 {strides = array<i32>} : memref<2048xf32, #tpu.memory_space<vmem>>, vector<16xf32>,
      %parallel_loop3A_1341 = arith.constant 0 : i32
      %parallel_loop3A_1342 = arith.constant 1 : i32
      %parallel_loop3A_1343:16 = scf.for %parallel_loop3A_1638 = %parallel_loop3A_1341 to %min3A_807 step %parallel_loop3A_1342 iter_args(%parallel_loop3A_1639 = %broadcast_in_dim3A_682, %parallel_loop3A_1640 = %broadcast_in_dim3A_682, %parallel_loop3A_1641 = %broadcast_in_dim3A_682, %parallel_loop3A_1642 = %broadcast_in_dim3A_682, %parallel_loop3A_1643 = %broadcast_in_dim3A_682, %parallel_loop3A_1644 = %broadcast_in_dim3A_682, %parallel_loop3A_1645 = %broadcast_in_dim3A_682, %parallel_loop3A_1646 = %broadcast_in_dim3A_682, %parallel_loop3A_1647 = %broadcast_in_dim3A_684, %parallel_loop3A_1648 = %broadcast_in_dim3A_684, %parallel_loop3A_1649 = %broadcast_in_dim3A_684, %parallel_loop3A_1650 = %broadcast_in_dim3A_684, %parallel_loop3A_1651 = %broadcast_in_dim3A_684, %parallel_loop3A_1652 = %broadcast_in_dim3A_684, %parallel_loop3A_1653 = %broadcast_in_dim3A_684, %parallel_loop3A_1654 = %broadcast_in_dim3A_684) -> (vector<16xf32>, vector<16xf32>, vector<16xf32>, vector<16xf32>, vector<16xf32>, vector<16xf32>, vector<16xf32>, vector<16xf32>, vector<16xf32>, vector<16xf32>, vector<16xf32>, vector<16xf32>, vector<16xf32>, vector<16xf32>, vector<16xf32>, vector<16xf32>)  : i32 {
        %parallel_loop3A_1655 = arith.index_cast %parallel_loop3A_1638 : i32 to index
        %parallel_loop3A_1656 = arith.constant 128 : index
        %parallel_loop3A_1657 = tpu.vector_load %arg20[%parallel_loop3A_1655, %parallel_loop3A_1656] {strides = array<i32>} : memref<112x512xf32, #tpu.memory_space<vmem>>, vector<1x16xf32>,
        %parallel_loop3A_1658 = vector.shape_cast %parallel_loop3A_1657 : vector<1x16xf32> to vector<16xf32>
        %parallel_loop3A_1659 = arith.maximumf %parallel_loop3A_1639, %parallel_loop3A_1658 : vector<16xf32>
        %parallel_loop3A_1660 = arith.addf %parallel_loop3A_1647, %parallel_loop3A_1658 : vector<16xf32>
        %parallel_loop3A_1661 = arith.index_cast %parallel_loop3A_1638 : i32 to index
        %parallel_loop3A_1662 = arith.constant 144 : index
        %parallel_loop3A_1663 = tpu.vector_load %arg20[%parallel_loop3A_1661, %parallel_loop3A_1662] {strides = array<i32>} : memref<112x512xf32, #tpu.memory_space<vmem>>, vector<1x16xf32>,
        %parallel_loop3A_1664 = vector.shape_cast %parallel_loop3A_1663 : vector<1x16xf32> to vector<16xf32>
        %parallel_loop3A_1665 = arith.maximumf %parallel_loop3A_1640, %parallel_loop3A_1664 : vector<16xf32>
        %parallel_loop3A_1666 = arith.addf %parallel_loop3A_1648, %parallel_loop3A_1664 : vector<16xf32>
        %parallel_loop3A_1667 = arith.index_cast %parallel_loop3A_1638 : i32 to index
        %parallel_loop3A_1668 = arith.constant 160 : index
        %parallel_loop3A_1669 = tpu.vector_load %arg20[%parallel_loop3A_1667, %parallel_loop3A_1668] {strides = array<i32>} : memref<112x512xf32, #tpu.memory_space<vmem>>, vector<1x16xf32>,
        %parallel_loop3A_1670 = vector.shape_cast %parallel_loop3A_1669 : vector<1x16xf32> to vector<16xf32>
        %parallel_loop3A_1671 = arith.maximumf %parallel_loop3A_1641, %parallel_loop3A_1670 : vector<16xf32>
        %parallel_loop3A_1672 = arith.addf %parallel_loop3A_1649, %parallel_loop3A_1670 : vector<16xf32>
        %parallel_loop3A_1673 = arith.index_cast %parallel_loop3A_1638 : i32 to index
        %parallel_loop3A_1674 = arith.constant 176 : index
        %parallel_loop3A_1675 = tpu.vector_load %arg20[%parallel_loop3A_1673, %parallel_loop3A_1674] {strides = array<i32>} : memref<112x512xf32, #tpu.memory_space<vmem>>, vector<1x16xf32>,
        %parallel_loop3A_1676 = vector.shape_cast %parallel_loop3A_1675 : vector<1x16xf32> to vector<16xf32>
        %parallel_loop3A_1677 = arith.maximumf %parallel_loop3A_1642, %parallel_loop3A_1676 : vector<16xf32>
        %parallel_loop3A_1678 = arith.addf %parallel_loop3A_1650, %parallel_loop3A_1676 : vector<16xf32>
        %parallel_loop3A_1679 = arith.index_cast %parallel_loop3A_1638 : i32 to index
        %parallel_loop3A_1680 = arith.constant 192 : index
        %parallel_loop3A_1681 = tpu.vector_load %arg20[%parallel_loop3A_1679, %parallel_loop3A_1680] {strides = array<i32>} : memref<112x512xf32, #tpu.memory_space<vmem>>, vector<1x16xf32>,
        %parallel_loop3A_1682 = vector.shape_cast %parallel_loop3A_1681 : vector<1x16xf32> to vector<16xf32>
        %parallel_loop3A_1683 = arith.maximumf %parallel_loop3A_1643, %parallel_loop3A_1682 : vector<16xf32>
        %parallel_loop3A_1684 = arith.addf %parallel_loop3A_1651, %parallel_loop3A_1682 : vector<16xf32>
        %parallel_loop3A_1685 = arith.index_cast %parallel_loop3A_1638 : i32 to index
        %parallel_loop3A_1686 = arith.constant 208 : index
        %parallel_loop3A_1687 = tpu.vector_load %arg20[%parallel_loop3A_1685, %parallel_loop3A_1686] {strides = array<i32>} : memref<112x512xf32, #tpu.memory_space<vmem>>, vector<1x16xf32>,
        %parallel_loop3A_1688 = vector.shape_cast %parallel_loop3A_1687 : vector<1x16xf32> to vector<16xf32>
        %parallel_loop3A_1689 = arith.maximumf %parallel_loop3A_1644, %parallel_loop3A_1688 : vector<16xf32>
        %parallel_loop3A_1690 = arith.addf %parallel_loop3A_1652, %parallel_loop3A_1688 : vector<16xf32>
        %parallel_loop3A_1691 = arith.index_cast %parallel_loop3A_1638 : i32 to index
        %parallel_loop3A_1692 = arith.constant 224 : index
        %parallel_loop3A_1693 = tpu.vector_load %arg20[%parallel_loop3A_1691, %parallel_loop3A_1692] {strides = array<i32>} : memref<112x512xf32, #tpu.memory_space<vmem>>, vector<1x16xf32>,
        %parallel_loop3A_1694 = vector.shape_cast %parallel_loop3A_1693 : vector<1x16xf32> to vector<16xf32>
        %parallel_loop3A_1695 = arith.maximumf %parallel_loop3A_1645, %parallel_loop3A_1694 : vector<16xf32>
        %parallel_loop3A_1696 = arith.addf %parallel_loop3A_1653, %parallel_loop3A_1694 : vector<16xf32>
        %parallel_loop3A_1697 = arith.index_cast %parallel_loop3A_1638 : i32 to index
        %parallel_loop3A_1698 = arith.constant 240 : index
        %parallel_loop3A_1699 = tpu.vector_load %arg20[%parallel_loop3A_1697, %parallel_loop3A_1698] {strides = array<i32>} : memref<112x512xf32, #tpu.memory_space<vmem>>, vector<1x16xf32>,
        %parallel_loop3A_1700 = vector.shape_cast %parallel_loop3A_1699 : vector<1x16xf32> to vector<16xf32>
        %parallel_loop3A_1701 = arith.maximumf %parallel_loop3A_1646, %parallel_loop3A_1700 : vector<16xf32>
        %parallel_loop3A_1702 = arith.addf %parallel_loop3A_1654, %parallel_loop3A_1700 : vector<16xf32>
        scf.yield %parallel_loop3A_1659, %parallel_loop3A_1665, %parallel_loop3A_1671, %parallel_loop3A_1677, %parallel_loop3A_1683, %parallel_loop3A_1689, %parallel_loop3A_1695, %parallel_loop3A_1701, %parallel_loop3A_1660, %parallel_loop3A_1666, %parallel_loop3A_1672, %parallel_loop3A_1678, %parallel_loop3A_1684, %parallel_loop3A_1690, %parallel_loop3A_1696, %parallel_loop3A_1702 : vector<16xf32>, vector<16xf32>, vector<16xf32>, vector<16xf32>, vector<16xf32>, vector<16xf32>, vector<16xf32>, vector<16xf32>, vector<16xf32>, vector<16xf32>, vector<16xf32>, vector<16xf32>, vector<16xf32>, vector<16xf32>, vector<16xf32>, vector<16xf32>
      } {sc.loop_unroll_factor = 2 : i64, sc.parallel_access}
      %select_n3A_1344 = arith.select %gt3A_1249, %parallel_loop3A_1343#0, %broadcast_in_dim3A_684 : vector<16xf32>
      %swap3A_1345 = arith.constant 640 : index
      %swap3A_1346 = tpu.vector_load %arg22[%swap3A_1345] {strides = array<i32>} : memref<2048xf32, #tpu.memory_space<vmem>>, vector<16xf32>,
      %swap3A_1347 = vector.shape_cast %swap3A_1346 : vector<16xf32> to vector<16xf32>
      %swap3A_1348 = vector.shape_cast %select_n3A_1344 : vector<16xf32> to vector<16xf32>
      tpu.vector_store %arg22[%swap3A_1345], %swap3A_1348 {strides = array<i32>} : memref<2048xf32, #tpu.memory_space<vmem>>, vector<16xf32>,
      %mul3A_1349 = vector.broadcast %get3A_777 : f32 to vector<16xf32>
      %mul3A_1350 = arith.mulf %parallel_loop3A_1343#8, %mul3A_1349 : vector<16xf32>
      %swap3A_1351 = arith.constant 1664 : index
      %swap3A_1352 = tpu.vector_load %arg22[%swap3A_1351] {strides = array<i32>} : memref<2048xf32, #tpu.memory_space<vmem>>, vector<16xf32>,
      %swap3A_1353 = vector.shape_cast %swap3A_1352 : vector<16xf32> to vector<16xf32>
      %swap3A_1354 = vector.shape_cast %mul3A_1350 : vector<16xf32> to vector<16xf32>
      tpu.vector_store %arg22[%swap3A_1351], %swap3A_1354 {strides = array<i32>} : memref<2048xf32, #tpu.memory_space<vmem>>, vector<16xf32>,
      %select_n3A_1355 = arith.select %gt3A_1249, %parallel_loop3A_1343#1, %broadcast_in_dim3A_684 : vector<16xf32>
      %swap3A_1356 = arith.constant 656 : index
      %swap3A_1357 = tpu.vector_load %arg22[%swap3A_1356] {strides = array<i32>} : memref<2048xf32, #tpu.memory_space<vmem>>, vector<16xf32>,
      %swap3A_1358 = vector.shape_cast %swap3A_1357 : vector<16xf32> to vector<16xf32>
      %swap3A_1359 = vector.shape_cast %select_n3A_1355 : vector<16xf32> to vector<16xf32>
      tpu.vector_store %arg22[%swap3A_1356], %swap3A_1359 {strides = array<i32>} : memref<2048xf32, #tpu.memory_space<vmem>>, vector<16xf32>,
      %mul3A_1360 = vector.broadcast %get3A_777 : f32 to vector<16xf32>
      %mul3A_1361 = arith.mulf %parallel_loop3A_1343#9, %mul3A_1360 : vector<16xf32>
      %swap3A_1362 = arith.constant 1680 : index
      %swap3A_1363 = tpu.vector_load %arg22[%swap3A_1362] {strides = array<i32>} : memref<2048xf32, #tpu.memory_space<vmem>>, vector<16xf32>,
      %swap3A_1364 = vector.shape_cast %swap3A_1363 : vector<16xf32> to vector<16xf32>
      %swap3A_1365 = vector.shape_cast %mul3A_1361 : vector<16xf32> to vector<16xf32>
      tpu.vector_store %arg22[%swap3A_1362], %swap3A_1365 {strides = array<i32>} : memref<2048xf32, #tpu.memory_space<vmem>>, vector<16xf32>,
      %select_n3A_1366 = arith.select %gt3A_1249, %parallel_loop3A_1343#2, %broadcast_in_dim3A_684 : vector<16xf32>
      %swap3A_1367 = arith.constant 672 : index
      %swap3A_1368 = tpu.vector_load %arg22[%swap3A_1367] {strides = array<i32>} : memref<2048xf32, #tpu.memory_space<vmem>>, vector<16xf32>,
      %swap3A_1369 = vector.shape_cast %swap3A_1368 : vector<16xf32> to vector<16xf32>
      %swap3A_1370 = vector.shape_cast %select_n3A_1366 : vector<16xf32> to vector<16xf32>
      tpu.vector_store %arg22[%swap3A_1367], %swap3A_1370 {strides = array<i32>} : memref<2048xf32, #tpu.memory_space<vmem>>, vector<16xf32>,
      %mul3A_1371 = vector.broadcast %get3A_777 : f32 to vector<16xf32>
      %mul3A_1372 = arith.mulf %parallel_loop3A_1343#10, %mul3A_1371 : vector<16xf32>
      %swap3A_1373 = arith.constant 1696 : index
      %swap3A_1374 = tpu.vector_load %arg22[%swap3A_1373] {strides = array<i32>} : memref<2048xf32, #tpu.memory_space<vmem>>, vector<16xf32>,
      %swap3A_1375 = vector.shape_cast %swap3A_1374 : vector<16xf32> to vector<16xf32>
      %swap3A_1376 = vector.shape_cast %mul3A_1372 : vector<16xf32> to vector<16xf32>
      tpu.vector_store %arg22[%swap3A_1373], %swap3A_1376 {strides = array<i32>} : memref<2048xf32, #tpu.memory_space<vmem>>, vector<16xf32>,
      %select_n3A_1377 = arith.select %gt3A_1249, %parallel_loop3A_1343#3, %broadcast_in_dim3A_684 : vector<16xf32>
      %swap3A_1378 = arith.constant 688 : index
      %swap3A_1379 = tpu.vector_load %arg22[%swap3A_1378] {strides = array<i32>} : memref<2048xf32, #tpu.memory_space<vmem>>, vector<16xf32>,
      %swap3A_1380 = vector.shape_cast %swap3A_1379 : vector<16xf32> to vector<16xf32>
      %swap3A_1381 = vector.shape_cast %select_n3A_1377 : vector<16xf32> to vector<16xf32>
      tpu.vector_store %arg22[%swap3A_1378], %swap3A_1381 {strides = array<i32>} : memref<2048xf32, #tpu.memory_space<vmem>>, vector<16xf32>,
      %mul3A_1382 = vector.broadcast %get3A_777 : f32 to vector<16xf32>
      %mul3A_1383 = arith.mulf %parallel_loop3A_1343#11, %mul3A_1382 : vector<16xf32>
      %swap3A_1384 = arith.constant 1712 : index
      %swap3A_1385 = tpu.vector_load %arg22[%swap3A_1384] {strides = array<i32>} : memref<2048xf32, #tpu.memory_space<vmem>>, vector<16xf32>,
      %swap3A_1386 = vector.shape_cast %swap3A_1385 : vector<16xf32> to vector<16xf32>
      %swap3A_1387 = vector.shape_cast %mul3A_1383 : vector<16xf32> to vector<16xf32>
      tpu.vector_store %arg22[%swap3A_1384], %swap3A_1387 {strides = array<i32>} : memref<2048xf32, #tpu.memory_space<vmem>>, vector<16xf32>,
      %select_n3A_1388 = arith.select %gt3A_1249, %parallel_loop3A_1343#4, %broadcast_in_dim3A_684 : vector<16xf32>
      %swap3A_1389 = arith.constant 704 : index
      %swap3A_1390 = tpu.vector_load %arg22[%swap3A_1389] {strides = array<i32>} : memref<2048xf32, #tpu.memory_space<vmem>>, vector<16xf32>,
      %swap3A_1391 = vector.shape_cast %swap3A_1390 : vector<16xf32> to vector<16xf32>
      %swap3A_1392 = vector.shape_cast %select_n3A_1388 : vector<16xf32> to vector<16xf32>
      tpu.vector_store %arg22[%swap3A_1389], %swap3A_1392 {strides = array<i32>} : memref<2048xf32, #tpu.memory_space<vmem>>, vector<16xf32>,
      %mul3A_1393 = vector.broadcast %get3A_777 : f32 to vector<16xf32>
      %mul3A_1394 = arith.mulf %parallel_loop3A_1343#12, %mul3A_1393 : vector<16xf32>
      %swap3A_1395 = arith.constant 1728 : index
      %swap3A_1396 = tpu.vector_load %arg22[%swap3A_1395] {strides = array<i32>} : memref<2048xf32, #tpu.memory_space<vmem>>, vector<16xf32>,
      %swap3A_1397 = vector.shape_cast %swap3A_1396 : vector<16xf32> to vector<16xf32>
      %swap3A_1398 = vector.shape_cast %mul3A_1394 : vector<16xf32> to vector<16xf32>
      tpu.vector_store %arg22[%swap3A_1395], %swap3A_1398 {strides = array<i32>} : memref<2048xf32, #tpu.memory_space<vmem>>, vector<16xf32>,
      %select_n3A_1399 = arith.select %gt3A_1249, %parallel_loop3A_1343#5, %broadcast_in_dim3A_684 : vector<16xf32>
      %swap3A_1400 = arith.constant 720 : index
      %swap3A_1401 = tpu.vector_load %arg22[%swap3A_1400] {strides = array<i32>} : memref<2048xf32, #tpu.memory_space<vmem>>, vector<16xf32>,
      %swap3A_1402 = vector.shape_cast %swap3A_1401 : vector<16xf32> to vector<16xf32>
      %swap3A_1403 = vector.shape_cast %select_n3A_1399 : vector<16xf32> to vector<16xf32>
      tpu.vector_store %arg22[%swap3A_1400], %swap3A_1403 {strides = array<i32>} : memref<2048xf32, #tpu.memory_space<vmem>>, vector<16xf32>,
      %mul3A_1404 = vector.broadcast %get3A_777 : f32 to vector<16xf32>
      %mul3A_1405 = arith.mulf %parallel_loop3A_1343#13, %mul3A_1404 : vector<16xf32>
      %swap3A_1406 = arith.constant 1744 : index
      %swap3A_1407 = tpu.vector_load %arg22[%swap3A_1406] {strides = array<i32>} : memref<2048xf32, #tpu.memory_space<vmem>>, vector<16xf32>,
      %swap3A_1408 = vector.shape_cast %swap3A_1407 : vector<16xf32> to vector<16xf32>
      %swap3A_1409 = vector.shape_cast %mul3A_1405 : vector<16xf32> to vector<16xf32>
      tpu.vector_store %arg22[%swap3A_1406], %swap3A_1409 {strides = array<i32>} : memref<2048xf32, #tpu.memory_space<vmem>>, vector<16xf32>,
      %select_n3A_1410 = arith.select %gt3A_1249, %parallel_loop3A_1343#6, %broadcast_in_dim3A_684 : vector<16xf32>
      %swap3A_1411 = arith.constant 736 : index
      %swap3A_1412 = tpu.vector_load %arg22[%swap3A_1411] {strides = array<i32>} : memref<2048xf32, #tpu.memory_space<vmem>>, vector<16xf32>,
      %swap3A_1413 = vector.shape_cast %swap3A_1412 : vector<16xf32> to vector<16xf32>
      %swap3A_1414 = vector.shape_cast %select_n3A_1410 : vector<16xf32> to vector<16xf32>
      tpu.vector_store %arg22[%swap3A_1411], %swap3A_1414 {strides = array<i32>} : memref<2048xf32, #tpu.memory_space<vmem>>, vector<16xf32>,
      %mul3A_1415 = vector.broadcast %get3A_777 : f32 to vector<16xf32>
      %mul3A_1416 = arith.mulf %parallel_loop3A_1343#14, %mul3A_1415 : vector<16xf32>
      %swap3A_1417 = arith.constant 1760 : index
      %swap3A_1418 = tpu.vector_load %arg22[%swap3A_1417] {strides = array<i32>} : memref<2048xf32, #tpu.memory_space<vmem>>, vector<16xf32>,
      %swap3A_1419 = vector.shape_cast %swap3A_1418 : vector<16xf32> to vector<16xf32>
      %swap3A_1420 = vector.shape_cast %mul3A_1416 : vector<16xf32> to vector<16xf32>
      tpu.vector_store %arg22[%swap3A_1417], %swap3A_1420 {strides = array<i32>} : memref<2048xf32, #tpu.memory_space<vmem>>, vector<16xf32>,
      %select_n3A_1421 = arith.select %gt3A_1249, %parallel_loop3A_1343#7, %broadcast_in_dim3A_684 : vector<16xf32>
      %swap3A_1422 = arith.constant 752 : index
      %swap3A_1423 = tpu.vector_load %arg22[%swap3A_1422] {strides = array<i32>} : memref<2048xf32, #tpu.memory_space<vmem>>, vector<16xf32>,
      %swap3A_1424 = vector.shape_cast %swap3A_1423 : vector<16xf32> to vector<16xf32>
      %swap3A_1425 = vector.shape_cast %select_n3A_1421 : vector<16xf32> to vector<16xf32>
      tpu.vector_store %arg22[%swap3A_1422], %swap3A_1425 {strides = array<i32>} : memref<2048xf32, #tpu.memory_space<vmem>>, vector<16xf32>,
      %mul3A_1426 = vector.broadcast %get3A_777 : f32 to vector<16xf32>
      %mul3A_1427 = arith.mulf %parallel_loop3A_1343#15, %mul3A_1426 : vector<16xf32>
      %swap3A_1428 = arith.constant 1776 : index
      %swap3A_1429 = tpu.vector_load %arg22[%swap3A_1428] {strides = array<i32>} : memref<2048xf32, #tpu.memory_space<vmem>>, vector<16xf32>,
      %swap3A_1430 = vector.shape_cast %swap3A_1429 : vector<16xf32> to vector<16xf32>
      %swap3A_1431 = vector.shape_cast %mul3A_1427 : vector<16xf32> to vector<16xf32>
      tpu.vector_store %arg22[%swap3A_1428], %swap3A_1431 {strides = array<i32>} : memref<2048xf32, #tpu.memory_space<vmem>>, vector<16xf32>,
      %parallel_loop3A_1432 = arith.constant 0 : i32
      %parallel_loop3A_1433 = arith.constant 1 : i32
      %parallel_loop3A_1434:16 = scf.for %parallel_loop3A_1638 = %parallel_loop3A_1432 to %min3A_807 step %parallel_loop3A_1433 iter_args(%parallel_loop3A_1639 = %broadcast_in_dim3A_682, %parallel_loop3A_1640 = %broadcast_in_dim3A_682, %parallel_loop3A_1641 = %broadcast_in_dim3A_682, %parallel_loop3A_1642 = %broadcast_in_dim3A_682, %parallel_loop3A_1643 = %broadcast_in_dim3A_682, %parallel_loop3A_1644 = %broadcast_in_dim3A_682, %parallel_loop3A_1645 = %broadcast_in_dim3A_682, %parallel_loop3A_1646 = %broadcast_in_dim3A_682, %parallel_loop3A_1647 = %broadcast_in_dim3A_684, %parallel_loop3A_1648 = %broadcast_in_dim3A_684, %parallel_loop3A_1649 = %broadcast_in_dim3A_684, %parallel_loop3A_1650 = %broadcast_in_dim3A_684, %parallel_loop3A_1651 = %broadcast_in_dim3A_684, %parallel_loop3A_1652 = %broadcast_in_dim3A_684, %parallel_loop3A_1653 = %broadcast_in_dim3A_684, %parallel_loop3A_1654 = %broadcast_in_dim3A_684) -> (vector<16xf32>, vector<16xf32>, vector<16xf32>, vector<16xf32>, vector<16xf32>, vector<16xf32>, vector<16xf32>, vector<16xf32>, vector<16xf32>, vector<16xf32>, vector<16xf32>, vector<16xf32>, vector<16xf32>, vector<16xf32>, vector<16xf32>, vector<16xf32>)  : i32 {
        %parallel_loop3A_1655 = arith.index_cast %parallel_loop3A_1638 : i32 to index
        %parallel_loop3A_1656 = arith.constant 256 : index
        %parallel_loop3A_1657 = tpu.vector_load %arg20[%parallel_loop3A_1655, %parallel_loop3A_1656] {strides = array<i32>} : memref<112x512xf32, #tpu.memory_space<vmem>>, vector<1x16xf32>,
        %parallel_loop3A_1658 = vector.shape_cast %parallel_loop3A_1657 : vector<1x16xf32> to vector<16xf32>
        %parallel_loop3A_1659 = arith.maximumf %parallel_loop3A_1639, %parallel_loop3A_1658 : vector<16xf32>
        %parallel_loop3A_1660 = arith.addf %parallel_loop3A_1647, %parallel_loop3A_1658 : vector<16xf32>
        %parallel_loop3A_1661 = arith.index_cast %parallel_loop3A_1638 : i32 to index
        %parallel_loop3A_1662 = arith.constant 272 : index
        %parallel_loop3A_1663 = tpu.vector_load %arg20[%parallel_loop3A_1661, %parallel_loop3A_1662] {strides = array<i32>} : memref<112x512xf32, #tpu.memory_space<vmem>>, vector<1x16xf32>,
        %parallel_loop3A_1664 = vector.shape_cast %parallel_loop3A_1663 : vector<1x16xf32> to vector<16xf32>
        %parallel_loop3A_1665 = arith.maximumf %parallel_loop3A_1640, %parallel_loop3A_1664 : vector<16xf32>
        %parallel_loop3A_1666 = arith.addf %parallel_loop3A_1648, %parallel_loop3A_1664 : vector<16xf32>
        %parallel_loop3A_1667 = arith.index_cast %parallel_loop3A_1638 : i32 to index
        %parallel_loop3A_1668 = arith.constant 288 : index
        %parallel_loop3A_1669 = tpu.vector_load %arg20[%parallel_loop3A_1667, %parallel_loop3A_1668] {strides = array<i32>} : memref<112x512xf32, #tpu.memory_space<vmem>>, vector<1x16xf32>,
        %parallel_loop3A_1670 = vector.shape_cast %parallel_loop3A_1669 : vector<1x16xf32> to vector<16xf32>
        %parallel_loop3A_1671 = arith.maximumf %parallel_loop3A_1641, %parallel_loop3A_1670 : vector<16xf32>
        %parallel_loop3A_1672 = arith.addf %parallel_loop3A_1649, %parallel_loop3A_1670 : vector<16xf32>
        %parallel_loop3A_1673 = arith.index_cast %parallel_loop3A_1638 : i32 to index
        %parallel_loop3A_1674 = arith.constant 304 : index
        %parallel_loop3A_1675 = tpu.vector_load %arg20[%parallel_loop3A_1673, %parallel_loop3A_1674] {strides = array<i32>} : memref<112x512xf32, #tpu.memory_space<vmem>>, vector<1x16xf32>,
        %parallel_loop3A_1676 = vector.shape_cast %parallel_loop3A_1675 : vector<1x16xf32> to vector<16xf32>
        %parallel_loop3A_1677 = arith.maximumf %parallel_loop3A_1642, %parallel_loop3A_1676 : vector<16xf32>
        %parallel_loop3A_1678 = arith.addf %parallel_loop3A_1650, %parallel_loop3A_1676 : vector<16xf32>
        %parallel_loop3A_1679 = arith.index_cast %parallel_loop3A_1638 : i32 to index
        %parallel_loop3A_1680 = arith.constant 320 : index
        %parallel_loop3A_1681 = tpu.vector_load %arg20[%parallel_loop3A_1679, %parallel_loop3A_1680] {strides = array<i32>} : memref<112x512xf32, #tpu.memory_space<vmem>>, vector<1x16xf32>,
        %parallel_loop3A_1682 = vector.shape_cast %parallel_loop3A_1681 : vector<1x16xf32> to vector<16xf32>
        %parallel_loop3A_1683 = arith.maximumf %parallel_loop3A_1643, %parallel_loop3A_1682 : vector<16xf32>
        %parallel_loop3A_1684 = arith.addf %parallel_loop3A_1651, %parallel_loop3A_1682 : vector<16xf32>
        %parallel_loop3A_1685 = arith.index_cast %parallel_loop3A_1638 : i32 to index
        %parallel_loop3A_1686 = arith.constant 336 : index
        %parallel_loop3A_1687 = tpu.vector_load %arg20[%parallel_loop3A_1685, %parallel_loop3A_1686] {strides = array<i32>} : memref<112x512xf32, #tpu.memory_space<vmem>>, vector<1x16xf32>,
        %parallel_loop3A_1688 = vector.shape_cast %parallel_loop3A_1687 : vector<1x16xf32> to vector<16xf32>
        %parallel_loop3A_1689 = arith.maximumf %parallel_loop3A_1644, %parallel_loop3A_1688 : vector<16xf32>
        %parallel_loop3A_1690 = arith.addf %parallel_loop3A_1652, %parallel_loop3A_1688 : vector<16xf32>
        %parallel_loop3A_1691 = arith.index_cast %parallel_loop3A_1638 : i32 to index
        %parallel_loop3A_1692 = arith.constant 352 : index
        %parallel_loop3A_1693 = tpu.vector_load %arg20[%parallel_loop3A_1691, %parallel_loop3A_1692] {strides = array<i32>} : memref<112x512xf32, #tpu.memory_space<vmem>>, vector<1x16xf32>,
        %parallel_loop3A_1694 = vector.shape_cast %parallel_loop3A_1693 : vector<1x16xf32> to vector<16xf32>
        %parallel_loop3A_1695 = arith.maximumf %parallel_loop3A_1645, %parallel_loop3A_1694 : vector<16xf32>
        %parallel_loop3A_1696 = arith.addf %parallel_loop3A_1653, %parallel_loop3A_1694 : vector<16xf32>
        %parallel_loop3A_1697 = arith.index_cast %parallel_loop3A_1638 : i32 to index
        %parallel_loop3A_1698 = arith.constant 368 : index
        %parallel_loop3A_1699 = tpu.vector_load %arg20[%parallel_loop3A_1697, %parallel_loop3A_1698] {strides = array<i32>} : memref<112x512xf32, #tpu.memory_space<vmem>>, vector<1x16xf32>,
        %parallel_loop3A_1700 = vector.shape_cast %parallel_loop3A_1699 : vector<1x16xf32> to vector<16xf32>
        %parallel_loop3A_1701 = arith.maximumf %parallel_loop3A_1646, %parallel_loop3A_1700 : vector<16xf32>
        %parallel_loop3A_1702 = arith.addf %parallel_loop3A_1654, %parallel_loop3A_1700 : vector<16xf32>
        scf.yield %parallel_loop3A_1659, %parallel_loop3A_1665, %parallel_loop3A_1671, %parallel_loop3A_1677, %parallel_loop3A_1683, %parallel_loop3A_1689, %parallel_loop3A_1695, %parallel_loop3A_1701, %parallel_loop3A_1660, %parallel_loop3A_1666, %parallel_loop3A_1672, %parallel_loop3A_1678, %parallel_loop3A_1684, %parallel_loop3A_1690, %parallel_loop3A_1696, %parallel_loop3A_1702 : vector<16xf32>, vector<16xf32>, vector<16xf32>, vector<16xf32>, vector<16xf32>, vector<16xf32>, vector<16xf32>, vector<16xf32>, vector<16xf32>, vector<16xf32>, vector<16xf32>, vector<16xf32>, vector<16xf32>, vector<16xf32>, vector<16xf32>, vector<16xf32>
      } {sc.loop_unroll_factor = 2 : i64, sc.parallel_access}
      %select_n3A_1435 = arith.select %gt3A_1249, %parallel_loop3A_1434#0, %broadcast_in_dim3A_684 : vector<16xf32>
      %swap3A_1436 = arith.constant 768 : index
      %swap3A_1437 = tpu.vector_load %arg22[%swap3A_1436] {strides = array<i32>} : memref<2048xf32, #tpu.memory_space<vmem>>, vector<16xf32>,
      %swap3A_1438 = vector.shape_cast %swap3A_1437 : vector<16xf32> to vector<16xf32>
      %swap3A_1439 = vector.shape_cast %select_n3A_1435 : vector<16xf32> to vector<16xf32>
      tpu.vector_store %arg22[%swap3A_1436], %swap3A_1439 {strides = array<i32>} : memref<2048xf32, #tpu.memory_space<vmem>>, vector<16xf32>,
      %mul3A_1440 = vector.broadcast %get3A_777 : f32 to vector<16xf32>
      %mul3A_1441 = arith.mulf %parallel_loop3A_1434#8, %mul3A_1440 : vector<16xf32>
      %swap3A_1442 = arith.constant 1792 : index
      %swap3A_1443 = tpu.vector_load %arg22[%swap3A_1442] {strides = array<i32>} : memref<2048xf32, #tpu.memory_space<vmem>>, vector<16xf32>,
      %swap3A_1444 = vector.shape_cast %swap3A_1443 : vector<16xf32> to vector<16xf32>
      %swap3A_1445 = vector.shape_cast %mul3A_1441 : vector<16xf32> to vector<16xf32>
      tpu.vector_store %arg22[%swap3A_1442], %swap3A_1445 {strides = array<i32>} : memref<2048xf32, #tpu.memory_space<vmem>>, vector<16xf32>,
      %select_n3A_1446 = arith.select %gt3A_1249, %parallel_loop3A_1434#1, %broadcast_in_dim3A_684 : vector<16xf32>
      %swap3A_1447 = arith.constant 784 : index
      %swap3A_1448 = tpu.vector_load %arg22[%swap3A_1447] {strides = array<i32>} : memref<2048xf32, #tpu.memory_space<vmem>>, vector<16xf32>,
      %swap3A_1449 = vector.shape_cast %swap3A_1448 : vector<16xf32> to vector<16xf32>
      %swap3A_1450 = vector.shape_cast %select_n3A_1446 : vector<16xf32> to vector<16xf32>
      tpu.vector_store %arg22[%swap3A_1447], %swap3A_1450 {strides = array<i32>} : memref<2048xf32, #tpu.memory_space<vmem>>, vector<16xf32>,
      %mul3A_1451 = vector.broadcast %get3A_777 : f32 to vector<16xf32>
      %mul3A_1452 = arith.mulf %parallel_loop3A_1434#9, %mul3A_1451 : vector<16xf32>
      %swap3A_1453 = arith.constant 1808 : index
      %swap3A_1454 = tpu.vector_load %arg22[%swap3A_1453] {strides = array<i32>} : memref<2048xf32, #tpu.memory_space<vmem>>, vector<16xf32>,
      %swap3A_1455 = vector.shape_cast %swap3A_1454 : vector<16xf32> to vector<16xf32>
      %swap3A_1456 = vector.shape_cast %mul3A_1452 : vector<16xf32> to vector<16xf32>
      tpu.vector_store %arg22[%swap3A_1453], %swap3A_1456 {strides = array<i32>} : memref<2048xf32, #tpu.memory_space<vmem>>, vector<16xf32>,
      %select_n3A_1457 = arith.select %gt3A_1249, %parallel_loop3A_1434#2, %broadcast_in_dim3A_684 : vector<16xf32>
      %swap3A_1458 = arith.constant 800 : index
      %swap3A_1459 = tpu.vector_load %arg22[%swap3A_1458] {strides = array<i32>} : memref<2048xf32, #tpu.memory_space<vmem>>, vector<16xf32>,
      %swap3A_1460 = vector.shape_cast %swap3A_1459 : vector<16xf32> to vector<16xf32>
      %swap3A_1461 = vector.shape_cast %select_n3A_1457 : vector<16xf32> to vector<16xf32>
      tpu.vector_store %arg22[%swap3A_1458], %swap3A_1461 {strides = array<i32>} : memref<2048xf32, #tpu.memory_space<vmem>>, vector<16xf32>,
      %mul3A_1462 = vector.broadcast %get3A_777 : f32 to vector<16xf32>
      %mul3A_1463 = arith.mulf %parallel_loop3A_1434#10, %mul3A_1462 : vector<16xf32>
      %swap3A_1464 = arith.constant 1824 : index
      %swap3A_1465 = tpu.vector_load %arg22[%swap3A_1464] {strides = array<i32>} : memref<2048xf32, #tpu.memory_space<vmem>>, vector<16xf32>,
      %swap3A_1466 = vector.shape_cast %swap3A_1465 : vector<16xf32> to vector<16xf32>
      %swap3A_1467 = vector.shape_cast %mul3A_1463 : vector<16xf32> to vector<16xf32>
      tpu.vector_store %arg22[%swap3A_1464], %swap3A_1467 {strides = array<i32>} : memref<2048xf32, #tpu.memory_space<vmem>>, vector<16xf32>,
      %select_n3A_1468 = arith.select %gt3A_1249, %parallel_loop3A_1434#3, %broadcast_in_dim3A_684 : vector<16xf32>
      %swap3A_1469 = arith.constant 816 : index
      %swap3A_1470 = tpu.vector_load %arg22[%swap3A_1469] {strides = array<i32>} : memref<2048xf32, #tpu.memory_space<vmem>>, vector<16xf32>,
      %swap3A_1471 = vector.shape_cast %swap3A_1470 : vector<16xf32> to vector<16xf32>
      %swap3A_1472 = vector.shape_cast %select_n3A_1468 : vector<16xf32> to vector<16xf32>
      tpu.vector_store %arg22[%swap3A_1469], %swap3A_1472 {strides = array<i32>} : memref<2048xf32, #tpu.memory_space<vmem>>, vector<16xf32>,
      %mul3A_1473 = vector.broadcast %get3A_777 : f32 to vector<16xf32>
      %mul3A_1474 = arith.mulf %parallel_loop3A_1434#11, %mul3A_1473 : vector<16xf32>
      %swap3A_1475 = arith.constant 1840 : index
      %swap3A_1476 = tpu.vector_load %arg22[%swap3A_1475] {strides = array<i32>} : memref<2048xf32, #tpu.memory_space<vmem>>, vector<16xf32>,
      %swap3A_1477 = vector.shape_cast %swap3A_1476 : vector<16xf32> to vector<16xf32>
      %swap3A_1478 = vector.shape_cast %mul3A_1474 : vector<16xf32> to vector<16xf32>
      tpu.vector_store %arg22[%swap3A_1475], %swap3A_1478 {strides = array<i32>} : memref<2048xf32, #tpu.memory_space<vmem>>, vector<16xf32>,
      %select_n3A_1479 = arith.select %gt3A_1249, %parallel_loop3A_1434#4, %broadcast_in_dim3A_684 : vector<16xf32>
      %swap3A_1480 = arith.constant 832 : index
      %swap3A_1481 = tpu.vector_load %arg22[%swap3A_1480] {strides = array<i32>} : memref<2048xf32, #tpu.memory_space<vmem>>, vector<16xf32>,
      %swap3A_1482 = vector.shape_cast %swap3A_1481 : vector<16xf32> to vector<16xf32>
      %swap3A_1483 = vector.shape_cast %select_n3A_1479 : vector<16xf32> to vector<16xf32>
      tpu.vector_store %arg22[%swap3A_1480], %swap3A_1483 {strides = array<i32>} : memref<2048xf32, #tpu.memory_space<vmem>>, vector<16xf32>,
      %mul3A_1484 = vector.broadcast %get3A_777 : f32 to vector<16xf32>
      %mul3A_1485 = arith.mulf %parallel_loop3A_1434#12, %mul3A_1484 : vector<16xf32>
      %swap3A_1486 = arith.constant 1856 : index
      %swap3A_1487 = tpu.vector_load %arg22[%swap3A_1486] {strides = array<i32>} : memref<2048xf32, #tpu.memory_space<vmem>>, vector<16xf32>,
      %swap3A_1488 = vector.shape_cast %swap3A_1487 : vector<16xf32> to vector<16xf32>
      %swap3A_1489 = vector.shape_cast %mul3A_1485 : vector<16xf32> to vector<16xf32>
      tpu.vector_store %arg22[%swap3A_1486], %swap3A_1489 {strides = array<i32>} : memref<2048xf32, #tpu.memory_space<vmem>>, vector<16xf32>,
      %select_n3A_1490 = arith.select %gt3A_1249, %parallel_loop3A_1434#5, %broadcast_in_dim3A_684 : vector<16xf32>
      %swap3A_1491 = arith.constant 848 : index
      %swap3A_1492 = tpu.vector_load %arg22[%swap3A_1491] {strides = array<i32>} : memref<2048xf32, #tpu.memory_space<vmem>>, vector<16xf32>,
      %swap3A_1493 = vector.shape_cast %swap3A_1492 : vector<16xf32> to vector<16xf32>
      %swap3A_1494 = vector.shape_cast %select_n3A_1490 : vector<16xf32> to vector<16xf32>
      tpu.vector_store %arg22[%swap3A_1491], %swap3A_1494 {strides = array<i32>} : memref<2048xf32, #tpu.memory_space<vmem>>, vector<16xf32>,
      %mul3A_1495 = vector.broadcast %get3A_777 : f32 to vector<16xf32>
      %mul3A_1496 = arith.mulf %parallel_loop3A_1434#13, %mul3A_1495 : vector<16xf32>
      %swap3A_1497 = arith.constant 1872 : index
      %swap3A_1498 = tpu.vector_load %arg22[%swap3A_1497] {strides = array<i32>} : memref<2048xf32, #tpu.memory_space<vmem>>, vector<16xf32>,
      %swap3A_1499 = vector.shape_cast %swap3A_1498 : vector<16xf32> to vector<16xf32>
      %swap3A_1500 = vector.shape_cast %mul3A_1496 : vector<16xf32> to vector<16xf32>
      tpu.vector_store %arg22[%swap3A_1497], %swap3A_1500 {strides = array<i32>} : memref<2048xf32, #tpu.memory_space<vmem>>, vector<16xf32>,
      %select_n3A_1501 = arith.select %gt3A_1249, %parallel_loop3A_1434#6, %broadcast_in_dim3A_684 : vector<16xf32>
      %swap3A_1502 = arith.constant 864 : index
      %swap3A_1503 = tpu.vector_load %arg22[%swap3A_1502] {strides = array<i32>} : memref<2048xf32, #tpu.memory_space<vmem>>, vector<16xf32>,
      %swap3A_1504 = vector.shape_cast %swap3A_1503 : vector<16xf32> to vector<16xf32>
      %swap3A_1505 = vector.shape_cast %select_n3A_1501 : vector<16xf32> to vector<16xf32>
      tpu.vector_store %arg22[%swap3A_1502], %swap3A_1505 {strides = array<i32>} : memref<2048xf32, #tpu.memory_space<vmem>>, vector<16xf32>,
      %mul3A_1506 = vector.broadcast %get3A_777 : f32 to vector<16xf32>
      %mul3A_1507 = arith.mulf %parallel_loop3A_1434#14, %mul3A_1506 : vector<16xf32>
      %swap3A_1508 = arith.constant 1888 : index
      %swap3A_1509 = tpu.vector_load %arg22[%swap3A_1508] {strides = array<i32>} : memref<2048xf32, #tpu.memory_space<vmem>>, vector<16xf32>,
      %swap3A_1510 = vector.shape_cast %swap3A_1509 : vector<16xf32> to vector<16xf32>
      %swap3A_1511 = vector.shape_cast %mul3A_1507 : vector<16xf32> to vector<16xf32>
      tpu.vector_store %arg22[%swap3A_1508], %swap3A_1511 {strides = array<i32>} : memref<2048xf32, #tpu.memory_space<vmem>>, vector<16xf32>,
      %select_n3A_1512 = arith.select %gt3A_1249, %parallel_loop3A_1434#7, %broadcast_in_dim3A_684 : vector<16xf32>
      %swap3A_1513 = arith.constant 880 : index
      %swap3A_1514 = tpu.vector_load %arg22[%swap3A_1513] {strides = array<i32>} : memref<2048xf32, #tpu.memory_space<vmem>>, vector<16xf32>,
      %swap3A_1515 = vector.shape_cast %swap3A_1514 : vector<16xf32> to vector<16xf32>
      %swap3A_1516 = vector.shape_cast %select_n3A_1512 : vector<16xf32> to vector<16xf32>
      tpu.vector_store %arg22[%swap3A_1513], %swap3A_1516 {strides = array<i32>} : memref<2048xf32, #tpu.memory_space<vmem>>, vector<16xf32>,
      %mul3A_1517 = vector.broadcast %get3A_777 : f32 to vector<16xf32>
      %mul3A_1518 = arith.mulf %parallel_loop3A_1434#15, %mul3A_1517 : vector<16xf32>
      %swap3A_1519 = arith.constant 1904 : index
      %swap3A_1520 = tpu.vector_load %arg22[%swap3A_1519] {strides = array<i32>} : memref<2048xf32, #tpu.memory_space<vmem>>, vector<16xf32>,
      %swap3A_1521 = vector.shape_cast %swap3A_1520 : vector<16xf32> to vector<16xf32>
      %swap3A_1522 = vector.shape_cast %mul3A_1518 : vector<16xf32> to vector<16xf32>
      tpu.vector_store %arg22[%swap3A_1519], %swap3A_1522 {strides = array<i32>} : memref<2048xf32, #tpu.memory_space<vmem>>, vector<16xf32>,
      %parallel_loop3A_1523 = arith.constant 0 : i32
      %parallel_loop3A_1524 = arith.constant 1 : i32
      %parallel_loop3A_1525:16 = scf.for %parallel_loop3A_1638 = %parallel_loop3A_1523 to %min3A_807 step %parallel_loop3A_1524 iter_args(%parallel_loop3A_1639 = %broadcast_in_dim3A_682, %parallel_loop3A_1640 = %broadcast_in_dim3A_682, %parallel_loop3A_1641 = %broadcast_in_dim3A_682, %parallel_loop3A_1642 = %broadcast_in_dim3A_682, %parallel_loop3A_1643 = %broadcast_in_dim3A_682, %parallel_loop3A_1644 = %broadcast_in_dim3A_682, %parallel_loop3A_1645 = %broadcast_in_dim3A_682, %parallel_loop3A_1646 = %broadcast_in_dim3A_682, %parallel_loop3A_1647 = %broadcast_in_dim3A_684, %parallel_loop3A_1648 = %broadcast_in_dim3A_684, %parallel_loop3A_1649 = %broadcast_in_dim3A_684, %parallel_loop3A_1650 = %broadcast_in_dim3A_684, %parallel_loop3A_1651 = %broadcast_in_dim3A_684, %parallel_loop3A_1652 = %broadcast_in_dim3A_684, %parallel_loop3A_1653 = %broadcast_in_dim3A_684, %parallel_loop3A_1654 = %broadcast_in_dim3A_684) -> (vector<16xf32>, vector<16xf32>, vector<16xf32>, vector<16xf32>, vector<16xf32>, vector<16xf32>, vector<16xf32>, vector<16xf32>, vector<16xf32>, vector<16xf32>, vector<16xf32>, vector<16xf32>, vector<16xf32>, vector<16xf32>, vector<16xf32>, vector<16xf32>)  : i32 {
        %parallel_loop3A_1655 = arith.index_cast %parallel_loop3A_1638 : i32 to index
        %parallel_loop3A_1656 = arith.constant 384 : index
        %parallel_loop3A_1657 = tpu.vector_load %arg20[%parallel_loop3A_1655, %parallel_loop3A_1656] {strides = array<i32>} : memref<112x512xf32, #tpu.memory_space<vmem>>, vector<1x16xf32>,
        %parallel_loop3A_1658 = vector.shape_cast %parallel_loop3A_1657 : vector<1x16xf32> to vector<16xf32>
        %parallel_loop3A_1659 = arith.maximumf %parallel_loop3A_1639, %parallel_loop3A_1658 : vector<16xf32>
        %parallel_loop3A_1660 = arith.addf %parallel_loop3A_1647, %parallel_loop3A_1658 : vector<16xf32>
        %parallel_loop3A_1661 = arith.index_cast %parallel_loop3A_1638 : i32 to index
        %parallel_loop3A_1662 = arith.constant 400 : index
        %parallel_loop3A_1663 = tpu.vector_load %arg20[%parallel_loop3A_1661, %parallel_loop3A_1662] {strides = array<i32>} : memref<112x512xf32, #tpu.memory_space<vmem>>, vector<1x16xf32>,
        %parallel_loop3A_1664 = vector.shape_cast %parallel_loop3A_1663 : vector<1x16xf32> to vector<16xf32>
        %parallel_loop3A_1665 = arith.maximumf %parallel_loop3A_1640, %parallel_loop3A_1664 : vector<16xf32>
        %parallel_loop3A_1666 = arith.addf %parallel_loop3A_1648, %parallel_loop3A_1664 : vector<16xf32>
        %parallel_loop3A_1667 = arith.index_cast %parallel_loop3A_1638 : i32 to index
        %parallel_loop3A_1668 = arith.constant 416 : index
        %parallel_loop3A_1669 = tpu.vector_load %arg20[%parallel_loop3A_1667, %parallel_loop3A_1668] {strides = array<i32>} : memref<112x512xf32, #tpu.memory_space<vmem>>, vector<1x16xf32>,
        %parallel_loop3A_1670 = vector.shape_cast %parallel_loop3A_1669 : vector<1x16xf32> to vector<16xf32>
        %parallel_loop3A_1671 = arith.maximumf %parallel_loop3A_1641, %parallel_loop3A_1670 : vector<16xf32>
        %parallel_loop3A_1672 = arith.addf %parallel_loop3A_1649, %parallel_loop3A_1670 : vector<16xf32>
        %parallel_loop3A_1673 = arith.index_cast %parallel_loop3A_1638 : i32 to index
        %parallel_loop3A_1674 = arith.constant 432 : index
        %parallel_loop3A_1675 = tpu.vector_load %arg20[%parallel_loop3A_1673, %parallel_loop3A_1674] {strides = array<i32>} : memref<112x512xf32, #tpu.memory_space<vmem>>, vector<1x16xf32>,
        %parallel_loop3A_1676 = vector.shape_cast %parallel_loop3A_1675 : vector<1x16xf32> to vector<16xf32>
        %parallel_loop3A_1677 = arith.maximumf %parallel_loop3A_1642, %parallel_loop3A_1676 : vector<16xf32>
        %parallel_loop3A_1678 = arith.addf %parallel_loop3A_1650, %parallel_loop3A_1676 : vector<16xf32>
        %parallel_loop3A_1679 = arith.index_cast %parallel_loop3A_1638 : i32 to index
        %parallel_loop3A_1680 = arith.constant 448 : index
        %parallel_loop3A_1681 = tpu.vector_load %arg20[%parallel_loop3A_1679, %parallel_loop3A_1680] {strides = array<i32>} : memref<112x512xf32, #tpu.memory_space<vmem>>, vector<1x16xf32>,
        %parallel_loop3A_1682 = vector.shape_cast %parallel_loop3A_1681 : vector<1x16xf32> to vector<16xf32>
        %parallel_loop3A_1683 = arith.maximumf %parallel_loop3A_1643, %parallel_loop3A_1682 : vector<16xf32>
        %parallel_loop3A_1684 = arith.addf %parallel_loop3A_1651, %parallel_loop3A_1682 : vector<16xf32>
        %parallel_loop3A_1685 = arith.index_cast %parallel_loop3A_1638 : i32 to index
        %parallel_loop3A_1686 = arith.constant 464 : index
        %parallel_loop3A_1687 = tpu.vector_load %arg20[%parallel_loop3A_1685, %parallel_loop3A_1686] {strides = array<i32>} : memref<112x512xf32, #tpu.memory_space<vmem>>, vector<1x16xf32>,
        %parallel_loop3A_1688 = vector.shape_cast %parallel_loop3A_1687 : vector<1x16xf32> to vector<16xf32>
        %parallel_loop3A_1689 = arith.maximumf %parallel_loop3A_1644, %parallel_loop3A_1688 : vector<16xf32>
        %parallel_loop3A_1690 = arith.addf %parallel_loop3A_1652, %parallel_loop3A_1688 : vector<16xf32>
        %parallel_loop3A_1691 = arith.index_cast %parallel_loop3A_1638 : i32 to index
        %parallel_loop3A_1692 = arith.constant 480 : index
        %parallel_loop3A_1693 = tpu.vector_load %arg20[%parallel_loop3A_1691, %parallel_loop3A_1692] {strides = array<i32>} : memref<112x512xf32, #tpu.memory_space<vmem>>, vector<1x16xf32>,
        %parallel_loop3A_1694 = vector.shape_cast %parallel_loop3A_1693 : vector<1x16xf32> to vector<16xf32>
        %parallel_loop3A_1695 = arith.maximumf %parallel_loop3A_1645, %parallel_loop3A_1694 : vector<16xf32>
        %parallel_loop3A_1696 = arith.addf %parallel_loop3A_1653, %parallel_loop3A_1694 : vector<16xf32>
        %parallel_loop3A_1697 = arith.index_cast %parallel_loop3A_1638 : i32 to index
        %parallel_loop3A_1698 = arith.constant 496 : index
        %parallel_loop3A_1699 = tpu.vector_load %arg20[%parallel_loop3A_1697, %parallel_loop3A_1698] {strides = array<i32>} : memref<112x512xf32, #tpu.memory_space<vmem>>, vector<1x16xf32>,
        %parallel_loop3A_1700 = vector.shape_cast %parallel_loop3A_1699 : vector<1x16xf32> to vector<16xf32>
        %parallel_loop3A_1701 = arith.maximumf %parallel_loop3A_1646, %parallel_loop3A_1700 : vector<16xf32>
        %parallel_loop3A_1702 = arith.addf %parallel_loop3A_1654, %parallel_loop3A_1700 : vector<16xf32>
        scf.yield %parallel_loop3A_1659, %parallel_loop3A_1665, %parallel_loop3A_1671, %parallel_loop3A_1677, %parallel_loop3A_1683, %parallel_loop3A_1689, %parallel_loop3A_1695, %parallel_loop3A_1701, %parallel_loop3A_1660, %parallel_loop3A_1666, %parallel_loop3A_1672, %parallel_loop3A_1678, %parallel_loop3A_1684, %parallel_loop3A_1690, %parallel_loop3A_1696, %parallel_loop3A_1702 : vector<16xf32>, vector<16xf32>, vector<16xf32>, vector<16xf32>, vector<16xf32>, vector<16xf32>, vector<16xf32>, vector<16xf32>, vector<16xf32>, vector<16xf32>, vector<16xf32>, vector<16xf32>, vector<16xf32>, vector<16xf32>, vector<16xf32>, vector<16xf32>
      } {sc.loop_unroll_factor = 2 : i64, sc.parallel_access}
      %select_n3A_1526 = arith.select %gt3A_1249, %parallel_loop3A_1525#0, %broadcast_in_dim3A_684 : vector<16xf32>
      %swap3A_1527 = arith.constant 896 : index
      %swap3A_1528 = tpu.vector_load %arg22[%swap3A_1527] {strides = array<i32>} : memref<2048xf32, #tpu.memory_space<vmem>>, vector<16xf32>,
      %swap3A_1529 = vector.shape_cast %swap3A_1528 : vector<16xf32> to vector<16xf32>
      %swap3A_1530 = vector.shape_cast %select_n3A_1526 : vector<16xf32> to vector<16xf32>
      tpu.vector_store %arg22[%swap3A_1527], %swap3A_1530 {strides = array<i32>} : memref<2048xf32, #tpu.memory_space<vmem>>, vector<16xf32>,
      %mul3A_1531 = vector.broadcast %get3A_777 : f32 to vector<16xf32>
      %mul3A_1532 = arith.mulf %parallel_loop3A_1525#8, %mul3A_1531 : vector<16xf32>
      %swap3A_1533 = arith.constant 1920 : index
      %swap3A_1534 = tpu.vector_load %arg22[%swap3A_1533] {strides = array<i32>} : memref<2048xf32, #tpu.memory_space<vmem>>, vector<16xf32>,
      %swap3A_1535 = vector.shape_cast %swap3A_1534 : vector<16xf32> to vector<16xf32>
      %swap3A_1536 = vector.shape_cast %mul3A_1532 : vector<16xf32> to vector<16xf32>
      tpu.vector_store %arg22[%swap3A_1533], %swap3A_1536 {strides = array<i32>} : memref<2048xf32, #tpu.memory_space<vmem>>, vector<16xf32>,
      %select_n3A_1537 = arith.select %gt3A_1249, %parallel_loop3A_1525#1, %broadcast_in_dim3A_684 : vector<16xf32>
      %swap3A_1538 = arith.constant 912 : index
      %swap3A_1539 = tpu.vector_load %arg22[%swap3A_1538] {strides = array<i32>} : memref<2048xf32, #tpu.memory_space<vmem>>, vector<16xf32>,
      %swap3A_1540 = vector.shape_cast %swap3A_1539 : vector<16xf32> to vector<16xf32>
      %swap3A_1541 = vector.shape_cast %select_n3A_1537 : vector<16xf32> to vector<16xf32>
      tpu.vector_store %arg22[%swap3A_1538], %swap3A_1541 {strides = array<i32>} : memref<2048xf32, #tpu.memory_space<vmem>>, vector<16xf32>,
      %mul3A_1542 = vector.broadcast %get3A_777 : f32 to vector<16xf32>
      %mul3A_1543 = arith.mulf %parallel_loop3A_1525#9, %mul3A_1542 : vector<16xf32>
      %swap3A_1544 = arith.constant 1936 : index
      %swap3A_1545 = tpu.vector_load %arg22[%swap3A_1544] {strides = array<i32>} : memref<2048xf32, #tpu.memory_space<vmem>>, vector<16xf32>,
      %swap3A_1546 = vector.shape_cast %swap3A_1545 : vector<16xf32> to vector<16xf32>
      %swap3A_1547 = vector.shape_cast %mul3A_1543 : vector<16xf32> to vector<16xf32>
      tpu.vector_store %arg22[%swap3A_1544], %swap3A_1547 {strides = array<i32>} : memref<2048xf32, #tpu.memory_space<vmem>>, vector<16xf32>,
      %select_n3A_1548 = arith.select %gt3A_1249, %parallel_loop3A_1525#2, %broadcast_in_dim3A_684 : vector<16xf32>
      %swap3A_1549 = arith.constant 928 : index
      %swap3A_1550 = tpu.vector_load %arg22[%swap3A_1549] {strides = array<i32>} : memref<2048xf32, #tpu.memory_space<vmem>>, vector<16xf32>,
      %swap3A_1551 = vector.shape_cast %swap3A_1550 : vector<16xf32> to vector<16xf32>
      %swap3A_1552 = vector.shape_cast %select_n3A_1548 : vector<16xf32> to vector<16xf32>
      tpu.vector_store %arg22[%swap3A_1549], %swap3A_1552 {strides = array<i32>} : memref<2048xf32, #tpu.memory_space<vmem>>, vector<16xf32>,
      %mul3A_1553 = vector.broadcast %get3A_777 : f32 to vector<16xf32>
      %mul3A_1554 = arith.mulf %parallel_loop3A_1525#10, %mul3A_1553 : vector<16xf32>
      %swap3A_1555 = arith.constant 1952 : index
      %swap3A_1556 = tpu.vector_load %arg22[%swap3A_1555] {strides = array<i32>} : memref<2048xf32, #tpu.memory_space<vmem>>, vector<16xf32>,
      %swap3A_1557 = vector.shape_cast %swap3A_1556 : vector<16xf32> to vector<16xf32>
      %swap3A_1558 = vector.shape_cast %mul3A_1554 : vector<16xf32> to vector<16xf32>
      tpu.vector_store %arg22[%swap3A_1555], %swap3A_1558 {strides = array<i32>} : memref<2048xf32, #tpu.memory_space<vmem>>, vector<16xf32>,
      %select_n3A_1559 = arith.select %gt3A_1249, %parallel_loop3A_1525#3, %broadcast_in_dim3A_684 : vector<16xf32>
      %swap3A_1560 = arith.constant 944 : index
      %swap3A_1561 = tpu.vector_load %arg22[%swap3A_1560] {strides = array<i32>} : memref<2048xf32, #tpu.memory_space<vmem>>, vector<16xf32>,
      %swap3A_1562 = vector.shape_cast %swap3A_1561 : vector<16xf32> to vector<16xf32>
      %swap3A_1563 = vector.shape_cast %select_n3A_1559 : vector<16xf32> to vector<16xf32>
      tpu.vector_store %arg22[%swap3A_1560], %swap3A_1563 {strides = array<i32>} : memref<2048xf32, #tpu.memory_space<vmem>>, vector<16xf32>,
      %mul3A_1564 = vector.broadcast %get3A_777 : f32 to vector<16xf32>
      %mul3A_1565 = arith.mulf %parallel_loop3A_1525#11, %mul3A_1564 : vector<16xf32>
      %swap3A_1566 = arith.constant 1968 : index
      %swap3A_1567 = tpu.vector_load %arg22[%swap3A_1566] {strides = array<i32>} : memref<2048xf32, #tpu.memory_space<vmem>>, vector<16xf32>,
      %swap3A_1568 = vector.shape_cast %swap3A_1567 : vector<16xf32> to vector<16xf32>
      %swap3A_1569 = vector.shape_cast %mul3A_1565 : vector<16xf32> to vector<16xf32>
      tpu.vector_store %arg22[%swap3A_1566], %swap3A_1569 {strides = array<i32>} : memref<2048xf32, #tpu.memory_space<vmem>>, vector<16xf32>,
      %select_n3A_1570 = arith.select %gt3A_1249, %parallel_loop3A_1525#4, %broadcast_in_dim3A_684 : vector<16xf32>
      %swap3A_1571 = arith.constant 960 : index
      %swap3A_1572 = tpu.vector_load %arg22[%swap3A_1571] {strides = array<i32>} : memref<2048xf32, #tpu.memory_space<vmem>>, vector<16xf32>,
      %swap3A_1573 = vector.shape_cast %swap3A_1572 : vector<16xf32> to vector<16xf32>
      %swap3A_1574 = vector.shape_cast %select_n3A_1570 : vector<16xf32> to vector<16xf32>
      tpu.vector_store %arg22[%swap3A_1571], %swap3A_1574 {strides = array<i32>} : memref<2048xf32, #tpu.memory_space<vmem>>, vector<16xf32>,
      %mul3A_1575 = vector.broadcast %get3A_777 : f32 to vector<16xf32>
      %mul3A_1576 = arith.mulf %parallel_loop3A_1525#12, %mul3A_1575 : vector<16xf32>
      %swap3A_1577 = arith.constant 1984 : index
      %swap3A_1578 = tpu.vector_load %arg22[%swap3A_1577] {strides = array<i32>} : memref<2048xf32, #tpu.memory_space<vmem>>, vector<16xf32>,
      %swap3A_1579 = vector.shape_cast %swap3A_1578 : vector<16xf32> to vector<16xf32>
      %swap3A_1580 = vector.shape_cast %mul3A_1576 : vector<16xf32> to vector<16xf32>
      tpu.vector_store %arg22[%swap3A_1577], %swap3A_1580 {strides = array<i32>} : memref<2048xf32, #tpu.memory_space<vmem>>, vector<16xf32>,
      %select_n3A_1581 = arith.select %gt3A_1249, %parallel_loop3A_1525#5, %broadcast_in_dim3A_684 : vector<16xf32>
      %swap3A_1582 = arith.constant 976 : index
      %swap3A_1583 = tpu.vector_load %arg22[%swap3A_1582] {strides = array<i32>} : memref<2048xf32, #tpu.memory_space<vmem>>, vector<16xf32>,
      %swap3A_1584 = vector.shape_cast %swap3A_1583 : vector<16xf32> to vector<16xf32>
      %swap3A_1585 = vector.shape_cast %select_n3A_1581 : vector<16xf32> to vector<16xf32>
      tpu.vector_store %arg22[%swap3A_1582], %swap3A_1585 {strides = array<i32>} : memref<2048xf32, #tpu.memory_space<vmem>>, vector<16xf32>,
      %mul3A_1586 = vector.broadcast %get3A_777 : f32 to vector<16xf32>
      %mul3A_1587 = arith.mulf %parallel_loop3A_1525#13, %mul3A_1586 : vector<16xf32>
      %swap3A_1588 = arith.constant 2000 : index
      %swap3A_1589 = tpu.vector_load %arg22[%swap3A_1588] {strides = array<i32>} : memref<2048xf32, #tpu.memory_space<vmem>>, vector<16xf32>,
      %swap3A_1590 = vector.shape_cast %swap3A_1589 : vector<16xf32> to vector<16xf32>
      %swap3A_1591 = vector.shape_cast %mul3A_1587 : vector<16xf32> to vector<16xf32>
      tpu.vector_store %arg22[%swap3A_1588], %swap3A_1591 {strides = array<i32>} : memref<2048xf32, #tpu.memory_space<vmem>>, vector<16xf32>,
      %select_n3A_1592 = arith.select %gt3A_1249, %parallel_loop3A_1525#6, %broadcast_in_dim3A_684 : vector<16xf32>
      %swap3A_1593 = arith.constant 992 : index
      %swap3A_1594 = tpu.vector_load %arg22[%swap3A_1593] {strides = array<i32>} : memref<2048xf32, #tpu.memory_space<vmem>>, vector<16xf32>,
      %swap3A_1595 = vector.shape_cast %swap3A_1594 : vector<16xf32> to vector<16xf32>
      %swap3A_1596 = vector.shape_cast %select_n3A_1592 : vector<16xf32> to vector<16xf32>
      tpu.vector_store %arg22[%swap3A_1593], %swap3A_1596 {strides = array<i32>} : memref<2048xf32, #tpu.memory_space<vmem>>, vector<16xf32>,
      %mul3A_1597 = vector.broadcast %get3A_777 : f32 to vector<16xf32>
      %mul3A_1598 = arith.mulf %parallel_loop3A_1525#14, %mul3A_1597 : vector<16xf32>
      %swap3A_1599 = arith.constant 2016 : index
      %swap3A_1600 = tpu.vector_load %arg22[%swap3A_1599] {strides = array<i32>} : memref<2048xf32, #tpu.memory_space<vmem>>, vector<16xf32>,
      %swap3A_1601 = vector.shape_cast %swap3A_1600 : vector<16xf32> to vector<16xf32>
      %swap3A_1602 = vector.shape_cast %mul3A_1598 : vector<16xf32> to vector<16xf32>
      tpu.vector_store %arg22[%swap3A_1599], %swap3A_1602 {strides = array<i32>} : memref<2048xf32, #tpu.memory_space<vmem>>, vector<16xf32>,
      %select_n3A_1603 = arith.select %gt3A_1249, %parallel_loop3A_1525#7, %broadcast_in_dim3A_684 : vector<16xf32>
      %swap3A_1604 = arith.constant 1008 : index
      %swap3A_1605 = tpu.vector_load %arg22[%swap3A_1604] {strides = array<i32>} : memref<2048xf32, #tpu.memory_space<vmem>>, vector<16xf32>,
      %swap3A_1606 = vector.shape_cast %swap3A_1605 : vector<16xf32> to vector<16xf32>
      %swap3A_1607 = vector.shape_cast %select_n3A_1603 : vector<16xf32> to vector<16xf32>
      tpu.vector_store %arg22[%swap3A_1604], %swap3A_1607 {strides = array<i32>} : memref<2048xf32, #tpu.memory_space<vmem>>, vector<16xf32>,
      %mul3A_1608 = vector.broadcast %get3A_777 : f32 to vector<16xf32>
      %mul3A_1609 = arith.mulf %parallel_loop3A_1525#15, %mul3A_1608 : vector<16xf32>
      %swap3A_1610 = arith.constant 2032 : index
      %swap3A_1611 = tpu.vector_load %arg22[%swap3A_1610] {strides = array<i32>} : memref<2048xf32, #tpu.memory_space<vmem>>, vector<16xf32>,
      %swap3A_1612 = vector.shape_cast %swap3A_1611 : vector<16xf32> to vector<16xf32>
      %swap3A_1613 = vector.shape_cast %mul3A_1609 : vector<16xf32> to vector<16xf32>
      tpu.vector_store %arg22[%swap3A_1610], %swap3A_1613 {strides = array<i32>} : memref<2048xf32, #tpu.memory_space<vmem>>, vector<16xf32>,
      %add3A_1614 = arith.constant 1 : i32
      %add3A_1615 = arith.addi %scan3A_765, %add3A_1614 : i32
      %lt3A = arith.constant 32 : i32
      %lt3A_1616 = arith.cmpi slt, %add3A_1615, %lt3A : i32
      %convert_element_type3A_1617 = arith.extui %lt3A_1616 : i1 to i32
      %cond3A_1618 = arith.constant 0 : i32
      %cond3A_1619 = arith.cmpi ne, %convert_element_type3A_1617, %cond3A_1618 : i32
      scf.if %cond3A_1619 {
        %add3A_1638 = arith.constant 1 : i32
        %add3A_1639 = arith.addi %scan3A_765, %add3A_1638 : i32
        %get3A_1640 = arith.index_cast %add3A_1639 : i32 to index
        %get3A_1641 = memref.load %arg17[%get3A_1640] : memref<32xi32, #tpu.memory_space<smem>>
        %min3A_1642 = arith.constant 200 : i32
        %min3A_1643 = arith.minsi %get3A_1641, %min3A_1642 : i32
        %min3A_1644 = arith.constant 112 : i32
        %min3A_1645 = arith.minsi %min3A_1643, %min3A_1644 : i32
        %add3A_1646 = arith.constant 16 : i32
        %add3A_1647 = arith.addi %min3A_1645, %add3A_1646 : i32
        %sub3A_1648 = arith.constant 1 : i32
        %sub3A_1649 = arith.subi %add3A_1647, %sub3A_1648 : i32
        %jit3A_1650 = arith.constant 16 : i32
        %div3A_1651 = arith.divsi %sub3A_1649, %jit3A_1650 : i32
        %sign3A_1652 = arith.constant 0 : i32
        %sign3A_1653 = arith.cmpi sgt, %sub3A_1649, %sign3A_1652 : i32
        %sign3A_1654 = arith.extui %sign3A_1653 : i1 to i32
        %sign3A_1655 = arith.constant 0 : i32
        %sign3A_1656 = arith.cmpi slt, %sub3A_1649, %sign3A_1655 : i32
        %sign3A_1657 = arith.extui %sign3A_1656 : i1 to i32
        %sign3A_1658 = arith.subi %sign3A_1654, %sign3A_1657 : i32
        %sign3A_1659 = arith.constant 0 : i32
        %sign3A_1660 = arith.cmpi sgt, %jit3A_1650, %sign3A_1659 : i32
        %sign3A_1661 = arith.extui %sign3A_1660 : i1 to i32
        %sign3A_1662 = arith.constant 0 : i32
        %sign3A_1663 = arith.cmpi slt, %jit3A_1650, %sign3A_1662 : i32
        %sign3A_1664 = arith.extui %sign3A_1663 : i1 to i32
        %sign3A_1665 = arith.subi %sign3A_1661, %sign3A_1664 : i32
        %ne3A_1666 = arith.cmpi ne, %sign3A_1658, %sign3A_1665 : i32
        %rem3A_1667 = arith.remsi %sub3A_1649, %jit3A_1650 : i32
        %ne3A_1668 = arith.constant 0 : i32
        %ne3A_1669 = arith.cmpi ne, %rem3A_1667, %ne3A_1668 : i32
        %and3A_1670 = arith.andi %ne3A_1666, %ne3A_1669 : i1
        %sub3A_1671 = arith.constant 1 : i32
        %sub3A_1672 = arith.subi %div3A_1651, %sub3A_1671 : i32
        %select_n3A_1673 = arith.select %and3A_1670, %sub3A_1672, %div3A_1651 : i32
        %scan3A_1674 = arith.constant 0 : i32
        %scan3A_1675 = arith.constant 0 : i32
        %scan3A_1676 = arith.addi %scan3A_1674, %scan3A_1675 : i32
        %scan3A_1677 = arith.constant 0 : i32
      } else {
      }
      %gt3A_1620 = arith.constant 0 : i32
      %gt3A_1621 = arith.cmpi sgt, %min3A_840, %gt3A_1620 : i32
      %convert_element_type3A_1622 = arith.extui %gt3A_1621 : i1 to i32
      %cond3A_1623 = arith.constant 0 : i32
      %cond3A_1624 = arith.cmpi ne, %convert_element_type3A_1622, %cond3A_1623 : i32
      scf.if %cond3A_1624 {
        %scan3A_1638 = arith.constant 0 : i32
        %scan3A_1639 = arith.constant 0 : i32
        %scan3A_1640 = arith.addi %scan3A_1638, %scan3A_1639 : i32
        %scan3A_1641 = arith.constant 0 : i32
        %parallel_loop3A_1642 = arith.constant 0 : i32
        %parallel_loop3A_1643 = arith.constant 1 : i32
        %parallel_loop3A_1644:16 = scf.for %parallel_loop3A_2230 = %parallel_loop3A_1642 to %min3A_840 step %parallel_loop3A_1643 iter_args(%parallel_loop3A_2231 = %broadcast_in_dim3A_682, %parallel_loop3A_2232 = %broadcast_in_dim3A_682, %parallel_loop3A_2233 = %broadcast_in_dim3A_682, %parallel_loop3A_2234 = %broadcast_in_dim3A_682, %parallel_loop3A_2235 = %broadcast_in_dim3A_682, %parallel_loop3A_2236 = %broadcast_in_dim3A_682, %parallel_loop3A_2237 = %broadcast_in_dim3A_682, %parallel_loop3A_2238 = %broadcast_in_dim3A_682, %parallel_loop3A_2239 = %broadcast_in_dim3A_684, %parallel_loop3A_2240 = %broadcast_in_dim3A_684, %parallel_loop3A_2241 = %broadcast_in_dim3A_684, %parallel_loop3A_2242 = %broadcast_in_dim3A_684, %parallel_loop3A_2243 = %broadcast_in_dim3A_684, %parallel_loop3A_2244 = %broadcast_in_dim3A_684, %parallel_loop3A_2245 = %broadcast_in_dim3A_684, %parallel_loop3A_2246 = %broadcast_in_dim3A_684) -> (vector<16xf32>, vector<16xf32>, vector<16xf32>, vector<16xf32>, vector<16xf32>, vector<16xf32>, vector<16xf32>, vector<16xf32>, vector<16xf32>, vector<16xf32>, vector<16xf32>, vector<16xf32>, vector<16xf32>, vector<16xf32>, vector<16xf32>, vector<16xf32>)  : i32 {
          %parallel_loop3A_2247 = arith.index_cast %parallel_loop3A_2230 : i32 to index
          %parallel_loop3A_2248 = arith.constant 0 : index
          %parallel_loop3A_2249 = tpu.vector_load %arg21[%parallel_loop3A_2247, %parallel_loop3A_2248] {strides = array<i32>} : memref<96x512xf32, #tpu.memory_space<vmem>>, vector<1x16xf32>,
          %parallel_loop3A_2250 = vector.shape_cast %parallel_loop3A_2249 : vector<1x16xf32> to vector<16xf32>
          %parallel_loop3A_2251 = arith.maximumf %parallel_loop3A_2231, %parallel_loop3A_2250 : vector<16xf32>
          %parallel_loop3A_2252 = arith.addf %parallel_loop3A_2239, %parallel_loop3A_2250 : vector<16xf32>
          %parallel_loop3A_2253 = arith.index_cast %parallel_loop3A_2230 : i32 to index
          %parallel_loop3A_2254 = arith.constant 16 : index
          %parallel_loop3A_2255 = tpu.vector_load %arg21[%parallel_loop3A_2253, %parallel_loop3A_2254] {strides = array<i32>} : memref<96x512xf32, #tpu.memory_space<vmem>>, vector<1x16xf32>,
          %parallel_loop3A_2256 = vector.shape_cast %parallel_loop3A_2255 : vector<1x16xf32> to vector<16xf32>
          %parallel_loop3A_2257 = arith.maximumf %parallel_loop3A_2232, %parallel_loop3A_2256 : vector<16xf32>
          %parallel_loop3A_2258 = arith.addf %parallel_loop3A_2240, %parallel_loop3A_2256 : vector<16xf32>
          %parallel_loop3A_2259 = arith.index_cast %parallel_loop3A_2230 : i32 to index
          %parallel_loop3A_2260 = arith.constant 32 : index
          %parallel_loop3A_2261 = tpu.vector_load %arg21[%parallel_loop3A_2259, %parallel_loop3A_2260] {strides = array<i32>} : memref<96x512xf32, #tpu.memory_space<vmem>>, vector<1x16xf32>,
          %parallel_loop3A_2262 = vector.shape_cast %parallel_loop3A_2261 : vector<1x16xf32> to vector<16xf32>
          %parallel_loop3A_2263 = arith.maximumf %parallel_loop3A_2233, %parallel_loop3A_2262 : vector<16xf32>
          %parallel_loop3A_2264 = arith.addf %parallel_loop3A_2241, %parallel_loop3A_2262 : vector<16xf32>
          %parallel_loop3A_2265 = arith.index_cast %parallel_loop3A_2230 : i32 to index
          %parallel_loop3A_2266 = arith.constant 48 : index
          %parallel_loop3A_2267 = tpu.vector_load %arg21[%parallel_loop3A_2265, %parallel_loop3A_2266] {strides = array<i32>} : memref<96x512xf32, #tpu.memory_space<vmem>>, vector<1x16xf32>,
          %parallel_loop3A_2268 = vector.shape_cast %parallel_loop3A_2267 : vector<1x16xf32> to vector<16xf32>
          %parallel_loop3A_2269 = arith.maximumf %parallel_loop3A_2234, %parallel_loop3A_2268 : vector<16xf32>
          %parallel_loop3A_2270 = arith.addf %parallel_loop3A_2242, %parallel_loop3A_2268 : vector<16xf32>
          %parallel_loop3A_2271 = arith.index_cast %parallel_loop3A_2230 : i32 to index
          %parallel_loop3A_2272 = arith.constant 64 : index
          %parallel_loop3A_2273 = tpu.vector_load %arg21[%parallel_loop3A_2271, %parallel_loop3A_2272] {strides = array<i32>} : memref<96x512xf32, #tpu.memory_space<vmem>>, vector<1x16xf32>,
          %parallel_loop3A_2274 = vector.shape_cast %parallel_loop3A_2273 : vector<1x16xf32> to vector<16xf32>
          %parallel_loop3A_2275 = arith.maximumf %parallel_loop3A_2235, %parallel_loop3A_2274 : vector<16xf32>
          %parallel_loop3A_2276 = arith.addf %parallel_loop3A_2243, %parallel_loop3A_2274 : vector<16xf32>
          %parallel_loop3A_2277 = arith.index_cast %parallel_loop3A_2230 : i32 to index
          %parallel_loop3A_2278 = arith.constant 80 : index
          %parallel_loop3A_2279 = tpu.vector_load %arg21[%parallel_loop3A_2277, %parallel_loop3A_2278] {strides = array<i32>} : memref<96x512xf32, #tpu.memory_space<vmem>>, vector<1x16xf32>,
          %parallel_loop3A_2280 = vector.shape_cast %parallel_loop3A_2279 : vector<1x16xf32> to vector<16xf32>
          %parallel_loop3A_2281 = arith.maximumf %parallel_loop3A_2236, %parallel_loop3A_2280 : vector<16xf32>
          %parallel_loop3A_2282 = arith.addf %parallel_loop3A_2244, %parallel_loop3A_2280 : vector<16xf32>
          %parallel_loop3A_2283 = arith.index_cast %parallel_loop3A_2230 : i32 to index
          %parallel_loop3A_2284 = arith.constant 96 : index
          %parallel_loop3A_2285 = tpu.vector_load %arg21[%parallel_loop3A_2283, %parallel_loop3A_2284] {strides = array<i32>} : memref<96x512xf32, #tpu.memory_space<vmem>>, vector<1x16xf32>,
          %parallel_loop3A_2286 = vector.shape_cast %parallel_loop3A_2285 : vector<1x16xf32> to vector<16xf32>
          %parallel_loop3A_2287 = arith.maximumf %parallel_loop3A_2237, %parallel_loop3A_2286 : vector<16xf32>
          %parallel_loop3A_2288 = arith.addf %parallel_loop3A_2245, %parallel_loop3A_2286 : vector<16xf32>
          %parallel_loop3A_2289 = arith.index_cast %parallel_loop3A_2230 : i32 to index
          %parallel_loop3A_2290 = arith.constant 112 : index
          %parallel_loop3A_2291 = tpu.vector_load %arg21[%parallel_loop3A_2289, %parallel_loop3A_2290] {strides = array<i32>} : memref<96x512xf32, #tpu.memory_space<vmem>>, vector<1x16xf32>,
          %parallel_loop3A_2292 = vector.shape_cast %parallel_loop3A_2291 : vector<1x16xf32> to vector<16xf32>
          %parallel_loop3A_2293 = arith.maximumf %parallel_loop3A_2238, %parallel_loop3A_2292 : vector<16xf32>
          %parallel_loop3A_2294 = arith.addf %parallel_loop3A_2246, %parallel_loop3A_2292 : vector<16xf32>
          scf.yield %parallel_loop3A_2251, %parallel_loop3A_2257, %parallel_loop3A_2263, %parallel_loop3A_2269, %parallel_loop3A_2275, %parallel_loop3A_2281, %parallel_loop3A_2287, %parallel_loop3A_2293, %parallel_loop3A_2252, %parallel_loop3A_2258, %parallel_loop3A_2264, %parallel_loop3A_2270, %parallel_loop3A_2276, %parallel_loop3A_2282, %parallel_loop3A_2288, %parallel_loop3A_2294 : vector<16xf32>, vector<16xf32>, vector<16xf32>, vector<16xf32>, vector<16xf32>, vector<16xf32>, vector<16xf32>, vector<16xf32>, vector<16xf32>, vector<16xf32>, vector<16xf32>, vector<16xf32>, vector<16xf32>, vector<16xf32>, vector<16xf32>, vector<16xf32>
        } {sc.loop_unroll_factor = 2 : i64, sc.parallel_access}
        %get3A_1645 = arith.constant 512 : index
        %get3A_1646 = tpu.vector_load %arg22[%get3A_1645] {strides = array<i32>} : memref<2048xf32, #tpu.memory_space<vmem>>, vector<16xf32>,
        %get3A_1647 = vector.shape_cast %get3A_1646 : vector<16xf32> to vector<16xf32>
        %get3A_1648 = arith.constant 1536 : index
        %get3A_1649 = tpu.vector_load %arg22[%get3A_1648] {strides = array<i32>} : memref<2048xf32, #tpu.memory_space<vmem>>, vector<16xf32>,
        %get3A_1650 = vector.shape_cast %get3A_1649 : vector<16xf32> to vector<16xf32>
        %max3A_1651 = arith.maximumf %get3A_1647, %parallel_loop3A_1644#0 : vector<16xf32>
        %swap3A_1652 = arith.constant 512 : index
        %swap3A_1653 = tpu.vector_load %arg22[%swap3A_1652] {strides = array<i32>} : memref<2048xf32, #tpu.memory_space<vmem>>, vector<16xf32>,
        %swap3A_1654 = vector.shape_cast %swap3A_1653 : vector<16xf32> to vector<16xf32>
        %swap3A_1655 = vector.shape_cast %max3A_1651 : vector<16xf32> to vector<16xf32>
        tpu.vector_store %arg22[%swap3A_1652], %swap3A_1655 {strides = array<i32>} : memref<2048xf32, #tpu.memory_space<vmem>>, vector<16xf32>,
        %mul3A_1656 = vector.broadcast %get3A_777 : f32 to vector<16xf32>
        %mul3A_1657 = arith.mulf %parallel_loop3A_1644#8, %mul3A_1656 : vector<16xf32>
        %add3A_1658 = arith.addf %get3A_1650, %mul3A_1657 : vector<16xf32>
        %swap3A_1659 = arith.constant 1536 : index
        %swap3A_1660 = tpu.vector_load %arg22[%swap3A_1659] {strides = array<i32>} : memref<2048xf32, #tpu.memory_space<vmem>>, vector<16xf32>,
        %swap3A_1661 = vector.shape_cast %swap3A_1660 : vector<16xf32> to vector<16xf32>
        %swap3A_1662 = vector.shape_cast %add3A_1658 : vector<16xf32> to vector<16xf32>
        tpu.vector_store %arg22[%swap3A_1659], %swap3A_1662 {strides = array<i32>} : memref<2048xf32, #tpu.memory_space<vmem>>, vector<16xf32>,
        %get3A_1663 = arith.constant 528 : index
        %get3A_1664 = tpu.vector_load %arg22[%get3A_1663] {strides = array<i32>} : memref<2048xf32, #tpu.memory_space<vmem>>, vector<16xf32>,
        %get3A_1665 = vector.shape_cast %get3A_1664 : vector<16xf32> to vector<16xf32>
        %get3A_1666 = arith.constant 1552 : index
        %get3A_1667 = tpu.vector_load %arg22[%get3A_1666] {strides = array<i32>} : memref<2048xf32, #tpu.memory_space<vmem>>, vector<16xf32>,
        %get3A_1668 = vector.shape_cast %get3A_1667 : vector<16xf32> to vector<16xf32>
        %max3A_1669 = arith.maximumf %get3A_1665, %parallel_loop3A_1644#1 : vector<16xf32>
        %swap3A_1670 = arith.constant 528 : index
        %swap3A_1671 = tpu.vector_load %arg22[%swap3A_1670] {strides = array<i32>} : memref<2048xf32, #tpu.memory_space<vmem>>, vector<16xf32>,
        %swap3A_1672 = vector.shape_cast %swap3A_1671 : vector<16xf32> to vector<16xf32>
        %swap3A_1673 = vector.shape_cast %max3A_1669 : vector<16xf32> to vector<16xf32>
        tpu.vector_store %arg22[%swap3A_1670], %swap3A_1673 {strides = array<i32>} : memref<2048xf32, #tpu.memory_space<vmem>>, vector<16xf32>,
        %mul3A_1674 = vector.broadcast %get3A_777 : f32 to vector<16xf32>
        %mul3A_1675 = arith.mulf %parallel_loop3A_1644#9, %mul3A_1674 : vector<16xf32>
        %add3A_1676 = arith.addf %get3A_1668, %mul3A_1675 : vector<16xf32>
        %swap3A_1677 = arith.constant 1552 : index
        %swap3A_1678 = tpu.vector_load %arg22[%swap3A_1677] {strides = array<i32>} : memref<2048xf32, #tpu.memory_space<vmem>>, vector<16xf32>,
        %swap3A_1679 = vector.shape_cast %swap3A_1678 : vector<16xf32> to vector<16xf32>
        %swap3A_1680 = vector.shape_cast %add3A_1676 : vector<16xf32> to vector<16xf32>
        tpu.vector_store %arg22[%swap3A_1677], %swap3A_1680 {strides = array<i32>} : memref<2048xf32, #tpu.memory_space<vmem>>, vector<16xf32>,
        %get3A_1681 = arith.constant 544 : index
        %get3A_1682 = tpu.vector_load %arg22[%get3A_1681] {strides = array<i32>} : memref<2048xf32, #tpu.memory_space<vmem>>, vector<16xf32>,
        %get3A_1683 = vector.shape_cast %get3A_1682 : vector<16xf32> to vector<16xf32>
        %get3A_1684 = arith.constant 1568 : index
        %get3A_1685 = tpu.vector_load %arg22[%get3A_1684] {strides = array<i32>} : memref<2048xf32, #tpu.memory_space<vmem>>, vector<16xf32>,
        %get3A_1686 = vector.shape_cast %get3A_1685 : vector<16xf32> to vector<16xf32>
        %max3A_1687 = arith.maximumf %get3A_1683, %parallel_loop3A_1644#2 : vector<16xf32>
        %swap3A_1688 = arith.constant 544 : index
        %swap3A_1689 = tpu.vector_load %arg22[%swap3A_1688] {strides = array<i32>} : memref<2048xf32, #tpu.memory_space<vmem>>, vector<16xf32>,
        %swap3A_1690 = vector.shape_cast %swap3A_1689 : vector<16xf32> to vector<16xf32>
        %swap3A_1691 = vector.shape_cast %max3A_1687 : vector<16xf32> to vector<16xf32>
        tpu.vector_store %arg22[%swap3A_1688], %swap3A_1691 {strides = array<i32>} : memref<2048xf32, #tpu.memory_space<vmem>>, vector<16xf32>,
        %mul3A_1692 = vector.broadcast %get3A_777 : f32 to vector<16xf32>
        %mul3A_1693 = arith.mulf %parallel_loop3A_1644#10, %mul3A_1692 : vector<16xf32>
        %add3A_1694 = arith.addf %get3A_1686, %mul3A_1693 : vector<16xf32>
        %swap3A_1695 = arith.constant 1568 : index
        %swap3A_1696 = tpu.vector_load %arg22[%swap3A_1695] {strides = array<i32>} : memref<2048xf32, #tpu.memory_space<vmem>>, vector<16xf32>,
        %swap3A_1697 = vector.shape_cast %swap3A_1696 : vector<16xf32> to vector<16xf32>
        %swap3A_1698 = vector.shape_cast %add3A_1694 : vector<16xf32> to vector<16xf32>
        tpu.vector_store %arg22[%swap3A_1695], %swap3A_1698 {strides = array<i32>} : memref<2048xf32, #tpu.memory_space<vmem>>, vector<16xf32>,
        %get3A_1699 = arith.constant 560 : index
        %get3A_1700 = tpu.vector_load %arg22[%get3A_1699] {strides = array<i32>} : memref<2048xf32, #tpu.memory_space<vmem>>, vector<16xf32>,
        %get3A_1701 = vector.shape_cast %get3A_1700 : vector<16xf32> to vector<16xf32>
        %get3A_1702 = arith.constant 1584 : index
        %get3A_1703 = tpu.vector_load %arg22[%get3A_1702] {strides = array<i32>} : memref<2048xf32, #tpu.memory_space<vmem>>, vector<16xf32>,
        %get3A_1704 = vector.shape_cast %get3A_1703 : vector<16xf32> to vector<16xf32>
        %max3A_1705 = arith.maximumf %get3A_1701, %parallel_loop3A_1644#3 : vector<16xf32>
        %swap3A_1706 = arith.constant 560 : index
        %swap3A_1707 = tpu.vector_load %arg22[%swap3A_1706] {strides = array<i32>} : memref<2048xf32, #tpu.memory_space<vmem>>, vector<16xf32>,
        %swap3A_1708 = vector.shape_cast %swap3A_1707 : vector<16xf32> to vector<16xf32>
        %swap3A_1709 = vector.shape_cast %max3A_1705 : vector<16xf32> to vector<16xf32>
        tpu.vector_store %arg22[%swap3A_1706], %swap3A_1709 {strides = array<i32>} : memref<2048xf32, #tpu.memory_space<vmem>>, vector<16xf32>,
        %mul3A_1710 = vector.broadcast %get3A_777 : f32 to vector<16xf32>
        %mul3A_1711 = arith.mulf %parallel_loop3A_1644#11, %mul3A_1710 : vector<16xf32>
        %add3A_1712 = arith.addf %get3A_1704, %mul3A_1711 : vector<16xf32>
        %swap3A_1713 = arith.constant 1584 : index
        %swap3A_1714 = tpu.vector_load %arg22[%swap3A_1713] {strides = array<i32>} : memref<2048xf32, #tpu.memory_space<vmem>>, vector<16xf32>,
        %swap3A_1715 = vector.shape_cast %swap3A_1714 : vector<16xf32> to vector<16xf32>
        %swap3A_1716 = vector.shape_cast %add3A_1712 : vector<16xf32> to vector<16xf32>
        tpu.vector_store %arg22[%swap3A_1713], %swap3A_1716 {strides = array<i32>} : memref<2048xf32, #tpu.memory_space<vmem>>, vector<16xf32>,
        %get3A_1717 = arith.constant 576 : index
        %get3A_1718 = tpu.vector_load %arg22[%get3A_1717] {strides = array<i32>} : memref<2048xf32, #tpu.memory_space<vmem>>, vector<16xf32>,
        %get3A_1719 = vector.shape_cast %get3A_1718 : vector<16xf32> to vector<16xf32>
        %get3A_1720 = arith.constant 1600 : index
        %get3A_1721 = tpu.vector_load %arg22[%get3A_1720] {strides = array<i32>} : memref<2048xf32, #tpu.memory_space<vmem>>, vector<16xf32>,
        %get3A_1722 = vector.shape_cast %get3A_1721 : vector<16xf32> to vector<16xf32>
        %max3A_1723 = arith.maximumf %get3A_1719, %parallel_loop3A_1644#4 : vector<16xf32>
        %swap3A_1724 = arith.constant 576 : index
        %swap3A_1725 = tpu.vector_load %arg22[%swap3A_1724] {strides = array<i32>} : memref<2048xf32, #tpu.memory_space<vmem>>, vector<16xf32>,
        %swap3A_1726 = vector.shape_cast %swap3A_1725 : vector<16xf32> to vector<16xf32>
        %swap3A_1727 = vector.shape_cast %max3A_1723 : vector<16xf32> to vector<16xf32>
        tpu.vector_store %arg22[%swap3A_1724], %swap3A_1727 {strides = array<i32>} : memref<2048xf32, #tpu.memory_space<vmem>>, vector<16xf32>,
        %mul3A_1728 = vector.broadcast %get3A_777 : f32 to vector<16xf32>
        %mul3A_1729 = arith.mulf %parallel_loop3A_1644#12, %mul3A_1728 : vector<16xf32>
        %add3A_1730 = arith.addf %get3A_1722, %mul3A_1729 : vector<16xf32>
        %swap3A_1731 = arith.constant 1600 : index
        %swap3A_1732 = tpu.vector_load %arg22[%swap3A_1731] {strides = array<i32>} : memref<2048xf32, #tpu.memory_space<vmem>>, vector<16xf32>,
        %swap3A_1733 = vector.shape_cast %swap3A_1732 : vector<16xf32> to vector<16xf32>
        %swap3A_1734 = vector.shape_cast %add3A_1730 : vector<16xf32> to vector<16xf32>
        tpu.vector_store %arg22[%swap3A_1731], %swap3A_1734 {strides = array<i32>} : memref<2048xf32, #tpu.memory_space<vmem>>, vector<16xf32>,
        %get3A_1735 = arith.constant 592 : index
        %get3A_1736 = tpu.vector_load %arg22[%get3A_1735] {strides = array<i32>} : memref<2048xf32, #tpu.memory_space<vmem>>, vector<16xf32>,
        %get3A_1737 = vector.shape_cast %get3A_1736 : vector<16xf32> to vector<16xf32>
        %get3A_1738 = arith.constant 1616 : index
        %get3A_1739 = tpu.vector_load %arg22[%get3A_1738] {strides = array<i32>} : memref<2048xf32, #tpu.memory_space<vmem>>, vector<16xf32>,
        %get3A_1740 = vector.shape_cast %get3A_1739 : vector<16xf32> to vector<16xf32>
        %max3A_1741 = arith.maximumf %get3A_1737, %parallel_loop3A_1644#5 : vector<16xf32>
        %swap3A_1742 = arith.constant 592 : index
        %swap3A_1743 = tpu.vector_load %arg22[%swap3A_1742] {strides = array<i32>} : memref<2048xf32, #tpu.memory_space<vmem>>, vector<16xf32>,
        %swap3A_1744 = vector.shape_cast %swap3A_1743 : vector<16xf32> to vector<16xf32>
        %swap3A_1745 = vector.shape_cast %max3A_1741 : vector<16xf32> to vector<16xf32>
        tpu.vector_store %arg22[%swap3A_1742], %swap3A_1745 {strides = array<i32>} : memref<2048xf32, #tpu.memory_space<vmem>>, vector<16xf32>,
        %mul3A_1746 = vector.broadcast %get3A_777 : f32 to vector<16xf32>
        %mul3A_1747 = arith.mulf %parallel_loop3A_1644#13, %mul3A_1746 : vector<16xf32>
        %add3A_1748 = arith.addf %get3A_1740, %mul3A_1747 : vector<16xf32>
        %swap3A_1749 = arith.constant 1616 : index
        %swap3A_1750 = tpu.vector_load %arg22[%swap3A_1749] {strides = array<i32>} : memref<2048xf32, #tpu.memory_space<vmem>>, vector<16xf32>,
        %swap3A_1751 = vector.shape_cast %swap3A_1750 : vector<16xf32> to vector<16xf32>
        %swap3A_1752 = vector.shape_cast %add3A_1748 : vector<16xf32> to vector<16xf32>
        tpu.vector_store %arg22[%swap3A_1749], %swap3A_1752 {strides = array<i32>} : memref<2048xf32, #tpu.memory_space<vmem>>, vector<16xf32>,
        %get3A_1753 = arith.constant 608 : index
        %get3A_1754 = tpu.vector_load %arg22[%get3A_1753] {strides = array<i32>} : memref<2048xf32, #tpu.memory_space<vmem>>, vector<16xf32>,
        %get3A_1755 = vector.shape_cast %get3A_1754 : vector<16xf32> to vector<16xf32>
        %get3A_1756 = arith.constant 1632 : index
        %get3A_1757 = tpu.vector_load %arg22[%get3A_1756] {strides = array<i32>} : memref<2048xf32, #tpu.memory_space<vmem>>, vector<16xf32>,
        %get3A_1758 = vector.shape_cast %get3A_1757 : vector<16xf32> to vector<16xf32>
        %max3A_1759 = arith.maximumf %get3A_1755, %parallel_loop3A_1644#6 : vector<16xf32>
        %swap3A_1760 = arith.constant 608 : index
        %swap3A_1761 = tpu.vector_load %arg22[%swap3A_1760] {strides = array<i32>} : memref<2048xf32, #tpu.memory_space<vmem>>, vector<16xf32>,
        %swap3A_1762 = vector.shape_cast %swap3A_1761 : vector<16xf32> to vector<16xf32>
        %swap3A_1763 = vector.shape_cast %max3A_1759 : vector<16xf32> to vector<16xf32>
        tpu.vector_store %arg22[%swap3A_1760], %swap3A_1763 {strides = array<i32>} : memref<2048xf32, #tpu.memory_space<vmem>>, vector<16xf32>,
        %mul3A_1764 = vector.broadcast %get3A_777 : f32 to vector<16xf32>
        %mul3A_1765 = arith.mulf %parallel_loop3A_1644#14, %mul3A_1764 : vector<16xf32>
        %add3A_1766 = arith.addf %get3A_1758, %mul3A_1765 : vector<16xf32>
        %swap3A_1767 = arith.constant 1632 : index
        %swap3A_1768 = tpu.vector_load %arg22[%swap3A_1767] {strides = array<i32>} : memref<2048xf32, #tpu.memory_space<vmem>>, vector<16xf32>,
        %swap3A_1769 = vector.shape_cast %swap3A_1768 : vector<16xf32> to vector<16xf32>
        %swap3A_1770 = vector.shape_cast %add3A_1766 : vector<16xf32> to vector<16xf32>
        tpu.vector_store %arg22[%swap3A_1767], %swap3A_1770 {strides = array<i32>} : memref<2048xf32, #tpu.memory_space<vmem>>, vector<16xf32>,
        %get3A_1771 = arith.constant 624 : index
        %get3A_1772 = tpu.vector_load %arg22[%get3A_1771] {strides = array<i32>} : memref<2048xf32, #tpu.memory_space<vmem>>, vector<16xf32>,
        %get3A_1773 = vector.shape_cast %get3A_1772 : vector<16xf32> to vector<16xf32>
        %get3A_1774 = arith.constant 1648 : index
        %get3A_1775 = tpu.vector_load %arg22[%get3A_1774] {strides = array<i32>} : memref<2048xf32, #tpu.memory_space<vmem>>, vector<16xf32>,
        %get3A_1776 = vector.shape_cast %get3A_1775 : vector<16xf32> to vector<16xf32>
        %max3A_1777 = arith.maximumf %get3A_1773, %parallel_loop3A_1644#7 : vector<16xf32>
        %swap3A_1778 = arith.constant 624 : index
        %swap3A_1779 = tpu.vector_load %arg22[%swap3A_1778] {strides = array<i32>} : memref<2048xf32, #tpu.memory_space<vmem>>, vector<16xf32>,
        %swap3A_1780 = vector.shape_cast %swap3A_1779 : vector<16xf32> to vector<16xf32>
        %swap3A_1781 = vector.shape_cast %max3A_1777 : vector<16xf32> to vector<16xf32>
        tpu.vector_store %arg22[%swap3A_1778], %swap3A_1781 {strides = array<i32>} : memref<2048xf32, #tpu.memory_space<vmem>>, vector<16xf32>,
        %mul3A_1782 = vector.broadcast %get3A_777 : f32 to vector<16xf32>
        %mul3A_1783 = arith.mulf %parallel_loop3A_1644#15, %mul3A_1782 : vector<16xf32>
        %add3A_1784 = arith.addf %get3A_1776, %mul3A_1783 : vector<16xf32>
        %swap3A_1785 = arith.constant 1648 : index
        %swap3A_1786 = tpu.vector_load %arg22[%swap3A_1785] {strides = array<i32>} : memref<2048xf32, #tpu.memory_space<vmem>>, vector<16xf32>,
        %swap3A_1787 = vector.shape_cast %swap3A_1786 : vector<16xf32> to vector<16xf32>
        %swap3A_1788 = vector.shape_cast %add3A_1784 : vector<16xf32> to vector<16xf32>
        tpu.vector_store %arg22[%swap3A_1785], %swap3A_1788 {strides = array<i32>} : memref<2048xf32, #tpu.memory_space<vmem>>, vector<16xf32>,
        %parallel_loop3A_1789 = arith.constant 0 : i32
        %parallel_loop3A_1790 = arith.constant 1 : i32
        %parallel_loop3A_1791:16 = scf.for %parallel_loop3A_2230 = %parallel_loop3A_1789 to %min3A_840 step %parallel_loop3A_1790 iter_args(%parallel_loop3A_2231 = %broadcast_in_dim3A_682, %parallel_loop3A_2232 = %broadcast_in_dim3A_682, %parallel_loop3A_2233 = %broadcast_in_dim3A_682, %parallel_loop3A_2234 = %broadcast_in_dim3A_682, %parallel_loop3A_2235 = %broadcast_in_dim3A_682, %parallel_loop3A_2236 = %broadcast_in_dim3A_682, %parallel_loop3A_2237 = %broadcast_in_dim3A_682, %parallel_loop3A_2238 = %broadcast_in_dim3A_682, %parallel_loop3A_2239 = %broadcast_in_dim3A_684, %parallel_loop3A_2240 = %broadcast_in_dim3A_684, %parallel_loop3A_2241 = %broadcast_in_dim3A_684, %parallel_loop3A_2242 = %broadcast_in_dim3A_684, %parallel_loop3A_2243 = %broadcast_in_dim3A_684, %parallel_loop3A_2244 = %broadcast_in_dim3A_684, %parallel_loop3A_2245 = %broadcast_in_dim3A_684, %parallel_loop3A_2246 = %broadcast_in_dim3A_684) -> (vector<16xf32>, vector<16xf32>, vector<16xf32>, vector<16xf32>, vector<16xf32>, vector<16xf32>, vector<16xf32>, vector<16xf32>, vector<16xf32>, vector<16xf32>, vector<16xf32>, vector<16xf32>, vector<16xf32>, vector<16xf32>, vector<16xf32>, vector<16xf32>)  : i32 {
          %parallel_loop3A_2247 = arith.index_cast %parallel_loop3A_2230 : i32 to index
          %parallel_loop3A_2248 = arith.constant 128 : index
          %parallel_loop3A_2249 = tpu.vector_load %arg21[%parallel_loop3A_2247, %parallel_loop3A_2248] {strides = array<i32>} : memref<96x512xf32, #tpu.memory_space<vmem>>, vector<1x16xf32>,
          %parallel_loop3A_2250 = vector.shape_cast %parallel_loop3A_2249 : vector<1x16xf32> to vector<16xf32>
          %parallel_loop3A_2251 = arith.maximumf %parallel_loop3A_2231, %parallel_loop3A_2250 : vector<16xf32>
          %parallel_loop3A_2252 = arith.addf %parallel_loop3A_2239, %parallel_loop3A_2250 : vector<16xf32>
          %parallel_loop3A_2253 = arith.index_cast %parallel_loop3A_2230 : i32 to index
          %parallel_loop3A_2254 = arith.constant 144 : index
          %parallel_loop3A_2255 = tpu.vector_load %arg21[%parallel_loop3A_2253, %parallel_loop3A_2254] {strides = array<i32>} : memref<96x512xf32, #tpu.memory_space<vmem>>, vector<1x16xf32>,
          %parallel_loop3A_2256 = vector.shape_cast %parallel_loop3A_2255 : vector<1x16xf32> to vector<16xf32>
          %parallel_loop3A_2257 = arith.maximumf %parallel_loop3A_2232, %parallel_loop3A_2256 : vector<16xf32>
          %parallel_loop3A_2258 = arith.addf %parallel_loop3A_2240, %parallel_loop3A_2256 : vector<16xf32>
          %parallel_loop3A_2259 = arith.index_cast %parallel_loop3A_2230 : i32 to index
          %parallel_loop3A_2260 = arith.constant 160 : index
          %parallel_loop3A_2261 = tpu.vector_load %arg21[%parallel_loop3A_2259, %parallel_loop3A_2260] {strides = array<i32>} : memref<96x512xf32, #tpu.memory_space<vmem>>, vector<1x16xf32>,
          %parallel_loop3A_2262 = vector.shape_cast %parallel_loop3A_2261 : vector<1x16xf32> to vector<16xf32>
          %parallel_loop3A_2263 = arith.maximumf %parallel_loop3A_2233, %parallel_loop3A_2262 : vector<16xf32>
          %parallel_loop3A_2264 = arith.addf %parallel_loop3A_2241, %parallel_loop3A_2262 : vector<16xf32>
          %parallel_loop3A_2265 = arith.index_cast %parallel_loop3A_2230 : i32 to index
          %parallel_loop3A_2266 = arith.constant 176 : index
          %parallel_loop3A_2267 = tpu.vector_load %arg21[%parallel_loop3A_2265, %parallel_loop3A_2266] {strides = array<i32>} : memref<96x512xf32, #tpu.memory_space<vmem>>, vector<1x16xf32>,
          %parallel_loop3A_2268 = vector.shape_cast %parallel_loop3A_2267 : vector<1x16xf32> to vector<16xf32>
          %parallel_loop3A_2269 = arith.maximumf %parallel_loop3A_2234, %parallel_loop3A_2268 : vector<16xf32>
          %parallel_loop3A_2270 = arith.addf %parallel_loop3A_2242, %parallel_loop3A_2268 : vector<16xf32>
          %parallel_loop3A_2271 = arith.index_cast %parallel_loop3A_2230 : i32 to index
          %parallel_loop3A_2272 = arith.constant 192 : index
          %parallel_loop3A_2273 = tpu.vector_load %arg21[%parallel_loop3A_2271, %parallel_loop3A_2272] {strides = array<i32>} : memref<96x512xf32, #tpu.memory_space<vmem>>, vector<1x16xf32>,
          %parallel_loop3A_2274 = vector.shape_cast %parallel_loop3A_2273 : vector<1x16xf32> to vector<16xf32>
          %parallel_loop3A_2275 = arith.maximumf %parallel_loop3A_2235, %parallel_loop3A_2274 : vector<16xf32>
          %parallel_loop3A_2276 = arith.addf %parallel_loop3A_2243, %parallel_loop3A_2274 : vector<16xf32>
          %parallel_loop3A_2277 = arith.index_cast %parallel_loop3A_2230 : i32 to index
          %parallel_loop3A_2278 = arith.constant 208 : index
          %parallel_loop3A_2279 = tpu.vector_load %arg21[%parallel_loop3A_2277, %parallel_loop3A_2278] {strides = array<i32>} : memref<96x512xf32, #tpu.memory_space<vmem>>, vector<1x16xf32>,
          %parallel_loop3A_2280 = vector.shape_cast %parallel_loop3A_2279 : vector<1x16xf32> to vector<16xf32>
          %parallel_loop3A_2281 = arith.maximumf %parallel_loop3A_2236, %parallel_loop3A_2280 : vector<16xf32>
          %parallel_loop3A_2282 = arith.addf %parallel_loop3A_2244, %parallel_loop3A_2280 : vector<16xf32>
          %parallel_loop3A_2283 = arith.index_cast %parallel_loop3A_2230 : i32 to index
          %parallel_loop3A_2284 = arith.constant 224 : index
          %parallel_loop3A_2285 = tpu.vector_load %arg21[%parallel_loop3A_2283, %parallel_loop3A_2284] {strides = array<i32>} : memref<96x512xf32, #tpu.memory_space<vmem>>, vector<1x16xf32>,
          %parallel_loop3A_2286 = vector.shape_cast %parallel_loop3A_2285 : vector<1x16xf32> to vector<16xf32>
          %parallel_loop3A_2287 = arith.maximumf %parallel_loop3A_2237, %parallel_loop3A_2286 : vector<16xf32>
          %parallel_loop3A_2288 = arith.addf %parallel_loop3A_2245, %parallel_loop3A_2286 : vector<16xf32>
          %parallel_loop3A_2289 = arith.index_cast %parallel_loop3A_2230 : i32 to index
          %parallel_loop3A_2290 = arith.constant 240 : index
          %parallel_loop3A_2291 = tpu.vector_load %arg21[%parallel_loop3A_2289, %parallel_loop3A_2290] {strides = array<i32>} : memref<96x512xf32, #tpu.memory_space<vmem>>, vector<1x16xf32>,
          %parallel_loop3A_2292 = vector.shape_cast %parallel_loop3A_2291 : vector<1x16xf32> to vector<16xf32>
          %parallel_loop3A_2293 = arith.maximumf %parallel_loop3A_2238, %parallel_loop3A_2292 : vector<16xf32>
          %parallel_loop3A_2294 = arith.addf %parallel_loop3A_2246, %parallel_loop3A_2292 : vector<16xf32>
          scf.yield %parallel_loop3A_2251, %parallel_loop3A_2257, %parallel_loop3A_2263, %parallel_loop3A_2269, %parallel_loop3A_2275, %parallel_loop3A_2281, %parallel_loop3A_2287, %parallel_loop3A_2293, %parallel_loop3A_2252, %parallel_loop3A_2258, %parallel_loop3A_2264, %parallel_loop3A_2270, %parallel_loop3A_2276, %parallel_loop3A_2282, %parallel_loop3A_2288, %parallel_loop3A_2294 : vector<16xf32>, vector<16xf32>, vector<16xf32>, vector<16xf32>, vector<16xf32>, vector<16xf32>, vector<16xf32>, vector<16xf32>, vector<16xf32>, vector<16xf32>, vector<16xf32>, vector<16xf32>, vector<16xf32>, vector<16xf32>, vector<16xf32>, vector<16xf32>
        } {sc.loop_unroll_factor = 2 : i64, sc.parallel_access}
        %get3A_1792 = arith.constant 640 : index
        %get3A_1793 = tpu.vector_load %arg22[%get3A_1792] {strides = array<i32>} : memref<2048xf32, #tpu.memory_space<vmem>>, vector<16xf32>,
        %get3A_1794 = vector.shape_cast %get3A_1793 : vector<16xf32> to vector<16xf32>
        %get3A_1795 = arith.constant 1664 : index
        %get3A_1796 = tpu.vector_load %arg22[%get3A_1795] {strides = array<i32>} : memref<2048xf32, #tpu.memory_space<vmem>>, vector<16xf32>,
        %get3A_1797 = vector.shape_cast %get3A_1796 : vector<16xf32> to vector<16xf32>
        %max3A_1798 = arith.maximumf %get3A_1794, %parallel_loop3A_1791#0 : vector<16xf32>
        %swap3A_1799 = arith.constant 640 : index
        %swap3A_1800 = tpu.vector_load %arg22[%swap3A_1799] {strides = array<i32>} : memref<2048xf32, #tpu.memory_space<vmem>>, vector<16xf32>,
        %swap3A_1801 = vector.shape_cast %swap3A_1800 : vector<16xf32> to vector<16xf32>
        %swap3A_1802 = vector.shape_cast %max3A_1798 : vector<16xf32> to vector<16xf32>
        tpu.vector_store %arg22[%swap3A_1799], %swap3A_1802 {strides = array<i32>} : memref<2048xf32, #tpu.memory_space<vmem>>, vector<16xf32>,
        %mul3A_1803 = vector.broadcast %get3A_777 : f32 to vector<16xf32>
        %mul3A_1804 = arith.mulf %parallel_loop3A_1791#8, %mul3A_1803 : vector<16xf32>
        %add3A_1805 = arith.addf %get3A_1797, %mul3A_1804 : vector<16xf32>
        %swap3A_1806 = arith.constant 1664 : index
        %swap3A_1807 = tpu.vector_load %arg22[%swap3A_1806] {strides = array<i32>} : memref<2048xf32, #tpu.memory_space<vmem>>, vector<16xf32>,
        %swap3A_1808 = vector.shape_cast %swap3A_1807 : vector<16xf32> to vector<16xf32>
        %swap3A_1809 = vector.shape_cast %add3A_1805 : vector<16xf32> to vector<16xf32>
        tpu.vector_store %arg22[%swap3A_1806], %swap3A_1809 {strides = array<i32>} : memref<2048xf32, #tpu.memory_space<vmem>>, vector<16xf32>,
        %get3A_1810 = arith.constant 656 : index
        %get3A_1811 = tpu.vector_load %arg22[%get3A_1810] {strides = array<i32>} : memref<2048xf32, #tpu.memory_space<vmem>>, vector<16xf32>,
        %get3A_1812 = vector.shape_cast %get3A_1811 : vector<16xf32> to vector<16xf32>
        %get3A_1813 = arith.constant 1680 : index
        %get3A_1814 = tpu.vector_load %arg22[%get3A_1813] {strides = array<i32>} : memref<2048xf32, #tpu.memory_space<vmem>>, vector<16xf32>,
        %get3A_1815 = vector.shape_cast %get3A_1814 : vector<16xf32> to vector<16xf32>
        %max3A_1816 = arith.maximumf %get3A_1812, %parallel_loop3A_1791#1 : vector<16xf32>
        %swap3A_1817 = arith.constant 656 : index
        %swap3A_1818 = tpu.vector_load %arg22[%swap3A_1817] {strides = array<i32>} : memref<2048xf32, #tpu.memory_space<vmem>>, vector<16xf32>,
        %swap3A_1819 = vector.shape_cast %swap3A_1818 : vector<16xf32> to vector<16xf32>
        %swap3A_1820 = vector.shape_cast %max3A_1816 : vector<16xf32> to vector<16xf32>
        tpu.vector_store %arg22[%swap3A_1817], %swap3A_1820 {strides = array<i32>} : memref<2048xf32, #tpu.memory_space<vmem>>, vector<16xf32>,
        %mul3A_1821 = vector.broadcast %get3A_777 : f32 to vector<16xf32>
        %mul3A_1822 = arith.mulf %parallel_loop3A_1791#9, %mul3A_1821 : vector<16xf32>
        %add3A_1823 = arith.addf %get3A_1815, %mul3A_1822 : vector<16xf32>
        %swap3A_1824 = arith.constant 1680 : index
        %swap3A_1825 = tpu.vector_load %arg22[%swap3A_1824] {strides = array<i32>} : memref<2048xf32, #tpu.memory_space<vmem>>, vector<16xf32>,
        %swap3A_1826 = vector.shape_cast %swap3A_1825 : vector<16xf32> to vector<16xf32>
        %swap3A_1827 = vector.shape_cast %add3A_1823 : vector<16xf32> to vector<16xf32>
        tpu.vector_store %arg22[%swap3A_1824], %swap3A_1827 {strides = array<i32>} : memref<2048xf32, #tpu.memory_space<vmem>>, vector<16xf32>,
        %get3A_1828 = arith.constant 672 : index
        %get3A_1829 = tpu.vector_load %arg22[%get3A_1828] {strides = array<i32>} : memref<2048xf32, #tpu.memory_space<vmem>>, vector<16xf32>,
        %get3A_1830 = vector.shape_cast %get3A_1829 : vector<16xf32> to vector<16xf32>
        %get3A_1831 = arith.constant 1696 : index
        %get3A_1832 = tpu.vector_load %arg22[%get3A_1831] {strides = array<i32>} : memref<2048xf32, #tpu.memory_space<vmem>>, vector<16xf32>,
        %get3A_1833 = vector.shape_cast %get3A_1832 : vector<16xf32> to vector<16xf32>
        %max3A_1834 = arith.maximumf %get3A_1830, %parallel_loop3A_1791#2 : vector<16xf32>
        %swap3A_1835 = arith.constant 672 : index
        %swap3A_1836 = tpu.vector_load %arg22[%swap3A_1835] {strides = array<i32>} : memref<2048xf32, #tpu.memory_space<vmem>>, vector<16xf32>,
        %swap3A_1837 = vector.shape_cast %swap3A_1836 : vector<16xf32> to vector<16xf32>
        %swap3A_1838 = vector.shape_cast %max3A_1834 : vector<16xf32> to vector<16xf32>
        tpu.vector_store %arg22[%swap3A_1835], %swap3A_1838 {strides = array<i32>} : memref<2048xf32, #tpu.memory_space<vmem>>, vector<16xf32>,
        %mul3A_1839 = vector.broadcast %get3A_777 : f32 to vector<16xf32>
        %mul3A_1840 = arith.mulf %parallel_loop3A_1791#10, %mul3A_1839 : vector<16xf32>
        %add3A_1841 = arith.addf %get3A_1833, %mul3A_1840 : vector<16xf32>
        %swap3A_1842 = arith.constant 1696 : index
        %swap3A_1843 = tpu.vector_load %arg22[%swap3A_1842] {strides = array<i32>} : memref<2048xf32, #tpu.memory_space<vmem>>, vector<16xf32>,
        %swap3A_1844 = vector.shape_cast %swap3A_1843 : vector<16xf32> to vector<16xf32>
        %swap3A_1845 = vector.shape_cast %add3A_1841 : vector<16xf32> to vector<16xf32>
        tpu.vector_store %arg22[%swap3A_1842], %swap3A_1845 {strides = array<i32>} : memref<2048xf32, #tpu.memory_space<vmem>>, vector<16xf32>,
        %get3A_1846 = arith.constant 688 : index
        %get3A_1847 = tpu.vector_load %arg22[%get3A_1846] {strides = array<i32>} : memref<2048xf32, #tpu.memory_space<vmem>>, vector<16xf32>,
        %get3A_1848 = vector.shape_cast %get3A_1847 : vector<16xf32> to vector<16xf32>
        %get3A_1849 = arith.constant 1712 : index
        %get3A_1850 = tpu.vector_load %arg22[%get3A_1849] {strides = array<i32>} : memref<2048xf32, #tpu.memory_space<vmem>>, vector<16xf32>,
        %get3A_1851 = vector.shape_cast %get3A_1850 : vector<16xf32> to vector<16xf32>
        %max3A_1852 = arith.maximumf %get3A_1848, %parallel_loop3A_1791#3 : vector<16xf32>
        %swap3A_1853 = arith.constant 688 : index
        %swap3A_1854 = tpu.vector_load %arg22[%swap3A_1853] {strides = array<i32>} : memref<2048xf32, #tpu.memory_space<vmem>>, vector<16xf32>,
        %swap3A_1855 = vector.shape_cast %swap3A_1854 : vector<16xf32> to vector<16xf32>
        %swap3A_1856 = vector.shape_cast %max3A_1852 : vector<16xf32> to vector<16xf32>
        tpu.vector_store %arg22[%swap3A_1853], %swap3A_1856 {strides = array<i32>} : memref<2048xf32, #tpu.memory_space<vmem>>, vector<16xf32>,
        %mul3A_1857 = vector.broadcast %get3A_777 : f32 to vector<16xf32>
        %mul3A_1858 = arith.mulf %parallel_loop3A_1791#11, %mul3A_1857 : vector<16xf32>
        %add3A_1859 = arith.addf %get3A_1851, %mul3A_1858 : vector<16xf32>
        %swap3A_1860 = arith.constant 1712 : index
        %swap3A_1861 = tpu.vector_load %arg22[%swap3A_1860] {strides = array<i32>} : memref<2048xf32, #tpu.memory_space<vmem>>, vector<16xf32>,
        %swap3A_1862 = vector.shape_cast %swap3A_1861 : vector<16xf32> to vector<16xf32>
        %swap3A_1863 = vector.shape_cast %add3A_1859 : vector<16xf32> to vector<16xf32>
        tpu.vector_store %arg22[%swap3A_1860], %swap3A_1863 {strides = array<i32>} : memref<2048xf32, #tpu.memory_space<vmem>>, vector<16xf32>,
        %get3A_1864 = arith.constant 704 : index
        %get3A_1865 = tpu.vector_load %arg22[%get3A_1864] {strides = array<i32>} : memref<2048xf32, #tpu.memory_space<vmem>>, vector<16xf32>,
        %get3A_1866 = vector.shape_cast %get3A_1865 : vector<16xf32> to vector<16xf32>
        %get3A_1867 = arith.constant 1728 : index
        %get3A_1868 = tpu.vector_load %arg22[%get3A_1867] {strides = array<i32>} : memref<2048xf32, #tpu.memory_space<vmem>>, vector<16xf32>,
        %get3A_1869 = vector.shape_cast %get3A_1868 : vector<16xf32> to vector<16xf32>
        %max3A_1870 = arith.maximumf %get3A_1866, %parallel_loop3A_1791#4 : vector<16xf32>
        %swap3A_1871 = arith.constant 704 : index
        %swap3A_1872 = tpu.vector_load %arg22[%swap3A_1871] {strides = array<i32>} : memref<2048xf32, #tpu.memory_space<vmem>>, vector<16xf32>,
        %swap3A_1873 = vector.shape_cast %swap3A_1872 : vector<16xf32> to vector<16xf32>
        %swap3A_1874 = vector.shape_cast %max3A_1870 : vector<16xf32> to vector<16xf32>
        tpu.vector_store %arg22[%swap3A_1871], %swap3A_1874 {strides = array<i32>} : memref<2048xf32, #tpu.memory_space<vmem>>, vector<16xf32>,
        %mul3A_1875 = vector.broadcast %get3A_777 : f32 to vector<16xf32>
        %mul3A_1876 = arith.mulf %parallel_loop3A_1791#12, %mul3A_1875 : vector<16xf32>
        %add3A_1877 = arith.addf %get3A_1869, %mul3A_1876 : vector<16xf32>
        %swap3A_1878 = arith.constant 1728 : index
        %swap3A_1879 = tpu.vector_load %arg22[%swap3A_1878] {strides = array<i32>} : memref<2048xf32, #tpu.memory_space<vmem>>, vector<16xf32>,
        %swap3A_1880 = vector.shape_cast %swap3A_1879 : vector<16xf32> to vector<16xf32>
        %swap3A_1881 = vector.shape_cast %add3A_1877 : vector<16xf32> to vector<16xf32>
        tpu.vector_store %arg22[%swap3A_1878], %swap3A_1881 {strides = array<i32>} : memref<2048xf32, #tpu.memory_space<vmem>>, vector<16xf32>,
        %get3A_1882 = arith.constant 720 : index
        %get3A_1883 = tpu.vector_load %arg22[%get3A_1882] {strides = array<i32>} : memref<2048xf32, #tpu.memory_space<vmem>>, vector<16xf32>,
        %get3A_1884 = vector.shape_cast %get3A_1883 : vector<16xf32> to vector<16xf32>
        %get3A_1885 = arith.constant 1744 : index
        %get3A_1886 = tpu.vector_load %arg22[%get3A_1885] {strides = array<i32>} : memref<2048xf32, #tpu.memory_space<vmem>>, vector<16xf32>,
        %get3A_1887 = vector.shape_cast %get3A_1886 : vector<16xf32> to vector<16xf32>
        %max3A_1888 = arith.maximumf %get3A_1884, %parallel_loop3A_1791#5 : vector<16xf32>
        %swap3A_1889 = arith.constant 720 : index
        %swap3A_1890 = tpu.vector_load %arg22[%swap3A_1889] {strides = array<i32>} : memref<2048xf32, #tpu.memory_space<vmem>>, vector<16xf32>,
        %swap3A_1891 = vector.shape_cast %swap3A_1890 : vector<16xf32> to vector<16xf32>
        %swap3A_1892 = vector.shape_cast %max3A_1888 : vector<16xf32> to vector<16xf32>
        tpu.vector_store %arg22[%swap3A_1889], %swap3A_1892 {strides = array<i32>} : memref<2048xf32, #tpu.memory_space<vmem>>, vector<16xf32>,
        %mul3A_1893 = vector.broadcast %get3A_777 : f32 to vector<16xf32>
        %mul3A_1894 = arith.mulf %parallel_loop3A_1791#13, %mul3A_1893 : vector<16xf32>
        %add3A_1895 = arith.addf %get3A_1887, %mul3A_1894 : vector<16xf32>
        %swap3A_1896 = arith.constant 1744 : index
        %swap3A_1897 = tpu.vector_load %arg22[%swap3A_1896] {strides = array<i32>} : memref<2048xf32, #tpu.memory_space<vmem>>, vector<16xf32>,
        %swap3A_1898 = vector.shape_cast %swap3A_1897 : vector<16xf32> to vector<16xf32>
        %swap3A_1899 = vector.shape_cast %add3A_1895 : vector<16xf32> to vector<16xf32>
        tpu.vector_store %arg22[%swap3A_1896], %swap3A_1899 {strides = array<i32>} : memref<2048xf32, #tpu.memory_space<vmem>>, vector<16xf32>,
        %get3A_1900 = arith.constant 736 : index
        %get3A_1901 = tpu.vector_load %arg22[%get3A_1900] {strides = array<i32>} : memref<2048xf32, #tpu.memory_space<vmem>>, vector<16xf32>,
        %get3A_1902 = vector.shape_cast %get3A_1901 : vector<16xf32> to vector<16xf32>
        %get3A_1903 = arith.constant 1760 : index
        %get3A_1904 = tpu.vector_load %arg22[%get3A_1903] {strides = array<i32>} : memref<2048xf32, #tpu.memory_space<vmem>>, vector<16xf32>,
        %get3A_1905 = vector.shape_cast %get3A_1904 : vector<16xf32> to vector<16xf32>
        %max3A_1906 = arith.maximumf %get3A_1902, %parallel_loop3A_1791#6 : vector<16xf32>
        %swap3A_1907 = arith.constant 736 : index
        %swap3A_1908 = tpu.vector_load %arg22[%swap3A_1907] {strides = array<i32>} : memref<2048xf32, #tpu.memory_space<vmem>>, vector<16xf32>,
        %swap3A_1909 = vector.shape_cast %swap3A_1908 : vector<16xf32> to vector<16xf32>
        %swap3A_1910 = vector.shape_cast %max3A_1906 : vector<16xf32> to vector<16xf32>
        tpu.vector_store %arg22[%swap3A_1907], %swap3A_1910 {strides = array<i32>} : memref<2048xf32, #tpu.memory_space<vmem>>, vector<16xf32>,
        %mul3A_1911 = vector.broadcast %get3A_777 : f32 to vector<16xf32>
        %mul3A_1912 = arith.mulf %parallel_loop3A_1791#14, %mul3A_1911 : vector<16xf32>
        %add3A_1913 = arith.addf %get3A_1905, %mul3A_1912 : vector<16xf32>
        %swap3A_1914 = arith.constant 1760 : index
        %swap3A_1915 = tpu.vector_load %arg22[%swap3A_1914] {strides = array<i32>} : memref<2048xf32, #tpu.memory_space<vmem>>, vector<16xf32>,
        %swap3A_1916 = vector.shape_cast %swap3A_1915 : vector<16xf32> to vector<16xf32>
        %swap3A_1917 = vector.shape_cast %add3A_1913 : vector<16xf32> to vector<16xf32>
        tpu.vector_store %arg22[%swap3A_1914], %swap3A_1917 {strides = array<i32>} : memref<2048xf32, #tpu.memory_space<vmem>>, vector<16xf32>,
        %get3A_1918 = arith.constant 752 : index
        %get3A_1919 = tpu.vector_load %arg22[%get3A_1918] {strides = array<i32>} : memref<2048xf32, #tpu.memory_space<vmem>>, vector<16xf32>,
        %get3A_1920 = vector.shape_cast %get3A_1919 : vector<16xf32> to vector<16xf32>
        %get3A_1921 = arith.constant 1776 : index
        %get3A_1922 = tpu.vector_load %arg22[%get3A_1921] {strides = array<i32>} : memref<2048xf32, #tpu.memory_space<vmem>>, vector<16xf32>,
        %get3A_1923 = vector.shape_cast %get3A_1922 : vector<16xf32> to vector<16xf32>
        %max3A_1924 = arith.maximumf %get3A_1920, %parallel_loop3A_1791#7 : vector<16xf32>
        %swap3A_1925 = arith.constant 752 : index
        %swap3A_1926 = tpu.vector_load %arg22[%swap3A_1925] {strides = array<i32>} : memref<2048xf32, #tpu.memory_space<vmem>>, vector<16xf32>,
        %swap3A_1927 = vector.shape_cast %swap3A_1926 : vector<16xf32> to vector<16xf32>
        %swap3A_1928 = vector.shape_cast %max3A_1924 : vector<16xf32> to vector<16xf32>
        tpu.vector_store %arg22[%swap3A_1925], %swap3A_1928 {strides = array<i32>} : memref<2048xf32, #tpu.memory_space<vmem>>, vector<16xf32>,
        %mul3A_1929 = vector.broadcast %get3A_777 : f32 to vector<16xf32>
        %mul3A_1930 = arith.mulf %parallel_loop3A_1791#15, %mul3A_1929 : vector<16xf32>
        %add3A_1931 = arith.addf %get3A_1923, %mul3A_1930 : vector<16xf32>
        %swap3A_1932 = arith.constant 1776 : index
        %swap3A_1933 = tpu.vector_load %arg22[%swap3A_1932] {strides = array<i32>} : memref<2048xf32, #tpu.memory_space<vmem>>, vector<16xf32>,
        %swap3A_1934 = vector.shape_cast %swap3A_1933 : vector<16xf32> to vector<16xf32>
        %swap3A_1935 = vector.shape_cast %add3A_1931 : vector<16xf32> to vector<16xf32>
        tpu.vector_store %arg22[%swap3A_1932], %swap3A_1935 {strides = array<i32>} : memref<2048xf32, #tpu.memory_space<vmem>>, vector<16xf32>,
        %parallel_loop3A_1936 = arith.constant 0 : i32
        %parallel_loop3A_1937 = arith.constant 1 : i32
        %parallel_loop3A_1938:16 = scf.for %parallel_loop3A_2230 = %parallel_loop3A_1936 to %min3A_840 step %parallel_loop3A_1937 iter_args(%parallel_loop3A_2231 = %broadcast_in_dim3A_682, %parallel_loop3A_2232 = %broadcast_in_dim3A_682, %parallel_loop3A_2233 = %broadcast_in_dim3A_682, %parallel_loop3A_2234 = %broadcast_in_dim3A_682, %parallel_loop3A_2235 = %broadcast_in_dim3A_682, %parallel_loop3A_2236 = %broadcast_in_dim3A_682, %parallel_loop3A_2237 = %broadcast_in_dim3A_682, %parallel_loop3A_2238 = %broadcast_in_dim3A_682, %parallel_loop3A_2239 = %broadcast_in_dim3A_684, %parallel_loop3A_2240 = %broadcast_in_dim3A_684, %parallel_loop3A_2241 = %broadcast_in_dim3A_684, %parallel_loop3A_2242 = %broadcast_in_dim3A_684, %parallel_loop3A_2243 = %broadcast_in_dim3A_684, %parallel_loop3A_2244 = %broadcast_in_dim3A_684, %parallel_loop3A_2245 = %broadcast_in_dim3A_684, %parallel_loop3A_2246 = %broadcast_in_dim3A_684) -> (vector<16xf32>, vector<16xf32>, vector<16xf32>, vector<16xf32>, vector<16xf32>, vector<16xf32>, vector<16xf32>, vector<16xf32>, vector<16xf32>, vector<16xf32>, vector<16xf32>, vector<16xf32>, vector<16xf32>, vector<16xf32>, vector<16xf32>, vector<16xf32>)  : i32 {
          %parallel_loop3A_2247 = arith.index_cast %parallel_loop3A_2230 : i32 to index
          %parallel_loop3A_2248 = arith.constant 256 : index
          %parallel_loop3A_2249 = tpu.vector_load %arg21[%parallel_loop3A_2247, %parallel_loop3A_2248] {strides = array<i32>} : memref<96x512xf32, #tpu.memory_space<vmem>>, vector<1x16xf32>,
          %parallel_loop3A_2250 = vector.shape_cast %parallel_loop3A_2249 : vector<1x16xf32> to vector<16xf32>
          %parallel_loop3A_2251 = arith.maximumf %parallel_loop3A_2231, %parallel_loop3A_2250 : vector<16xf32>
          %parallel_loop3A_2252 = arith.addf %parallel_loop3A_2239, %parallel_loop3A_2250 : vector<16xf32>
          %parallel_loop3A_2253 = arith.index_cast %parallel_loop3A_2230 : i32 to index
          %parallel_loop3A_2254 = arith.constant 272 : index
          %parallel_loop3A_2255 = tpu.vector_load %arg21[%parallel_loop3A_2253, %parallel_loop3A_2254] {strides = array<i32>} : memref<96x512xf32, #tpu.memory_space<vmem>>, vector<1x16xf32>,
          %parallel_loop3A_2256 = vector.shape_cast %parallel_loop3A_2255 : vector<1x16xf32> to vector<16xf32>
          %parallel_loop3A_2257 = arith.maximumf %parallel_loop3A_2232, %parallel_loop3A_2256 : vector<16xf32>
          %parallel_loop3A_2258 = arith.addf %parallel_loop3A_2240, %parallel_loop3A_2256 : vector<16xf32>
          %parallel_loop3A_2259 = arith.index_cast %parallel_loop3A_2230 : i32 to index
          %parallel_loop3A_2260 = arith.constant 288 : index
          %parallel_loop3A_2261 = tpu.vector_load %arg21[%parallel_loop3A_2259, %parallel_loop3A_2260] {strides = array<i32>} : memref<96x512xf32, #tpu.memory_space<vmem>>, vector<1x16xf32>,
          %parallel_loop3A_2262 = vector.shape_cast %parallel_loop3A_2261 : vector<1x16xf32> to vector<16xf32>
          %parallel_loop3A_2263 = arith.maximumf %parallel_loop3A_2233, %parallel_loop3A_2262 : vector<16xf32>
          %parallel_loop3A_2264 = arith.addf %parallel_loop3A_2241, %parallel_loop3A_2262 : vector<16xf32>
          %parallel_loop3A_2265 = arith.index_cast %parallel_loop3A_2230 : i32 to index
          %parallel_loop3A_2266 = arith.constant 304 : index
          %parallel_loop3A_2267 = tpu.vector_load %arg21[%parallel_loop3A_2265, %parallel_loop3A_2266] {strides = array<i32>} : memref<96x512xf32, #tpu.memory_space<vmem>>, vector<1x16xf32>,
          %parallel_loop3A_2268 = vector.shape_cast %parallel_loop3A_2267 : vector<1x16xf32> to vector<16xf32>
          %parallel_loop3A_2269 = arith.maximumf %parallel_loop3A_2234, %parallel_loop3A_2268 : vector<16xf32>
          %parallel_loop3A_2270 = arith.addf %parallel_loop3A_2242, %parallel_loop3A_2268 : vector<16xf32>
          %parallel_loop3A_2271 = arith.index_cast %parallel_loop3A_2230 : i32 to index
          %parallel_loop3A_2272 = arith.constant 320 : index
          %parallel_loop3A_2273 = tpu.vector_load %arg21[%parallel_loop3A_2271, %parallel_loop3A_2272] {strides = array<i32>} : memref<96x512xf32, #tpu.memory_space<vmem>>, vector<1x16xf32>,
          %parallel_loop3A_2274 = vector.shape_cast %parallel_loop3A_2273 : vector<1x16xf32> to vector<16xf32>
          %parallel_loop3A_2275 = arith.maximumf %parallel_loop3A_2235, %parallel_loop3A_2274 : vector<16xf32>
          %parallel_loop3A_2276 = arith.addf %parallel_loop3A_2243, %parallel_loop3A_2274 : vector<16xf32>
          %parallel_loop3A_2277 = arith.index_cast %parallel_loop3A_2230 : i32 to index
          %parallel_loop3A_2278 = arith.constant 336 : index
          %parallel_loop3A_2279 = tpu.vector_load %arg21[%parallel_loop3A_2277, %parallel_loop3A_2278] {strides = array<i32>} : memref<96x512xf32, #tpu.memory_space<vmem>>, vector<1x16xf32>,
          %parallel_loop3A_2280 = vector.shape_cast %parallel_loop3A_2279 : vector<1x16xf32> to vector<16xf32>
          %parallel_loop3A_2281 = arith.maximumf %parallel_loop3A_2236, %parallel_loop3A_2280 : vector<16xf32>
          %parallel_loop3A_2282 = arith.addf %parallel_loop3A_2244, %parallel_loop3A_2280 : vector<16xf32>
          %parallel_loop3A_2283 = arith.index_cast %parallel_loop3A_2230 : i32 to index
          %parallel_loop3A_2284 = arith.constant 352 : index
          %parallel_loop3A_2285 = tpu.vector_load %arg21[%parallel_loop3A_2283, %parallel_loop3A_2284] {strides = array<i32>} : memref<96x512xf32, #tpu.memory_space<vmem>>, vector<1x16xf32>,
          %parallel_loop3A_2286 = vector.shape_cast %parallel_loop3A_2285 : vector<1x16xf32> to vector<16xf32>
          %parallel_loop3A_2287 = arith.maximumf %parallel_loop3A_2237, %parallel_loop3A_2286 : vector<16xf32>
          %parallel_loop3A_2288 = arith.addf %parallel_loop3A_2245, %parallel_loop3A_2286 : vector<16xf32>
          %parallel_loop3A_2289 = arith.index_cast %parallel_loop3A_2230 : i32 to index
          %parallel_loop3A_2290 = arith.constant 368 : index
          %parallel_loop3A_2291 = tpu.vector_load %arg21[%parallel_loop3A_2289, %parallel_loop3A_2290] {strides = array<i32>} : memref<96x512xf32, #tpu.memory_space<vmem>>, vector<1x16xf32>,
          %parallel_loop3A_2292 = vector.shape_cast %parallel_loop3A_2291 : vector<1x16xf32> to vector<16xf32>
          %parallel_loop3A_2293 = arith.maximumf %parallel_loop3A_2238, %parallel_loop3A_2292 : vector<16xf32>
          %parallel_loop3A_2294 = arith.addf %parallel_loop3A_2246, %parallel_loop3A_2292 : vector<16xf32>
          scf.yield %parallel_loop3A_2251, %parallel_loop3A_2257, %parallel_loop3A_2263, %parallel_loop3A_2269, %parallel_loop3A_2275, %parallel_loop3A_2281, %parallel_loop3A_2287, %parallel_loop3A_2293, %parallel_loop3A_2252, %parallel_loop3A_2258, %parallel_loop3A_2264, %parallel_loop3A_2270, %parallel_loop3A_2276, %parallel_loop3A_2282, %parallel_loop3A_2288, %parallel_loop3A_2294 : vector<16xf32>, vector<16xf32>, vector<16xf32>, vector<16xf32>, vector<16xf32>, vector<16xf32>, vector<16xf32>, vector<16xf32>, vector<16xf32>, vector<16xf32>, vector<16xf32>, vector<16xf32>, vector<16xf32>, vector<16xf32>, vector<16xf32>, vector<16xf32>
        } {sc.loop_unroll_factor = 2 : i64, sc.parallel_access}
        %get3A_1939 = arith.constant 768 : index
        %get3A_1940 = tpu.vector_load %arg22[%get3A_1939] {strides = array<i32>} : memref<2048xf32, #tpu.memory_space<vmem>>, vector<16xf32>,
        %get3A_1941 = vector.shape_cast %get3A_1940 : vector<16xf32> to vector<16xf32>
        %get3A_1942 = arith.constant 1792 : index
        %get3A_1943 = tpu.vector_load %arg22[%get3A_1942] {strides = array<i32>} : memref<2048xf32, #tpu.memory_space<vmem>>, vector<16xf32>,
        %get3A_1944 = vector.shape_cast %get3A_1943 : vector<16xf32> to vector<16xf32>
        %max3A_1945 = arith.maximumf %get3A_1941, %parallel_loop3A_1938#0 : vector<16xf32>
        %swap3A_1946 = arith.constant 768 : index
        %swap3A_1947 = tpu.vector_load %arg22[%swap3A_1946] {strides = array<i32>} : memref<2048xf32, #tpu.memory_space<vmem>>, vector<16xf32>,
        %swap3A_1948 = vector.shape_cast %swap3A_1947 : vector<16xf32> to vector<16xf32>
        %swap3A_1949 = vector.shape_cast %max3A_1945 : vector<16xf32> to vector<16xf32>
        tpu.vector_store %arg22[%swap3A_1946], %swap3A_1949 {strides = array<i32>} : memref<2048xf32, #tpu.memory_space<vmem>>, vector<16xf32>,
        %mul3A_1950 = vector.broadcast %get3A_777 : f32 to vector<16xf32>
        %mul3A_1951 = arith.mulf %parallel_loop3A_1938#8, %mul3A_1950 : vector<16xf32>
        %add3A_1952 = arith.addf %get3A_1944, %mul3A_1951 : vector<16xf32>
        %swap3A_1953 = arith.constant 1792 : index
        %swap3A_1954 = tpu.vector_load %arg22[%swap3A_1953] {strides = array<i32>} : memref<2048xf32, #tpu.memory_space<vmem>>, vector<16xf32>,
        %swap3A_1955 = vector.shape_cast %swap3A_1954 : vector<16xf32> to vector<16xf32>
        %swap3A_1956 = vector.shape_cast %add3A_1952 : vector<16xf32> to vector<16xf32>
        tpu.vector_store %arg22[%swap3A_1953], %swap3A_1956 {strides = array<i32>} : memref<2048xf32, #tpu.memory_space<vmem>>, vector<16xf32>,
        %get3A_1957 = arith.constant 784 : index
        %get3A_1958 = tpu.vector_load %arg22[%get3A_1957] {strides = array<i32>} : memref<2048xf32, #tpu.memory_space<vmem>>, vector<16xf32>,
        %get3A_1959 = vector.shape_cast %get3A_1958 : vector<16xf32> to vector<16xf32>
        %get3A_1960 = arith.constant 1808 : index
        %get3A_1961 = tpu.vector_load %arg22[%get3A_1960] {strides = array<i32>} : memref<2048xf32, #tpu.memory_space<vmem>>, vector<16xf32>,
        %get3A_1962 = vector.shape_cast %get3A_1961 : vector<16xf32> to vector<16xf32>
        %max3A_1963 = arith.maximumf %get3A_1959, %parallel_loop3A_1938#1 : vector<16xf32>
        %swap3A_1964 = arith.constant 784 : index
        %swap3A_1965 = tpu.vector_load %arg22[%swap3A_1964] {strides = array<i32>} : memref<2048xf32, #tpu.memory_space<vmem>>, vector<16xf32>,
        %swap3A_1966 = vector.shape_cast %swap3A_1965 : vector<16xf32> to vector<16xf32>
        %swap3A_1967 = vector.shape_cast %max3A_1963 : vector<16xf32> to vector<16xf32>
        tpu.vector_store %arg22[%swap3A_1964], %swap3A_1967 {strides = array<i32>} : memref<2048xf32, #tpu.memory_space<vmem>>, vector<16xf32>,
        %mul3A_1968 = vector.broadcast %get3A_777 : f32 to vector<16xf32>
        %mul3A_1969 = arith.mulf %parallel_loop3A_1938#9, %mul3A_1968 : vector<16xf32>
        %add3A_1970 = arith.addf %get3A_1962, %mul3A_1969 : vector<16xf32>
        %swap3A_1971 = arith.constant 1808 : index
        %swap3A_1972 = tpu.vector_load %arg22[%swap3A_1971] {strides = array<i32>} : memref<2048xf32, #tpu.memory_space<vmem>>, vector<16xf32>,
        %swap3A_1973 = vector.shape_cast %swap3A_1972 : vector<16xf32> to vector<16xf32>
        %swap3A_1974 = vector.shape_cast %add3A_1970 : vector<16xf32> to vector<16xf32>
        tpu.vector_store %arg22[%swap3A_1971], %swap3A_1974 {strides = array<i32>} : memref<2048xf32, #tpu.memory_space<vmem>>, vector<16xf32>,
        %get3A_1975 = arith.constant 800 : index
        %get3A_1976 = tpu.vector_load %arg22[%get3A_1975] {strides = array<i32>} : memref<2048xf32, #tpu.memory_space<vmem>>, vector<16xf32>,
        %get3A_1977 = vector.shape_cast %get3A_1976 : vector<16xf32> to vector<16xf32>
        %get3A_1978 = arith.constant 1824 : index
        %get3A_1979 = tpu.vector_load %arg22[%get3A_1978] {strides = array<i32>} : memref<2048xf32, #tpu.memory_space<vmem>>, vector<16xf32>,
        %get3A_1980 = vector.shape_cast %get3A_1979 : vector<16xf32> to vector<16xf32>
        %max3A_1981 = arith.maximumf %get3A_1977, %parallel_loop3A_1938#2 : vector<16xf32>
        %swap3A_1982 = arith.constant 800 : index
        %swap3A_1983 = tpu.vector_load %arg22[%swap3A_1982] {strides = array<i32>} : memref<2048xf32, #tpu.memory_space<vmem>>, vector<16xf32>,
        %swap3A_1984 = vector.shape_cast %swap3A_1983 : vector<16xf32> to vector<16xf32>
        %swap3A_1985 = vector.shape_cast %max3A_1981 : vector<16xf32> to vector<16xf32>
        tpu.vector_store %arg22[%swap3A_1982], %swap3A_1985 {strides = array<i32>} : memref<2048xf32, #tpu.memory_space<vmem>>, vector<16xf32>,
        %mul3A_1986 = vector.broadcast %get3A_777 : f32 to vector<16xf32>
        %mul3A_1987 = arith.mulf %parallel_loop3A_1938#10, %mul3A_1986 : vector<16xf32>
        %add3A_1988 = arith.addf %get3A_1980, %mul3A_1987 : vector<16xf32>
        %swap3A_1989 = arith.constant 1824 : index
        %swap3A_1990 = tpu.vector_load %arg22[%swap3A_1989] {strides = array<i32>} : memref<2048xf32, #tpu.memory_space<vmem>>, vector<16xf32>,
        %swap3A_1991 = vector.shape_cast %swap3A_1990 : vector<16xf32> to vector<16xf32>
        %swap3A_1992 = vector.shape_cast %add3A_1988 : vector<16xf32> to vector<16xf32>
        tpu.vector_store %arg22[%swap3A_1989], %swap3A_1992 {strides = array<i32>} : memref<2048xf32, #tpu.memory_space<vmem>>, vector<16xf32>,
        %get3A_1993 = arith.constant 816 : index
        %get3A_1994 = tpu.vector_load %arg22[%get3A_1993] {strides = array<i32>} : memref<2048xf32, #tpu.memory_space<vmem>>, vector<16xf32>,
        %get3A_1995 = vector.shape_cast %get3A_1994 : vector<16xf32> to vector<16xf32>
        %get3A_1996 = arith.constant 1840 : index
        %get3A_1997 = tpu.vector_load %arg22[%get3A_1996] {strides = array<i32>} : memref<2048xf32, #tpu.memory_space<vmem>>, vector<16xf32>,
        %get3A_1998 = vector.shape_cast %get3A_1997 : vector<16xf32> to vector<16xf32>
        %max3A_1999 = arith.maximumf %get3A_1995, %parallel_loop3A_1938#3 : vector<16xf32>
        %swap3A_2000 = arith.constant 816 : index
        %swap3A_2001 = tpu.vector_load %arg22[%swap3A_2000] {strides = array<i32>} : memref<2048xf32, #tpu.memory_space<vmem>>, vector<16xf32>,
        %swap3A_2002 = vector.shape_cast %swap3A_2001 : vector<16xf32> to vector<16xf32>
        %swap3A_2003 = vector.shape_cast %max3A_1999 : vector<16xf32> to vector<16xf32>
        tpu.vector_store %arg22[%swap3A_2000], %swap3A_2003 {strides = array<i32>} : memref<2048xf32, #tpu.memory_space<vmem>>, vector<16xf32>,
        %mul3A_2004 = vector.broadcast %get3A_777 : f32 to vector<16xf32>
        %mul3A_2005 = arith.mulf %parallel_loop3A_1938#11, %mul3A_2004 : vector<16xf32>
        %add3A_2006 = arith.addf %get3A_1998, %mul3A_2005 : vector<16xf32>
        %swap3A_2007 = arith.constant 1840 : index
        %swap3A_2008 = tpu.vector_load %arg22[%swap3A_2007] {strides = array<i32>} : memref<2048xf32, #tpu.memory_space<vmem>>, vector<16xf32>,
        %swap3A_2009 = vector.shape_cast %swap3A_2008 : vector<16xf32> to vector<16xf32>
        %swap3A_2010 = vector.shape_cast %add3A_2006 : vector<16xf32> to vector<16xf32>
        tpu.vector_store %arg22[%swap3A_2007], %swap3A_2010 {strides = array<i32>} : memref<2048xf32, #tpu.memory_space<vmem>>, vector<16xf32>,
        %get3A_2011 = arith.constant 832 : index
        %get3A_2012 = tpu.vector_load %arg22[%get3A_2011] {strides = array<i32>} : memref<2048xf32, #tpu.memory_space<vmem>>, vector<16xf32>,
        %get3A_2013 = vector.shape_cast %get3A_2012 : vector<16xf32> to vector<16xf32>
        %get3A_2014 = arith.constant 1856 : index
        %get3A_2015 = tpu.vector_load %arg22[%get3A_2014] {strides = array<i32>} : memref<2048xf32, #tpu.memory_space<vmem>>, vector<16xf32>,
        %get3A_2016 = vector.shape_cast %get3A_2015 : vector<16xf32> to vector<16xf32>
        %max3A_2017 = arith.maximumf %get3A_2013, %parallel_loop3A_1938#4 : vector<16xf32>
        %swap3A_2018 = arith.constant 832 : index
        %swap3A_2019 = tpu.vector_load %arg22[%swap3A_2018] {strides = array<i32>} : memref<2048xf32, #tpu.memory_space<vmem>>, vector<16xf32>,
        %swap3A_2020 = vector.shape_cast %swap3A_2019 : vector<16xf32> to vector<16xf32>
        %swap3A_2021 = vector.shape_cast %max3A_2017 : vector<16xf32> to vector<16xf32>
        tpu.vector_store %arg22[%swap3A_2018], %swap3A_2021 {strides = array<i32>} : memref<2048xf32, #tpu.memory_space<vmem>>, vector<16xf32>,
        %mul3A_2022 = vector.broadcast %get3A_777 : f32 to vector<16xf32>
        %mul3A_2023 = arith.mulf %parallel_loop3A_1938#12, %mul3A_2022 : vector<16xf32>
        %add3A_2024 = arith.addf %get3A_2016, %mul3A_2023 : vector<16xf32>
        %swap3A_2025 = arith.constant 1856 : index
        %swap3A_2026 = tpu.vector_load %arg22[%swap3A_2025] {strides = array<i32>} : memref<2048xf32, #tpu.memory_space<vmem>>, vector<16xf32>,
        %swap3A_2027 = vector.shape_cast %swap3A_2026 : vector<16xf32> to vector<16xf32>
        %swap3A_2028 = vector.shape_cast %add3A_2024 : vector<16xf32> to vector<16xf32>
        tpu.vector_store %arg22[%swap3A_2025], %swap3A_2028 {strides = array<i32>} : memref<2048xf32, #tpu.memory_space<vmem>>, vector<16xf32>,
        %get3A_2029 = arith.constant 848 : index
        %get3A_2030 = tpu.vector_load %arg22[%get3A_2029] {strides = array<i32>} : memref<2048xf32, #tpu.memory_space<vmem>>, vector<16xf32>,
        %get3A_2031 = vector.shape_cast %get3A_2030 : vector<16xf32> to vector<16xf32>
        %get3A_2032 = arith.constant 1872 : index
        %get3A_2033 = tpu.vector_load %arg22[%get3A_2032] {strides = array<i32>} : memref<2048xf32, #tpu.memory_space<vmem>>, vector<16xf32>,
        %get3A_2034 = vector.shape_cast %get3A_2033 : vector<16xf32> to vector<16xf32>
        %max3A_2035 = arith.maximumf %get3A_2031, %parallel_loop3A_1938#5 : vector<16xf32>
        %swap3A_2036 = arith.constant 848 : index
        %swap3A_2037 = tpu.vector_load %arg22[%swap3A_2036] {strides = array<i32>} : memref<2048xf32, #tpu.memory_space<vmem>>, vector<16xf32>,
        %swap3A_2038 = vector.shape_cast %swap3A_2037 : vector<16xf32> to vector<16xf32>
        %swap3A_2039 = vector.shape_cast %max3A_2035 : vector<16xf32> to vector<16xf32>
        tpu.vector_store %arg22[%swap3A_2036], %swap3A_2039 {strides = array<i32>} : memref<2048xf32, #tpu.memory_space<vmem>>, vector<16xf32>,
        %mul3A_2040 = vector.broadcast %get3A_777 : f32 to vector<16xf32>
        %mul3A_2041 = arith.mulf %parallel_loop3A_1938#13, %mul3A_2040 : vector<16xf32>
        %add3A_2042 = arith.addf %get3A_2034, %mul3A_2041 : vector<16xf32>
        %swap3A_2043 = arith.constant 1872 : index
        %swap3A_2044 = tpu.vector_load %arg22[%swap3A_2043] {strides = array<i32>} : memref<2048xf32, #tpu.memory_space<vmem>>, vector<16xf32>,
        %swap3A_2045 = vector.shape_cast %swap3A_2044 : vector<16xf32> to vector<16xf32>
        %swap3A_2046 = vector.shape_cast %add3A_2042 : vector<16xf32> to vector<16xf32>
        tpu.vector_store %arg22[%swap3A_2043], %swap3A_2046 {strides = array<i32>} : memref<2048xf32, #tpu.memory_space<vmem>>, vector<16xf32>,
        %get3A_2047 = arith.constant 864 : index
        %get3A_2048 = tpu.vector_load %arg22[%get3A_2047] {strides = array<i32>} : memref<2048xf32, #tpu.memory_space<vmem>>, vector<16xf32>,
        %get3A_2049 = vector.shape_cast %get3A_2048 : vector<16xf32> to vector<16xf32>
        %get3A_2050 = arith.constant 1888 : index
        %get3A_2051 = tpu.vector_load %arg22[%get3A_2050] {strides = array<i32>} : memref<2048xf32, #tpu.memory_space<vmem>>, vector<16xf32>,
        %get3A_2052 = vector.shape_cast %get3A_2051 : vector<16xf32> to vector<16xf32>
        %max3A_2053 = arith.maximumf %get3A_2049, %parallel_loop3A_1938#6 : vector<16xf32>
        %swap3A_2054 = arith.constant 864 : index
        %swap3A_2055 = tpu.vector_load %arg22[%swap3A_2054] {strides = array<i32>} : memref<2048xf32, #tpu.memory_space<vmem>>, vector<16xf32>,
        %swap3A_2056 = vector.shape_cast %swap3A_2055 : vector<16xf32> to vector<16xf32>
        %swap3A_2057 = vector.shape_cast %max3A_2053 : vector<16xf32> to vector<16xf32>
        tpu.vector_store %arg22[%swap3A_2054], %swap3A_2057 {strides = array<i32>} : memref<2048xf32, #tpu.memory_space<vmem>>, vector<16xf32>,
        %mul3A_2058 = vector.broadcast %get3A_777 : f32 to vector<16xf32>
        %mul3A_2059 = arith.mulf %parallel_loop3A_1938#14, %mul3A_2058 : vector<16xf32>
        %add3A_2060 = arith.addf %get3A_2052, %mul3A_2059 : vector<16xf32>
        %swap3A_2061 = arith.constant 1888 : index
        %swap3A_2062 = tpu.vector_load %arg22[%swap3A_2061] {strides = array<i32>} : memref<2048xf32, #tpu.memory_space<vmem>>, vector<16xf32>,
        %swap3A_2063 = vector.shape_cast %swap3A_2062 : vector<16xf32> to vector<16xf32>
        %swap3A_2064 = vector.shape_cast %add3A_2060 : vector<16xf32> to vector<16xf32>
        tpu.vector_store %arg22[%swap3A_2061], %swap3A_2064 {strides = array<i32>} : memref<2048xf32, #tpu.memory_space<vmem>>, vector<16xf32>,
        %get3A_2065 = arith.constant 880 : index
        %get3A_2066 = tpu.vector_load %arg22[%get3A_2065] {strides = array<i32>} : memref<2048xf32, #tpu.memory_space<vmem>>, vector<16xf32>,
        %get3A_2067 = vector.shape_cast %get3A_2066 : vector<16xf32> to vector<16xf32>
        %get3A_2068 = arith.constant 1904 : index
        %get3A_2069 = tpu.vector_load %arg22[%get3A_2068] {strides = array<i32>} : memref<2048xf32, #tpu.memory_space<vmem>>, vector<16xf32>,
        %get3A_2070 = vector.shape_cast %get3A_2069 : vector<16xf32> to vector<16xf32>
        %max3A_2071 = arith.maximumf %get3A_2067, %parallel_loop3A_1938#7 : vector<16xf32>
        %swap3A_2072 = arith.constant 880 : index
        %swap3A_2073 = tpu.vector_load %arg22[%swap3A_2072] {strides = array<i32>} : memref<2048xf32, #tpu.memory_space<vmem>>, vector<16xf32>,
        %swap3A_2074 = vector.shape_cast %swap3A_2073 : vector<16xf32> to vector<16xf32>
        %swap3A_2075 = vector.shape_cast %max3A_2071 : vector<16xf32> to vector<16xf32>
        tpu.vector_store %arg22[%swap3A_2072], %swap3A_2075 {strides = array<i32>} : memref<2048xf32, #tpu.memory_space<vmem>>, vector<16xf32>,
        %mul3A_2076 = vector.broadcast %get3A_777 : f32 to vector<16xf32>
        %mul3A_2077 = arith.mulf %parallel_loop3A_1938#15, %mul3A_2076 : vector<16xf32>
        %add3A_2078 = arith.addf %get3A_2070, %mul3A_2077 : vector<16xf32>
        %swap3A_2079 = arith.constant 1904 : index
        %swap3A_2080 = tpu.vector_load %arg22[%swap3A_2079] {strides = array<i32>} : memref<2048xf32, #tpu.memory_space<vmem>>, vector<16xf32>,
        %swap3A_2081 = vector.shape_cast %swap3A_2080 : vector<16xf32> to vector<16xf32>
        %swap3A_2082 = vector.shape_cast %add3A_2078 : vector<16xf32> to vector<16xf32>
        tpu.vector_store %arg22[%swap3A_2079], %swap3A_2082 {strides = array<i32>} : memref<2048xf32, #tpu.memory_space<vmem>>, vector<16xf32>,
        %parallel_loop3A_2083 = arith.constant 0 : i32
        %parallel_loop3A_2084 = arith.constant 1 : i32
        %parallel_loop3A_2085:16 = scf.for %parallel_loop3A_2230 = %parallel_loop3A_2083 to %min3A_840 step %parallel_loop3A_2084 iter_args(%parallel_loop3A_2231 = %broadcast_in_dim3A_682, %parallel_loop3A_2232 = %broadcast_in_dim3A_682, %parallel_loop3A_2233 = %broadcast_in_dim3A_682, %parallel_loop3A_2234 = %broadcast_in_dim3A_682, %parallel_loop3A_2235 = %broadcast_in_dim3A_682, %parallel_loop3A_2236 = %broadcast_in_dim3A_682, %parallel_loop3A_2237 = %broadcast_in_dim3A_682, %parallel_loop3A_2238 = %broadcast_in_dim3A_682, %parallel_loop3A_2239 = %broadcast_in_dim3A_684, %parallel_loop3A_2240 = %broadcast_in_dim3A_684, %parallel_loop3A_2241 = %broadcast_in_dim3A_684, %parallel_loop3A_2242 = %broadcast_in_dim3A_684, %parallel_loop3A_2243 = %broadcast_in_dim3A_684, %parallel_loop3A_2244 = %broadcast_in_dim3A_684, %parallel_loop3A_2245 = %broadcast_in_dim3A_684, %parallel_loop3A_2246 = %broadcast_in_dim3A_684) -> (vector<16xf32>, vector<16xf32>, vector<16xf32>, vector<16xf32>, vector<16xf32>, vector<16xf32>, vector<16xf32>, vector<16xf32>, vector<16xf32>, vector<16xf32>, vector<16xf32>, vector<16xf32>, vector<16xf32>, vector<16xf32>, vector<16xf32>, vector<16xf32>)  : i32 {
          %parallel_loop3A_2247 = arith.index_cast %parallel_loop3A_2230 : i32 to index
          %parallel_loop3A_2248 = arith.constant 384 : index
          %parallel_loop3A_2249 = tpu.vector_load %arg21[%parallel_loop3A_2247, %parallel_loop3A_2248] {strides = array<i32>} : memref<96x512xf32, #tpu.memory_space<vmem>>, vector<1x16xf32>,
          %parallel_loop3A_2250 = vector.shape_cast %parallel_loop3A_2249 : vector<1x16xf32> to vector<16xf32>
          %parallel_loop3A_2251 = arith.maximumf %parallel_loop3A_2231, %parallel_loop3A_2250 : vector<16xf32>
          %parallel_loop3A_2252 = arith.addf %parallel_loop3A_2239, %parallel_loop3A_2250 : vector<16xf32>
          %parallel_loop3A_2253 = arith.index_cast %parallel_loop3A_2230 : i32 to index
          %parallel_loop3A_2254 = arith.constant 400 : index
          %parallel_loop3A_2255 = tpu.vector_load %arg21[%parallel_loop3A_2253, %parallel_loop3A_2254] {strides = array<i32>} : memref<96x512xf32, #tpu.memory_space<vmem>>, vector<1x16xf32>,
          %parallel_loop3A_2256 = vector.shape_cast %parallel_loop3A_2255 : vector<1x16xf32> to vector<16xf32>
          %parallel_loop3A_2257 = arith.maximumf %parallel_loop3A_2232, %parallel_loop3A_2256 : vector<16xf32>
          %parallel_loop3A_2258 = arith.addf %parallel_loop3A_2240, %parallel_loop3A_2256 : vector<16xf32>
          %parallel_loop3A_2259 = arith.index_cast %parallel_loop3A_2230 : i32 to index
          %parallel_loop3A_2260 = arith.constant 416 : index
          %parallel_loop3A_2261 = tpu.vector_load %arg21[%parallel_loop3A_2259, %parallel_loop3A_2260] {strides = array<i32>} : memref<96x512xf32, #tpu.memory_space<vmem>>, vector<1x16xf32>,
          %parallel_loop3A_2262 = vector.shape_cast %parallel_loop3A_2261 : vector<1x16xf32> to vector<16xf32>
          %parallel_loop3A_2263 = arith.maximumf %parallel_loop3A_2233, %parallel_loop3A_2262 : vector<16xf32>
          %parallel_loop3A_2264 = arith.addf %parallel_loop3A_2241, %parallel_loop3A_2262 : vector<16xf32>
          %parallel_loop3A_2265 = arith.index_cast %parallel_loop3A_2230 : i32 to index
          %parallel_loop3A_2266 = arith.constant 432 : index
          %parallel_loop3A_2267 = tpu.vector_load %arg21[%parallel_loop3A_2265, %parallel_loop3A_2266] {strides = array<i32>} : memref<96x512xf32, #tpu.memory_space<vmem>>, vector<1x16xf32>,
          %parallel_loop3A_2268 = vector.shape_cast %parallel_loop3A_2267 : vector<1x16xf32> to vector<16xf32>
          %parallel_loop3A_2269 = arith.maximumf %parallel_loop3A_2234, %parallel_loop3A_2268 : vector<16xf32>
          %parallel_loop3A_2270 = arith.addf %parallel_loop3A_2242, %parallel_loop3A_2268 : vector<16xf32>
          %parallel_loop3A_2271 = arith.index_cast %parallel_loop3A_2230 : i32 to index
          %parallel_loop3A_2272 = arith.constant 448 : index
          %parallel_loop3A_2273 = tpu.vector_load %arg21[%parallel_loop3A_2271, %parallel_loop3A_2272] {strides = array<i32>} : memref<96x512xf32, #tpu.memory_space<vmem>>, vector<1x16xf32>,
          %parallel_loop3A_2274 = vector.shape_cast %parallel_loop3A_2273 : vector<1x16xf32> to vector<16xf32>
          %parallel_loop3A_2275 = arith.maximumf %parallel_loop3A_2235, %parallel_loop3A_2274 : vector<16xf32>
          %parallel_loop3A_2276 = arith.addf %parallel_loop3A_2243, %parallel_loop3A_2274 : vector<16xf32>
          %parallel_loop3A_2277 = arith.index_cast %parallel_loop3A_2230 : i32 to index
          %parallel_loop3A_2278 = arith.constant 464 : index
          %parallel_loop3A_2279 = tpu.vector_load %arg21[%parallel_loop3A_2277, %parallel_loop3A_2278] {strides = array<i32>} : memref<96x512xf32, #tpu.memory_space<vmem>>, vector<1x16xf32>,
          %parallel_loop3A_2280 = vector.shape_cast %parallel_loop3A_2279 : vector<1x16xf32> to vector<16xf32>
          %parallel_loop3A_2281 = arith.maximumf %parallel_loop3A_2236, %parallel_loop3A_2280 : vector<16xf32>
          %parallel_loop3A_2282 = arith.addf %parallel_loop3A_2244, %parallel_loop3A_2280 : vector<16xf32>
          %parallel_loop3A_2283 = arith.index_cast %parallel_loop3A_2230 : i32 to index
          %parallel_loop3A_2284 = arith.constant 480 : index
          %parallel_loop3A_2285 = tpu.vector_load %arg21[%parallel_loop3A_2283, %parallel_loop3A_2284] {strides = array<i32>} : memref<96x512xf32, #tpu.memory_space<vmem>>, vector<1x16xf32>,
          %parallel_loop3A_2286 = vector.shape_cast %parallel_loop3A_2285 : vector<1x16xf32> to vector<16xf32>
          %parallel_loop3A_2287 = arith.maximumf %parallel_loop3A_2237, %parallel_loop3A_2286 : vector<16xf32>
          %parallel_loop3A_2288 = arith.addf %parallel_loop3A_2245, %parallel_loop3A_2286 : vector<16xf32>
          %parallel_loop3A_2289 = arith.index_cast %parallel_loop3A_2230 : i32 to index
          %parallel_loop3A_2290 = arith.constant 496 : index
          %parallel_loop3A_2291 = tpu.vector_load %arg21[%parallel_loop3A_2289, %parallel_loop3A_2290] {strides = array<i32>} : memref<96x512xf32, #tpu.memory_space<vmem>>, vector<1x16xf32>,
          %parallel_loop3A_2292 = vector.shape_cast %parallel_loop3A_2291 : vector<1x16xf32> to vector<16xf32>
          %parallel_loop3A_2293 = arith.maximumf %parallel_loop3A_2238, %parallel_loop3A_2292 : vector<16xf32>
          %parallel_loop3A_2294 = arith.addf %parallel_loop3A_2246, %parallel_loop3A_2292 : vector<16xf32>
          scf.yield %parallel_loop3A_2251, %parallel_loop3A_2257, %parallel_loop3A_2263, %parallel_loop3A_2269, %parallel_loop3A_2275, %parallel_loop3A_2281, %parallel_loop3A_2287, %parallel_loop3A_2293, %parallel_loop3A_2252, %parallel_loop3A_2258, %parallel_loop3A_2264, %parallel_loop3A_2270, %parallel_loop3A_2276, %parallel_loop3A_2282, %parallel_loop3A_2288, %parallel_loop3A_2294 : vector<16xf32>, vector<16xf32>, vector<16xf32>, vector<16xf32>, vector<16xf32>, vector<16xf32>, vector<16xf32>, vector<16xf32>, vector<16xf32>, vector<16xf32>, vector<16xf32>, vector<16xf32>, vector<16xf32>, vector<16xf32>, vector<16xf32>, vector<16xf32>
        } {sc.loop_unroll_factor = 2 : i64, sc.parallel_access}
        %get3A_2086 = arith.constant 896 : index
        %get3A_2087 = tpu.vector_load %arg22[%get3A_2086] {strides = array<i32>} : memref<2048xf32, #tpu.memory_space<vmem>>, vector<16xf32>,
        %get3A_2088 = vector.shape_cast %get3A_2087 : vector<16xf32> to vector<16xf32>
        %get3A_2089 = arith.constant 1920 : index
        %get3A_2090 = tpu.vector_load %arg22[%get3A_2089] {strides = array<i32>} : memref<2048xf32, #tpu.memory_space<vmem>>, vector<16xf32>,
        %get3A_2091 = vector.shape_cast %get3A_2090 : vector<16xf32> to vector<16xf32>
        %max3A_2092 = arith.maximumf %get3A_2088, %parallel_loop3A_2085#0 : vector<16xf32>
        %swap3A_2093 = arith.constant 896 : index
        %swap3A_2094 = tpu.vector_load %arg22[%swap3A_2093] {strides = array<i32>} : memref<2048xf32, #tpu.memory_space<vmem>>, vector<16xf32>,
        %swap3A_2095 = vector.shape_cast %swap3A_2094 : vector<16xf32> to vector<16xf32>
        %swap3A_2096 = vector.shape_cast %max3A_2092 : vector<16xf32> to vector<16xf32>
        tpu.vector_store %arg22[%swap3A_2093], %swap3A_2096 {strides = array<i32>} : memref<2048xf32, #tpu.memory_space<vmem>>, vector<16xf32>,
        %mul3A_2097 = vector.broadcast %get3A_777 : f32 to vector<16xf32>
        %mul3A_2098 = arith.mulf %parallel_loop3A_2085#8, %mul3A_2097 : vector<16xf32>
        %add3A_2099 = arith.addf %get3A_2091, %mul3A_2098 : vector<16xf32>
        %swap3A_2100 = arith.constant 1920 : index
        %swap3A_2101 = tpu.vector_load %arg22[%swap3A_2100] {strides = array<i32>} : memref<2048xf32, #tpu.memory_space<vmem>>, vector<16xf32>,
        %swap3A_2102 = vector.shape_cast %swap3A_2101 : vector<16xf32> to vector<16xf32>
        %swap3A_2103 = vector.shape_cast %add3A_2099 : vector<16xf32> to vector<16xf32>
        tpu.vector_store %arg22[%swap3A_2100], %swap3A_2103 {strides = array<i32>} : memref<2048xf32, #tpu.memory_space<vmem>>, vector<16xf32>,
        %get3A_2104 = arith.constant 912 : index
        %get3A_2105 = tpu.vector_load %arg22[%get3A_2104] {strides = array<i32>} : memref<2048xf32, #tpu.memory_space<vmem>>, vector<16xf32>,
        %get3A_2106 = vector.shape_cast %get3A_2105 : vector<16xf32> to vector<16xf32>
        %get3A_2107 = arith.constant 1936 : index
        %get3A_2108 = tpu.vector_load %arg22[%get3A_2107] {strides = array<i32>} : memref<2048xf32, #tpu.memory_space<vmem>>, vector<16xf32>,
        %get3A_2109 = vector.shape_cast %get3A_2108 : vector<16xf32> to vector<16xf32>
        %max3A_2110 = arith.maximumf %get3A_2106, %parallel_loop3A_2085#1 : vector<16xf32>
        %swap3A_2111 = arith.constant 912 : index
        %swap3A_2112 = tpu.vector_load %arg22[%swap3A_2111] {strides = array<i32>} : memref<2048xf32, #tpu.memory_space<vmem>>, vector<16xf32>,
        %swap3A_2113 = vector.shape_cast %swap3A_2112 : vector<16xf32> to vector<16xf32>
        %swap3A_2114 = vector.shape_cast %max3A_2110 : vector<16xf32> to vector<16xf32>
        tpu.vector_store %arg22[%swap3A_2111], %swap3A_2114 {strides = array<i32>} : memref<2048xf32, #tpu.memory_space<vmem>>, vector<16xf32>,
        %mul3A_2115 = vector.broadcast %get3A_777 : f32 to vector<16xf32>
        %mul3A_2116 = arith.mulf %parallel_loop3A_2085#9, %mul3A_2115 : vector<16xf32>
        %add3A_2117 = arith.addf %get3A_2109, %mul3A_2116 : vector<16xf32>
        %swap3A_2118 = arith.constant 1936 : index
        %swap3A_2119 = tpu.vector_load %arg22[%swap3A_2118] {strides = array<i32>} : memref<2048xf32, #tpu.memory_space<vmem>>, vector<16xf32>,
        %swap3A_2120 = vector.shape_cast %swap3A_2119 : vector<16xf32> to vector<16xf32>
        %swap3A_2121 = vector.shape_cast %add3A_2117 : vector<16xf32> to vector<16xf32>
        tpu.vector_store %arg22[%swap3A_2118], %swap3A_2121 {strides = array<i32>} : memref<2048xf32, #tpu.memory_space<vmem>>, vector<16xf32>,
        %get3A_2122 = arith.constant 928 : index
        %get3A_2123 = tpu.vector_load %arg22[%get3A_2122] {strides = array<i32>} : memref<2048xf32, #tpu.memory_space<vmem>>, vector<16xf32>,
        %get3A_2124 = vector.shape_cast %get3A_2123 : vector<16xf32> to vector<16xf32>
        %get3A_2125 = arith.constant 1952 : index
        %get3A_2126 = tpu.vector_load %arg22[%get3A_2125] {strides = array<i32>} : memref<2048xf32, #tpu.memory_space<vmem>>, vector<16xf32>,
        %get3A_2127 = vector.shape_cast %get3A_2126 : vector<16xf32> to vector<16xf32>
        %max3A_2128 = arith.maximumf %get3A_2124, %parallel_loop3A_2085#2 : vector<16xf32>
        %swap3A_2129 = arith.constant 928 : index
        %swap3A_2130 = tpu.vector_load %arg22[%swap3A_2129] {strides = array<i32>} : memref<2048xf32, #tpu.memory_space<vmem>>, vector<16xf32>,
        %swap3A_2131 = vector.shape_cast %swap3A_2130 : vector<16xf32> to vector<16xf32>
        %swap3A_2132 = vector.shape_cast %max3A_2128 : vector<16xf32> to vector<16xf32>
        tpu.vector_store %arg22[%swap3A_2129], %swap3A_2132 {strides = array<i32>} : memref<2048xf32, #tpu.memory_space<vmem>>, vector<16xf32>,
        %mul3A_2133 = vector.broadcast %get3A_777 : f32 to vector<16xf32>
        %mul3A_2134 = arith.mulf %parallel_loop3A_2085#10, %mul3A_2133 : vector<16xf32>
        %add3A_2135 = arith.addf %get3A_2127, %mul3A_2134 : vector<16xf32>
        %swap3A_2136 = arith.constant 1952 : index
        %swap3A_2137 = tpu.vector_load %arg22[%swap3A_2136] {strides = array<i32>} : memref<2048xf32, #tpu.memory_space<vmem>>, vector<16xf32>,
        %swap3A_2138 = vector.shape_cast %swap3A_2137 : vector<16xf32> to vector<16xf32>
        %swap3A_2139 = vector.shape_cast %add3A_2135 : vector<16xf32> to vector<16xf32>
        tpu.vector_store %arg22[%swap3A_2136], %swap3A_2139 {strides = array<i32>} : memref<2048xf32, #tpu.memory_space<vmem>>, vector<16xf32>,
        %get3A_2140 = arith.constant 944 : index
        %get3A_2141 = tpu.vector_load %arg22[%get3A_2140] {strides = array<i32>} : memref<2048xf32, #tpu.memory_space<vmem>>, vector<16xf32>,
        %get3A_2142 = vector.shape_cast %get3A_2141 : vector<16xf32> to vector<16xf32>
        %get3A_2143 = arith.constant 1968 : index
        %get3A_2144 = tpu.vector_load %arg22[%get3A_2143] {strides = array<i32>} : memref<2048xf32, #tpu.memory_space<vmem>>, vector<16xf32>,
        %get3A_2145 = vector.shape_cast %get3A_2144 : vector<16xf32> to vector<16xf32>
        %max3A_2146 = arith.maximumf %get3A_2142, %parallel_loop3A_2085#3 : vector<16xf32>
        %swap3A_2147 = arith.constant 944 : index
        %swap3A_2148 = tpu.vector_load %arg22[%swap3A_2147] {strides = array<i32>} : memref<2048xf32, #tpu.memory_space<vmem>>, vector<16xf32>,
        %swap3A_2149 = vector.shape_cast %swap3A_2148 : vector<16xf32> to vector<16xf32>
        %swap3A_2150 = vector.shape_cast %max3A_2146 : vector<16xf32> to vector<16xf32>
        tpu.vector_store %arg22[%swap3A_2147], %swap3A_2150 {strides = array<i32>} : memref<2048xf32, #tpu.memory_space<vmem>>, vector<16xf32>,
        %mul3A_2151 = vector.broadcast %get3A_777 : f32 to vector<16xf32>
        %mul3A_2152 = arith.mulf %parallel_loop3A_2085#11, %mul3A_2151 : vector<16xf32>
        %add3A_2153 = arith.addf %get3A_2145, %mul3A_2152 : vector<16xf32>
        %swap3A_2154 = arith.constant 1968 : index
        %swap3A_2155 = tpu.vector_load %arg22[%swap3A_2154] {strides = array<i32>} : memref<2048xf32, #tpu.memory_space<vmem>>, vector<16xf32>,
        %swap3A_2156 = vector.shape_cast %swap3A_2155 : vector<16xf32> to vector<16xf32>
        %swap3A_2157 = vector.shape_cast %add3A_2153 : vector<16xf32> to vector<16xf32>
        tpu.vector_store %arg22[%swap3A_2154], %swap3A_2157 {strides = array<i32>} : memref<2048xf32, #tpu.memory_space<vmem>>, vector<16xf32>,
        %get3A_2158 = arith.constant 960 : index
        %get3A_2159 = tpu.vector_load %arg22[%get3A_2158] {strides = array<i32>} : memref<2048xf32, #tpu.memory_space<vmem>>, vector<16xf32>,
        %get3A_2160 = vector.shape_cast %get3A_2159 : vector<16xf32> to vector<16xf32>
        %get3A_2161 = arith.constant 1984 : index
        %get3A_2162 = tpu.vector_load %arg22[%get3A_2161] {strides = array<i32>} : memref<2048xf32, #tpu.memory_space<vmem>>, vector<16xf32>,
        %get3A_2163 = vector.shape_cast %get3A_2162 : vector<16xf32> to vector<16xf32>
        %max3A_2164 = arith.maximumf %get3A_2160, %parallel_loop3A_2085#4 : vector<16xf32>
        %swap3A_2165 = arith.constant 960 : index
        %swap3A_2166 = tpu.vector_load %arg22[%swap3A_2165] {strides = array<i32>} : memref<2048xf32, #tpu.memory_space<vmem>>, vector<16xf32>,
        %swap3A_2167 = vector.shape_cast %swap3A_2166 : vector<16xf32> to vector<16xf32>
        %swap3A_2168 = vector.shape_cast %max3A_2164 : vector<16xf32> to vector<16xf32>
        tpu.vector_store %arg22[%swap3A_2165], %swap3A_2168 {strides = array<i32>} : memref<2048xf32, #tpu.memory_space<vmem>>, vector<16xf32>,
        %mul3A_2169 = vector.broadcast %get3A_777 : f32 to vector<16xf32>
        %mul3A_2170 = arith.mulf %parallel_loop3A_2085#12, %mul3A_2169 : vector<16xf32>
        %add3A_2171 = arith.addf %get3A_2163, %mul3A_2170 : vector<16xf32>
        %swap3A_2172 = arith.constant 1984 : index
        %swap3A_2173 = tpu.vector_load %arg22[%swap3A_2172] {strides = array<i32>} : memref<2048xf32, #tpu.memory_space<vmem>>, vector<16xf32>,
        %swap3A_2174 = vector.shape_cast %swap3A_2173 : vector<16xf32> to vector<16xf32>
        %swap3A_2175 = vector.shape_cast %add3A_2171 : vector<16xf32> to vector<16xf32>
        tpu.vector_store %arg22[%swap3A_2172], %swap3A_2175 {strides = array<i32>} : memref<2048xf32, #tpu.memory_space<vmem>>, vector<16xf32>,
        %get3A_2176 = arith.constant 976 : index
        %get3A_2177 = tpu.vector_load %arg22[%get3A_2176] {strides = array<i32>} : memref<2048xf32, #tpu.memory_space<vmem>>, vector<16xf32>,
        %get3A_2178 = vector.shape_cast %get3A_2177 : vector<16xf32> to vector<16xf32>
        %get3A_2179 = arith.constant 2000 : index
        %get3A_2180 = tpu.vector_load %arg22[%get3A_2179] {strides = array<i32>} : memref<2048xf32, #tpu.memory_space<vmem>>, vector<16xf32>,
        %get3A_2181 = vector.shape_cast %get3A_2180 : vector<16xf32> to vector<16xf32>
        %max3A_2182 = arith.maximumf %get3A_2178, %parallel_loop3A_2085#5 : vector<16xf32>
        %swap3A_2183 = arith.constant 976 : index
        %swap3A_2184 = tpu.vector_load %arg22[%swap3A_2183] {strides = array<i32>} : memref<2048xf32, #tpu.memory_space<vmem>>, vector<16xf32>,
        %swap3A_2185 = vector.shape_cast %swap3A_2184 : vector<16xf32> to vector<16xf32>
        %swap3A_2186 = vector.shape_cast %max3A_2182 : vector<16xf32> to vector<16xf32>
        tpu.vector_store %arg22[%swap3A_2183], %swap3A_2186 {strides = array<i32>} : memref<2048xf32, #tpu.memory_space<vmem>>, vector<16xf32>,
        %mul3A_2187 = vector.broadcast %get3A_777 : f32 to vector<16xf32>
        %mul3A_2188 = arith.mulf %parallel_loop3A_2085#13, %mul3A_2187 : vector<16xf32>
        %add3A_2189 = arith.addf %get3A_2181, %mul3A_2188 : vector<16xf32>
        %swap3A_2190 = arith.constant 2000 : index
        %swap3A_2191 = tpu.vector_load %arg22[%swap3A_2190] {strides = array<i32>} : memref<2048xf32, #tpu.memory_space<vmem>>, vector<16xf32>,
        %swap3A_2192 = vector.shape_cast %swap3A_2191 : vector<16xf32> to vector<16xf32>
        %swap3A_2193 = vector.shape_cast %add3A_2189 : vector<16xf32> to vector<16xf32>
        tpu.vector_store %arg22[%swap3A_2190], %swap3A_2193 {strides = array<i32>} : memref<2048xf32, #tpu.memory_space<vmem>>, vector<16xf32>,
        %get3A_2194 = arith.constant 992 : index
        %get3A_2195 = tpu.vector_load %arg22[%get3A_2194] {strides = array<i32>} : memref<2048xf32, #tpu.memory_space<vmem>>, vector<16xf32>,
        %get3A_2196 = vector.shape_cast %get3A_2195 : vector<16xf32> to vector<16xf32>
        %get3A_2197 = arith.constant 2016 : index
        %get3A_2198 = tpu.vector_load %arg22[%get3A_2197] {strides = array<i32>} : memref<2048xf32, #tpu.memory_space<vmem>>, vector<16xf32>,
        %get3A_2199 = vector.shape_cast %get3A_2198 : vector<16xf32> to vector<16xf32>
        %max3A_2200 = arith.maximumf %get3A_2196, %parallel_loop3A_2085#6 : vector<16xf32>
        %swap3A_2201 = arith.constant 992 : index
        %swap3A_2202 = tpu.vector_load %arg22[%swap3A_2201] {strides = array<i32>} : memref<2048xf32, #tpu.memory_space<vmem>>, vector<16xf32>,
        %swap3A_2203 = vector.shape_cast %swap3A_2202 : vector<16xf32> to vector<16xf32>
        %swap3A_2204 = vector.shape_cast %max3A_2200 : vector<16xf32> to vector<16xf32>
        tpu.vector_store %arg22[%swap3A_2201], %swap3A_2204 {strides = array<i32>} : memref<2048xf32, #tpu.memory_space<vmem>>, vector<16xf32>,
        %mul3A_2205 = vector.broadcast %get3A_777 : f32 to vector<16xf32>
        %mul3A_2206 = arith.mulf %parallel_loop3A_2085#14, %mul3A_2205 : vector<16xf32>
        %add3A_2207 = arith.addf %get3A_2199, %mul3A_2206 : vector<16xf32>
        %swap3A_2208 = arith.constant 2016 : index
        %swap3A_2209 = tpu.vector_load %arg22[%swap3A_2208] {strides = array<i32>} : memref<2048xf32, #tpu.memory_space<vmem>>, vector<16xf32>,
        %swap3A_2210 = vector.shape_cast %swap3A_2209 : vector<16xf32> to vector<16xf32>
        %swap3A_2211 = vector.shape_cast %add3A_2207 : vector<16xf32> to vector<16xf32>
        tpu.vector_store %arg22[%swap3A_2208], %swap3A_2211 {strides = array<i32>} : memref<2048xf32, #tpu.memory_space<vmem>>, vector<16xf32>,
        %get3A_2212 = arith.constant 1008 : index
        %get3A_2213 = tpu.vector_load %arg22[%get3A_2212] {strides = array<i32>} : memref<2048xf32, #tpu.memory_space<vmem>>, vector<16xf32>,
        %get3A_2214 = vector.shape_cast %get3A_2213 : vector<16xf32> to vector<16xf32>
        %get3A_2215 = arith.constant 2032 : index
        %get3A_2216 = tpu.vector_load %arg22[%get3A_2215] {strides = array<i32>} : memref<2048xf32, #tpu.memory_space<vmem>>, vector<16xf32>,
        %get3A_2217 = vector.shape_cast %get3A_2216 : vector<16xf32> to vector<16xf32>
        %max3A_2218 = arith.maximumf %get3A_2214, %parallel_loop3A_2085#7 : vector<16xf32>
        %swap3A_2219 = arith.constant 1008 : index
        %swap3A_2220 = tpu.vector_load %arg22[%swap3A_2219] {strides = array<i32>} : memref<2048xf32, #tpu.memory_space<vmem>>, vector<16xf32>,
        %swap3A_2221 = vector.shape_cast %swap3A_2220 : vector<16xf32> to vector<16xf32>
        %swap3A_2222 = vector.shape_cast %max3A_2218 : vector<16xf32> to vector<16xf32>
        tpu.vector_store %arg22[%swap3A_2219], %swap3A_2222 {strides = array<i32>} : memref<2048xf32, #tpu.memory_space<vmem>>, vector<16xf32>,
        %mul3A_2223 = vector.broadcast %get3A_777 : f32 to vector<16xf32>
        %mul3A_2224 = arith.mulf %parallel_loop3A_2085#15, %mul3A_2223 : vector<16xf32>
        %add3A_2225 = arith.addf %get3A_2217, %mul3A_2224 : vector<16xf32>
        %swap3A_2226 = arith.constant 2032 : index
        %swap3A_2227 = tpu.vector_load %arg22[%swap3A_2226] {strides = array<i32>} : memref<2048xf32, #tpu.memory_space<vmem>>, vector<16xf32>,
        %swap3A_2228 = vector.shape_cast %swap3A_2227 : vector<16xf32> to vector<16xf32>
        %swap3A_2229 = vector.shape_cast %add3A_2225 : vector<16xf32> to vector<16xf32>
        tpu.vector_store %arg22[%swap3A_2226], %swap3A_2229 {strides = array<i32>} : memref<2048xf32, #tpu.memory_space<vmem>>, vector<16xf32>,
      } else {
      }
      %add3A_1625 = arith.constant 1 : i32
      %add3A_1626 = arith.addi %scan3A_765, %add3A_1625 : i32
      %lt3A_1627 = arith.constant 32 : i32
      %lt3A_1628 = arith.cmpi slt, %add3A_1626, %lt3A_1627 : i32
      %convert_element_type3A_1629 = arith.extui %lt3A_1628 : i1 to i32
      %cond3A_1630 = arith.constant 0 : i32
      %cond3A_1631 = arith.cmpi ne, %convert_element_type3A_1629, %cond3A_1630 : i32
      scf.if %cond3A_1631 {
        %add3A_1638 = arith.constant 1 : i32
        %add3A_1639 = arith.addi %scan3A_765, %add3A_1638 : i32
        %get3A_1640 = arith.index_cast %add3A_1639 : i32 to index
        %get3A_1641 = memref.load %arg16[%get3A_1640] : memref<32xi32, #tpu.memory_space<smem>>
        %min3A_1642 = arith.constant 50 : i32
        %min3A_1643 = arith.minsi %get3A_1641, %min3A_1642 : i32
        %add3A_1644 = arith.constant 16 : i32
        %add3A_1645 = arith.addi %min3A_1643, %add3A_1644 : i32
        %sub3A_1646 = arith.constant 1 : i32
        %sub3A_1647 = arith.subi %add3A_1645, %sub3A_1646 : i32
        %jit3A_1648 = arith.constant 16 : i32
        %div3A_1649 = arith.divsi %sub3A_1647, %jit3A_1648 : i32
        %sign3A_1650 = arith.constant 0 : i32
        %sign3A_1651 = arith.cmpi sgt, %sub3A_1647, %sign3A_1650 : i32
        %sign3A_1652 = arith.extui %sign3A_1651 : i1 to i32
        %sign3A_1653 = arith.constant 0 : i32
        %sign3A_1654 = arith.cmpi slt, %sub3A_1647, %sign3A_1653 : i32
        %sign3A_1655 = arith.extui %sign3A_1654 : i1 to i32
        %sign3A_1656 = arith.subi %sign3A_1652, %sign3A_1655 : i32
        %sign3A_1657 = arith.constant 0 : i32
        %sign3A_1658 = arith.cmpi sgt, %jit3A_1648, %sign3A_1657 : i32
        %sign3A_1659 = arith.extui %sign3A_1658 : i1 to i32
        %sign3A_1660 = arith.constant 0 : i32
        %sign3A_1661 = arith.cmpi slt, %jit3A_1648, %sign3A_1660 : i32
        %sign3A_1662 = arith.extui %sign3A_1661 : i1 to i32
        %sign3A_1663 = arith.subi %sign3A_1659, %sign3A_1662 : i32
        %ne3A_1664 = arith.cmpi ne, %sign3A_1656, %sign3A_1663 : i32
        %rem3A_1665 = arith.remsi %sub3A_1647, %jit3A_1648 : i32
        %ne3A_1666 = arith.constant 0 : i32
        %ne3A_1667 = arith.cmpi ne, %rem3A_1665, %ne3A_1666 : i32
        %and3A_1668 = arith.andi %ne3A_1664, %ne3A_1667 : i1
        %sub3A_1669 = arith.constant 1 : i32
        %sub3A_1670 = arith.subi %div3A_1649, %sub3A_1669 : i32
        %select_n3A_1671 = arith.select %and3A_1668, %sub3A_1670, %div3A_1649 : i32
        %scan3A_1672 = arith.constant 0 : i32
        %scan3A_1673 = arith.constant 0 : i32
        %scan3A_1674 = arith.addi %scan3A_1672, %scan3A_1673 : i32
        %scan3A_1675 = arith.constant 0 : i32
      } else {
      }
      %add3A_1632 = arith.addi %mul3A_2, %scan3A_765 : i32
      %dma_start3A = arith.constant 0 : i32
      %dma_start3A_1633 = tpu.memref_slice %arg10[%add3A_1632, %dma_start3A] : memref<1024x2048xf32, #tpu.memory_space<hbm>> -> memref<1x2048xf32, #tpu.memory_space<hbm>>
      %dma_start3A_1634 = tpu.memref_squeeze %dma_start3A_1633 : memref<1x2048xf32, #tpu.memory_space<hbm>> -> memref<2048xf32, #tpu.memory_space<hbm>>
      %dma_start3A_1635 = arith.constant 0 : i32
      %dma_start3A_1636 = tpu.memref_slice %arg10[%add3A_1632, %dma_start3A_1635] : memref<1024x2048xf32, #tpu.memory_space<hbm>> -> memref<1x2048xf32, #tpu.memory_space<hbm>>
      %dma_start3A_1637 = tpu.memref_squeeze %dma_start3A_1636 : memref<1x2048xf32, #tpu.memory_space<hbm>> -> memref<2048xf32, #tpu.memory_space<hbm>>
      tpu.enqueue_dma source(%arg22 : memref<2048xf32, #tpu.memory_space<vmem>>) target(%dma_start3A_1637 : memref<2048xf32, #tpu.memory_space<hbm>>) target_semaphore(%arg25 : memref<!tpu.dma_semaphore, #tpu.memory_space<semaphore_mem>>)
    }
    %scan3A_755 = arith.constant 32 : i32
    %add3A_756 = arith.constant 32 : i32
    %add3A_757 = arith.addi %mul3A_2, %add3A_756 : i32
    %sub3A_758 = arith.constant 1 : i32
    %sub3A_759 = arith.subi %add3A_757, %sub3A_758 : i32
    %dma_wait3A = arith.constant 0 : i32
    %dma_wait3A_760 = tpu.memref_slice %arg10[%sub3A_759, %dma_wait3A] : memref<1024x2048xf32, #tpu.memory_space<hbm>> -> memref<1x2048xf32, #tpu.memory_space<hbm>>
    %dma_wait3A_761 = tpu.memref_squeeze %dma_wait3A_760 : memref<1x2048xf32, #tpu.memory_space<hbm>> -> memref<2048xf32, #tpu.memory_space<hbm>>
    %dma_wait3A_762 = arith.constant 0 : i32
    %dma_wait3A_763 = tpu.memref_slice %arg10[%sub3A_759, %dma_wait3A_762] : memref<1024x2048xf32, #tpu.memory_space<hbm>> -> memref<1x2048xf32, #tpu.memory_space<hbm>>
    %dma_wait3A_764 = tpu.memref_squeeze %dma_wait3A_763 : memref<1x2048xf32, #tpu.memory_space<hbm>> -> memref<2048xf32, #tpu.memory_space<hbm>>
    tpu.wait_dma2 semaphore(%arg25 : memref<!tpu.dma_semaphore, #tpu.memory_space<semaphore_mem>>) src(%arg22 : memref<2048xf32, #tpu.memory_space<vmem>>) dst(%dma_wait3A_764 : memref<2048xf32, #tpu.memory_space<hbm>>)
    return
  }
}

</mosaic_0001>

<sc_bundles>
// kernel: _swem_cat_sc.3.cloned.1.call-start
scs
__scs_entry_jumppad:
0x0: {  	(pc) =	sbr.rel $0x88, $3  }
0x1: {  	(tag) =	ssettag $0x0;
	lr =	simm.s32 $0x1  }
0x2: {  	[smem:$0x3F99] =	sst lr;
	_ =	strace $0xD0000000  }
0x3: {  	_ = 	snop  }
0x4: {  	_ = 	snop  }
0x5: {  	_ = 	snop  }
0x6: {  	_ = 	snop  }
0x7: {  	_ = 	snop  }
__scs_overlays_trampoline_lowered:
0x8: {  	[smem:$0x3FA8] =	sst s0  }
0x9: {  	[smem:$0x3FA9] =	sst s1  }
0xa: {  	[smem:$0x3FAA] =	sst s2  }
0xb: {  	[smem:$0x3FAB] =	sst s3  }
0xc: {  	[smem:$0x3FAC] =	sst s4  }
0xd: {  	[smem:$0x3FAD] =	sst s5  }
0xe: {  	[smem:$0x3FAE] =	sst s6  }
0xf: {  	[smem:$0x3FAF] =	sst s7  }
0x10: {  	[smem:$0x3FB0] =	sst s8  }
0x11: {  	[smem:$0x3FB1] =	sst s9;
	s0 =	simm.s32 @!p0 $0x0  }
0x12: {  	s1 =	sld [smem:$0x3F97];
	s0 =	simm.s32 @p0 $0x1  }
0x13: {  	[smem:$0x3FB2] =	sst s0;
	s0 =	simm.s32 @!p1 $0x0  }
0x14: {  	s2 =	sld [smem:$0x3F96];
	s0 =	simm.s32 @p1 $0x1  }
0x15: {  	[smem:$0x3FB3] =	sst s0;
	s0 =	simm.s32 @!p2 $0x0  }
0x16: {  	s3 =	sld [smem:$0x3FDB];
	s0 =	simm.s32 @p2 $0x1  }
0x17: {  	s4 =	simm.s32 $0x1BF5;
	[smem:$0x3FB5] =	sst s0  }
0x18: {  	s0 =	sld [smem:$0x3F98];
	_ =	swait.ge [sflag:s4], $0x0  }
0x19: {  	s7 =	sld [smem:$0x3F99]  }
0x1a: {  	s8 =	sadd.s32 $0xFFFFE003, lr  }
0x1b: {  	s9 =	sadd.s32 $0xFFFFFEF7, lr;
	s5 =	simm.s32 $0xFFFFFFFF;
	p2 =	slt.u32 s8, $0xFFFFF086  }
0x1c: {  	p1 =	slt.u32 s9, $0xF7A;
	s5 =	simm.s32 @!p2 $0x0  }
0x1d: {  	s5 =	simm.s32 @p1 $0x1;
	p0 =	seq.s32 s7, s2  }
0x1e: {  	s7 =	smul.u32 @!p0 $0xF7A, s2;
	p2 =	seq.s32 @!p0 s5, $0x0  }
0x1f: {  	s9 =	smul.u32 $0xF7A, s1;
	s8 =	simm.s32 @!p0 $0x1BF5;
	p2 =	por !p2, p0  }
0x20: {  	[sflag:s8] =	ssyncset.s32 @!p0 $0xFFFFF086;
	s6 =	sadd.s32 @!p0 s3, s7;
	s7 =	simm.s32 @!p0 $0x108  }
0x21: {  	s3 =	sadd.s32 s3, s9;
	s6 =	sadd.s32 @!p0 $0x88, s6;
	s7 =	simm.s32 @p2 $0x1082  }
0x22: {  	[simem:s7], [sflag:s8] =	dma.local @!p0 [hbm:s6], $0xF7A  }
0x23: {  	s9 =	sor.u32 $0xD0000000, s2;
	s6 =	simm.s32 $0x108;
	_ =	swait.ge @!p0 [sflag:s8], $0x0  }
0x24: {  	s3 =	sadd.s32 $0x88, s3;
	s6 =	simm.s32 @!p1 $0x1082;
	[sflag:s4] =	ssyncset.s32 $0xFFFFF086  }
0x25: {  	[simem:s6], [sflag:s4] =	dma.local [hbm:s3], $0xF7A  }
0x26: {  	[smem:$0x3F99] =	sst s1;
	(tag) =	ssettag s2;
	_ =	strace s9  }
0x27: {  	s1 =	sld [smem:$0x3FA9]  }
0x28: {  	s2 =	sld [smem:$0x3FAA]  }
0x29: {  	s4 =	sld [smem:$0x3FAC]  }
0x2a: {  	p0 =	seq.s32 s5, $0x0;
	s5 =	sld [smem:$0x3FAD]  }
0x2b: {  	s6 =	sld [smem:$0x3FAE]  }
0x2c: {  	s7 =	sld [smem:$0x3FAF]  }
0x2d: {  	s3 =	simm.s32 $0x108;
	s8 =	sld [smem:$0x3FB0]  }
0x2e: {  	s3 =	simm.s32 @!p0 $0x1082;
	s9 =	sld [smem:$0x3FB1]  }
0x2f: {  	lr =	sadd.s32 s0, s3;
	s0 =	sld [smem:$0x3FA8]  }
0x30: {  	s3 =	sld [smem:$0x3FAB]  }
0x31: {  	[smem:$0x3FB4] =	sst s10  }
0x32: {  	s10 =	sld [smem:$0x3FB2];
	_ =	sdelay $0x3  }
0x33: {  	p0 =	seq.s32 s10, $0x1;
	s10 =	sld [smem:$0x3FB4];
	_ =	sdelay $0x3  }
0x34: {  	[smem:$0x3FB4] =	sst s10  }
0x35: {  	s10 =	sld [smem:$0x3FB3];
	_ =	sdelay $0x3  }
0x36: {  	p1 =	seq.s32 s10, $0x1;
	s10 =	sld [smem:$0x3FB4];
	_ =	sdelay $0x3  }
0x37: {  	[smem:$0x3FB4] =	sst s10  }
0x38: {  	s10 =	sld [smem:$0x3FB5]  }
0x39: {  	_ = 	snop;
	(pc) =	sbr.ind lr, $3  }
0x3a: {  	_ = 	snop  }
0x3b: {  	_ = 	snop  }
0x3c: {  	p2 =	seq.s32 s10, $0x1;
	s10 =	sld [smem:$0x3FB4]  }
0x3d: {  	_ =	shalt  }
0x3e: {  	_ =	shalt  }
0x3f: {  	_ =	shalt  }
0x40: {  	_ =	shalt  }
0x41: {  	_ =	shalt  }
0x42: {  	_ =	shalt  }
0x43: {  	_ =	shalt  }
0x44: {  	_ =	shalt  }
0x45: {  	_ =	shalt  }
0x46: {  	_ =	shalt  }
0x47: {  	_ =	shalt  }
0x48: {  	_ =	shalt  }
0x49: {  	_ =	shalt  }
0x4a: {  	_ =	shalt  }
0x4b: {  	_ =	shalt  }
0x4c: {  	_ =	shalt  }
0x4d: {  	_ =	shalt  }
0x4e: {  	_ =	shalt  }
0x4f: {  	_ =	shalt  }
0x50: {  	_ =	shalt  }
0x51: {  	_ =	shalt  }
0x52: {  	_ =	shalt  }
0x53: {  	_ =	shalt  }
0x54: {  	_ =	shalt  }
0x55: {  	_ =	shalt  }
0x56: {  	_ =	shalt  }
0x57: {  	_ =	shalt  }
0x58: {  	_ =	shalt  }
0x59: {  	_ =	shalt  }
0x5a: {  	_ =	shalt  }
0x5b: {  	_ =	shalt  }
0x5c: {  	_ =	shalt  }
0x5d: {  	_ =	shalt  }
0x5e: {  	_ =	shalt  }
0x5f: {  	_ =	shalt  }
0x60: {  	_ =	shalt  }
0x61: {  	_ =	shalt  }
0x62: {  	_ =	shalt  }
0x63: {  	_ =	shalt  }
0x64: {  	_ =	shalt  }
0x65: {  	_ =	shalt  }
0x66: {  	_ =	shalt  }
0x67: {  	_ =	shalt  }
0x68: {  	_ =	shalt  }
0x69: {  	_ =	shalt  }
0x6a: {  	_ =	shalt  }
0x6b: {  	_ =	shalt  }
0x6c: {  	_ =	shalt  }
0x6d: {  	_ =	shalt  }
0x6e: {  	_ =	shalt  }
0x6f: {  	_ =	shalt  }
0x70: {  	_ =	shalt  }
0x71: {  	_ =	shalt  }
0x72: {  	_ =	shalt  }
0x73: {  	_ =	shalt  }
0x74: {  	_ =	shalt  }
0x75: {  	_ =	shalt  }
0x76: {  	_ =	shalt  }
0x77: {  	_ =	shalt  }
0x78: {  	_ =	shalt  }
0x79: {  	_ =	shalt  }
0x7a: {  	_ =	shalt  }
0x7b: {  	_ =	shalt  }
0x7c: {  	_ =	shalt  }
0x7d: {  	_ =	shalt  }
0x7e: {  	_ =	shalt  }
0x7f: {  	_ =	shalt  }
0x80: {  	_ =	shalt  }
0x81: {  	_ =	shalt  }
0x82: {  	_ =	shalt  }
0x83: {  	_ =	shalt  }
0x84: {  	_ =	shalt  }
0x85: {  	_ =	shalt  }
0x86: {  	_ =	shalt  }
0x87: {  	_ =	shalt  }
.Lfunc_end0:
.L_simem_size_0:
called_computation_lowered:
.L_overlay_start_0:
0x88: {  	s2 =	sld [smem:$0x3FD9]  }
0x89: {  	s3 =	sld [smem:$0x3FFE];
	_ =	sdelay $0x1  }
0x8a: {  	s1 =	srdreg.scid  }
0x8b: {  	s0 =	sand.u32 $0x1, s1  }
0x8c: {  	s17 =	sshll.u32 s0, $0xA;
	s2 =	sadd.s32 s3, s2  }
0x8d: {  	s2 =	sadd.s32 s2, s17  }
0x8e: {  	[smem:$0x3FC0] =	sst s2  }
0x8f: {  	_ = 	snop  }
0x90: {  	s2 =	sld [smem:$0x3FC6]  }
0x91: {  	s18 =	sld [smem:$0x3FC5]  }
0x92: {  	s4 =	sld [smem:$0x3FC4]  }
0x93: {  	s5 =	sld [smem:$0x3FC3]  }
0x94: {  	s6 =	sld [smem:$0x3FD0];
	(tm) =	ssettm $0x1  }
0x95: {  	s7 =	sld [smem:$0x3FFB];
	_ =	sdelay $0x3  }
0x96: {  	_ =	strace s7  }
0x97: {  	s7 =	sld [smem:$0x3FFC];
	_ =	sdelay $0x3  }
0x98: {  	_ =	strace s7  }
0x99: {  	s7 =	sld [smem:$0x3FFD];
	_ =	sdelay $0x3  }
0x9a: {  	_ =	strace s7  }
0x9b: {  	_ =	strace $0x8FFFFFFF  }
0x9c: {  	s19 =	sld [smem:$0x3FDB];
	_ =	sdelay $0x1  }
0x9d: {  	s8 =	simm.s32 $_scs_section_size  }
0x9e: {  	s9 =	simm.s32 $_size__tile_overlayer_lowered;
	s10 =	simm.s32 $_tile_overlayer_lowered  }
0x9f: {  	s22 =	simm.s32 $0x1BFF;
	s21 =	sshll.u32 s10, $0x1;
	s7 =	sadd.s32 s8, s19  }
0xa0: {  	s11 =	simm.s32 $0x0;
	s20 =	sshll.u32 s9, $0x1;
	s9 =	sadd.s32 s21, s7  }
0xa1: {  	[timem:s11], [sflag:s22] =	dma.local [hbm:s9], s20  }
0xa2: {  	_ =	swait.ge [sflag:s22], s20  }
0xa3: {  	s8 =	ssub.s32 $0x0, s20;
	[sflag:s22] =	ssyncset.done $0x0  }
0xa4: {  	[sflag:s22] =	ssyncadd.s32 s8;
	_ =	sdelay $0x1  }
0xa5: {  	s23 =	simm.s32 $0x1B8B  }
0xa6: {  	_ =	swait.ge [sflag:s23], $0x1  }
0xa7: {  	[sflag:s23] =	ssyncset.done $0x0  }
0xa8: {  	s25 =	simm.s32 $0x1B8E;
	s24 =	sld [smem:$0x3FFE];
	[sflag:s23] =	ssyncadd.s32 $0xFFFFFFFF  }
0xa9: {  	s26 =	simm.s32 $execute0_lowered;
	[smem:$0x3FD2] =	sst s25  }
0xaa: {  	s9 =	sshll.u32 s26, $0x1;
	_ =	strace $0x80000046;
	[dreg:$0x1] =	wrdreg $0xFFFFFFFF  }
0xab: {  	s28 =	simm.s32 $_size_execute0_lowered;
	s7 =	sadd.s32 s7, s9;
	[dreg:$0x0] =	wrdreg $0x0  }
0xac: {  	s9 =	sshll.u32 s28, $0x1;
	[dreg:$0x2] =	wrdreg s7  }
0xad: {  	[dreg:$0x3] =	wrdreg s9  }
0xae: {  	[dreg:$0x4] =	wrdreg $0xC0  }
0xaf: {  	_ =	task [dreg:s11], $0x5FFFF  }
0xb0: {  	[dreg:$0x1] =	wrdreg $0xFFFFFFFF  }
0xb1: {  	[dreg:$0x0] =	wrdreg $0x60  }
0xb2: {  	[dreg:$0x2] =	wrdreg s24  }
0xb3: {  	[dreg:$0x3] =	wrdreg s2  }
0xb4: {  	[dreg:$0x4] =	wrdreg s18  }
0xb5: {  	[dreg:$0x5] =	wrdreg s4  }
0xb6: {  	[dreg:$0x6] =	wrdreg s5  }
0xb7: {  	[dreg:$0x7] =	wrdreg s6  }
0xb8: {  	[dreg:$0x8] =	wrdreg $0x9  }
0xb9: {  	_ =	task.clear_ibuf [dreg:s11], $0x9FFFF;
	_ =	strace $0x90000046  }
0xba: {  	s29 =	simm.s32 $0x9;
	_ =	strace $0x80000048  }
0xbb: {  	_ =	swait.ge [sflag:s29], $0x1  }
0xbc: {  	[sflag:s29] =	ssyncadd.s32 $0xFFFFFFFF  }
0xbd: {  	_ =	strace $0x90000048  }
0xbe: {  	_ =	sfence  }
0xbf: {  	s30 =	sld [smem:$0x0];
	_ =	sdelay $0x2  }
0xc0: {  	s31 =	sshll.u32 s1, $0xD;
	s1 =	sshrl.u32 s1, $0x2  }
0xc1: {  	s3 =	sand.u32 $0x4000, s31;
	s1 =	sadd.s32 s1, s30  }
0xc2: {  	s0 =	sor.u32 s3, s0;
	s1 =	sshll.u32 s1, $0x11  }
0xc3: {  	s0 =	sor.u32 s1, s0  }
0xc4: {  	s0 =	sadd.s32 $0x8F2B, s0  }
0xc5: {  	[sflag:s0] =	ssyncadd.remote.s32 $0x1  }
0xc6: {  	_ =	sfence.sel $0xFFFF  }
0xc7: {  	[dreg:$0x0] =	wrdreg $0xFFFFFFFF;
	(pc) =	sbr.abs _section_cstart, $3  }
0xc8: {  	[dreg:$0x1] =	wrdreg $0xFFFFFFFF  }
0xc9: {  	_ =	task.clear_ibuf [dreg:s11], $0x2FFFF;
	_ =	strace $0x9FFFFFFF  }
0xca: {  	(tm) =	ssettm $0x7FFFFFFF  }
0xcb: {  	_ =	shalt  }
tec
execute0_lowered:
.L_overlay_start_1:
0x0: {  	(tag) =	ssettag $0x1  }
0x1: {  	s0 =	rddreg [dreg:$0x0]  }
0x2: {  	s1 =	rddreg [dreg:$0x1]  }
0x3: {  	s9 =	rddreg [dreg:$0x2]  }
0x4: {  	s10 =	rddreg [dreg:$0x3]  }
0x5: {  	s11 =	rddreg [dreg:$0x4];
	s3 =	srdreg.scid  }
0x6: {  	s2 =	rddreg [dreg:$0x5];
	s4 =	stileid.u32;
	s17 =	simm.s32 $0x3080  }
0x7: {  	s18 =	simm.s32 $0x3100;
	s19 =	simm.s32 $0x3180;
	s20 =	simm.s32 $0x80  }
0x8: {  	s21 =	simm.s32 $0x400;
	s22 =	simm.s32 $0x1D200;
	s23 =	simm.s32 $0x1  }
0x9: {  	s24 =	simm.s32 $0x0;
	s5 =	sand.u32 $0x1, s3;
	s4 =	sshll.u32 s4, $0x6  }
0xa: {  	s3 =	simm.s32 $0x0;
	s6 =	sshll.u32 s5, $0x5;
	s5 =	ssub.s32 $0x2, s5  }
0xb: {  	[smem:$0x7FF] =	sst s3;
	s4 =	sor.u32 s6, s4;
	s7 =	sshrl.u32 s5, $0x1  }
.Ltmp0:
0xc: {  	_ =	strace $0x80000047;
	s6 =	sshll.u32 s4, $0x4;
	(pc) =	sbr.rel .LBB2_1-.Ltmp0, $4  }
0xd: {  	s12 =	ssub.s32 s5, s7;
	s13 =	sshrl.u32 s4, $0x3;
	s0 =	sadd.s32 s6, s0  }
0xe: {  	s8 =	sadd.s32 s1, s13;
	s9 =	sadd.s32 s9, s13;
	s10 =	sadd.s32 s10, s13  }
0xf: {  	s11 =	sadd.s32 s11, s13;
	s12 =	smax.u32 s12, $0x1;
	s13 =	simm.s32 $0x2  }
0x10: {  	s5 =	sadd.s32 $0x400, s0;
	s6 =	sadd.s32 $0x4400, s0;
	s7 =	sadd.s32 $0x8400, s0  }
.LBB2_85:
0x11: {  	s24 =	sadd.s32 $0x1, s24  }
0x12: {  	p0 =	sne.s32 s24, s12  }
.Ltmp1:
0x13: {  	_ = 	snop;
	(pc) =	sbr.rel @!p0 .LBB2_86-.Ltmp1, $4  }
0x14: {  	_ = 	snop  }
0x15: {  	_ =	swait.ge [sflag:s23], $0x800  }
0x16: {  	[sflag:s23] =	ssyncset.done $0x0  }
0x17: {  	[sflag:s23] =	ssyncadd.s32 $0xFFFFF800  }
.LBB2_1:
0x18: {  	[tilespmem:s3], [sflag:$0x2] =	stream.linear.gather [hbm4b:s5+s3], $0x1000, $0x38;
	[tilespmem:$0x1DA00] =	vst v63  }
0x19: {  	_ =	swait.ge [sflag:s13], $0x1000  }
0x1a: {  	[sflag:s13] =	ssyncset.done $0x0  }
0x1b: {  	s0 =	simm.s32 $0x1000;
	[sflag:s13] =	ssyncadd.s32 $0xFFFFF000  }
0x1c: {  	[tilespmem:s0], [sflag:$0x2] =	stream.linear.gather [hbm4b:s6+s3], $0x1000, $0x38;
	[tilespmem:$0x1DA00] =	vst v63  }
0x1d: {  	_ =	swait.ge [sflag:s13], $0x1000  }
0x1e: {  	[sflag:s13] =	ssyncset.done $0x0  }
0x1f: {  	s1 =	simm.s32 $0x2000;
	[sflag:s13] =	ssyncadd.s32 $0xFFFFF000  }
0x20: {  	[tilespmem:s1], [sflag:$0x2] =	stream.linear.gather [hbm4b:s7+s3], $0x1000, $0x38;
	[tilespmem:$0x1DA00] =	vst v63  }
0x21: {  	_ =	swait.ge [sflag:s13], $0x1000  }
0x22: {  	[sflag:s13] =	ssyncset.done $0x0  }
0x23: {  	s14 =	simm.s32 $0x3000;
	[sflag:s13] =	ssyncadd.s32 $0xFFFFF000  }
0x24: {  	[tilespmem:s14], [sflag:$0x2] =	stream.linear.gather [hbm4b:s8+s3], $0x20, $0x38;
	[tilespmem:$0x1DA00] =	vst v63  }
0x25: {  	_ =	swait.ge [sflag:s13], $0x20  }
0x26: {  	[sflag:s13] =	ssyncset.done $0x0  }
0x27: {  	[sflag:s13] =	ssyncadd.s32 $0xFFFFFFE0  }
0x28: {  	[tilespmem:s17], [sflag:$0x2] =	stream.linear.gather [hbm4b:s9+s3], $0x20, $0x38;
	[tilespmem:$0x1DA00] =	vst v63  }
0x29: {  	_ =	swait.ge [sflag:s13], $0x20  }
0x2a: {  	[sflag:s13] =	ssyncset.done $0x0  }
0x2b: {  	[sflag:s13] =	ssyncadd.s32 $0xFFFFFFE0  }
0x2c: {  	[tilespmem:s18], [sflag:$0x2] =	stream.linear.gather [hbm4b:s10+s3], $0x20, $0x38;
	[tilespmem:$0x1DA00] =	vst v63  }
0x2d: {  	_ =	swait.ge [sflag:s13], $0x20  }
0x2e: {  	[sflag:s13] =	ssyncset.done $0x0  }
0x2f: {  	[sflag:s13] =	ssyncadd.s32 $0xFFFFFFE0  }
0x30: {  	[tilespmem:s19], [sflag:$0x2] =	stream.linear.gather [hbm4b:s11+s3], $0x20, $0x38;
	[tilespmem:$0x1DA00] =	vst v63  }
0x31: {  	_ =	swait.ge [sflag:s13], $0x20  }
0x32: {  	[sflag:s13] =	ssyncset.done $0x0  }
0x33: {  	[sflag:s13] =	ssyncadd.s32 $0xFFFFFFE0  }
0x34: {  	v1 =	vld [tilespmem:$0x3000]  }
0x35: {  	v2 =	vld [tilespmem:$0x3080]  }
0x36: {  	v3 =	vld [tilespmem:$0x3100]  }
0x37: {  	v4 =	vld [tilespmem:$0x3180];
	_ =	sdelay $0x1  }
0x38: {  	(v2sf) =	vpush v1, $0x0  }
0x39: {  	(v2sf) =	vpush v2, $0x0  }
0x3a: {  	(v2sf) =	vpush v3, $0x0  }
0x3b: {  	(v2sf) =	vpush v4, $0x0  }
0x3c: {  	(v2sf) =	vpush v1, $0x1  }
0x3d: {  	(v2sf) =	vpush v2, $0x1  }
0x3e: {  	(v2sf) =	vpush v3, $0x1  }
0x3f: {  	(v2sf) =	vpush v4, $0x1  }
0x40: {  	(v2sf) =	vpush v1, $0x2  }
0x41: {  	(v2sf) =	vpush v2, $0x2  }
0x42: {  	(v2sf) =	vpush v3, $0x2  }
0x43: {  	(v2sf) =	vpush v4, $0x2  }
0x44: {  	(v2sf) =	vpush v1, $0x3  }
0x45: {  	(v2sf) =	vpush v2, $0x3  }
0x46: {  	(v2sf) =	vpush v3, $0x3  }
0x47: {  	s15 =	spop (v2sf);
	(v2sf) =	vpush v4, $0x3  }
0x48: {  	[smem:$0x0] =	sst s15;
	s16 =	spop (v2sf);
	(v2sf) =	vpush v1, $0x4  }
0x49: {  	[smem:$0x80] =	sst s16;
	s25 =	spop (v2sf);
	(v2sf) =	vpush v2, $0x4  }
0x4a: {  	[smem:$0x100] =	sst s25;
	s26 =	spop (v2sf);
	(v2sf) =	vpush v3, $0x4  }
0x4b: {  	[smem:$0x180] =	sst s26;
	s28 =	spop (v2sf);
	(v2sf) =	vpush v4, $0x4  }
0x4c: {  	[smem:$0x1] =	sst s28;
	s29 =	spop (v2sf);
	(v2sf) =	vpush v1, $0x5  }
0x4d: {  	[smem:$0x81] =	sst s29;
	s30 =	spop (v2sf);
	(v2sf) =	vpush v2, $0x5  }
0x4e: {  	[smem:$0x101] =	sst s30;
	s31 =	spop (v2sf);
	(v2sf) =	vpush v3, $0x5  }
0x4f: {  	[smem:$0x181] =	sst s31;
	s1 =	spop (v2sf);
	(v2sf) =	vpush v4, $0x5  }
0x50: {  	[smem:$0x2] =	sst s1;
	s14 =	spop (v2sf);
	(v2sf) =	vpush v1, $0x6  }
0x51: {  	[smem:$0x82] =	sst s14;
	s15 =	spop (v2sf);
	(v2sf) =	vpush v2, $0x6  }
0x52: {  	[smem:$0x102] =	sst s15;
	s16 =	spop (v2sf);
	(v2sf) =	vpush v3, $0x6  }
0x53: {  	[smem:$0x182] =	sst s16;
	s25 =	spop (v2sf);
	(v2sf) =	vpush v4, $0x6  }
0x54: {  	[smem:$0x3] =	sst s25;
	s26 =	spop (v2sf);
	(v2sf) =	vpush v1, $0x7  }
0x55: {  	[smem:$0x83] =	sst s26;
	s28 =	spop (v2sf);
	(v2sf) =	vpush v2, $0x7  }
0x56: {  	[smem:$0x103] =	sst s28;
	s29 =	spop (v2sf);
	(v2sf) =	vpush v3, $0x7  }
0x57: {  	[smem:$0x183] =	sst s29;
	s30 =	spop (v2sf);
	(v2sf) =	vpush v4, $0x7  }
0x58: {  	[smem:$0x4] =	sst s30;
	s31 =	spop (v2sf);
	(v2sf) =	vpush v1, $0x8  }
0x59: {  	[smem:$0x84] =	sst s31;
	s1 =	spop (v2sf);
	(v2sf) =	vpush v2, $0x8  }
0x5a: {  	[smem:$0x104] =	sst s1;
	s14 =	spop (v2sf);
	(v2sf) =	vpush v3, $0x8  }
0x5b: {  	[smem:$0x184] =	sst s14;
	s15 =	spop (v2sf);
	(v2sf) =	vpush v4, $0x8  }
0x5c: {  	[smem:$0x5] =	sst s15;
	s16 =	spop (v2sf);
	(v2sf) =	vpush v1, $0x9  }
0x5d: {  	[smem:$0x85] =	sst s16;
	s25 =	spop (v2sf);
	(v2sf) =	vpush v2, $0x9  }
0x5e: {  	[smem:$0x105] =	sst s25;
	s26 =	spop (v2sf);
	(v2sf) =	vpush v3, $0x9  }
0x5f: {  	[smem:$0x185] =	sst s26;
	s28 =	spop (v2sf);
	(v2sf) =	vpush v4, $0x9  }
0x60: {  	[smem:$0x6] =	sst s28;
	s29 =	spop (v2sf);
	(v2sf) =	vpush v1, $0xA  }
0x61: {  	[smem:$0x86] =	sst s29;
	s30 =	spop (v2sf);
	(v2sf) =	vpush v2, $0xA  }
0x62: {  	[smem:$0x106] =	sst s30;
	s31 =	spop (v2sf);
	(v2sf) =	vpush v3, $0xA  }
0x63: {  	[smem:$0x186] =	sst s31;
	s1 =	spop (v2sf);
	(v2sf) =	vpush v4, $0xA  }
0x64: {  	[smem:$0x7] =	sst s1;
	s14 =	spop (v2sf);
	(v2sf) =	vpush v1, $0xB  }
0x65: {  	[smem:$0x87] =	sst s14;
	s15 =	spop (v2sf);
	(v2sf) =	vpush v2, $0xB  }
0x66: {  	[smem:$0x107] =	sst s15;
	s16 =	spop (v2sf);
	(v2sf) =	vpush v3, $0xB  }
0x67: {  	[smem:$0x187] =	sst s16;
	s25 =	spop (v2sf);
	(v2sf) =	vpush v4, $0xB  }
0x68: {  	[smem:$0x8] =	sst s25;
	s26 =	spop (v2sf);
	(v2sf) =	vpush v1, $0xC  }
0x69: {  	[smem:$0x88] =	sst s26;
	s28 =	spop (v2sf);
	(v2sf) =	vpush v2, $0xC  }
0x6a: {  	[smem:$0x108] =	sst s28;
	s29 =	spop (v2sf);
	(v2sf) =	vpush v3, $0xC  }
0x6b: {  	[smem:$0x188] =	sst s29;
	s30 =	spop (v2sf);
	(v2sf) =	vpush v4, $0xC  }
0x6c: {  	[smem:$0x9] =	sst s30;
	s31 =	spop (v2sf);
	(v2sf) =	vpush v1, $0xD  }
0x6d: {  	[smem:$0x89] =	sst s31;
	s1 =	spop (v2sf);
	(v2sf) =	vpush v2, $0xD  }
0x6e: {  	[smem:$0x109] =	sst s1;
	s14 =	spop (v2sf);
	(v2sf) =	vpush v3, $0xD  }
0x6f: {  	[smem:$0x189] =	sst s14;
	s15 =	spop (v2sf);
	(v2sf) =	vpush v4, $0xD  }
0x70: {  	[smem:$0xA] =	sst s15;
	s16 =	spop (v2sf);
	(v2sf) =	vpush v1, $0xE  }
0x71: {  	[smem:$0x8A] =	sst s16;
	s25 =	spop (v2sf);
	(v2sf) =	vpush v2, $0xE  }
0x72: {  	[smem:$0x10A] =	sst s25;
	s26 =	spop (v2sf);
	(v2sf) =	vpush v3, $0xE  }
0x73: {  	v0 =	vld [tilespmem:$0x3010];
	[smem:$0x18A] =	sst s26;
	s28 =	spop (v2sf);
	(v2sf) =	vpush v4, $0xE  }
0x74: {  	v61 =	vld [tilespmem:$0x3090];
	[smem:$0xB] =	sst s28;
	s29 =	spop (v2sf);
	(v2sf) =	vpush v1, $0xF  }
0x75: {  	v62 =	vld [tilespmem:$0x3110];
	[smem:$0x8B] =	sst s29;
	s30 =	spop (v2sf);
	(v2sf) =	vpush v2, $0xF  }
0x76: {  	v63 =	vld [tilespmem:$0x3190];
	[smem:$0x10B] =	sst s30;
	s31 =	spop (v2sf);
	(v2sf) =	vpush v3, $0xF  }
0x77: {  	(v2sf) =	vpush v4, $0xF;
	[smem:$0x18B] =	sst s31;
	s1 =	spop (v2sf)  }
0x78: {  	[smem:$0xC] =	sst s1;
	s14 =	spop (v2sf);
	(v2sf) =	vpush v0, $0x0  }
0x79: {  	[smem:$0x8C] =	sst s14;
	s15 =	spop (v2sf);
	(v2sf) =	vpush v61, $0x0  }
0x7a: {  	[smem:$0x10C] =	sst s15;
	s16 =	spop (v2sf);
	(v2sf) =	vpush v62, $0x0  }
0x7b: {  	[smem:$0x18C] =	sst s16;
	s25 =	spop (v2sf);
	(v2sf) =	vpush v63, $0x0  }
0x7c: {  	[smem:$0xD] =	sst s25;
	s26 =	spop (v2sf);
	(v2sf) =	vpush v0, $0x1  }
0x7d: {  	[smem:$0x8D] =	sst s26;
	s28 =	spop (v2sf);
	(v2sf) =	vpush v61, $0x1  }
0x7e: {  	[smem:$0x10D] =	sst s28;
	s29 =	spop (v2sf);
	(v2sf) =	vpush v62, $0x1  }
0x7f: {  	[smem:$0x18D] =	sst s29;
	s30 =	spop (v2sf);
	(v2sf) =	vpush v63, $0x1  }
0x80: {  	[smem:$0xE] =	sst s30;
	s31 =	spop (v2sf);
	(v2sf) =	vpush v0, $0x2  }
0x81: {  	[smem:$0x8E] =	sst s31;
	s1 =	spop (v2sf);
	(v2sf) =	vpush v61, $0x2  }
0x82: {  	[smem:$0x10E] =	sst s1;
	s14 =	spop (v2sf);
	(v2sf) =	vpush v62, $0x2  }
0x83: {  	[smem:$0x18E] =	sst s14;
	s15 =	spop (v2sf);
	(v2sf) =	vpush v63, $0x2  }
0x84: {  	[smem:$0xF] =	sst s15;
	s16 =	spop (v2sf);
	(v2sf) =	vpush v0, $0x3  }
0x85: {  	[smem:$0x8F] =	sst s16;
	s25 =	spop (v2sf);
	(v2sf) =	vpush v61, $0x3  }
0x86: {  	[smem:$0x10F] =	sst s25;
	s26 =	spop (v2sf);
	(v2sf) =	vpush v62, $0x3  }
0x87: {  	[smem:$0x18F] =	sst s26;
	s28 =	spop (v2sf);
	(v2sf) =	vpush v63, $0x3  }
0x88: {  	[smem:$0x10] =	sst s28;
	s29 =	spop (v2sf);
	(v2sf) =	vpush v0, $0x4  }
0x89: {  	[smem:$0x90] =	sst s29;
	s30 =	spop (v2sf);
	(v2sf) =	vpush v61, $0x4  }
0x8a: {  	[smem:$0x110] =	sst s30;
	s31 =	spop (v2sf);
	(v2sf) =	vpush v62, $0x4  }
0x8b: {  	[smem:$0x190] =	sst s31;
	s1 =	spop (v2sf);
	(v2sf) =	vpush v63, $0x4  }
0x8c: {  	[smem:$0x11] =	sst s1;
	s14 =	spop (v2sf);
	(v2sf) =	vpush v0, $0x5  }
0x8d: {  	[smem:$0x91] =	sst s14;
	s15 =	spop (v2sf);
	(v2sf) =	vpush v61, $0x5  }
0x8e: {  	[smem:$0x111] =	sst s15;
	s16 =	spop (v2sf);
	(v2sf) =	vpush v62, $0x5  }
0x8f: {  	[smem:$0x191] =	sst s16;
	s25 =	spop (v2sf);
	(v2sf) =	vpush v63, $0x5  }
0x90: {  	[smem:$0x12] =	sst s25;
	s26 =	spop (v2sf);
	(v2sf) =	vpush v0, $0x6  }
0x91: {  	[smem:$0x92] =	sst s26;
	s28 =	spop (v2sf);
	(v2sf) =	vpush v61, $0x6  }
0x92: {  	[smem:$0x112] =	sst s28;
	s29 =	spop (v2sf);
	(v2sf) =	vpush v62, $0x6  }
0x93: {  	[smem:$0x192] =	sst s29;
	s30 =	spop (v2sf);
	(v2sf) =	vpush v63, $0x6  }
0x94: {  	[smem:$0x13] =	sst s30;
	s31 =	spop (v2sf);
	(v2sf) =	vpush v0, $0x7  }
0x95: {  	[smem:$0x93] =	sst s31;
	s1 =	spop (v2sf);
	(v2sf) =	vpush v61, $0x7  }
0x96: {  	[smem:$0x113] =	sst s1;
	s14 =	spop (v2sf);
	(v2sf) =	vpush v62, $0x7  }
0x97: {  	[smem:$0x193] =	sst s14;
	s15 =	spop (v2sf);
	(v2sf) =	vpush v63, $0x7  }
0x98: {  	[smem:$0x14] =	sst s15;
	s16 =	spop (v2sf);
	(v2sf) =	vpush v0, $0x8  }
0x99: {  	[smem:$0x94] =	sst s16;
	s25 =	spop (v2sf);
	(v2sf) =	vpush v61, $0x8  }
0x9a: {  	[smem:$0x114] =	sst s25;
	s26 =	spop (v2sf);
	(v2sf) =	vpush v62, $0x8  }
0x9b: {  	[smem:$0x194] =	sst s26;
	s28 =	spop (v2sf);
	(v2sf) =	vpush v63, $0x8  }
0x9c: {  	[smem:$0x15] =	sst s28;
	s29 =	spop (v2sf);
	(v2sf) =	vpush v0, $0x9  }
0x9d: {  	[smem:$0x95] =	sst s29;
	s30 =	spop (v2sf);
	(v2sf) =	vpush v61, $0x9  }
0x9e: {  	[smem:$0x115] =	sst s30;
	s31 =	spop (v2sf);
	(v2sf) =	vpush v62, $0x9  }
0x9f: {  	[smem:$0x195] =	sst s31;
	s1 =	spop (v2sf);
	(v2sf) =	vpush v63, $0x9  }
0xa0: {  	[smem:$0x16] =	sst s1;
	s14 =	spop (v2sf);
	(v2sf) =	vpush v0, $0xA  }
0xa1: {  	[smem:$0x96] =	sst s14;
	s15 =	spop (v2sf);
	(v2sf) =	vpush v61, $0xA  }
0xa2: {  	[smem:$0x116] =	sst s15;
	s16 =	spop (v2sf);
	(v2sf) =	vpush v62, $0xA  }
0xa3: {  	[smem:$0x196] =	sst s16;
	s25 =	spop (v2sf);
	(v2sf) =	vpush v63, $0xA  }
0xa4: {  	[smem:$0x17] =	sst s25;
	s26 =	spop (v2sf);
	(v2sf) =	vpush v0, $0xB  }
0xa5: {  	[smem:$0x97] =	sst s26;
	s28 =	spop (v2sf);
	(v2sf) =	vpush v61, $0xB  }
0xa6: {  	[smem:$0x117] =	sst s28;
	s29 =	spop (v2sf);
	(v2sf) =	vpush v62, $0xB  }
0xa7: {  	[smem:$0x197] =	sst s29;
	s30 =	spop (v2sf);
	(v2sf) =	vpush v63, $0xB  }
0xa8: {  	[smem:$0x18] =	sst s30;
	s31 =	spop (v2sf);
	(v2sf) =	vpush v0, $0xC  }
0xa9: {  	[smem:$0x98] =	sst s31;
	s1 =	spop (v2sf);
	(v2sf) =	vpush v61, $0xC  }
0xaa: {  	[smem:$0x118] =	sst s1;
	s14 =	spop (v2sf);
	(v2sf) =	vpush v62, $0xC  }
0xab: {  	[smem:$0x198] =	sst s14;
	s15 =	spop (v2sf);
	(v2sf) =	vpush v63, $0xC  }
0xac: {  	[smem:$0x19] =	sst s15;
	s16 =	spop (v2sf);
	(v2sf) =	vpush v0, $0xD  }
0xad: {  	[smem:$0x99] =	sst s16;
	s25 =	spop (v2sf);
	(v2sf) =	vpush v61, $0xD  }
0xae: {  	[smem:$0x119] =	sst s25;
	s26 =	spop (v2sf);
	(v2sf) =	vpush v62, $0xD  }
0xaf: {  	[smem:$0x199] =	sst s26;
	s28 =	spop (v2sf);
	(v2sf) =	vpush v63, $0xD  }
0xb0: {  	[smem:$0x1A] =	sst s28;
	s29 =	spop (v2sf);
	(v2sf) =	vpush v0, $0xE  }
0xb1: {  	[smem:$0x9A] =	sst s29;
	s30 =	spop (v2sf);
	(v2sf) =	vpush v61, $0xE  }
0xb2: {  	[smem:$0x11A] =	sst s30;
	s31 =	spop (v2sf);
	(v2sf) =	vpush v62, $0xE  }
0xb3: {  	[smem:$0x19A] =	sst s31;
	s1 =	spop (v2sf);
	(v2sf) =	vpush v63, $0xE  }
0xb4: {  	[smem:$0x1B] =	sst s1;
	s14 =	spop (v2sf)  }
0xb5: {  	(v2sf) =	vpush v0, $0xF;
	[smem:$0x9B] =	sst s14;
	s15 =	spop (v2sf)  }
0xb6: {  	(v2sf) =	vpush v61, $0xF;
	[smem:$0x11B] =	sst s15;
	s16 =	spop (v2sf)  }
0xb7: {  	(v2sf) =	vpush v62, $0xF;
	[smem:$0x19B] =	sst s16;
	s25 =	spop (v2sf)  }
0xb8: {  	(v2sf) =	vpush v63, $0xF;
	[smem:$0x1C] =	sst s25;
	s26 =	spop (v2sf)  }
0xb9: {  	[smem:$0x9C] =	sst s26;
	s28 =	spop (v2sf)  }
0xba: {  	[smem:$0x11C] =	sst s28;
	s29 =	spop (v2sf)  }
0xbb: {  	[smem:$0x19C] =	sst s29;
	s30 =	spop (v2sf)  }
0xbc: {  	[smem:$0x1D] =	sst s30;
	s31 =	spop (v2sf)  }
0xbd: {  	[smem:$0x9D] =	sst s31;
	s1 =	spop (v2sf)  }
0xbe: {  	[smem:$0x11D] =	sst s1;
	s14 =	spop (v2sf)  }
0xbf: {  	[smem:$0x19D] =	sst s14;
	s15 =	spop (v2sf)  }
0xc0: {  	[smem:$0x1E] =	sst s15;
	s16 =	spop (v2sf)  }
0xc1: {  	[smem:$0x9E] =	sst s16;
	s25 =	spop (v2sf)  }
0xc2: {  	[smem:$0x11E] =	sst s25;
	s26 =	spop (v2sf)  }
0xc3: {  	[smem:$0x19E] =	sst s26  }
.Ltmp2:
0xc4: {  	s28 =	spop (v2sf);
	(pc) =	sbr.rel .LBB2_2-.Ltmp2, $4  }
0xc5: {  	[smem:$0x1F] =	sst s28;
	s29 =	spop (v2sf)  }
0xc6: {  	[smem:$0x9F] =	sst s29;
	s30 =	spop (v2sf)  }
0xc7: {  	[smem:$0x11F] =	sst s30;
	s31 =	spop (v2sf)  }
0xc8: {  	s25 =	simm.s32 $0x0;
	[smem:$0x19F] =	sst s31  }
.LBB2_79:
0xc9: {  	v29 =	vld [tilespmem:$0x1FEC0]  }
0xca: {  	v30 =	vld [tilespmem:$0x1FEB0]  }
0xcb: {  	v6 =	vimm.f32 $-Inf;
	v31 =	vld [tilespmem:$0x1FEA0]  }
0xcc: {  	v7 =	vimm.f32 $0.0e+00;
	v8 =	vimm.f32 $-Inf;
	v10 =	vimm.f32 $0.0e+00;
	v32 =	vld [tilespmem:$0x1FE90]  }
0xcd: {  	v11 =	vimm.f32 $-Inf;
	v12 =	vimm.f32 $0.0e+00;
	v13 =	vimm.f32 $-Inf;
	v33 =	vld [tilespmem:$0x1FE80]  }
0xce: {  	v14 =	vimm.f32 $0.0e+00;
	v16 =	vimm.f32 $-Inf;
	v17 =	vimm.f32 $0.0e+00;
	v34 =	vld [tilespmem:$0x1FE70]  }
0xcf: {  	v20 =	vimm.f32 $-Inf;
	v22 =	vimm.f32 $0.0e+00;
	v23 =	vimm.f32 $-Inf;
	v35 =	vld [tilespmem:$0x1FE60]  }
0xd0: {  	v24 =	vimm.f32 $0.0e+00;
	v4 =	vimm.f32 $-Inf;
	v5 =	vimm.f32 $0.0e+00;
	v9 =	vld [tilespmem:$0x1FE50]  }
.LBB2_83:
0xd1: {  	v26 =	vld @p1 [tilespmem:s30+$0xC50];
	s0 =	sor.u32 s29, s28  }
0xd2: {  	v27 =	vld @p1 [tilespmem:s30+$0xC60];
	v6 =	vmax.f32 @p1 v6, v15;
	v7 =	vadd.f32 @p1 v15, v7;
	v8 =	vmax.f32 @p1 v8, v18;
	s0 =	sadd.s32 $0x11200, s0  }
0xd3: {  	v10 =	vadd.f32 @p1 v18, v10;
	v11 =	vmax.f32 @p1 v11, v19;
	v12 =	vadd.f32 @p1 v19, v12;
	v52 =	vld [tilespmem:s0+$0xC00]  }
0xd4: {  	v13 =	vmax.f32 @p1 v13, v21;
	v14 =	vadd.f32 @p1 v21, v14;
	v16 =	vmax.f32 @p1 v16, v25;
	v53 =	vld [tilespmem:s0+$0xC10]  }
0xd5: {  	v17 =	vadd.f32 @p1 v25, v17;
	v6 =	vpsel p1, v6, v1;
	v8 =	vpsel p1, v8, v1;
	v55 =	vld [tilespmem:s0+$0xC20]  }
0xd6: {  	v11 =	vpsel p1, v11, v1;
	v13 =	vpsel p1, v13, v1;
	v61 =	vpsel p1, v16, v1;
	v58 =	vld [tilespmem:s0+$0xC30]  }
0xd7: {  	v7 =	vpsel p1, v7, v3;
	v10 =	vpsel p1, v10, v3;
	v12 =	vpsel p1, v12, v3  }
0xd8: {  	v14 =	vpsel p1, v14, v3;
	v37 =	vpsel p1, v17, v3;
	v19 =	vmax.f32 @p1 v20, v26  }
0xd9: {  	v25 =	vld [tilespmem:s0+$0xC70];
	v20 =	vadd.f32 @p1 v26, v22;
	v21 =	vmax.f32 @p1 v23, v27;
	v23 =	vadd.f32 @p1 v27, v24  }
0xda: {  	v59 =	vld [tilespmem:s0+$0xC40];
	v7 =	vadd.f32 v52, v7;
	v6 =	vmax.f32 v6, v52;
	v10 =	vadd.f32 v53, v10  }
0xdb: {  	v63 =	vld [tilespmem:s0+$0xC60];
	v12 =	vadd.f32 v55, v12;
	v8 =	vmax.f32 v8, v53;
	v14 =	vadd.f32 v58, v14  }
0xdc: {  	v41 =	vpsel p1, v20, v3;
	v11 =	vmax.f32 v11, v55;
	v6 =	vmax.f32 v57, v6  }
0xdd: {  	v62 =	vld [tilespmem:s0+$0xC50];
	v46 =	vpsel p1, v23, v3;
	v47 =	vmax.f32 v13, v58;
	v38 =	vmax.f32 v60, v8;
	[tilespmem:$0x1D580] =	vst v6  }
0xde: {  	v53 =	vpsel p1, v19, v1;
	v58 =	vpsel p1, v21, v1;
	v42 =	vmax.f32 v56, v11;
	[tilespmem:$0x1D590] =	vst v38  }
0xdf: {  	v4 =	vmax.f32 v4, v25;
	v49 =	vmax.f32 v54, v47;
	v54 =	vmax.f32 v61, v59;
	[tilespmem:$0x1D5A0] =	vst v42  }
0xe0: {  	v3 =	vadd.f32 v63, v46;
	v1 =	vmax.f32 v58, v63;
	v63 =	vmax.f32 v2, v4;
	[tilespmem:$0x1D5B0] =	vst v49  }
0xe1: {  	v7 =	vmul.f32 v7, v0;
	v36 =	vmul.f32 v10, v0;
	v55 =	vmax.f32 v51, v54;
	[tilespmem:$0x1D5F0] =	vst v63  }
0xe2: {  	v10 =	vadd.f32 v59, v37;
	v59 =	vmax.f32 v53, v62;
	v1 =	vmax.f32 v45, v1;
	[tilespmem:$0x1D5C0] =	vst v55  }
0xe3: {  	v40 =	vmul.f32 v12, v0;
	v60 =	vmax.f32 v48, v59;
	[tilespmem:$0x1D5E0] =	vst v1;
	v7 =	vadd.f32 v7, v9  }
0xe4: {  	v44 =	vmul.f32 v14, v0;
	v39 =	vadd.f32 v36, v35;
	[tilespmem:$0x1D5D0] =	vst v60  }
0xe5: {  	v5 =	vadd.f32 v25, v5;
	v3 =	vmul.f32 v3, v0;
	v43 =	vadd.f32 v40, v34;
	[tilespmem:$0x1D980] =	vst v7  }
0xe6: {  	v9 =	vadd.f32 v62, v41;
	v50 =	vadd.f32 v44, v33;
	v52 =	vmul.f32 v10, v0;
	[tilespmem:$0x1D990] =	vst v39  }
0xe7: {  	v62 =	vmul.f32 v5, v0;
	v3 =	vadd.f32 v3, v30;
	[tilespmem:$0x1D9A0] =	vst v43  }
0xe8: {  	[tilespmem:$0x1D9B0] =	vst v50;
	v56 =	vadd.f32 v52, v32;
	v57 =	vmul.f32 v9, v0  }
0xe9: {  	v0 =	vadd.f32 v62, v29;
	[tilespmem:$0x1D9E0] =	vst v3  }
0xea: {  	[tilespmem:$0x1D9C0] =	vst v56;
	v61 =	vadd.f32 v57, v31  }
0xeb: {  	[tilespmem:$0x1D9F0] =	vst v0  }
0xec: {  	[tilespmem:$0x1D9D0] =	vst v61  }
.LBB2_84:
0xed: {  	s0 =	sadd.s32 s4, s25;
	s1 =	sshll.u32 s25, $0x4;
	s25 =	sadd.s32 $0x1, s25  }
0xee: {  	p0 =	sne.s32 s25, $0x20  }
.Ltmp3:
0xef: {  	_ = 	snop;
	(pc) =	sbr.rel @!p0 .LBB2_85-.Ltmp3, $4  }
0xf0: {  	s0 =	sshll.u32 s0, $0x8;
	s1 =	sand.u32 $0x70, s1  }
0xf1: {  	s0 =	sand.u32 $0x3F800, s0;
	s1 =	sadd.s32 s2, s1  }
0xf2: {  	s0 =	sadd.s32 s0, s1  }
0xf3: {  	[hbm4b:s0+s20] =	stream.strided.scatter [tilespmem:s22], [sflag:$0x1], $0x800, s21, s20, $0x38;
	[tilespmem:$0x1DA00] =	vst v63  }
.LBB2_2:
0xf4: {  	s0 =	sld [smem:s25+$0x0];
	_ =	sdelay $0x2  }
0xf5: {  	v1 =	vimm.f32 $0.0e+00;
	v2 =	vimm.f32 $0.0e+00;
	p0 =	slt.s32 s0, $0x1  }
.Ltmp4:
0xf6: {  	s26 =	sld [smem:s25+$0x80];
	p1 =	seq.s32 s25, $0x0;
	v0 =	vimm.f32 $0.0e+00;
	v4 =	vimm.f32 $0.0e+00;
	v5 =	vimm.f32 $0.0e+00;
	(pc) =	sbr.rel @p0 .LBB2_9-.Ltmp4, $4  }
0xf7: {  	s30 =	sld [smem:s25+$0x100];
	v8 =	vimm.f32 $0.0e+00;
	v9 =	vimm.f32 $0.0e+00;
	v10 =	vimm.f32 $0.0e+00;
	s1 =	simm.s32 @!p1 $0x1  }
0xf8: {  	s28 =	sld [smem:s25+$0x180];
	v6 =	vimm.f32 $0.0e+00;
	v7 =	vimm.f32 $0.0e+00;
	v11 =	vimm.f32 $0.0e+00;
	_ =	swait.ge @!p1 [sflag:s1], $0x800  }
0xf9: {  	v12 =	vimm.f32 $0.0e+00;
	v13 =	vimm.f32 $0.0e+00;
	v14 =	vimm.f32 $0.0e+00;
	p2 =	slt.s32 s0, $0x32;
	s29 =	smov.u32 s0;
	[sflag:s1] =	ssyncset.done @!p1 $0x0  }
0xfa: {  	v15 =	vimm.f32 $0.0e+00;
	v16 =	vimm.f32 $0.0e+00;
	v3 =	vimm.f32 $0.0e+00;
	s29 =	simm.s32 @!p2 $0x32;
	[sflag:s1] =	ssyncadd.s32 @!p1 $0xFFFFF800  }
0xfb: {  	p2 =	sne.s32 s29, $0x1  }
.Ltmp5:
0xfc: {  	_ = 	snop;
	(pc) =	sbr.rel @!p2 .LBB2_4-.Ltmp5, $3  }
0xfd: {  	_ =	sdelay $0x1  }
0xfe: {  	s1 =	simm.s32 $0x0;
	s16 =	sadd.s32 $0xFFFFFFFF, s29  }
0xff: {  	v0 =	vimm.f32 $-Inf;
	p1 =	por $0x0, $0x0;
	s0 =	sand.u32 $0xFFFFF000, s1;
	s1 =	sand.u32 $0x380, s1  }
0x100: {  	s0 =	sor.u32 s1, s0  }
0x101: {  	s31 =	sadd.s32 $0x11200, s0;
	v3 =	vld [tilespmem:s0+$0x11200]  }
0x102: {  	v6 =	vimm.f32 $-Inf;
	p2 =	sne.s32 s16, $0x1;
	v5 =	vld [tilespmem:s31+$0x70]  }
.Ltmp6:
0x103: {  	v7 =	vimm.f32 $0.0e+00;
	v8 =	vimm.f32 $-Inf;
	v9 =	vimm.f32 $0.0e+00;
	v12 =	vld [tilespmem:s31+$0x10];
	(pc) =	sbr.rel @!p2 .LBB2_6-.Ltmp6, $4  }
0x104: {  	v10 =	vimm.f32 $-Inf;
	v11 =	vimm.f32 $0.0e+00;
	v13 =	vimm.f32 $-Inf;
	v15 =	vld [tilespmem:s31+$0x20]  }
0x105: {  	v14 =	vimm.f32 $0.0e+00;
	v16 =	vimm.f32 $-Inf;
	v18 =	vimm.f32 $0.0e+00;
	v17 =	vld [tilespmem:s31+$0x30]  }
0x106: {  	s14 =	simm.s32 $0x200;
	s15 =	simm.s32 $0x80;
	s16 =	sadd.s32 $0xFFFFFFFF, s16;
	v19 =	vimm.f32 $-Inf;
	v21 =	vimm.f32 $0.0e+00;
	v20 =	vld [tilespmem:s31+$0x40];
	v2 =	vmax.f32 v0, v3  }
0x107: {  	p1 =	por $0x1, $0x1;
	s0 =	sand.u32 $0xFFFFF000, s14;
	s1 =	sand.u32 $0x380, s15;
	v22 =	vld [tilespmem:s31+$0x50];
	v3 =	vadd.f32 v3, v1;
	v4 =	vmax.f32 v0, v5;
	v5 =	vadd.f32 v5, v1  }
.LBB2_7:
0x108: {  	p2 =	sne.s32 s16, $0x1;
	s0 =	sor.u32 s1, s0;
	v6 =	vmax.f32 v6, v12;
	v7 =	vadd.f32 v12, v7;
	v23 =	vld [tilespmem:s31+$0x60]  }
0x109: {  	s31 =	sadd.s32 $0x11200, s0;
	v24 =	vld [tilespmem:s0+$0x11200];
	v8 =	vmax.f32 v8, v15;
	v9 =	vadd.f32 v15, v9  }
0x10a: {  	v25 =	vld [tilespmem:s31+$0x70];
	v10 =	vmax.f32 v10, v17;
	v11 =	vadd.f32 v17, v11  }
.Ltmp7:
0x10b: {  	v12 =	vld [tilespmem:s31+$0x10];
	v13 =	vmax.f32 v13, v20;
	v14 =	vadd.f32 v20, v14;
	(pc) =	sbr.rel @p2 .LBB2_7-.Ltmp7, $4  }
0x10c: {  	v15 =	vld [tilespmem:s31+$0x20];
	v16 =	vmax.f32 v16, v22;
	v18 =	vadd.f32 v22, v18  }
0x10d: {  	v17 =	vld [tilespmem:s31+$0x30];
	v19 =	vmax.f32 v19, v23;
	v21 =	vadd.f32 v23, v21  }
0x10e: {  	s15 =	sadd.s32 $0x80, s15;
	s14 =	sadd.s32 $0x200, s14;
	v2 =	vmax.f32 v2, v24;
	v3 =	vadd.f32 v24, v3;
	v20 =	vld [tilespmem:s31+$0x40]  }
0x10f: {  	s16 =	sadd.s32 $0xFFFFFFFF, s16;
	s0 =	sand.u32 $0xFFFFF000, s14;
	s1 =	sand.u32 $0x380, s15;
	v22 =	vld [tilespmem:s31+$0x50];
	v4 =	vmax.f32 v4, v25;
	v5 =	vadd.f32 v25, v5  }
.LBB2_8:
0x110: {  	s0 =	sor.u32 s1, s0;
	v23 =	vld @p1 [tilespmem:s31+$0x60]  }
0x111: {  	v25 =	vmax.f32 @p1 v6, v12;
	v12 =	vadd.f32 @p1 v12, v7;
	s1 =	sadd.s32 $0x11200, s0;
	v24 =	vld [tilespmem:s0+$0x11200]  }
0x112: {  	v8 =	vmax.f32 @p1 v8, v15;
	v9 =	vadd.f32 @p1 v15, v9;
	v26 =	vld [tilespmem:s1+$0x70]  }
0x113: {  	v10 =	vmax.f32 @p1 v10, v17;
	v11 =	vadd.f32 @p1 v17, v11;
	v15 =	vld [tilespmem:s1+$0x10];
	v12 =	vpsel p1, v12, v1  }
0x114: {  	v58 =	vld [tilespmem:s1+$0x30];
	v8 =	vpsel p1, v8, v0;
	v13 =	vmax.f32 @p1 v13, v20;
	v14 =	vadd.f32 @p1 v20, v14  }
0x115: {  	v59 =	vld [tilespmem:s1+$0x50];
	v60 =	vpsel p1, v9, v1;
	v61 =	vpsel p1, v10, v0;
	v16 =	vmax.f32 @p1 v16, v22  }
0x116: {  	v27 =	vld [tilespmem:s1+$0x60];
	v17 =	vadd.f32 @p1 v22, v18;
	v62 =	vpsel p1, v11, v1;
	v63 =	vpsel p1, v13, v0  }
0x117: {  	v18 =	vld [tilespmem:s1+$0x20];
	v19 =	vmax.f32 @p1 v19, v23;
	v20 =	vadd.f32 @p1 v23, v21;
	v14 =	vpsel p1, v14, v1  }
0x118: {  	v16 =	vpsel p1, v16, v0;
	v6 =	vmax.f32 v2, v24;
	v2 =	vmax.f32 v4, v26;
	v4 =	vld [tilespmem:s1+$0x40]  }
0x119: {  	v7 =	vadd.f32 v24, v3;
	v17 =	vpsel p1, v17, v1;
	v3 =	vadd.f32 v26, v5  }
0x11a: {  	v5 =	vpsel p1, v25, v0;
	v0 =	vpsel p1, v19, v0;
	v19 =	vpsel p1, v20, v1  }
0x11b: {  	v11 =	vadd.f32 v15, v12;
	v13 =	vadd.f32 v58, v62;
	v10 =	vmax.f32 v5, v15  }
0x11c: {  	v15 =	vadd.f32 v59, v17;
	v0 =	vmax.f32 v0, v27;
	v9 =	vmax.f32 v8, v18  }
0x11d: {  	v12 =	vadd.f32 v18, v60;
	v8 =	vmax.f32 v61, v58;
	v5 =	vmax.f32 v63, v4  }
0x11e: {  	v14 =	vadd.f32 v4, v14;
	v4 =	vmax.f32 v16, v59;
	v16 =	vadd.f32 v27, v19  }
.LBB2_9:
0x11f: {  	[tilespmem:$0x1D200] =	vst v6  }
0x120: {  	[tilespmem:$0x1D210] =	vst v10  }
0x121: {  	[tilespmem:$0x1D220] =	vst v9  }
0x122: {  	[tilespmem:$0x1D230] =	vst v8  }
0x123: {  	[tilespmem:$0x1D240] =	vst v5  }
0x124: {  	[tilespmem:$0x1D250] =	vst v4  }
0x125: {  	v7 =	vmul.f32 s30, v7;
	[tilespmem:$0x1D260] =	vst v0  }
0x126: {  	v58 =	vmul.f32 s30, v11;
	[tilespmem:$0x1D270] =	vst v2  }
0x127: {  	v59 =	vmul.f32 s30, v12;
	[tilespmem:$0x1D600] =	vst v7  }
0x128: {  	v60 =	vmul.f32 s30, v13;
	[tilespmem:$0x1D610] =	vst v58  }
0x129: {  	v62 =	vmul.f32 s30, v15;
	[tilespmem:$0x1D620] =	vst v59  }
.Ltmp8:
0x12a: {  	v0 =	vmul.f32 s30, v3;
	[tilespmem:$0x1D630] =	vst v60;
	(pc) =	sbr.rel @p0 .LBB2_10-.Ltmp8, $4  }
0x12b: {  	v61 =	vmul.f32 s30, v14;
	[tilespmem:$0x1D650] =	vst v62  }
0x12c: {  	v63 =	vmul.f32 s30, v16;
	[tilespmem:$0x1D670] =	vst v0  }
0x12d: {  	[tilespmem:$0x1D640] =	vst v61  }
0x12e: {  	[tilespmem:$0x1D660] =	vst v63  }
0x12f: {  	p2 =	sne.s32 s29, $0x1  }
.Ltmp9:
0x130: {  	_ = 	snop;
	(pc) =	sbr.rel @!p2 .LBB2_12-.Ltmp9, $3  }
0x131: {  	_ =	sdelay $0x1  }
0x132: {  	s1 =	simm.s32 $0x0;
	s16 =	sadd.s32 $0xFFFFFFFF, s29  }
0x133: {  	v0 =	vimm.f32 $-Inf;
	p1 =	por $0x0, $0x0;
	s0 =	sand.u32 $0xFFFFF000, s1;
	s1 =	sand.u32 $0x380, s1  }
0x134: {  	s0 =	sor.u32 s1, s0  }
0x135: {  	s31 =	sadd.s32 $0x11200, s0  }
0x136: {  	v4 =	vimm.f32 $-Inf;
	p2 =	sne.s32 s16, $0x1;
	v3 =	vld [tilespmem:s31+$0x470]  }
.Ltmp10:
0x137: {  	v5 =	vimm.f32 $0.0e+00;
	v6 =	vimm.f32 $-Inf;
	v7 =	vimm.f32 $0.0e+00;
	v12 =	vld [tilespmem:s31+$0x400];
	(pc) =	sbr.rel @!p2 .LBB2_14-.Ltmp10, $4  }
0x138: {  	v8 =	vimm.f32 $-Inf;
	v9 =	vimm.f32 $0.0e+00;
	v10 =	vimm.f32 $-Inf;
	v15 =	vld [tilespmem:s31+$0x410]  }
0x139: {  	v11 =	vimm.f32 $0.0e+00;
	v13 =	vimm.f32 $-Inf;
	v14 =	vimm.f32 $0.0e+00;
	v16 =	vld [tilespmem:s31+$0x420]  }
0x13a: {  	s14 =	simm.s32 $0x200;
	s15 =	simm.s32 $0x80;
	v17 =	vimm.f32 $-Inf;
	s16 =	sadd.s32 $0xFFFFFFFF, s16;
	v19 =	vimm.f32 $0.0e+00;
	v20 =	vimm.f32 $-Inf;
	v18 =	vld [tilespmem:s31+$0x430]  }
0x13b: {  	p1 =	por $0x1, $0x1;
	v21 =	vimm.f32 $0.0e+00;
	s0 =	sand.u32 $0xFFFFF000, s14;
	s1 =	sand.u32 $0x380, s15;
	v22 =	vld [tilespmem:s31+$0x440];
	v2 =	vmax.f32 v0, v3;
	v3 =	vadd.f32 v3, v1  }
.LBB2_15:
0x13c: {  	p2 =	sne.s32 s16, $0x1;
	s0 =	sor.u32 s1, s0;
	v4 =	vmax.f32 v4, v12;
	v5 =	vadd.f32 v12, v5;
	v23 =	vld [tilespmem:s31+$0x450]  }
0x13d: {  	v6 =	vmax.f32 v6, v15;
	v7 =	vadd.f32 v15, v7;
	v24 =	vld [tilespmem:s31+$0x460];
	s31 =	sadd.s32 $0x11200, s0  }
0x13e: {  	v25 =	vld [tilespmem:s31+$0x470];
	v8 =	vmax.f32 v8, v16;
	v9 =	vadd.f32 v16, v9  }
.Ltmp11:
0x13f: {  	v12 =	vld [tilespmem:s31+$0x400];
	v10 =	vmax.f32 v10, v18;
	v11 =	vadd.f32 v18, v11;
	(pc) =	sbr.rel @p2 .LBB2_15-.Ltmp11, $4  }
0x140: {  	v15 =	vld [tilespmem:s31+$0x410];
	v13 =	vmax.f32 v13, v22;
	v14 =	vadd.f32 v22, v14  }
0x141: {  	v16 =	vld [tilespmem:s31+$0x420];
	v17 =	vmax.f32 v17, v23;
	v19 =	vadd.f32 v23, v19  }
0x142: {  	s15 =	sadd.s32 $0x80, s15;
	s14 =	sadd.s32 $0x200, s14;
	v18 =	vld [tilespmem:s31+$0x430];
	v20 =	vmax.f32 v20, v24;
	v21 =	vadd.f32 v24, v21  }
0x143: {  	s16 =	sadd.s32 $0xFFFFFFFF, s16;
	s0 =	sand.u32 $0xFFFFF000, s14;
	s1 =	sand.u32 $0x380, s15;
	v22 =	vld [tilespmem:s31+$0x440];
	v2 =	vmax.f32 v2, v25;
	v3 =	vadd.f32 v25, v3  }
.LBB2_16:
0x144: {  	_ = 	snop  }
0x145: {  	s0 =	sor.u32 s1, s0;
	v23 =	vld @p1 [tilespmem:s31+$0x450];
	v4 =	vmax.f32 @p1 v4, v12;
	v5 =	vadd.f32 @p1 v12, v5  }
0x146: {  	v24 =	vld @p1 [tilespmem:s31+$0x460];
	s0 =	sadd.s32 $0x11200, s0;
	v6 =	vmax.f32 @p1 v6, v15;
	v7 =	vadd.f32 @p1 v15, v7;
	v8 =	vmax.f32 @p1 v8, v16  }
0x147: {  	v12 =	vld [tilespmem:s0+$0x470];
	v9 =	vadd.f32 @p1 v16, v9;
	v5 =	vpsel p1, v5, v1;
	v6 =	vpsel p1, v6, v0  }
0x148: {  	v15 =	vld [tilespmem:s0+$0x400];
	v10 =	vmax.f32 @p1 v10, v18;
	v11 =	vadd.f32 @p1 v18, v11;
	v7 =	vpsel p1, v7, v1  }
0x149: {  	v60 =	vld [tilespmem:s0+$0x420];
	v13 =	vmax.f32 @p1 v13, v22;
	v14 =	vadd.f32 @p1 v22, v14;
	v63 =	vpsel p1, v9, v1  }
0x14a: {  	v62 =	vld [tilespmem:s0+$0x440];
	v25 =	vpsel p1, v10, v0;
	v16 =	vmax.f32 @p1 v17, v23;
	v18 =	vadd.f32 @p1 v23, v19  }
0x14b: {  	v28 =	vld [tilespmem:s0+$0x450];
	v19 =	vmax.f32 @p1 v20, v24;
	v20 =	vadd.f32 @p1 v24, v21;
	v26 =	vpsel p1, v11, v1  }
0x14c: {  	v17 =	vld [tilespmem:s0+$0x410];
	v27 =	vpsel p1, v13, v0;
	v14 =	vpsel p1, v14, v1;
	v16 =	vpsel p1, v16, v0  }
0x14d: {  	v61 =	vmax.f32 v2, v12;
	v2 =	vadd.f32 v12, v3;
	v3 =	vpsel p1, v4, v0;
	v4 =	vld [tilespmem:s0+$0x430]  }
0x14e: {  	v12 =	vpsel p1, v8, v0;
	v18 =	vpsel p1, v18, v1;
	v0 =	vpsel p1, v19, v0;
	v19 =	vld [tilespmem:s0+$0x460]  }
.Ltmp12:
0x14f: {  	v1 =	vpsel p1, v20, v1;
	v10 =	vadd.f32 v15, v5;
	v5 =	vmax.f32 v27, v62;
	(pc) =	sbr.rel .LBB2_17-.Ltmp12, $4  }
0x150: {  	v14 =	vadd.f32 v62, v14;
	v9 =	vmax.f32 v3, v15;
	v3 =	vmax.f32 v16, v28  }
0x151: {  	v15 =	vadd.f32 v28, v18;
	v8 =	vmax.f32 v6, v17;
	v11 =	vadd.f32 v17, v7  }
0x152: {  	v7 =	vmax.f32 v12, v60;
	v12 =	vadd.f32 v60, v63;
	v6 =	vmax.f32 v25, v4  }
0x153: {  	v13 =	vadd.f32 v4, v26;
	v4 =	vmax.f32 v0, v19;
	v16 =	vadd.f32 v19, v1;
	v1 =	vmovc v61  }
.LBB2_10:
0x154: {  	v4 =	vimm.f32 $0.0e+00;
	v3 =	vimm.f32 $0.0e+00;
	v5 =	vimm.f32 $0.0e+00  }
0x155: {  	v6 =	vimm.f32 $0.0e+00;
	v7 =	vimm.f32 $0.0e+00;
	v8 =	vimm.f32 $0.0e+00  }
0x156: {  	v9 =	vimm.f32 $0.0e+00;
	v10 =	vimm.f32 $0.0e+00;
	v11 =	vimm.f32 $0.0e+00  }
0x157: {  	v12 =	vimm.f32 $0.0e+00;
	v13 =	vimm.f32 $0.0e+00;
	v14 =	vimm.f32 $0.0e+00  }
0x158: {  	v15 =	vimm.f32 $0.0e+00;
	v16 =	vimm.f32 $0.0e+00;
	v2 =	vimm.f32 $0.0e+00  }
.LBB2_17:
0x159: {  	[tilespmem:$0x1D280] =	vst v9  }
0x15a: {  	[tilespmem:$0x1D290] =	vst v8  }
0x15b: {  	[tilespmem:$0x1D2A0] =	vst v7  }
0x15c: {  	[tilespmem:$0x1D2B0] =	vst v6  }
0x15d: {  	[tilespmem:$0x1D2C0] =	vst v5  }
0x15e: {  	v0 =	vmov s30;
	[tilespmem:$0x1D2D0] =	vst v3  }
0x15f: {  	[tilespmem:$0x1D2E0] =	vst v4;
	v10 =	vmul.f32 v10, v0  }
0x160: {  	[tilespmem:$0x1D2F0] =	vst v1;
	v9 =	vmul.f32 v11, v0  }
0x161: {  	v3 =	vimm.f32 $0.0e+00;
	v8 =	vmul.f32 v12, v0;
	[tilespmem:$0x1D680] =	vst v10  }
0x162: {  	v1 =	vimm.f32 $0.0e+00;
	v17 =	vimm.f32 $0.0e+00;
	v7 =	vmul.f32 v13, v0;
	[tilespmem:$0x1D690] =	vst v9  }
0x163: {  	v4 =	vimm.f32 $0.0e+00;
	v6 =	vmul.f32 v14, v0;
	v5 =	vmul.f32 v15, v0;
	[tilespmem:$0x1D6A0] =	vst v8  }
.Ltmp13:
0x164: {  	v11 =	vmul.f32 v16, v0;
	v16 =	vmul.f32 v2, v0;
	v2 =	vimm.f32 $0.0e+00;
	[tilespmem:$0x1D6B0] =	vst v7;
	(pc) =	sbr.rel @p0 .LBB2_24-.Ltmp13, $4  }
0x165: {  	v12 =	vimm.f32 $0.0e+00;
	v13 =	vimm.f32 $0.0e+00;
	v14 =	vimm.f32 $0.0e+00;
	[tilespmem:$0x1D6C0] =	vst v6  }
0x166: {  	v15 =	vimm.f32 $0.0e+00;
	[tilespmem:$0x1D6D0] =	vst v5;
	v5 =	vimm.f32 $0.0e+00;
	v6 =	vimm.f32 $0.0e+00  }
0x167: {  	v7 =	vimm.f32 $0.0e+00;
	v8 =	vimm.f32 $0.0e+00;
	v9 =	vimm.f32 $0.0e+00;
	[tilespmem:$0x1D6E0] =	vst v11  }
0x168: {  	v10 =	vimm.f32 $0.0e+00;
	v11 =	vimm.f32 $0.0e+00;
	[tilespmem:$0x1D6F0] =	vst v16;
	v16 =	vimm.f32 $0.0e+00  }
0x169: {  	p2 =	sne.s32 s29, $0x1  }
.Ltmp14:
0x16a: {  	_ = 	snop;
	(pc) =	sbr.rel @!p2 .LBB2_19-.Ltmp14, $3  }
0x16b: {  	_ =	sdelay $0x1  }
0x16c: {  	s1 =	simm.s32 $0x0;
	s16 =	sadd.s32 $0xFFFFFFFF, s29  }
0x16d: {  	v1 =	vimm.f32 $-Inf;
	p1 =	por $0x0, $0x0;
	s0 =	sand.u32 $0xFFFFF000, s1;
	s1 =	sand.u32 $0x380, s1  }
0x16e: {  	s0 =	sor.u32 s1, s0  }
0x16f: {  	s30 =	sadd.s32 $0x11200, s0  }
0x170: {  	v5 =	vimm.f32 $-Inf;
	p2 =	sne.s32 s16, $0x1;
	v4 =	vld [tilespmem:s30+$0x870]  }
.Ltmp15:
0x171: {  	v6 =	vimm.f32 $0.0e+00;
	v7 =	vimm.f32 $-Inf;
	v8 =	vimm.f32 $0.0e+00;
	v13 =	vld [tilespmem:s30+$0x800];
	(pc) =	sbr.rel @!p2 .LBB2_21-.Ltmp15, $4  }
0x172: {  	v9 =	vimm.f32 $-Inf;
	v10 =	vimm.f32 $0.0e+00;
	v11 =	vimm.f32 $-Inf;
	v16 =	vld [tilespmem:s30+$0x810]  }
0x173: {  	v12 =	vimm.f32 $0.0e+00;
	v14 =	vimm.f32 $-Inf;
	v15 =	vimm.f32 $0.0e+00;
	v17 =	vld [tilespmem:s30+$0x820]  }
0x174: {  	s14 =	simm.s32 $0x200;
	s15 =	simm.s32 $0x80;
	v18 =	vimm.f32 $-Inf;
	s16 =	sadd.s32 $0xFFFFFFFF, s16;
	v20 =	vimm.f32 $0.0e+00;
	v21 =	vimm.f32 $-Inf;
	v19 =	vld [tilespmem:s30+$0x830]  }
0x175: {  	p1 =	por $0x1, $0x1;
	v22 =	vimm.f32 $0.0e+00;
	s0 =	sand.u32 $0xFFFFF000, s14;
	s1 =	sand.u32 $0x380, s15;
	v23 =	vld [tilespmem:s30+$0x840];
	v3 =	vmax.f32 v1, v4;
	v4 =	vadd.f32 v4, v2  }
.LBB2_22:
0x176: {  	p2 =	sne.s32 s16, $0x1;
	s0 =	sor.u32 s1, s0;
	v5 =	vmax.f32 v5, v13;
	v6 =	vadd.f32 v13, v6;
	v24 =	vld [tilespmem:s30+$0x850]  }
0x177: {  	v7 =	vmax.f32 v7, v16;
	v8 =	vadd.f32 v16, v8;
	v25 =	vld [tilespmem:s30+$0x860];
	s30 =	sadd.s32 $0x11200, s0  }
0x178: {  	v26 =	vld [tilespmem:s30+$0x870];
	v9 =	vmax.f32 v9, v17;
	v10 =	vadd.f32 v17, v10  }
.Ltmp16:
0x179: {  	v13 =	vld [tilespmem:s30+$0x800];
	v11 =	vmax.f32 v11, v19;
	v12 =	vadd.f32 v19, v12;
	(pc) =	sbr.rel @p2 .LBB2_22-.Ltmp16, $4  }
0x17a: {  	v16 =	vld [tilespmem:s30+$0x810];
	v14 =	vmax.f32 v14, v23;
	v15 =	vadd.f32 v23, v15  }
0x17b: {  	v17 =	vld [tilespmem:s30+$0x820];
	v18 =	vmax.f32 v18, v24;
	v20 =	vadd.f32 v24, v20  }
0x17c: {  	s15 =	sadd.s32 $0x80, s15;
	s14 =	sadd.s32 $0x200, s14;
	v19 =	vld [tilespmem:s30+$0x830];
	v21 =	vmax.f32 v21, v25;
	v22 =	vadd.f32 v25, v22  }
0x17d: {  	s16 =	sadd.s32 $0xFFFFFFFF, s16;
	s0 =	sand.u32 $0xFFFFF000, s14;
	s1 =	sand.u32 $0x380, s15;
	v23 =	vld [tilespmem:s30+$0x840];
	v3 =	vmax.f32 v3, v26;
	v4 =	vadd.f32 v26, v4  }
.LBB2_23:
0x17e: {  	s0 =	sor.u32 s1, s0;
	v24 =	vld @p1 [tilespmem:s30+$0x850]  }
0x17f: {  	v25 =	vld @p1 [tilespmem:s30+$0x860];
	v5 =	vmax.f32 @p1 v5, v13;
	v6 =	vadd.f32 @p1 v13, v6;
	s0 =	sadd.s32 $0x11200, s0  }
0x180: {  	v7 =	vmax.f32 @p1 v7, v16;
	v8 =	vadd.f32 @p1 v16, v8;
	v5 =	vpsel p1, v5, v1;
	v13 =	vld [tilespmem:s0+$0x870]  }
0x181: {  	v9 =	vmax.f32 @p1 v9, v17;
	v10 =	vadd.f32 @p1 v17, v10;
	v16 =	vld [tilespmem:s0+$0x800];
	v6 =	vpsel p1, v6, v2  }
0x182: {  	v60 =	vld [tilespmem:s0+$0x820];
	v7 =	vpsel p1, v7, v1;
	v11 =	vmax.f32 @p1 v11, v19;
	v12 =	vadd.f32 @p1 v19, v12  }
0x183: {  	v61 =	vld [tilespmem:s0+$0x830];
	v8 =	vpsel p1, v8, v2;
	v9 =	vpsel p1, v9, v1;
	v14 =	vmax.f32 @p1 v14, v23  }
0x184: {  	v62 =	vld [tilespmem:s0+$0x840];
	v15 =	vadd.f32 @p1 v23, v15;
	v63 =	vpsel p1, v10, v2;
	v26 =	vpsel p1, v11, v1  }
0x185: {  	v29 =	vld [tilespmem:s0+$0x850];
	v17 =	vmax.f32 @p1 v18, v24;
	v19 =	vadd.f32 @p1 v24, v20;
	v20 =	vmax.f32 @p1 v21, v25  }
0x186: {  	v30 =	vld [tilespmem:s0+$0x860];
	v21 =	vadd.f32 @p1 v25, v22;
	v27 =	vpsel p1, v12, v2;
	v28 =	vpsel p1, v14, v1  }
0x187: {  	v18 =	vld [tilespmem:s0+$0x810];
	v15 =	vpsel p1, v15, v2;
	v17 =	vpsel p1, v17, v1;
	v20 =	vpsel p1, v20, v1  }
0x188: {  	v3 =	vmax.f32 v3, v13;
	v4 =	vadd.f32 v13, v4;
	v19 =	vpsel p1, v19, v2  }
0x189: {  	v21 =	vpsel p1, v21, v2;
	v11 =	vmax.f32 v5, v16;
	v12 =	vadd.f32 v16, v6  }
0x18a: {  	v9 =	vmax.f32 v9, v60;
	v1 =	vadd.f32 v60, v63;
	v14 =	vadd.f32 v61, v27  }
0x18b: {  	v15 =	vadd.f32 v62, v15;
	v6 =	vmax.f32 v17, v29;
	v5 =	vmax.f32 v20, v30  }
0x18c: {  	v16 =	vadd.f32 v29, v19;
	v17 =	vadd.f32 v30, v21;
	v10 =	vmax.f32 v7, v18  }
0x18d: {  	v13 =	vadd.f32 v18, v8;
	v8 =	vmax.f32 v26, v61;
	v7 =	vmax.f32 v28, v62  }
.LBB2_24:
0x18e: {  	[tilespmem:$0x1D300] =	vst v11  }
0x18f: {  	[tilespmem:$0x1D310] =	vst v10  }
0x190: {  	[tilespmem:$0x1D320] =	vst v9  }
0x191: {  	v1 =	vmul.f32 v1, v0;
	[tilespmem:$0x1D330] =	vst v8  }
0x192: {  	[tilespmem:$0x1D340] =	vst v7  }
0x193: {  	[tilespmem:$0x1D720] =	vst v1;
	v1 =	vmul.f32 v14, v0  }
0x194: {  	[tilespmem:$0x1D350] =	vst v6  }
0x195: {  	[tilespmem:$0x1D730] =	vst v1;
	v1 =	vmul.f32 v15, v0  }
0x196: {  	[tilespmem:$0x1D360] =	vst v5  }
0x197: {  	[tilespmem:$0x1D740] =	vst v1;
	v1 =	vmul.f32 v16, v0  }
0x198: {  	v12 =	vmul.f32 v12, v0;
	[tilespmem:$0x1D370] =	vst v3  }
.Ltmp17:
0x199: {  	[tilespmem:$0x1D750] =	vst v1;
	v1 =	vmul.f32 v17, v0;
	(pc) =	sbr.rel @p0 .LBB2_25-.Ltmp17, $4  }
0x19a: {  	v63 =	vmul.f32 v13, v0;
	[tilespmem:$0x1D700] =	vst v12  }
0x19b: {  	[tilespmem:$0x1D760] =	vst v1;
	v1 =	vmul.f32 v4, v0  }
0x19c: {  	[tilespmem:$0x1D710] =	vst v63  }
0x19d: {  	[tilespmem:$0x1D770] =	vst v1  }
0x19e: {  	p1 =	sne.s32 s29, $0x1  }
.Ltmp18:
0x19f: {  	_ = 	snop;
	(pc) =	sbr.rel @!p1 .LBB2_27-.Ltmp18, $3  }
0x1a0: {  	_ =	sdelay $0x1  }
0x1a1: {  	s1 =	simm.s32 $0x0;
	s16 =	sadd.s32 $0xFFFFFFFF, s29  }
0x1a2: {  	v1 =	vimm.f32 $-Inf;
	p0 =	por $0x0, $0x0;
	s0 =	sand.u32 $0xFFFFF000, s1;
	s1 =	sand.u32 $0x380, s1  }
0x1a3: {  	s0 =	sor.u32 s1, s0  }
0x1a4: {  	s29 =	sadd.s32 $0x11200, s0  }
0x1a5: {  	v5 =	vimm.f32 $-Inf;
	p1 =	sne.s32 s16, $0x1;
	v4 =	vld [tilespmem:s29+$0xC70]  }
.Ltmp19:
0x1a6: {  	v6 =	vimm.f32 $0.0e+00;
	v7 =	vimm.f32 $-Inf;
	v8 =	vimm.f32 $0.0e+00;
	v13 =	vld [tilespmem:s29+$0xC00];
	(pc) =	sbr.rel @!p1 .LBB2_29-.Ltmp19, $4  }
0x1a7: {  	v9 =	vimm.f32 $-Inf;
	v10 =	vimm.f32 $0.0e+00;
	v11 =	vimm.f32 $-Inf;
	v16 =	vld [tilespmem:s29+$0xC10]  }
0x1a8: {  	v12 =	vimm.f32 $0.0e+00;
	v14 =	vimm.f32 $-Inf;
	v15 =	vimm.f32 $0.0e+00;
	v17 =	vld [tilespmem:s29+$0xC20]  }
0x1a9: {  	s14 =	simm.s32 $0x200;
	s15 =	simm.s32 $0x80;
	v18 =	vimm.f32 $-Inf;
	s16 =	sadd.s32 $0xFFFFFFFF, s16;
	v20 =	vimm.f32 $0.0e+00;
	v21 =	vimm.f32 $-Inf;
	v19 =	vld [tilespmem:s29+$0xC30]  }
0x1aa: {  	p0 =	por $0x1, $0x1;
	v22 =	vimm.f32 $0.0e+00;
	s0 =	sand.u32 $0xFFFFF000, s14;
	s1 =	sand.u32 $0x380, s15;
	v23 =	vld [tilespmem:s29+$0xC40];
	v3 =	vmax.f32 v1, v4;
	v4 =	vadd.f32 v4, v2  }
.LBB2_30:
0x1ab: {  	p1 =	sne.s32 s16, $0x1;
	s0 =	sor.u32 s1, s0;
	v5 =	vmax.f32 v5, v13;
	v6 =	vadd.f32 v13, v6;
	v24 =	vld [tilespmem:s29+$0xC50]  }
0x1ac: {  	v7 =	vmax.f32 v7, v16;
	v8 =	vadd.f32 v16, v8;
	v25 =	vld [tilespmem:s29+$0xC60];
	s29 =	sadd.s32 $0x11200, s0  }
0x1ad: {  	v26 =	vld [tilespmem:s29+$0xC70];
	v9 =	vmax.f32 v9, v17;
	v10 =	vadd.f32 v17, v10  }
.Ltmp20:
0x1ae: {  	v13 =	vld [tilespmem:s29+$0xC00];
	v11 =	vmax.f32 v11, v19;
	v12 =	vadd.f32 v19, v12;
	(pc) =	sbr.rel @p1 .LBB2_30-.Ltmp20, $4  }
0x1af: {  	v16 =	vld [tilespmem:s29+$0xC10];
	v14 =	vmax.f32 v14, v23;
	v15 =	vadd.f32 v23, v15  }
0x1b0: {  	v17 =	vld [tilespmem:s29+$0xC20];
	v18 =	vmax.f32 v18, v24;
	v20 =	vadd.f32 v24, v20  }
0x1b1: {  	s15 =	sadd.s32 $0x80, s15;
	s14 =	sadd.s32 $0x200, s14;
	v19 =	vld [tilespmem:s29+$0xC30];
	v21 =	vmax.f32 v21, v25;
	v22 =	vadd.f32 v25, v22  }
0x1b2: {  	s16 =	sadd.s32 $0xFFFFFFFF, s16;
	s0 =	sand.u32 $0xFFFFF000, s14;
	s1 =	sand.u32 $0x380, s15;
	v23 =	vld [tilespmem:s29+$0xC40];
	v3 =	vmax.f32 v3, v26;
	v4 =	vadd.f32 v26, v4  }
.LBB2_31:
0x1b3: {  	_ = 	snop  }
0x1b4: {  	s0 =	sor.u32 s1, s0;
	v24 =	vld @p0 [tilespmem:s29+$0xC50];
	v5 =	vmax.f32 @p0 v5, v13;
	v6 =	vadd.f32 @p0 v13, v6  }
0x1b5: {  	v25 =	vld @p0 [tilespmem:s29+$0xC60];
	s0 =	sadd.s32 $0x11200, s0;
	v7 =	vmax.f32 @p0 v7, v16;
	v8 =	vadd.f32 @p0 v16, v8;
	v9 =	vmax.f32 @p0 v9, v17  }
0x1b6: {  	v13 =	vld [tilespmem:s0+$0xC70];
	v10 =	vadd.f32 @p0 v17, v10;
	v6 =	vpsel p0, v6, v2;
	v7 =	vpsel p0, v7, v1  }
0x1b7: {  	v16 =	vld [tilespmem:s0+$0xC00];
	v11 =	vmax.f32 @p0 v11, v19;
	v12 =	vadd.f32 @p0 v19, v12;
	v63 =	vpsel p0, v9, v1  }
0x1b8: {  	v60 =	vld [tilespmem:s0+$0xC20];
	v14 =	vmax.f32 @p0 v14, v23;
	v15 =	vadd.f32 @p0 v23, v15;
	v26 =	vpsel p0, v10, v2  }
0x1b9: {  	v29 =	vld [tilespmem:s0+$0xC50];
	v27 =	vpsel p0, v11, v1;
	v17 =	vmax.f32 @p0 v18, v24;
	v19 =	vadd.f32 @p0 v24, v20  }
0x1ba: {  	v30 =	vld [tilespmem:s0+$0xC60];
	v20 =	vmax.f32 @p0 v21, v25;
	v21 =	vadd.f32 @p0 v25, v22;
	v28 =	vpsel p0, v12, v2  }
0x1bb: {  	v18 =	vld [tilespmem:s0+$0xC10];
	v14 =	vpsel p0, v14, v1;
	v15 =	vpsel p0, v15, v2;
	v17 =	vpsel p0, v17, v1  }
0x1bc: {  	v61 =	vmax.f32 v3, v13;
	v3 =	vadd.f32 v13, v4;
	v4 =	vpsel p0, v5, v1;
	v5 =	vld [tilespmem:s0+$0xC30]  }
0x1bd: {  	v62 =	vld [tilespmem:s0+$0xC40];
	v20 =	vpsel p0, v20, v1;
	v13 =	vpsel p0, v8, v2;
	v19 =	vpsel p0, v19, v2  }
.Ltmp21:
0x1be: {  	v2 =	vpsel p0, v21, v2;
	v10 =	vadd.f32 v16, v6;
	v12 =	vadd.f32 v60, v26;
	(pc) =	sbr.rel .LBB2_32-.Ltmp21, $4  }
0x1bf: {  	v1 =	vmax.f32 v17, v29;
	v9 =	vmax.f32 v4, v16;
	v4 =	vmax.f32 v20, v30  }
0x1c0: {  	v16 =	vadd.f32 v30, v2;
	v8 =	vmax.f32 v7, v18;
	v11 =	vadd.f32 v18, v13  }
0x1c1: {  	v7 =	vmax.f32 v63, v60;
	v6 =	vmax.f32 v27, v5;
	v13 =	vadd.f32 v5, v28  }
0x1c2: {  	v2 =	vmovc v61;
	v5 =	vmax.f32 v14, v62;
	v14 =	vadd.f32 v62, v15;
	v15 =	vadd.f32 v29, v19  }
.LBB2_25:
0x1c3: {  	v4 =	vimm.f32 $0.0e+00;
	v1 =	vimm.f32 $0.0e+00;
	v5 =	vimm.f32 $0.0e+00  }
0x1c4: {  	v6 =	vimm.f32 $0.0e+00;
	v7 =	vimm.f32 $0.0e+00;
	v8 =	vimm.f32 $0.0e+00  }
0x1c5: {  	v9 =	vimm.f32 $0.0e+00;
	v10 =	vimm.f32 $0.0e+00;
	v11 =	vimm.f32 $0.0e+00  }
0x1c6: {  	v12 =	vimm.f32 $0.0e+00;
	v13 =	vimm.f32 $0.0e+00;
	v14 =	vimm.f32 $0.0e+00  }
0x1c7: {  	v15 =	vimm.f32 $0.0e+00;
	v16 =	vimm.f32 $0.0e+00;
	v3 =	vimm.f32 $0.0e+00  }
.LBB2_32:
0x1c8: {  	[tilespmem:$0x1D380] =	vst v9  }
0x1c9: {  	[tilespmem:$0x1D390] =	vst v8  }
0x1ca: {  	[tilespmem:$0x1D3A0] =	vst v7  }
0x1cb: {  	[tilespmem:$0x1D3B0] =	vst v6  }
0x1cc: {  	[tilespmem:$0x1D3C0] =	vst v5  }
0x1cd: {  	[tilespmem:$0x1D3D0] =	vst v1  }
0x1ce: {  	v10 =	vmul.f32 v10, v0;
	[tilespmem:$0x1D3E0] =	vst v4  }
0x1cf: {  	v9 =	vmul.f32 v11, v0;
	[tilespmem:$0x1D3F0] =	vst v2  }
0x1d0: {  	v8 =	vmul.f32 v12, v0;
	v7 =	vmul.f32 v13, v0;
	[tilespmem:$0x1D780] =	vst v10  }
0x1d1: {  	v11 =	vmul.f32 v3, v0;
	v1 =	vimm.f32 $0.0e+00;
	v3 =	vimm.f32 $0.0e+00;
	[tilespmem:$0x1D790] =	vst v9  }
0x1d2: {  	v20 =	vimm.f32 $0.0e+00;
	v27 =	vimm.f32 $0.0e+00;
	v21 =	vimm.f32 $0.0e+00;
	p0 =	slt.s32 s26, $0x1;
	[tilespmem:$0x1D7A0] =	vst v8  }
.Ltmp22:
0x1d3: {  	v4 =	vimm.f32 $0.0e+00;
	v12 =	vimm.f32 $0.0e+00;
	v6 =	vmul.f32 v14, v0;
	[tilespmem:$0x1D7B0] =	vst v7;
	(pc) =	sbr.rel @p0 .LBB2_39-.Ltmp22, $4  }
0x1d4: {  	v2 =	vimm.f32 $0.0e+00;
	v5 =	vmul.f32 v15, v0;
	v7 =	vimm.f32 $0.0e+00;
	[tilespmem:$0x1D7F0] =	vst v11  }
0x1d5: {  	v10 =	vimm.f32 $0.0e+00;
	v8 =	vimm.f32 $0.0e+00;
	[tilespmem:$0x1D7C0] =	vst v6;
	v6 =	vmul.f32 v16, v0  }
0x1d6: {  	p1 =	slt.s32 s26, $0x70;
	s29 =	smov.u32 s26;
	v9 =	vimm.f32 $0.0e+00;
	v11 =	vimm.f32 $0.0e+00;
	[tilespmem:$0x1D7D0] =	vst v5;
	v5 =	vimm.f32 $0.0e+00  }
0x1d7: {  	s29 =	simm.s32 @!p1 $0x70;
	v16 =	vimm.f32 $0.0e+00;
	v0 =	vimm.f32 $0.0e+00;
	[tilespmem:$0x1D7E0] =	vst v6;
	v6 =	vimm.f32 $0.0e+00  }
0x1d8: {  	p2 =	sne.s32 s29, $0x1  }
.Ltmp23:
0x1d9: {  	_ = 	snop;
	(pc) =	sbr.rel @!p2 .LBB2_34-.Ltmp23, $3  }
0x1da: {  	_ =	sdelay $0x1  }
0x1db: {  	s0 =	simm.s32 $0x0;
	s15 =	sadd.s32 $0xFFFFFFFF, s29  }
0x1dc: {  	v0 =	vimm.f32 $-Inf;
	p1 =	por $0x0, $0x0;
	s31 =	sand.u32 $0xFFFFF000, s0;
	s0 =	sand.u32 $0x380, s0  }
0x1dd: {  	s30 =	sor.u32 s0, s31  }
0x1de: {  	v3 =	vld [tilespmem:s30+$0x3270]  }
0x1df: {  	v7 =	vimm.f32 $0.0e+00;
	p2 =	sne.s32 s15, $0x1;
	v6 =	vld [tilespmem:s30+$0x3200]  }
.Ltmp24:
0x1e0: {  	v8 =	vimm.f32 $-Inf;
	v9 =	vimm.f32 $0.0e+00;
	v10 =	vimm.f32 $-Inf;
	v12 =	vld [tilespmem:s30+$0x3210];
	(pc) =	sbr.rel @!p2 .LBB2_36-.Ltmp24, $4  }
0x1e1: {  	v11 =	vimm.f32 $0.0e+00;
	v13 =	vimm.f32 $-Inf;
	v14 =	vimm.f32 $0.0e+00;
	v15 =	vld [tilespmem:s30+$0x3220]  }
0x1e2: {  	v16 =	vimm.f32 $-Inf;
	v19 =	vimm.f32 $0.0e+00;
	v20 =	vimm.f32 $-Inf;
	v17 =	vld [tilespmem:s30+$0x3230]  }
0x1e3: {  	s1 =	simm.s32 $0x200;
	s14 =	simm.s32 $0x80;
	s15 =	sadd.s32 $0xFFFFFFFF, s15;
	v21 =	vimm.f32 $0.0e+00;
	v18 =	vld [tilespmem:s30+$0x3240];
	v2 =	vmax.f32 v0, v3;
	v4 =	vadd.f32 v3, v1  }
0x1e4: {  	p1 =	por $0x1, $0x1;
	s31 =	sand.u32 $0xFFFFF000, s1;
	s0 =	sand.u32 $0x380, s14;
	v22 =	vld [tilespmem:s30+$0x3250];
	v5 =	vmax.f32 v0, v6;
	v6 =	vadd.f32 v6, v1;
	v3 =	vimm.f32 $-Inf  }
.LBB2_37:
0x1e5: {  	p2 =	sne.s32 s15, $0x1;
	v3 =	vmax.f32 v3, v12;
	v7 =	vadd.f32 v12, v7;
	v23 =	vld [tilespmem:s30+$0x3260];
	s30 =	sor.u32 s0, s31  }
0x1e6: {  	v24 =	vld [tilespmem:s30+$0x3270];
	v8 =	vmax.f32 v8, v15;
	v9 =	vadd.f32 v15, v9  }
0x1e7: {  	v25 =	vld [tilespmem:s30+$0x3200];
	v10 =	vmax.f32 v10, v17;
	v11 =	vadd.f32 v17, v11  }
.Ltmp25:
0x1e8: {  	v12 =	vld [tilespmem:s30+$0x3210];
	v13 =	vmax.f32 v13, v18;
	v14 =	vadd.f32 v18, v14;
	(pc) =	sbr.rel @p2 .LBB2_37-.Ltmp25, $4  }
0x1e9: {  	v15 =	vld [tilespmem:s30+$0x3220];
	v16 =	vmax.f32 v16, v22;
	v19 =	vadd.f32 v22, v19  }
0x1ea: {  	v17 =	vld [tilespmem:s30+$0x3230];
	v20 =	vmax.f32 v20, v23;
	v21 =	vadd.f32 v23, v21  }
0x1eb: {  	s14 =	sadd.s32 $0x80, s14;
	s1 =	sadd.s32 $0x200, s1;
	v18 =	vld [tilespmem:s30+$0x3240];
	v2 =	vmax.f32 v2, v24;
	v4 =	vadd.f32 v24, v4  }
0x1ec: {  	s15 =	sadd.s32 $0xFFFFFFFF, s15;
	s31 =	sand.u32 $0xFFFFF000, s1;
	s0 =	sand.u32 $0x380, s14;
	v5 =	vmax.f32 v5, v25;
	v6 =	vadd.f32 v25, v6;
	v22 =	vld [tilespmem:s30+$0x3250]  }
.LBB2_38:
0x1ed: {  	s0 =	sor.u32 s0, s31;
	v23 =	vld @p1 [tilespmem:s30+$0x3260];
	v7 =	vadd.f32 @p1 v12, v7  }
0x1ee: {  	v25 =	vmax.f32 @p1 v3, v12;
	v24 =	vld [tilespmem:s0+$0x3270];
	v8 =	vmax.f32 @p1 v8, v15;
	v9 =	vadd.f32 @p1 v15, v9  }
0x1ef: {  	v26 =	vld [tilespmem:s0+$0x3200];
	v10 =	vmax.f32 @p1 v10, v17;
	v11 =	vadd.f32 @p1 v17, v11;
	v7 =	vpsel p1, v7, v1  }
0x1f0: {  	v17 =	vld [tilespmem:s0+$0x3220];
	v8 =	vpsel p1, v8, v0;
	v12 =	vmax.f32 @p1 v13, v18;
	v14 =	vadd.f32 @p1 v18, v14  }
0x1f1: {  	v13 =	vld [tilespmem:s0+$0x3210];
	v9 =	vpsel p1, v9, v1;
	v10 =	vpsel p1, v10, v0;
	v15 =	vmax.f32 @p1 v16, v22  }
0x1f2: {  	v16 =	vadd.f32 @p1 v22, v19;
	v22 =	vld [tilespmem:s0+$0x3230];
	v11 =	vpsel p1, v11, v1;
	v12 =	vpsel p1, v12, v0  }
0x1f3: {  	v18 =	vmax.f32 @p1 v20, v23;
	v19 =	vadd.f32 @p1 v23, v21;
	v23 =	vld [tilespmem:s0+$0x3250];
	v14 =	vpsel p1, v14, v1  }
0x1f4: {  	v15 =	vpsel p1, v15, v0;
	v3 =	vmax.f32 v2, v24;
	v21 =	vmax.f32 v5, v26;
	v5 =	vld [tilespmem:s0+$0x3240]  }
0x1f5: {  	v2 =	vadd.f32 v24, v4;
	v4 =	vadd.f32 v26, v6;
	v6 =	vpsel p1, v25, v0;
	v24 =	vld [tilespmem:s0+$0x3260]  }
0x1f6: {  	v25 =	vpsel p1, v16, v1;
	v18 =	vpsel p1, v18, v0;
	v19 =	vpsel p1, v19, v1  }
0x1f7: {  	v20 =	vmax.f32 v8, v17;
	v27 =	vmax.f32 v6, v13;
	v0 =	vadd.f32 v13, v7  }
0x1f8: {  	v6 =	vadd.f32 v17, v9;
	v16 =	vmax.f32 v10, v22;
	v8 =	vadd.f32 v22, v11  }
0x1f9: {  	v7 =	vmax.f32 v15, v23;
	v11 =	vadd.f32 v23, v25;
	v10 =	vmax.f32 v12, v5  }
0x1fa: {  	v9 =	vadd.f32 v5, v14;
	v5 =	vmax.f32 v18, v24;
	v12 =	vadd.f32 v24, v19  }
.LBB2_39:
0x1fb: {  	[tilespmem:$0x1D400] =	vst v21  }
0x1fc: {  	[tilespmem:$0x1D410] =	vst v27  }
0x1fd: {  	[tilespmem:$0x1D420] =	vst v20  }
0x1fe: {  	[tilespmem:$0x1D430] =	vst v16  }
0x1ff: {  	[tilespmem:$0x1D440] =	vst v10  }
0x200: {  	[tilespmem:$0x1D450] =	vst v7  }
0x201: {  	v37 =	vmul.f32 s28, v4;
	[tilespmem:$0x1D460] =	vst v5  }
0x202: {  	v36 =	vmul.f32 s28, v0;
	[tilespmem:$0x1D470] =	vst v3  }
0x203: {  	v35 =	vmul.f32 s28, v6;
	[tilespmem:$0x1D800] =	vst v37  }
0x204: {  	v34 =	vmul.f32 s28, v8;
	[tilespmem:$0x1D810] =	vst v36  }
0x205: {  	v63 =	vmul.f32 s28, v11;
	[tilespmem:$0x1D820] =	vst v35  }
0x206: {  	v58 =	vmul.f32 s28, v2;
	[tilespmem:$0x1D830] =	vst v34  }
0x207: {  	[tilespmem:$0x1D850] =	vst v63  }
0x208: {  	[tilespmem:$0x1D870] =	vst v58  }
0x209: {  	[tilespmem:$0x1FFC0] =	vst v34  }
.Ltmp26:
0x20a: {  	[tilespmem:$0x1FFD0] =	vst v35;
	(pc) =	sbr.rel @p0 .LBB2_40-.Ltmp26, $4  }
0x20b: {  	v45 =	vmul.f32 s28, v9;
	[tilespmem:$0x1FFE0] =	vst v36  }
0x20c: {  	v61 =	vmul.f32 s28, v12;
	[tilespmem:$0x1FFF0] =	vst v37  }
0x20d: {  	[tilespmem:$0x1D840] =	vst v45  }
0x20e: {  	[tilespmem:$0x1D860] =	vst v61  }
0x20f: {  	p2 =	sne.s32 s29, $0x1  }
.Ltmp27:
0x210: {  	_ = 	snop;
	(pc) =	sbr.rel @!p2 .LBB2_42-.Ltmp27, $3  }
0x211: {  	_ =	sdelay $0x1  }
0x212: {  	s0 =	simm.s32 $0x0;
	s15 =	sadd.s32 $0xFFFFFFFF, s29  }
0x213: {  	v0 =	vimm.f32 $-Inf;
	p1 =	por $0x0, $0x0;
	s31 =	sand.u32 $0xFFFFF000, s0;
	s0 =	sand.u32 $0x380, s0  }
0x214: {  	s30 =	sor.u32 s0, s31  }
0x215: {  	v4 =	vld [tilespmem:s30+$0x3670]  }
0x216: {  	v9 =	vimm.f32 $-Inf;
	p2 =	sne.s32 s15, $0x1;
	v8 =	vld [tilespmem:s30+$0x3600]  }
.Ltmp28:
0x217: {  	v11 =	vimm.f32 $0.0e+00;
	v12 =	vimm.f32 $-Inf;
	v13 =	vimm.f32 $0.0e+00;
	v17 =	vld [tilespmem:s30+$0x3610];
	(pc) =	sbr.rel @!p2 .LBB2_44-.Ltmp28, $4  }
0x218: {  	v14 =	vimm.f32 $-Inf;
	v15 =	vimm.f32 $0.0e+00;
	v18 =	vimm.f32 $-Inf;
	v22 =	vld [tilespmem:s30+$0x3620]  }
0x219: {  	v19 =	vimm.f32 $0.0e+00;
	v23 =	vimm.f32 $-Inf;
	v26 =	vimm.f32 $0.0e+00;
	v24 =	vld [tilespmem:s30+$0x3630]  }
0x21a: {  	s1 =	simm.s32 $0x200;
	s14 =	simm.s32 $0x80;
	s15 =	sadd.s32 $0xFFFFFFFF, s15;
	v28 =	vimm.f32 $-Inf;
	v29 =	vimm.f32 $0.0e+00;
	v25 =	vld [tilespmem:s30+$0x3640];
	v2 =	vmax.f32 v0, v4  }
0x21b: {  	p1 =	por $0x1, $0x1;
	s31 =	sand.u32 $0xFFFFF000, s1;
	s0 =	sand.u32 $0x380, s14;
	v30 =	vld [tilespmem:s30+$0x3650];
	v4 =	vadd.f32 v4, v1;
	v6 =	vmax.f32 v0, v8;
	v8 =	vadd.f32 v8, v1  }
.LBB2_45:
0x21c: {  	p2 =	sne.s32 s15, $0x1;
	v9 =	vmax.f32 v9, v17;
	v11 =	vadd.f32 v17, v11;
	v31 =	vld [tilespmem:s30+$0x3660];
	s30 =	sor.u32 s0, s31  }
0x21d: {  	v32 =	vld [tilespmem:s30+$0x3670];
	v12 =	vmax.f32 v12, v22;
	v13 =	vadd.f32 v22, v13  }
0x21e: {  	v33 =	vld [tilespmem:s30+$0x3600];
	v14 =	vmax.f32 v14, v24;
	v15 =	vadd.f32 v24, v15  }
.Ltmp29:
0x21f: {  	v17 =	vld [tilespmem:s30+$0x3610];
	v18 =	vmax.f32 v18, v25;
	v19 =	vadd.f32 v25, v19;
	(pc) =	sbr.rel @p2 .LBB2_45-.Ltmp29, $4  }
0x220: {  	v22 =	vld [tilespmem:s30+$0x3620];
	v23 =	vmax.f32 v23, v30;
	v26 =	vadd.f32 v30, v26  }
0x221: {  	v24 =	vld [tilespmem:s30+$0x3630];
	v28 =	vmax.f32 v28, v31;
	v29 =	vadd.f32 v31, v29  }
0x222: {  	s14 =	sadd.s32 $0x80, s14;
	s1 =	sadd.s32 $0x200, s1;
	v25 =	vld [tilespmem:s30+$0x3640];
	v2 =	vmax.f32 v2, v32;
	v4 =	vadd.f32 v32, v4  }
0x223: {  	s15 =	sadd.s32 $0xFFFFFFFF, s15;
	s31 =	sand.u32 $0xFFFFF000, s1;
	s0 =	sand.u32 $0x380, s14;
	v6 =	vmax.f32 v6, v33;
	v8 =	vadd.f32 v33, v8;
	v30 =	vld [tilespmem:s30+$0x3650]  }
.LBB2_46:
0x224: {  	s0 =	sor.u32 s0, s31;
	v31 =	vld @p1 [tilespmem:s30+$0x3660]  }
0x225: {  	v32 =	vld [tilespmem:s0+$0x3670]  }
0x226: {  	v9 =	vmax.f32 @p1 v9, v17;
	v33 =	vld [tilespmem:s0+$0x3600]  }
0x227: {  	v11 =	vadd.f32 @p1 v17, v11;
	v12 =	vmax.f32 @p1 v12, v22;
	v13 =	vadd.f32 @p1 v22, v13  }
0x228: {  	v14 =	vmax.f32 @p1 v14, v24;
	v15 =	vadd.f32 @p1 v24, v15;
	v17 =	vmax.f32 @p1 v18, v25  }
0x229: {  	v62 =	vld [tilespmem:s0+$0x3640];
	v19 =	vadd.f32 @p1 v25, v19;
	v22 =	vmax.f32 @p1 v23, v30;
	v23 =	vadd.f32 @p1 v30, v26  }
0x22a: {  	v24 =	vld [tilespmem:s0+$0x3620];
	v25 =	vmax.f32 @p1 v28, v31;
	v26 =	vadd.f32 @p1 v31, v29;
	v28 =	vmax.f32 v2, v32  }
0x22b: {  	v18 =	vld [tilespmem:s0+$0x3610];
	v2 =	vadd.f32 v32, v4;
	v52 =	vmax.f32 v6, v33;
	v4 =	vadd.f32 v33, v8  }
0x22c: {  	v29 =	vld [tilespmem:s0+$0x3630];
	v6 =	vpsel p1, v9, v0;
	v8 =	vpsel p1, v11, v1;
	v9 =	vpsel p1, v12, v0  }
0x22d: {  	v12 =	vld [tilespmem:s0+$0x3650];
	v11 =	vpsel p1, v13, v1;
	v13 =	vpsel p1, v14, v0;
	v14 =	vpsel p1, v15, v1  }
0x22e: {  	v15 =	vpsel p1, v17, v0;
	v17 =	vpsel p1, v19, v1;
	v19 =	vpsel p1, v22, v0;
	v22 =	vld [tilespmem:s0+$0x3660]  }
.Ltmp30:
0x22f: {  	v23 =	vpsel p1, v23, v1;
	v0 =	vpsel p1, v25, v0;
	v1 =	vpsel p1, v26, v1;
	(pc) =	sbr.rel .LBB2_47-.Ltmp30, $4  }
0x230: {  	v53 =	vmax.f32 v9, v24;
	v55 =	vmax.f32 v6, v18;
	v6 =	vadd.f32 v18, v8  }
0x231: {  	v49 =	vmax.f32 v15, v62;
	v8 =	vadd.f32 v24, v11;
	v11 =	vadd.f32 v62, v17  }
0x232: {  	v50 =	vmax.f32 v13, v29;
	v9 =	vadd.f32 v29, v14;
	v47 =	vmax.f32 v19, v12  }
0x233: {  	v12 =	vadd.f32 v12, v23;
	v46 =	vmax.f32 v0, v22;
	v13 =	vadd.f32 v22, v1;
	v1 =	vmovc v28  }
.LBB2_40:
0x234: {  	v46 =	vimm.f32 $0.0e+00;
	v47 =	vimm.f32 $0.0e+00;
	v49 =	vimm.f32 $0.0e+00  }
0x235: {  	v50 =	vimm.f32 $0.0e+00;
	v53 =	vimm.f32 $0.0e+00;
	v55 =	vimm.f32 $0.0e+00  }
0x236: {  	v52 =	vimm.f32 $0.0e+00;
	v4 =	vimm.f32 $0.0e+00;
	v6 =	vimm.f32 $0.0e+00  }
0x237: {  	v8 =	vimm.f32 $0.0e+00;
	v9 =	vimm.f32 $0.0e+00;
	v11 =	vimm.f32 $0.0e+00  }
0x238: {  	v12 =	vimm.f32 $0.0e+00;
	v13 =	vimm.f32 $0.0e+00;
	v2 =	vimm.f32 $0.0e+00  }
.LBB2_47:
0x239: {  	[tilespmem:$0x1D480] =	vst v52  }
0x23a: {  	[tilespmem:$0x1D490] =	vst v55  }
0x23b: {  	[tilespmem:$0x1D4A0] =	vst v53  }
0x23c: {  	[tilespmem:$0x1D4B0] =	vst v50  }
0x23d: {  	[tilespmem:$0x1D4C0] =	vst v49  }
0x23e: {  	v0 =	vmov s28;
	[tilespmem:$0x1D4D0] =	vst v47  }
0x23f: {  	[tilespmem:$0x1D4E0] =	vst v46;
	v56 =	vmul.f32 v4, v0  }
0x240: {  	[tilespmem:$0x1D4F0] =	vst v1;
	v51 =	vmul.f32 v6, v0  }
0x241: {  	v4 =	vmul.f32 v8, v0;
	[tilespmem:$0x1D880] =	vst v56  }
0x242: {  	[tilespmem:$0x1D890] =	vst v51  }
0x243: {  	v6 =	vmul.f32 v12, v0;
	[tilespmem:$0x1FF70] =	vst v4  }
0x244: {  	[tilespmem:$0x1D8A0] =	vst v4  }
0x245: {  	v44 =	vmul.f32 v13, v0;
	[tilespmem:$0x1FFA0] =	vst v6  }
0x246: {  	v12 =	vmul.f32 v2, v0;
	[tilespmem:$0x1D8D0] =	vst v6  }
0x247: {  	v4 =	vmul.f32 v9, v0;
	[tilespmem:$0x1D8E0] =	vst v44  }
0x248: {  	v19 =	vimm.f32 $0.0e+00;
	v25 =	vimm.f32 $0.0e+00;
	v30 =	vimm.f32 $0.0e+00;
	[tilespmem:$0x1FFB0] =	vst v12  }
.Ltmp31:
0x249: {  	v26 =	vimm.f32 $0.0e+00;
	v14 =	vimm.f32 $0.0e+00;
	v15 =	vimm.f32 $0.0e+00;
	[tilespmem:$0x1FF80] =	vst v4;
	(pc) =	sbr.rel @p0 .LBB2_54-.Ltmp31, $4  }
0x24a: {  	v17 =	vimm.f32 $0.0e+00;
	v18 =	vimm.f32 $0.0e+00;
	[tilespmem:$0x1D8B0] =	vst v4;
	v4 =	vmul.f32 v11, v0  }
0x24b: {  	v22 =	vimm.f32 $0.0e+00;
	v2 =	vimm.f32 $0.0e+00;
	v8 =	vimm.f32 $0.0e+00;
	[tilespmem:$0x1D8F0] =	vst v12  }
0x24c: {  	v13 =	vimm.f32 $0.0e+00;
	v6 =	vimm.f32 $0.0e+00;
	v9 =	vimm.f32 $0.0e+00;
	[tilespmem:$0x1FF90] =	vst v4  }
0x24d: {  	v12 =	vimm.f32 $0.0e+00;
	v11 =	vimm.f32 $0.0e+00;
	[tilespmem:$0x1D8C0] =	vst v4;
	v4 =	vimm.f32 $0.0e+00  }
0x24e: {  	p2 =	sne.s32 s29, $0x1  }
.Ltmp32:
0x24f: {  	_ = 	snop;
	(pc) =	sbr.rel @!p2 .LBB2_49-.Ltmp32, $3  }
0x250: {  	_ =	sdelay $0x1  }
0x251: {  	s0 =	simm.s32 $0x0;
	s15 =	sadd.s32 $0xFFFFFFFF, s29  }
0x252: {  	v6 =	vimm.f32 $-Inf;
	p1 =	por $0x0, $0x0;
	s30 =	sand.u32 $0xFFFFF000, s0;
	s0 =	sand.u32 $0x380, s0  }
0x253: {  	s28 =	sor.u32 s0, s30  }
0x254: {  	v8 =	vld [tilespmem:s28+$0x3A70]  }
0x255: {  	v12 =	vimm.f32 $-Inf;
	p2 =	sne.s32 s15, $0x1;
	v11 =	vld [tilespmem:s28+$0x3A00]  }
.Ltmp33:
0x256: {  	v13 =	vimm.f32 $0.0e+00;
	v14 =	vimm.f32 $-Inf;
	v15 =	vimm.f32 $0.0e+00;
	v19 =	vld [tilespmem:s28+$0x3A10];
	(pc) =	sbr.rel @!p2 .LBB2_51-.Ltmp33, $4  }
0x257: {  	v17 =	vimm.f32 $-Inf;
	v18 =	vimm.f32 $0.0e+00;
	v22 =	vimm.f32 $-Inf;
	v24 =	vld [tilespmem:s28+$0x3A20]  }
0x258: {  	v23 =	vimm.f32 $0.0e+00;
	v25 =	vimm.f32 $-Inf;
	v29 =	vimm.f32 $0.0e+00;
	v26 =	vld [tilespmem:s28+$0x3A30]  }
0x259: {  	s1 =	simm.s32 $0x200;
	s14 =	simm.s32 $0x80;
	s15 =	sadd.s32 $0xFFFFFFFF, s15;
	v30 =	vimm.f32 $-Inf;
	v31 =	vimm.f32 $0.0e+00;
	v28 =	vld [tilespmem:s28+$0x3A40];
	v4 =	vmax.f32 v6, v8  }
0x25a: {  	p1 =	por $0x1, $0x1;
	s30 =	sand.u32 $0xFFFFF000, s1;
	s0 =	sand.u32 $0x380, s14;
	v32 =	vld [tilespmem:s28+$0x3A50];
	v8 =	vadd.f32 v8, v2;
	v9 =	vmax.f32 v6, v11;
	v11 =	vadd.f32 v11, v2  }
.LBB2_52:
0x25b: {  	p2 =	sne.s32 s15, $0x1;
	v12 =	vmax.f32 v12, v19;
	v13 =	vadd.f32 v19, v13;
	v33 =	vld [tilespmem:s28+$0x3A60];
	s28 =	sor.u32 s0, s30  }
0x25c: {  	v34 =	vld [tilespmem:s28+$0x3A70];
	v14 =	vmax.f32 v14, v24;
	v15 =	vadd.f32 v24, v15  }
0x25d: {  	v35 =	vld [tilespmem:s28+$0x3A00];
	v17 =	vmax.f32 v17, v26;
	v18 =	vadd.f32 v26, v18  }
.Ltmp34:
0x25e: {  	v19 =	vld [tilespmem:s28+$0x3A10];
	v22 =	vmax.f32 v22, v28;
	v23 =	vadd.f32 v28, v23;
	(pc) =	sbr.rel @p2 .LBB2_52-.Ltmp34, $4  }
0x25f: {  	v24 =	vld [tilespmem:s28+$0x3A20];
	v25 =	vmax.f32 v25, v32;
	v29 =	vadd.f32 v32, v29  }
0x260: {  	v26 =	vld [tilespmem:s28+$0x3A30];
	v30 =	vmax.f32 v30, v33;
	v31 =	vadd.f32 v33, v31  }
0x261: {  	s14 =	sadd.s32 $0x80, s14;
	s1 =	sadd.s32 $0x200, s1;
	v28 =	vld [tilespmem:s28+$0x3A40];
	v4 =	vmax.f32 v4, v34;
	v8 =	vadd.f32 v34, v8  }
0x262: {  	s15 =	sadd.s32 $0xFFFFFFFF, s15;
	s30 =	sand.u32 $0xFFFFF000, s1;
	s0 =	sand.u32 $0x380, s14;
	v9 =	vmax.f32 v9, v35;
	v11 =	vadd.f32 v35, v11;
	v32 =	vld [tilespmem:s28+$0x3A50]  }
.LBB2_53:
0x263: {  	s0 =	sor.u32 s0, s30;
	v33 =	vld @p1 [tilespmem:s28+$0x3A60];
	v13 =	vadd.f32 @p1 v19, v13  }
0x264: {  	v35 =	vmax.f32 @p1 v12, v19;
	v34 =	vld [tilespmem:s0+$0x3A70];
	v14 =	vmax.f32 @p1 v14, v24;
	v15 =	vadd.f32 @p1 v24, v15  }
0x265: {  	v36 =	vld [tilespmem:s0+$0x3A00];
	v17 =	vmax.f32 @p1 v17, v26;
	v18 =	vadd.f32 @p1 v26, v18;
	v13 =	vpsel p1, v13, v2  }
0x266: {  	v57 =	vld [tilespmem:s0+$0x3A50];
	v14 =	vpsel p1, v14, v6;
	v19 =	vmax.f32 @p1 v22, v28;
	v23 =	vadd.f32 @p1 v28, v23  }
0x267: {  	v60 =	vld [tilespmem:s0+$0x3A60];
	v15 =	vpsel p1, v15, v2;
	v17 =	vpsel p1, v17, v6;
	v24 =	vmax.f32 @p1 v25, v32  }
0x268: {  	v22 =	vld [tilespmem:s0+$0x3A10];
	v25 =	vadd.f32 @p1 v32, v29;
	v18 =	vpsel p1, v18, v2;
	v59 =	vpsel p1, v19, v6  }
0x269: {  	v28 =	vld [tilespmem:s0+$0x3A20];
	v29 =	vmax.f32 @p1 v30, v33;
	v30 =	vadd.f32 @p1 v33, v31;
	v23 =	vpsel p1, v23, v2  }
0x26a: {  	v31 =	vld [tilespmem:s0+$0x3A30];
	v24 =	vpsel p1, v24, v6;
	v4 =	vmax.f32 v4, v34;
	v12 =	vadd.f32 v34, v8  }
0x26b: {  	v26 =	vmax.f32 v9, v36;
	v9 =	vadd.f32 v36, v11;
	v8 =	vld [tilespmem:s0+$0x3A40];
	v11 =	vpsel p1, v35, v6  }
0x26c: {  	v62 =	vpsel p1, v25, v2;
	v6 =	vpsel p1, v29, v6;
	v29 =	vpsel p1, v30, v2  }
0x26d: {  	v6 =	vmax.f32 v6, v60;
	v30 =	vmax.f32 v11, v22;
	v11 =	vadd.f32 v22, v13  }
0x26e: {  	v25 =	vmax.f32 v14, v28;
	v14 =	vadd.f32 v28, v15;
	v22 =	vadd.f32 v60, v29  }
0x26f: {  	v19 =	vmax.f32 v17, v31;
	v15 =	vadd.f32 v31, v18;
	v18 =	vadd.f32 v57, v62  }
0x270: {  	v13 =	vmax.f32 v59, v8;
	v17 =	vadd.f32 v8, v23;
	v8 =	vmax.f32 v24, v57  }
.LBB2_54:
0x271: {  	[tilespmem:$0x1D500] =	vst v26  }
0x272: {  	[tilespmem:$0x1D510] =	vst v30  }
0x273: {  	[tilespmem:$0x1D520] =	vst v25  }
0x274: {  	[tilespmem:$0x1D530] =	vst v19  }
0x275: {  	[tilespmem:$0x1D540] =	vst v13  }
0x276: {  	[tilespmem:$0x1D550] =	vst v8  }
0x277: {  	[tilespmem:$0x1D560] =	vst v6  }
0x278: {  	[tilespmem:$0x1D570] =	vst v4  }
0x279: {  	[tilespmem:$0x1FF10] =	vst v6  }
0x27a: {  	v57 =	vmul.f32 v9, v0;
	[tilespmem:$0x1FF30] =	vst v51  }
0x27b: {  	v54 =	vmul.f32 v11, v0;
	[tilespmem:$0x1FF50] =	vst v56  }
0x27c: {  	v48 =	vmul.f32 v14, v0;
	[tilespmem:$0x1D900] =	vst v57  }
0x27d: {  	v9 =	vmul.f32 v15, v0;
	[tilespmem:$0x1D910] =	vst v54  }
0x27e: {  	[tilespmem:$0x1D920] =	vst v48  }
0x27f: {  	v62 =	vmul.f32 v22, v0;
	[tilespmem:$0x1FEE0] =	vst v9  }
0x280: {  	v59 =	vmul.f32 v12, v0;
	[tilespmem:$0x1D930] =	vst v9  }
0x281: {  	[tilespmem:$0x1D960] =	vst v62  }
0x282: {  	[tilespmem:$0x1D970] =	vst v59  }
0x283: {  	v9 =	vmul.f32 v17, v0;
	[tilespmem:$0x1FF20] =	vst v48  }
0x284: {  	[tilespmem:$0x1FF40] =	vst v54  }
.Ltmp35:
0x285: {  	[tilespmem:$0x1FEF0] =	vst v9;
	(pc) =	sbr.rel @p0 .LBB2_55-.Ltmp35, $4  }
0x286: {  	[tilespmem:$0x1D940] =	vst v9;
	v9 =	vmul.f32 v18, v0  }
0x287: {  	[tilespmem:$0x1FF60] =	vst v57  }
0x288: {  	[tilespmem:$0x1FF00] =	vst v9  }
0x289: {  	[tilespmem:$0x1D950] =	vst v9  }
0x28a: {  	p1 =	sne.s32 s29, $0x1  }
.Ltmp36:
0x28b: {  	_ = 	snop;
	(pc) =	sbr.rel @!p1 .LBB2_57-.Ltmp36, $3  }
0x28c: {  	_ =	sdelay $0x1  }
0x28d: {  	s0 =	simm.s32 $0x0;
	s15 =	sadd.s32 $0xFFFFFFFF, s29  }
0x28e: {  	v9 =	vimm.f32 $-Inf;
	p0 =	por $0x0, $0x0;
	v6 =	vmov v3;
	s30 =	sand.u32 $0xFFFFF000, s0;
	s0 =	sand.u32 $0x380, s0  }
0x28f: {  	s28 =	sor.u32 s0, s30  }
0x290: {  	v12 =	vld [tilespmem:s28+$0x3E70]  }
0x291: {  	v17 =	vimm.f32 $-Inf;
	p1 =	sne.s32 s15, $0x1;
	v15 =	vld [tilespmem:s28+$0x3E00]  }
.Ltmp37:
0x292: {  	v18 =	vimm.f32 $0.0e+00;
	v22 =	vimm.f32 $-Inf;
	v23 =	vimm.f32 $0.0e+00;
	v29 =	vld [tilespmem:s28+$0x3E10];
	(pc) =	sbr.rel @!p1 .LBB2_59-.Ltmp37, $4  }
0x293: {  	v24 =	vimm.f32 $-Inf;
	v28 =	vimm.f32 $0.0e+00;
	v31 =	vimm.f32 $-Inf;
	v33 =	vld [tilespmem:s28+$0x3E20]  }
0x294: {  	v32 =	vimm.f32 $0.0e+00;
	v34 =	vimm.f32 $-Inf;
	v37 =	vimm.f32 $0.0e+00;
	v35 =	vld [tilespmem:s28+$0x3E30]  }
0x295: {  	s1 =	simm.s32 $0x200;
	s14 =	simm.s32 $0x80;
	s15 =	sadd.s32 $0xFFFFFFFF, s15;
	v38 =	vimm.f32 $-Inf;
	v39 =	vimm.f32 $0.0e+00;
	v36 =	vld [tilespmem:s28+$0x3E40];
	v11 =	vmax.f32 v9, v12  }
0x296: {  	p0 =	por $0x1, $0x1;
	s30 =	sand.u32 $0xFFFFF000, s1;
	s0 =	sand.u32 $0x380, s14;
	v40 =	vld [tilespmem:s28+$0x3E50];
	v12 =	vadd.f32 v12, v2;
	v14 =	vmax.f32 v9, v15;
	v15 =	vadd.f32 v15, v2  }
.LBB2_60:
0x297: {  	p1 =	sne.s32 s15, $0x1;
	v17 =	vmax.f32 v17, v29;
	v18 =	vadd.f32 v29, v18;
	v41 =	vld [tilespmem:s28+$0x3E60];
	s28 =	sor.u32 s0, s30  }
0x298: {  	v42 =	vld [tilespmem:s28+$0x3E70];
	v22 =	vmax.f32 v22, v33;
	v23 =	vadd.f32 v33, v23  }
0x299: {  	v43 =	vld [tilespmem:s28+$0x3E00];
	v24 =	vmax.f32 v24, v35;
	v28 =	vadd.f32 v35, v28  }
.Ltmp38:
0x29a: {  	v29 =	vld [tilespmem:s28+$0x3E10];
	v31 =	vmax.f32 v31, v36;
	v32 =	vadd.f32 v36, v32;
	(pc) =	sbr.rel @p1 .LBB2_60-.Ltmp38, $4  }
0x29b: {  	v33 =	vld [tilespmem:s28+$0x3E20];
	v34 =	vmax.f32 v34, v40;
	v37 =	vadd.f32 v40, v37  }
0x29c: {  	v35 =	vld [tilespmem:s28+$0x3E30];
	v38 =	vmax.f32 v38, v41;
	v39 =	vadd.f32 v41, v39  }
0x29d: {  	s14 =	sadd.s32 $0x80, s14;
	s1 =	sadd.s32 $0x200, s1;
	v36 =	vld [tilespmem:s28+$0x3E40];
	v11 =	vmax.f32 v11, v42;
	v12 =	vadd.f32 v42, v12  }
0x29e: {  	s15 =	sadd.s32 $0xFFFFFFFF, s15;
	s30 =	sand.u32 $0xFFFFF000, s1;
	s0 =	sand.u32 $0x380, s14;
	v14 =	vmax.f32 v14, v43;
	v15 =	vadd.f32 v43, v15;
	v40 =	vld [tilespmem:s28+$0x3E50]  }
0x29f: {  	v3 =	vmov v45  }
.LBB2_62:
0x2a0: {  	s0 =	sor.u32 s0, s30;
	v41 =	vld @p0 [tilespmem:s28+$0x3E60]  }
0x2a1: {  	v42 =	vld [tilespmem:s0+$0x3E70]  }
0x2a2: {  	v17 =	vmax.f32 @p0 v17, v29;
	v43 =	vld [tilespmem:s0+$0x3E00]  }
0x2a3: {  	v18 =	vadd.f32 @p0 v29, v18;
	v22 =	vmax.f32 @p0 v22, v33;
	v23 =	vadd.f32 @p0 v33, v23  }
0x2a4: {  	v24 =	vmax.f32 @p0 v24, v35;
	v33 =	vmax.f32 @p0 v34, v40;
	v34 =	vadd.f32 @p0 v40, v37  }
0x2a5: {  	v28 =	vadd.f32 @p0 v35, v28;
	v48 =	vld [tilespmem:s0+$0x3E20];
	v29 =	vmax.f32 @p0 v31, v36;
	v32 =	vadd.f32 @p0 v36, v32  }
0x2a6: {  	v51 =	vld [tilespmem:s0+$0x3E30];
	v36 =	vmax.f32 @p0 v38, v41;
	v37 =	vadd.f32 @p0 v41, v39;
	v34 =	vpsel p0, v34, v2  }
0x2a7: {  	v31 =	vld [tilespmem:s0+$0x3E10];
	v38 =	vmax.f32 v11, v42;
	v11 =	vadd.f32 v42, v12;
	v57 =	vmax.f32 v14, v43  }
0x2a8: {  	v45 =	vld [tilespmem:s0+$0x3E50];
	v12 =	vadd.f32 v43, v15;
	v15 =	vpsel p0, v17, v9;
	v17 =	vpsel p0, v18, v2  }
0x2a9: {  	v14 =	vld [tilespmem:s0+$0x3E40];
	v18 =	vpsel p0, v22, v9;
	v22 =	vpsel p0, v23, v2;
	v23 =	vpsel p0, v24, v9  }
0x2aa: {  	v24 =	vpsel p0, v28, v2;
	v28 =	vpsel p0, v29, v9;
	v29 =	vpsel p0, v32, v2;
	v43 =	vld [tilespmem:s0+$0x3E60]  }
.Ltmp39:
0x2ab: {  	v42 =	vpsel p0, v33, v9;
	v9 =	vpsel p0, v36, v9;
	v2 =	vpsel p0, v37, v2;
	(pc) =	sbr.rel .LBB2_63-.Ltmp39, $4  }
0x2ac: {  	v60 =	vmax.f32 v15, v31;
	v15 =	vadd.f32 v31, v17;
	v56 =	vmax.f32 v18, v48  }
0x2ad: {  	v17 =	vadd.f32 v48, v22;
	v54 =	vmax.f32 v23, v51;
	v18 =	vadd.f32 v51, v24  }
0x2ae: {  	v48 =	vmax.f32 v42, v45;
	v23 =	vadd.f32 v45, v34;
	v51 =	vmax.f32 v28, v14  }
0x2af: {  	v22 =	vadd.f32 v14, v29;
	v45 =	vmax.f32 v9, v43;
	v14 =	vadd.f32 v43, v2;
	v2 =	vmovc v38  }
.LBB2_55:
0x2b0: {  	v6 =	vmovc v3;
	v3 =	vmovc v45;
	v45 =	vimm.f32 $0.0e+00;
	v48 =	vimm.f32 $0.0e+00;
	v51 =	vimm.f32 $0.0e+00  }
0x2b1: {  	v54 =	vimm.f32 $0.0e+00;
	v56 =	vimm.f32 $0.0e+00;
	v60 =	vimm.f32 $0.0e+00  }
0x2b2: {  	v57 =	vimm.f32 $0.0e+00;
	v12 =	vimm.f32 $0.0e+00;
	v15 =	vimm.f32 $0.0e+00  }
0x2b3: {  	v17 =	vimm.f32 $0.0e+00;
	v18 =	vimm.f32 $0.0e+00;
	v22 =	vimm.f32 $0.0e+00  }
0x2b4: {  	v23 =	vimm.f32 $0.0e+00;
	v14 =	vimm.f32 $0.0e+00;
	v11 =	vimm.f32 $0.0e+00  }
.LBB2_63:
0x2b5: {  	[tilespmem:$0x1D580] =	vst v57  }
0x2b6: {  	[tilespmem:$0x1D590] =	vst v60  }
0x2b7: {  	[tilespmem:$0x1D5A0] =	vst v56  }
0x2b8: {  	[tilespmem:$0x1D5B0] =	vst v54  }
0x2b9: {  	[tilespmem:$0x1D5C0] =	vst v51  }
0x2ba: {  	[tilespmem:$0x1D5D0] =	vst v48  }
0x2bb: {  	v29 =	vmul.f32 v12, v0;
	[tilespmem:$0x1D5E0] =	vst v45  }
0x2bc: {  	v28 =	vmul.f32 v15, v0;
	p0 =	slt.s32 s26, $0xC8;
	[tilespmem:$0x1D5F0] =	vst v2  }
0x2bd: {  	v24 =	vmul.f32 v17, v0;
	s26 =	simm.s32 @!p0 $0xC8;
	[tilespmem:$0x1D980] =	vst v29  }
0x2be: {  	v18 =	vmul.f32 v18, v0;
	[tilespmem:$0x1D990] =	vst v28;
	s0 =	sadd.s32 $0xFFFFFF90, s26  }
0x2bf: {  	v15 =	vmul.f32 v23, v0;
	[tilespmem:$0x1D9A0] =	vst v24;
	p0 =	slt.s32 s0, $0x1  }
.Ltmp40:
0x2c0: {  	v9 =	vmul.f32 v11, v0;
	[tilespmem:$0x1D9B0] =	vst v18;
	(pc) =	sbr.rel @p0 .LBB2_84-.Ltmp40, $4  }
0x2c1: {  	v17 =	vmul.f32 v22, v0;
	[tilespmem:$0x1D9D0] =	vst v15  }
0x2c2: {  	v12 =	vmul.f32 v14, v0;
	[tilespmem:$0x1D9F0] =	vst v9  }
0x2c3: {  	[tilespmem:$0x1D9C0] =	vst v17  }
0x2c4: {  	[tilespmem:$0x1D9E0] =	vst v12  }
0x2c5: {  	[tilespmem:$0x1FE50] =	vst v29;
	p0 =	sgt.s32 s0, $0x0  }
0x2c6: {  	[tilespmem:$0x1FE60] =	vst v28;
	s0 =	simm.s32 @!p0 $0x0  }
0x2c7: {  	[tilespmem:$0x1FE80] =	vst v18;
	s0 =	smin.u32 s0, $0x58  }
0x2c8: {  	[tilespmem:$0x1FEB0] =	vst v12;
	v12 =	vimm.f32 $-Inf;
	v11 =	vimm.f32 $0.0e+00;
	v18 =	vimm.f32 $-Inf;
	p0 =	sne.s32 s0, $0x1  }
.Ltmp41:
0x2c9: {  	[tilespmem:$0x1FE70] =	vst v24;
	v22 =	vimm.f32 $0.0e+00;
	v23 =	vimm.f32 $-Inf;
	v28 =	vimm.f32 $0.0e+00;
	(pc) =	sbr.rel @!p0 .LBB2_69-.Ltmp41, $4  }
0x2ca: {  	[tilespmem:$0x1FE90] =	vst v17;
	v29 =	vimm.f32 $-Inf;
	v31 =	vimm.f32 $0.0e+00;
	v32 =	vimm.f32 $-Inf  }
0x2cb: {  	[tilespmem:$0x1FEA0] =	vst v15;
	s1 =	simm.s32 $0x0;
	v33 =	vimm.f32 $0.0e+00;
	v34 =	vimm.f32 $-Inf;
	v36 =	vimm.f32 $0.0e+00;
	p1 =	por $0x0, $0x0  }
0x2cc: {  	[tilespmem:$0x1FEC0] =	vst v9;
	v39 =	vimm.f32 $-Inf;
	v40 =	vimm.f32 $0.0e+00;
	v17 =	vimm.f32 $-Inf;
	p2 =	por $0x0, $0x0;
	s28 =	sand.u32 $0xFFFFF000, s1;
	s29 =	sand.u32 $0x380, s1  }
0x2cd: {  	[tilespmem:$0x1FED0] =	vst v4;
	v4 =	vmovc v44;
	v24 =	vimm.f32 $0.0e+00;
	v14 =	vimm.f32 $-Inf;
	v15 =	vimm.f32 $0.0e+00;
	s14 =	smov.u32 s28;
	s16 =	smov.u32 s29;
	s26 =	sadd.s32 $0xFFFFFFFF, s0  }
0x2ce: {  	s0 =	sor.u32 s29, s28  }
0x2cf: {  	v9 =	vmovc v63;
	v63 =	vmovc v62;
	v62 =	vmov v61;
	v61 =	vmov v60;
	v60 =	vmov v59;
	s30 =	sadd.s32 $0x11200, s0;
	v14 =	vld [tilespmem:s0+$0x11200]  }
0x2d0: {  	v59 =	vmovc v58;
	v58 =	vmovc v57;
	v57 =	vmov v56;
	v56 =	vmov v55;
	v18 =	vimm.f32 $-Inf;
	p3 =	sne.s32 s26, $0x1;
	v15 =	vld [tilespmem:s30+$0x70]  }
.Ltmp42:
0x2d1: {  	v55 =	vmovc v54;
	v54 =	vmovc v53;
	v22 =	vimm.f32 $0.0e+00;
	v23 =	vimm.f32 $-Inf;
	v28 =	vimm.f32 $0.0e+00;
	v35 =	vld [tilespmem:s30+$0x10];
	(pc) =	sbr.rel @!p3 .LBB2_66-.Ltmp42, $4  }
0x2d2: {  	v53 =	vmovc v52;
	v52 =	vmovc v51;
	v29 =	vimm.f32 $-Inf;
	v31 =	vimm.f32 $0.0e+00;
	v32 =	vimm.f32 $-Inf;
	v37 =	vld [tilespmem:s30+$0x20]  }
0x2d3: {  	v51 =	vmovc v50;
	v50 =	vmovc v48;
	v33 =	vimm.f32 $0.0e+00;
	v34 =	vimm.f32 $-Inf;
	v36 =	vimm.f32 $0.0e+00;
	v38 =	vld [tilespmem:s30+$0x30]  }
0x2d4: {  	v48 =	vmovc v47;
	v47 =	vmovc v46;
	s1 =	simm.s32 $0x80;
	s15 =	sadd.s32 $0xFFFFFFFF, s26;
	v39 =	vimm.f32 $-Inf;
	v40 =	vimm.f32 $0.0e+00;
	s0 =	simm.s32 $0x200;
	v41 =	vld [tilespmem:s30+$0x40];
	v17 =	vmax.f32 v12, v14  }
0x2d5: {  	v46 =	vmovc v45;
	p2 =	por $0x1, $0x1;
	s16 =	sand.u32 $0x380, s1;
	s14 =	sand.u32 $0xFFFFF000, s0;
	v42 =	vld [tilespmem:s30+$0x50];
	v24 =	vadd.f32 v14, v11;
	v14 =	vmax.f32 v12, v15;
	v15 =	vadd.f32 v15, v11  }
.LBB2_67:
0x2d6: {  	p3 =	sne.s32 s15, $0x1;
	s14 =	sor.u32 s16, s14;
	v18 =	vmax.f32 v18, v35;
	v22 =	vadd.f32 v35, v22;
	v43 =	vld [tilespmem:s30+$0x60]  }
0x2d7: {  	s30 =	sadd.s32 $0x11200, s14;
	v44 =	vld [tilespmem:s14+$0x11200];
	v23 =	vmax.f32 v23, v37;
	v28 =	vadd.f32 v37, v28  }
0x2d8: {  	v45 =	vld [tilespmem:s30+$0x70];
	v29 =	vmax.f32 v29, v38;
	v31 =	vadd.f32 v38, v31  }
.Ltmp43:
0x2d9: {  	v35 =	vld [tilespmem:s30+$0x10];
	v32 =	vmax.f32 v32, v41;
	v33 =	vadd.f32 v41, v33;
	(pc) =	sbr.rel @p3 .LBB2_67-.Ltmp43, $4  }
0x2da: {  	v37 =	vld [tilespmem:s30+$0x20];
	v34 =	vmax.f32 v34, v42;
	v36 =	vadd.f32 v42, v36  }
0x2db: {  	v38 =	vld [tilespmem:s30+$0x30];
	v39 =	vmax.f32 v39, v43;
	v40 =	vadd.f32 v43, v40  }
0x2dc: {  	s1 =	sadd.s32 $0x80, s1;
	s0 =	sadd.s32 $0x200, s0;
	v17 =	vmax.f32 v17, v44;
	v24 =	vadd.f32 v44, v24;
	v41 =	vld [tilespmem:s30+$0x40]  }
0x2dd: {  	s15 =	sadd.s32 $0xFFFFFFFF, s15;
	s14 =	sand.u32 $0xFFFFF000, s0;
	s16 =	sand.u32 $0x380, s1;
	v42 =	vld [tilespmem:s30+$0x50];
	v14 =	vmax.f32 v14, v45;
	v15 =	vadd.f32 v45, v15  }
0x2de: {  	v45 =	vmov v46;
	v46 =	vmov v47;
	v47 =	vmov v48  }
0x2df: {  	v48 =	vmovc v50;
	v50 =	vmovc v51;
	v51 =	vmov v52;
	v52 =	vmov v53;
	v53 =	vmov v54  }
0x2e0: {  	v54 =	vmovc v55;
	v55 =	vmovc v56;
	v56 =	vmov v57;
	v57 =	vmov v58;
	v58 =	vmov v59  }
0x2e1: {  	v59 =	vmovc v60;
	v60 =	vmovc v61;
	v61 =	vmov v62;
	v62 =	vmov v63;
	v63 =	vmov v9  }
.LBB2_69:
0x2e2: {  	s0 =	sor.u32 s16, s14  }
0x2e3: {  	v44 =	vld [tilespmem:s0+$0x11200];
	_ =	sdelay $0x3  }
0x2e4: {  	v9 =	vld [tilespmem:$0x1FFF0];
	s0 =	sadd.s32 $0x11200, s0  }
0x2e5: {  	v18 =	vmax.f32 @p2 v18, v35;
	v22 =	vadd.f32 @p2 v35, v22;
	v35 =	vld [tilespmem:s0+$0x10];
	v24 =	vadd.f32 v44, v24  }
0x2e6: {  	v43 =	vld @p2 [tilespmem:s30+$0x60]  }
0x2e7: {  	v23 =	vmax.f32 @p2 v23, v37;
	v28 =	vadd.f32 @p2 v37, v28;
	v37 =	vld [tilespmem:s0+$0x20];
	v24 =	vmul.f32 v24, v0  }
0x2e8: {  	v32 =	vmax.f32 @p2 v32, v41;
	v33 =	vadd.f32 @p2 v41, v33;
	v41 =	vld [tilespmem:s0+$0x70]  }
0x2e9: {  	v29 =	vmax.f32 @p2 v29, v38;
	v22 =	vpsel p2, v22, v11;
	v24 =	vadd.f32 v24, v9;
	v9 =	vld [tilespmem:$0x1FFE0]  }
0x2ea: {  	v34 =	vmax.f32 @p2 v34, v42;
	v36 =	vadd.f32 @p2 v42, v36;
	v42 =	vld [tilespmem:s0+$0x40];
	v22 =	vadd.f32 v35, v22  }
0x2eb: {  	v31 =	vadd.f32 @p2 v38, v31;
	v38 =	vmax.f32 @p2 v39, v43;
	v39 =	vadd.f32 @p2 v43, v40;
	v40 =	vld [tilespmem:s0+$0x30]  }
0x2ec: {  	v18 =	vpsel p2, v18, v12;
	v43 =	vld [tilespmem:s0+$0x50];
	v17 =	vmax.f32 v17, v44;
	v22 =	vmul.f32 v22, v0  }
0x2ed: {  	v17 =	vmax.f32 v21, v17;
	v21 =	vld [tilespmem:s0+$0x60];
	v18 =	vmax.f32 v18, v35  }
0x2ee: {  	v28 =	vpsel p2, v28, v11;
	[tilespmem:$0x1D400] =	vst v17;
	v17 =	vmax.f32 v27, v18;
	v18 =	vadd.f32 v22, v9;
	v9 =	vld [tilespmem:$0x1FFD0]  }
0x2ef: {  	v28 =	vadd.f32 v37, v28;
	_ =	sdelay $0x1  }
0x2f0: {  	v35 =	vmul.f32 v28, v0;
	_ =	sdelay $0x1  }
0x2f1: {  	v32 =	vpsel p2, v32, v12;
	v31 =	vpsel p2, v31, v11;
	[tilespmem:$0x1D810] =	vst v18;
	v18 =	vadd.f32 v35, v9;
	v9 =	vld [tilespmem:$0x1FFC0]  }
0x2f2: {  	v23 =	vpsel p2, v23, v12;
	v44 =	vmax.f32 v32, v42;
	v31 =	vadd.f32 v40, v31  }
0x2f3: {  	v23 =	vmax.f32 v23, v37;
	v10 =	vmax.f32 v10, v44;
	[tilespmem:$0x1D410] =	vst v17  }
0x2f4: {  	v33 =	vpsel p2, v33, v11;
	v17 =	vmax.f32 v20, v23;
	[tilespmem:$0x1D440] =	vst v10;
	v20 =	vmul.f32 v31, v0  }
0x2f5: {  	v27 =	vadd.f32 v42, v33;
	[tilespmem:$0x1D800] =	vst v24;
	v24 =	vpsel p2, v36, v11  }
0x2f6: {  	v29 =	vpsel p2, v29, v12;
	[tilespmem:$0x1D420] =	vst v17;
	v24 =	vadd.f32 v43, v24;
	v17 =	vadd.f32 v20, v9  }
0x2f7: {  	v39 =	vpsel p2, v39, v11;
	v40 =	vmax.f32 v29, v40;
	[tilespmem:$0x1D820] =	vst v18;
	v18 =	vmul.f32 v27, v0  }
0x2f8: {  	v14 =	vmax.f32 v14, v41;
	v16 =	vmax.f32 v16, v40;
	[tilespmem:$0x1D830] =	vst v17;
	v17 =	vmul.f32 v24, v0  }
0x2f9: {  	[tilespmem:$0x1D430] =	vst v16;
	v22 =	vadd.f32 v21, v39;
	v16 =	vadd.f32 v18, v3;
	v3 =	vmax.f32 v6, v14  }
0x2fa: {  	v15 =	vadd.f32 v41, v15;
	v20 =	vpsel p2, v34, v12;
	[tilespmem:$0x1D470] =	vst v3;
	v10 =	vadd.f32 v17, v63  }
0x2fb: {  	v18 =	vpsel p2, v38, v12;
	v20 =	vmax.f32 v20, v43;
	[tilespmem:$0x1D840] =	vst v16;
	v16 =	vmul.f32 v22, v0  }
.Ltmp44:
0x2fc: {  	v7 =	vmax.f32 v7, v20;
	v17 =	vmax.f32 v18, v21;
	[tilespmem:$0x1D850] =	vst v10;
	v10 =	vmul.f32 v15, v0;
	(pc) =	sbr.rel @!p0 .LBB2_70-.Ltmp44, $4  }
0x2fd: {  	[tilespmem:$0x1D450] =	vst v7;
	v7 =	vadd.f32 v16, v61;
	v5 =	vmax.f32 v5, v17  }
0x2fe: {  	[tilespmem:$0x1D460] =	vst v5;
	v5 =	vadd.f32 v10, v58  }
0x2ff: {  	[tilespmem:$0x1D860] =	vst v7  }
0x300: {  	[tilespmem:$0x1D870] =	vst v5  }
0x301: {  	v9 =	vld [tilespmem:$0x1FFB0]  }
0x302: {  	v38 =	vld [tilespmem:$0x1FF00]  }
0x303: {  	v39 =	vld [tilespmem:$0x1FFA0]  }
0x304: {  	v40 =	vld [tilespmem:$0x1FF90]  }
0x305: {  	v6 =	vld [tilespmem:$0x1FF10]  }
0x306: {  	v41 =	vld [tilespmem:$0x1FEF0]  }
0x307: {  	v42 =	vld [tilespmem:$0x1FF80]  }
0x308: {  	s0 =	sor.u32 s29, s28;
	v43 =	vld [tilespmem:$0x1FEE0]  }
0x309: {  	v44 =	vld [tilespmem:$0x1FF70];
	s30 =	sadd.s32 $0x11200, s0  }
0x30a: {  	v10 =	vimm.f32 $0.0e+00;
	p2 =	sne.s32 s26, $0x1;
	v5 =	vld [tilespmem:s30+$0x470]  }
.Ltmp45:
0x30b: {  	v14 =	vimm.f32 $-Inf;
	v15 =	vimm.f32 $0.0e+00;
	v16 =	vimm.f32 $-Inf;
	v21 =	vld [tilespmem:s30+$0x400];
	(pc) =	sbr.rel @!p2 .LBB2_72-.Ltmp45, $4  }
0x30c: {  	v17 =	vimm.f32 $0.0e+00;
	v18 =	vimm.f32 $-Inf;
	v20 =	vimm.f32 $0.0e+00;
	v24 =	vld [tilespmem:s30+$0x410]  }
0x30d: {  	v22 =	vimm.f32 $-Inf;
	v23 =	vimm.f32 $0.0e+00;
	v28 =	vimm.f32 $-Inf;
	v27 =	vld [tilespmem:s30+$0x420]  }
0x30e: {  	s1 =	simm.s32 $0x80;
	s14 =	sadd.s32 $0xFFFFFFFF, s26;
	v31 =	vimm.f32 $0.0e+00;
	v32 =	vimm.f32 $-Inf;
	v34 =	vimm.f32 $0.0e+00;
	s0 =	simm.s32 $0x200;
	v29 =	vld [tilespmem:s30+$0x430]  }
0x30f: {  	p1 =	por $0x1, $0x1;
	s29 =	sand.u32 $0x380, s1;
	s28 =	sand.u32 $0xFFFFF000, s0;
	v33 =	vld [tilespmem:s30+$0x440];
	v3 =	vmax.f32 v12, v5;
	v7 =	vadd.f32 v5, v11;
	v5 =	vimm.f32 $-Inf  }
.LBB2_73:
0x310: {  	p2 =	sne.s32 s14, $0x1;
	s15 =	sor.u32 s29, s28;
	v5 =	vmax.f32 v5, v21;
	v10 =	vadd.f32 v21, v10;
	v35 =	vld [tilespmem:s30+$0x450]  }
0x311: {  	v14 =	vmax.f32 v14, v24;
	v15 =	vadd.f32 v24, v15;
	v36 =	vld [tilespmem:s30+$0x460];
	s30 =	sadd.s32 $0x11200, s15  }
0x312: {  	v37 =	vld [tilespmem:s30+$0x470];
	v16 =	vmax.f32 v16, v27;
	v17 =	vadd.f32 v27, v17  }
.Ltmp46:
0x313: {  	v21 =	vld [tilespmem:s30+$0x400];
	v18 =	vmax.f32 v18, v29;
	v20 =	vadd.f32 v29, v20;
	(pc) =	sbr.rel @p2 .LBB2_73-.Ltmp46, $4  }
0x314: {  	v24 =	vld [tilespmem:s30+$0x410];
	v22 =	vmax.f32 v22, v33;
	v23 =	vadd.f32 v33, v23  }
0x315: {  	v27 =	vld [tilespmem:s30+$0x420];
	v28 =	vmax.f32 v28, v35;
	v31 =	vadd.f32 v35, v31  }
0x316: {  	s1 =	sadd.s32 $0x80, s1;
	s0 =	sadd.s32 $0x200, s0;
	v29 =	vld [tilespmem:s30+$0x430];
	v32 =	vmax.f32 v32, v36;
	v34 =	vadd.f32 v36, v34  }
0x317: {  	s14 =	sadd.s32 $0xFFFFFFFF, s14;
	s28 =	sand.u32 $0xFFFFF000, s0;
	s29 =	sand.u32 $0x380, s1;
	v33 =	vld [tilespmem:s30+$0x440];
	v3 =	vmax.f32 v3, v37;
	v7 =	vadd.f32 v37, v7  }
.LBB2_74:
0x318: {  	v35 =	vld @p1 [tilespmem:s30+$0x450]  }
0x319: {  	v36 =	vld @p1 [tilespmem:s30+$0x460]  }
0x31a: {  	s0 =	sor.u32 s29, s28  }
0x31b: {  	v5 =	vmax.f32 @p1 v5, v21;
	v10 =	vadd.f32 @p1 v21, v10;
	s0 =	sadd.s32 $0x11200, s0;
	v14 =	vmax.f32 @p1 v14, v24  }
0x31c: {  	v15 =	vadd.f32 @p1 v24, v15;
	v16 =	vmax.f32 @p1 v16, v27;
	v17 =	vadd.f32 @p1 v27, v17;
	v24 =	vld [tilespmem:s0+$0x400]  }
0x31d: {  	v10 =	vpsel p1, v10, v11;
	v20 =	vadd.f32 @p1 v29, v20;
	v23 =	vadd.f32 @p1 v33, v23  }
0x31e: {  	v27 =	vmax.f32 @p1 v28, v35;
	v28 =	vadd.f32 @p1 v35, v31;
	v31 =	vadd.f32 @p1 v36, v34  }
0x31f: {  	v21 =	vld [tilespmem:s0+$0x470];
	v15 =	vpsel p1, v15, v11;
	v17 =	vpsel p1, v17, v11;
	v20 =	vpsel p1, v20, v11  }
0x320: {  	v23 =	vpsel p1, v23, v11;
	v28 =	vpsel p1, v28, v11;
	v11 =	vpsel p1, v31, v11;
	v31 =	vld [tilespmem:$0x1FF50]  }
0x321: {  	v5 =	vpsel p1, v5, v12;
	v58 =	vld [tilespmem:s0+$0x410];
	v14 =	vpsel p1, v14, v12;
	v10 =	vadd.f32 v24, v10  }
0x322: {  	v61 =	vld [tilespmem:s0+$0x430];
	v18 =	vmax.f32 @p1 v18, v29;
	v16 =	vpsel p1, v16, v12;
	v22 =	vmax.f32 @p1 v22, v33  }
0x323: {  	v63 =	vld [tilespmem:s0+$0x440];
	v18 =	vpsel p1, v18, v12;
	v29 =	vmax.f32 @p1 v32, v36;
	v10 =	vmul.f32 v10, v0  }
0x324: {  	v22 =	vpsel p1, v22, v12;
	v3 =	vmax.f32 v3, v21;
	v7 =	vadd.f32 v21, v7;
	v21 =	vld [tilespmem:s0+$0x420]  }
0x325: {  	v27 =	vpsel p1, v27, v12;
	v12 =	vpsel p1, v29, v12;
	v29 =	vld [tilespmem:s0+$0x460];
	v10 =	vadd.f32 v10, v31  }
0x326: {  	v15 =	vadd.f32 v58, v15;
	v5 =	vmax.f32 v5, v24;
	v24 =	vld [tilespmem:s0+$0x450]  }
0x327: {  	v32 =	vimm.f32 $0.0e+00;
	v14 =	vmax.f32 v14, v58;
	v7 =	vmul.f32 v7, v0;
	[tilespmem:$0x1D880] =	vst v10;
	v10 =	vld [tilespmem:$0x1FF30]  }
0x328: {  	v20 =	vadd.f32 v61, v20;
	v5 =	vmax.f32 v52, v5;
	v15 =	vmul.f32 v15, v0  }
0x329: {  	[tilespmem:$0x1D480] =	vst v5;
	v5 =	vmax.f32 v55, v14;
	v7 =	vadd.f32 v7, v9;
	v17 =	vadd.f32 v21, v17  }
0x32a: {  	[tilespmem:$0x1D490] =	vst v5;
	v11 =	vadd.f32 v29, v11;
	v12 =	vmax.f32 v12, v29;
	v16 =	vmax.f32 v16, v21  }
0x32b: {  	v29 =	vimm.f32 $-Inf;
	v5 =	vmax.f32 v53, v16;
	[tilespmem:$0x1D8F0] =	vst v7;
	v14 =	vmul.f32 v17, v0  }
0x32c: {  	v17 =	vmax.f32 v22, v63;
	[tilespmem:$0x1D4A0] =	vst v5;
	v22 =	vmax.f32 v1, v3;
	v10 =	vadd.f32 v15, v10  }
0x32d: {  	v21 =	vimm.f32 $0.0e+00;
	v16 =	vmax.f32 v27, v24;
	[tilespmem:$0x1D4F0] =	vst v22;
	v15 =	vmax.f32 v18, v61  }
0x32e: {  	v11 =	vmul.f32 v11, v0;
	v7 =	vimm.f32 $0.0e+00;
	v5 =	vmax.f32 v50, v15;
	[tilespmem:$0x1D890] =	vst v10  }
0x32f: {  	v10 =	vadd.f32 v14, v44;
	v14 =	vmul.f32 v20, v0;
	[tilespmem:$0x1D4B0] =	vst v5;
	v5 =	vmax.f32 v49, v17  }
0x330: {  	v1 =	vimm.f32 $-Inf;
	v18 =	vadd.f32 v63, v23;
	v20 =	vadd.f32 v24, v28;
	[tilespmem:$0x1D4C0] =	vst v5  }
0x331: {  	v3 =	vimm.f32 $0.0e+00;
	v5 =	vmax.f32 v47, v16;
	[tilespmem:$0x1D8A0] =	vst v10;
	v10 =	vadd.f32 v14, v42  }
0x332: {  	v14 =	vmul.f32 v18, v0;
	v15 =	vmul.f32 v20, v0;
	v18 =	vadd.f32 v11, v4;
	[tilespmem:$0x1D4D0] =	vst v5  }
.Ltmp47:
0x333: {  	v23 =	vimm.f32 $-Inf;
	v17 =	vimm.f32 $-Inf;
	v28 =	vimm.f32 $0.0e+00;
	[tilespmem:$0x1D8B0] =	vst v10;
	(pc) =	sbr.rel @!p0 .LBB2_78-.Ltmp47, $4  }
0x334: {  	v10 =	vadd.f32 v14, v40;
	v14 =	vadd.f32 v15, v39;
	v15 =	vmax.f32 v46, v12;
	[tilespmem:$0x1D8E0] =	vst v18  }
0x335: {  	s31 =	simm.s32 $0x0;
	v16 =	vimm.f32 $0.0e+00;
	v11 =	vimm.f32 $0.0e+00;
	v20 =	vimm.f32 $-Inf;
	[tilespmem:$0x1D4E0] =	vst v15  }
0x336: {  	p2 =	por $0x0, $0x0;
	s28 =	sand.u32 $0xFFFFF000, s31;
	s29 =	sand.u32 $0x380, s31;
	v5 =	vimm.f32 $-Inf;
	v12 =	vimm.f32 $-Inf;
	v18 =	vimm.f32 $0.0e+00;
	[tilespmem:$0x1D8C0] =	vst v10  }
0x337: {  	s14 =	smov.u32 s28;
	s16 =	smov.u32 s29;
	p1 =	por $0x0, $0x0;
	v4 =	vld [tilespmem:$0x1FED0];
	v15 =	vimm.f32 $-Inf;
	v10 =	vimm.f32 $-Inf;
	[tilespmem:$0x1D8D0] =	vst v14;
	v14 =	vimm.f32 $0.0e+00  }
0x338: {  	s0 =	sor.u32 s29, s28  }
0x339: {  	s30 =	sadd.s32 $0x11200, s0  }
0x33a: {  	v10 =	vimm.f32 $-Inf;
	p3 =	sne.s32 s26, $0x1;
	v7 =	vld [tilespmem:s30+$0x870]  }
.Ltmp48:
0x33b: {  	v11 =	vimm.f32 $0.0e+00;
	v12 =	vimm.f32 $-Inf;
	v14 =	vimm.f32 $0.0e+00;
	v22 =	vld [tilespmem:s30+$0x800];
	(pc) =	sbr.rel @!p3 .LBB2_76-.Ltmp48, $4  }
0x33c: {  	v15 =	vimm.f32 $-Inf;
	v16 =	vimm.f32 $0.0e+00;
	v17 =	vimm.f32 $-Inf;
	v24 =	vld [tilespmem:s30+$0x810]  }
0x33d: {  	v18 =	vimm.f32 $0.0e+00;
	v20 =	vimm.f32 $-Inf;
	v21 =	vimm.f32 $0.0e+00;
	v27 =	vld [tilespmem:s30+$0x820]  }
0x33e: {  	s1 =	simm.s32 $0x80;
	v23 =	vimm.f32 $-Inf;
	s15 =	sadd.s32 $0xFFFFFFFF, s26;
	v28 =	vimm.f32 $0.0e+00;
	v29 =	vimm.f32 $-Inf;
	s0 =	simm.s32 $0x200;
	v31 =	vld [tilespmem:s30+$0x830]  }
0x33f: {  	p2 =	por $0x1, $0x1;
	v32 =	vimm.f32 $0.0e+00;
	s16 =	sand.u32 $0x380, s1;
	s14 =	sand.u32 $0xFFFFF000, s0;
	v33 =	vld [tilespmem:s30+$0x840];
	v5 =	vmax.f32 v1, v7;
	v7 =	vadd.f32 v7, v3  }
.LBB2_77:
0x340: {  	p3 =	sne.s32 s15, $0x1;
	s14 =	sor.u32 s16, s14;
	v10 =	vmax.f32 v10, v22;
	v11 =	vadd.f32 v22, v11;
	v34 =	vld [tilespmem:s30+$0x850]  }
0x341: {  	v12 =	vmax.f32 v12, v24;
	v14 =	vadd.f32 v24, v14;
	v35 =	vld [tilespmem:s30+$0x860];
	s30 =	sadd.s32 $0x11200, s14  }
0x342: {  	v36 =	vld [tilespmem:s30+$0x870];
	v15 =	vmax.f32 v15, v27;
	v16 =	vadd.f32 v27, v16  }
.Ltmp49:
0x343: {  	v22 =	vld [tilespmem:s30+$0x800];
	v17 =	vmax.f32 v17, v31;
	v18 =	vadd.f32 v31, v18;
	(pc) =	sbr.rel @p3 .LBB2_77-.Ltmp49, $4  }
0x344: {  	v24 =	vld [tilespmem:s30+$0x810];
	v20 =	vmax.f32 v20, v33;
	v21 =	vadd.f32 v33, v21  }
0x345: {  	v27 =	vld [tilespmem:s30+$0x820];
	v23 =	vmax.f32 v23, v34;
	v28 =	vadd.f32 v34, v28  }
0x346: {  	s1 =	sadd.s32 $0x80, s1;
	s0 =	sadd.s32 $0x200, s0;
	v31 =	vld [tilespmem:s30+$0x830];
	v29 =	vmax.f32 v29, v35;
	v32 =	vadd.f32 v35, v32  }
0x347: {  	s15 =	sadd.s32 $0xFFFFFFFF, s15;
	s14 =	sand.u32 $0xFFFFF000, s0;
	s16 =	sand.u32 $0x380, s1;
	v33 =	vld [tilespmem:s30+$0x840];
	v5 =	vmax.f32 v5, v36;
	v7 =	vadd.f32 v36, v7  }
.LBB2_78:
0x348: {  	v10 =	vmax.f32 @p2 v10, v22  }
0x349: {  	v34 =	vld @p2 [tilespmem:s30+$0x850];
	s0 =	sor.u32 s16, s14;
	v11 =	vadd.f32 @p2 v22, v11;
	v12 =	vmax.f32 @p2 v12, v24;
	v14 =	vadd.f32 @p2 v24, v14  }
0x34a: {  	v35 =	vld @p2 [tilespmem:s30+$0x860];
	s0 =	sadd.s32 $0x11200, s0;
	v10 =	vpsel p2, v10, v1;
	v15 =	vmax.f32 @p2 v15, v27;
	v16 =	vadd.f32 @p2 v27, v16  }
0x34b: {  	v47 =	vld [tilespmem:s0+$0x800];
	v11 =	vpsel p2, v11, v3;
	v12 =	vpsel p2, v12, v1;
	v17 =	vmax.f32 @p2 v17, v31  }
0x34c: {  	v49 =	vld [tilespmem:s0+$0x810];
	v18 =	vadd.f32 @p2 v31, v18;
	v14 =	vpsel p2, v14, v3;
	v15 =	vpsel p2, v15, v1  }
0x34d: {  	v50 =	vld [tilespmem:s0+$0x820];
	v20 =	vmax.f32 @p2 v20, v33;
	v21 =	vadd.f32 @p2 v33, v21;
	v16 =	vpsel p2, v16, v3  }
0x34e: {  	v52 =	vld [tilespmem:s0+$0x830];
	v17 =	vpsel p2, v17, v1;
	v23 =	vmax.f32 @p2 v23, v34;
	v27 =	vadd.f32 @p2 v34, v28  }
0x34f: {  	v53 =	vld [tilespmem:s0+$0x840];
	v28 =	vmax.f32 @p2 v29, v35;
	v31 =	vadd.f32 @p2 v35, v32;
	v18 =	vpsel p2, v18, v3  }
0x350: {  	v55 =	vld [tilespmem:s0+$0x850];
	v20 =	vpsel p2, v20, v1;
	v21 =	vpsel p2, v21, v3;
	v44 =	vpsel p2, v23, v1  }
0x351: {  	v9 =	vld [tilespmem:$0x1FF60];
	v11 =	vadd.f32 v47, v11;
	v10 =	vmax.f32 v10, v47;
	v14 =	vadd.f32 v49, v14  }
0x352: {  	v33 =	vld [tilespmem:s0+$0x870];
	v16 =	vadd.f32 v50, v16;
	v12 =	vmax.f32 v12, v49;
	v10 =	vmax.f32 v26, v10  }
0x353: {  	v18 =	vadd.f32 v52, v18;
	v15 =	vmax.f32 v15, v50;
	v26 =	vld [tilespmem:s0+$0x860];
	v58 =	vmax.f32 v30, v12;
	[tilespmem:$0x1D500] =	vst v10  }
0x354: {  	v61 =	vld [tilespmem:$0x1FF40];
	v29 =	vadd.f32 v53, v21;
	v17 =	vmax.f32 v17, v52;
	v30 =	vmax.f32 v25, v15;
	[tilespmem:$0x1D510] =	vst v58  }
0x355: {  	v35 =	vld [tilespmem:$0x1FF20];
	v46 =	vmax.f32 v20, v53;
	v53 =	vmax.f32 v44, v55;
	v40 =	vmax.f32 v19, v17;
	[tilespmem:$0x1D520] =	vst v30  }
0x356: {  	v47 =	vmax.f32 v13, v46;
	v8 =	vmax.f32 v8, v53;
	v11 =	vmul.f32 v11, v0;
	[tilespmem:$0x1D530] =	vst v40  }
0x357: {  	v14 =	vmul.f32 v14, v0;
	v24 =	vmul.f32 v16, v0;
	[tilespmem:$0x1D540] =	vst v47;
	v5 =	vmax.f32 v5, v33  }
0x358: {  	v37 =	vmul.f32 v18, v0;
	[tilespmem:$0x1D550] =	vst v8;
	v4 =	vmax.f32 v4, v5;
	v11 =	vadd.f32 v11, v9  }
0x359: {  	v27 =	vpsel p2, v27, v3;
	v7 =	vadd.f32 v33, v7;
	v63 =	vadd.f32 v14, v61;
	[tilespmem:$0x1D570] =	vst v4  }
0x35a: {  	v36 =	vadd.f32 v24, v35;
	v42 =	vadd.f32 v37, v43;
	v43 =	vmul.f32 v29, v0;
	[tilespmem:$0x1D900] =	vst v11  }
0x35b: {  	v39 =	vpsel p2, v31, v3;
	v52 =	vpsel p2, v28, v1;
	v14 =	vadd.f32 v55, v27;
	[tilespmem:$0x1D910] =	vst v63  }
0x35c: {  	v7 =	vmul.f32 v7, v0;
	[tilespmem:$0x1D920] =	vst v36;
	v15 =	vadd.f32 v26, v39;
	v49 =	vadd.f32 v43, v41  }
0x35d: {  	[tilespmem:$0x1D930] =	vst v42;
	v50 =	vmul.f32 v14, v0;
	v61 =	vmax.f32 v52, v26  }
.Ltmp50:
0x35e: {  	v5 =	vadd.f32 v7, v59;
	v6 =	vmax.f32 v6, v61;
	[tilespmem:$0x1D940] =	vst v49;
	v58 =	vmul.f32 v15, v0;
	(pc) =	sbr.rel @!p0 .LBB2_79-.Ltmp50, $4  }
0x35f: {  	v55 =	vadd.f32 v50, v38;
	[tilespmem:$0x1D560] =	vst v6  }
0x360: {  	[tilespmem:$0x1D970] =	vst v5;
	v63 =	vadd.f32 v58, v62  }
0x361: {  	[tilespmem:$0x1D950] =	vst v55  }
0x362: {  	[tilespmem:$0x1D960] =	vst v63  }
0x363: {  	v29 =	vld [tilespmem:$0x1FEC0]  }
0x364: {  	v30 =	vld [tilespmem:$0x1FEB0]  }
0x365: {  	v31 =	vld [tilespmem:$0x1FEA0]  }
0x366: {  	v32 =	vld [tilespmem:$0x1FE90]  }
0x367: {  	v33 =	vld [tilespmem:$0x1FE80]  }
0x368: {  	v34 =	vld [tilespmem:$0x1FE70]  }
0x369: {  	s0 =	sor.u32 s29, s28;
	v35 =	vld [tilespmem:$0x1FE60]  }
0x36a: {  	v9 =	vld [tilespmem:$0x1FE50];
	s30 =	sadd.s32 $0x11200, s0  }
0x36b: {  	v6 =	vimm.f32 $-Inf;
	p0 =	sne.s32 s26, $0x1;
	v5 =	vld [tilespmem:s30+$0xC70]  }
.Ltmp51:
0x36c: {  	v7 =	vimm.f32 $0.0e+00;
	v8 =	vimm.f32 $-Inf;
	v10 =	vimm.f32 $0.0e+00;
	v15 =	vld [tilespmem:s30+$0xC00];
	(pc) =	sbr.rel @!p0 .LBB2_81-.Ltmp51, $4  }
0x36d: {  	v11 =	vimm.f32 $-Inf;
	v12 =	vimm.f32 $0.0e+00;
	v13 =	vimm.f32 $-Inf;
	v18 =	vld [tilespmem:s30+$0xC10]  }
0x36e: {  	v14 =	vimm.f32 $0.0e+00;
	v16 =	vimm.f32 $-Inf;
	v17 =	vimm.f32 $0.0e+00;
	v19 =	vld [tilespmem:s30+$0xC20]  }
0x36f: {  	s1 =	simm.s32 $0x80;
	v20 =	vimm.f32 $-Inf;
	s14 =	sadd.s32 $0xFFFFFFFF, s26;
	v22 =	vimm.f32 $0.0e+00;
	v23 =	vimm.f32 $-Inf;
	s0 =	simm.s32 $0x200;
	v21 =	vld [tilespmem:s30+$0xC30]  }
0x370: {  	p1 =	por $0x1, $0x1;
	v24 =	vimm.f32 $0.0e+00;
	s29 =	sand.u32 $0x380, s1;
	s28 =	sand.u32 $0xFFFFF000, s0;
	v25 =	vld [tilespmem:s30+$0xC40];
	v4 =	vmax.f32 v1, v5;
	v5 =	vadd.f32 v5, v3  }
.LBB2_82:
0x371: {  	p0 =	sne.s32 s14, $0x1;
	s15 =	sor.u32 s29, s28;
	v6 =	vmax.f32 v6, v15;
	v7 =	vadd.f32 v15, v7;
	v26 =	vld [tilespmem:s30+$0xC50]  }
0x372: {  	v8 =	vmax.f32 v8, v18;
	v10 =	vadd.f32 v18, v10;
	v27 =	vld [tilespmem:s30+$0xC60];
	s30 =	sadd.s32 $0x11200, s15  }
0x373: {  	v11 =	vmax.f32 v11, v19;
	v12 =	vadd.f32 v19, v12;
	v28 =	vld [tilespmem:s30+$0xC70]  }
.Ltmp52:
0x374: {  	v13 =	vmax.f32 v13, v21;
	v14 =	vadd.f32 v21, v14;
	v15 =	vld [tilespmem:s30+$0xC00];
	(pc) =	sbr.rel @p0 .LBB2_82-.Ltmp52, $4  }
0x375: {  	v16 =	vmax.f32 v16, v25;
	v17 =	vadd.f32 v25, v17;
	v18 =	vld [tilespmem:s30+$0xC10]  }
0x376: {  	v19 =	vld [tilespmem:s30+$0xC20];
	v20 =	vmax.f32 v20, v26;
	v22 =	vadd.f32 v26, v22  }
0x377: {  	s1 =	sadd.s32 $0x80, s1;
	s0 =	sadd.s32 $0x200, s0;
	v21 =	vld [tilespmem:s30+$0xC30];
	v23 =	vmax.f32 v23, v27;
	v24 =	vadd.f32 v27, v24  }
0x378: {  	s14 =	sadd.s32 $0xFFFFFFFF, s14;
	s28 =	sand.u32 $0xFFFFF000, s0;
	s29 =	sand.u32 $0x380, s1;
	v25 =	vld [tilespmem:s30+$0xC40];
	v4 =	vmax.f32 v4, v28;
	v5 =	vadd.f32 v28, v5  }
.Ltmp53:
0x379: {  	_ = 	snop;
	(pc) =	sbr.rel .LBB2_83-.Ltmp53, $1  }
0x37a: {  	_ =	sdelay $0x3  }
.LBB2_4:
0x37b: {  	v6 =	vimm.f32 $-Inf  }
.Ltmp54:
0x37c: {  	v7 =	vimm.f32 $0.0e+00;
	v8 =	vimm.f32 $-Inf;
	v9 =	vimm.f32 $0.0e+00;
	(pc) =	sbr.rel .LBB2_8-.Ltmp54, $4  }
0x37d: {  	v10 =	vimm.f32 $-Inf;
	v11 =	vimm.f32 $0.0e+00;
	v13 =	vimm.f32 $-Inf  }
0x37e: {  	v14 =	vimm.f32 $0.0e+00;
	v16 =	vimm.f32 $-Inf;
	v18 =	vimm.f32 $0.0e+00  }
0x37f: {  	v19 =	vimm.f32 $-Inf;
	v21 =	vimm.f32 $0.0e+00;
	v2 =	vimm.f32 $-Inf  }
0x380: {  	v3 =	vimm.f32 $0.0e+00;
	v4 =	vimm.f32 $-Inf;
	v5 =	vimm.f32 $0.0e+00  }
.LBB2_12:
0x381: {  	v4 =	vimm.f32 $-Inf  }
.Ltmp55:
0x382: {  	v5 =	vimm.f32 $0.0e+00;
	v6 =	vimm.f32 $-Inf;
	v7 =	vimm.f32 $0.0e+00;
	(pc) =	sbr.rel .LBB2_16-.Ltmp55, $4  }
0x383: {  	v8 =	vimm.f32 $-Inf;
	v9 =	vimm.f32 $0.0e+00;
	v10 =	vimm.f32 $-Inf  }
0x384: {  	v11 =	vimm.f32 $0.0e+00;
	v13 =	vimm.f32 $-Inf;
	v14 =	vimm.f32 $0.0e+00  }
0x385: {  	v17 =	vimm.f32 $-Inf;
	v19 =	vimm.f32 $0.0e+00;
	v20 =	vimm.f32 $-Inf  }
0x386: {  	v21 =	vimm.f32 $0.0e+00;
	v2 =	vimm.f32 $-Inf;
	v3 =	vimm.f32 $0.0e+00  }
.LBB2_19:
0x387: {  	v5 =	vimm.f32 $-Inf  }
.Ltmp56:
0x388: {  	v6 =	vimm.f32 $0.0e+00;
	v7 =	vimm.f32 $-Inf;
	v8 =	vimm.f32 $0.0e+00;
	(pc) =	sbr.rel .LBB2_23-.Ltmp56, $4  }
0x389: {  	v9 =	vimm.f32 $-Inf;
	v10 =	vimm.f32 $0.0e+00;
	v11 =	vimm.f32 $-Inf  }
0x38a: {  	v12 =	vimm.f32 $0.0e+00;
	v14 =	vimm.f32 $-Inf;
	v15 =	vimm.f32 $0.0e+00  }
0x38b: {  	v18 =	vimm.f32 $-Inf;
	v20 =	vimm.f32 $0.0e+00;
	v21 =	vimm.f32 $-Inf  }
0x38c: {  	v22 =	vimm.f32 $0.0e+00;
	v3 =	vimm.f32 $-Inf;
	v4 =	vimm.f32 $0.0e+00  }
.LBB2_27:
0x38d: {  	v5 =	vimm.f32 $-Inf  }
.Ltmp57:
0x38e: {  	v6 =	vimm.f32 $0.0e+00;
	v7 =	vimm.f32 $-Inf;
	v8 =	vimm.f32 $0.0e+00;
	(pc) =	sbr.rel .LBB2_31-.Ltmp57, $4  }
0x38f: {  	v9 =	vimm.f32 $-Inf;
	v10 =	vimm.f32 $0.0e+00;
	v11 =	vimm.f32 $-Inf  }
0x390: {  	v12 =	vimm.f32 $0.0e+00;
	v14 =	vimm.f32 $-Inf;
	v15 =	vimm.f32 $0.0e+00  }
0x391: {  	v18 =	vimm.f32 $-Inf;
	v20 =	vimm.f32 $0.0e+00;
	v21 =	vimm.f32 $-Inf  }
0x392: {  	v22 =	vimm.f32 $0.0e+00;
	v3 =	vimm.f32 $-Inf;
	v4 =	vimm.f32 $0.0e+00  }
.LBB2_34:
0x393: {  	v3 =	vimm.f32 $-Inf  }
.Ltmp58:
0x394: {  	v7 =	vimm.f32 $0.0e+00;
	v8 =	vimm.f32 $-Inf;
	v9 =	vimm.f32 $0.0e+00;
	(pc) =	sbr.rel .LBB2_38-.Ltmp58, $4  }
0x395: {  	v10 =	vimm.f32 $-Inf;
	v11 =	vimm.f32 $0.0e+00;
	v13 =	vimm.f32 $-Inf  }
0x396: {  	v14 =	vimm.f32 $0.0e+00;
	v16 =	vimm.f32 $-Inf;
	v19 =	vimm.f32 $0.0e+00  }
0x397: {  	v20 =	vimm.f32 $-Inf;
	v21 =	vimm.f32 $0.0e+00;
	v2 =	vimm.f32 $-Inf  }
0x398: {  	v4 =	vimm.f32 $0.0e+00;
	v5 =	vimm.f32 $-Inf;
	v6 =	vimm.f32 $0.0e+00  }
.LBB2_42:
0x399: {  	v9 =	vimm.f32 $-Inf  }
.Ltmp59:
0x39a: {  	v11 =	vimm.f32 $0.0e+00;
	v12 =	vimm.f32 $-Inf;
	v13 =	vimm.f32 $0.0e+00;
	(pc) =	sbr.rel .LBB2_46-.Ltmp59, $4  }
0x39b: {  	v14 =	vimm.f32 $-Inf;
	v15 =	vimm.f32 $0.0e+00;
	v18 =	vimm.f32 $-Inf  }
0x39c: {  	v19 =	vimm.f32 $0.0e+00;
	v23 =	vimm.f32 $-Inf;
	v26 =	vimm.f32 $0.0e+00  }
0x39d: {  	v28 =	vimm.f32 $-Inf;
	v29 =	vimm.f32 $0.0e+00;
	v2 =	vimm.f32 $-Inf  }
0x39e: {  	v4 =	vimm.f32 $0.0e+00;
	v6 =	vimm.f32 $-Inf;
	v8 =	vimm.f32 $0.0e+00  }
.LBB2_49:
0x39f: {  	v12 =	vimm.f32 $-Inf  }
.Ltmp60:
0x3a0: {  	v13 =	vimm.f32 $0.0e+00;
	v14 =	vimm.f32 $-Inf;
	v15 =	vimm.f32 $0.0e+00;
	(pc) =	sbr.rel .LBB2_53-.Ltmp60, $4  }
0x3a1: {  	v17 =	vimm.f32 $-Inf;
	v18 =	vimm.f32 $0.0e+00;
	v22 =	vimm.f32 $-Inf  }
0x3a2: {  	v23 =	vimm.f32 $0.0e+00;
	v25 =	vimm.f32 $-Inf;
	v29 =	vimm.f32 $0.0e+00  }
0x3a3: {  	v30 =	vimm.f32 $-Inf;
	v31 =	vimm.f32 $0.0e+00;
	v4 =	vimm.f32 $-Inf  }
0x3a4: {  	v8 =	vimm.f32 $0.0e+00;
	v9 =	vimm.f32 $-Inf;
	v11 =	vimm.f32 $0.0e+00  }
.LBB2_57:
0x3a5: {  	v17 =	vimm.f32 $-Inf  }
.Ltmp61:
0x3a6: {  	v18 =	vimm.f32 $0.0e+00;
	v22 =	vimm.f32 $-Inf;
	v23 =	vimm.f32 $0.0e+00;
	(pc) =	sbr.rel .LBB2_62-.Ltmp61, $4  }
0x3a7: {  	v24 =	vimm.f32 $-Inf;
	v28 =	vimm.f32 $0.0e+00;
	v31 =	vimm.f32 $-Inf  }
0x3a8: {  	v32 =	vimm.f32 $0.0e+00;
	v34 =	vimm.f32 $-Inf;
	v37 =	vimm.f32 $0.0e+00  }
0x3a9: {  	v38 =	vimm.f32 $-Inf;
	v39 =	vimm.f32 $0.0e+00;
	v11 =	vimm.f32 $-Inf  }
0x3aa: {  	v3 =	vmovc v45;
	v12 =	vimm.f32 $0.0e+00;
	v14 =	vimm.f32 $-Inf;
	v15 =	vimm.f32 $0.0e+00  }
.LBB2_70:
0x3ab: {  	v9 =	vld [tilespmem:$0x1FFB0]  }
0x3ac: {  	v38 =	vld [tilespmem:$0x1FF00]  }
0x3ad: {  	v39 =	vld [tilespmem:$0x1FFA0]  }
0x3ae: {  	v5 =	vimm.f32 $-Inf;
	v40 =	vld [tilespmem:$0x1FF90]  }
.Ltmp62:
0x3af: {  	v10 =	vimm.f32 $0.0e+00;
	v14 =	vimm.f32 $-Inf;
	v15 =	vimm.f32 $0.0e+00;
	v6 =	vld [tilespmem:$0x1FF10];
	(pc) =	sbr.rel .LBB2_74-.Ltmp62, $4  }
0x3b0: {  	v16 =	vimm.f32 $-Inf;
	v17 =	vimm.f32 $0.0e+00;
	v18 =	vimm.f32 $-Inf;
	v41 =	vld [tilespmem:$0x1FEF0]  }
0x3b1: {  	v20 =	vimm.f32 $0.0e+00;
	v22 =	vimm.f32 $-Inf;
	v23 =	vimm.f32 $0.0e+00;
	v42 =	vld [tilespmem:$0x1FF80]  }
0x3b2: {  	v28 =	vimm.f32 $-Inf;
	v31 =	vimm.f32 $0.0e+00;
	v32 =	vimm.f32 $-Inf;
	v43 =	vld [tilespmem:$0x1FEE0]  }
0x3b3: {  	v34 =	vimm.f32 $0.0e+00;
	v3 =	vimm.f32 $-Inf;
	v7 =	vimm.f32 $0.0e+00;
	v44 =	vld [tilespmem:$0x1FF70]  }
.LBB2_6:
.Ltmp63:
0x3b4: {  	(pc) =	sbr.rel .LBB2_8-.Ltmp63, $4  }
0x3b5: {  	v6 =	vimm.f32 $-Inf;
	v7 =	vimm.f32 $0.0e+00;
	v8 =	vimm.f32 $-Inf  }
0x3b6: {  	v9 =	vimm.f32 $0.0e+00;
	v10 =	vimm.f32 $-Inf;
	v11 =	vimm.f32 $0.0e+00  }
0x3b7: {  	v13 =	vimm.f32 $-Inf;
	v14 =	vimm.f32 $0.0e+00;
	v16 =	vimm.f32 $-Inf  }
0x3b8: {  	v18 =	vimm.f32 $0.0e+00;
	v19 =	vimm.f32 $-Inf;
	v21 =	vimm.f32 $0.0e+00  }
.LBB2_14:
.Ltmp64:
0x3b9: {  	v4 =	vimm.f32 $-Inf;
	v5 =	vimm.f32 $0.0e+00;
	(pc) =	sbr.rel .LBB2_16-.Ltmp64, $4  }
0x3ba: {  	v6 =	vimm.f32 $-Inf;
	v7 =	vimm.f32 $0.0e+00;
	v8 =	vimm.f32 $-Inf  }
0x3bb: {  	v9 =	vimm.f32 $0.0e+00;
	v10 =	vimm.f32 $-Inf;
	v11 =	vimm.f32 $0.0e+00  }
0x3bc: {  	v13 =	vimm.f32 $-Inf;
	v14 =	vimm.f32 $0.0e+00;
	v17 =	vimm.f32 $-Inf  }
0x3bd: {  	v19 =	vimm.f32 $0.0e+00;
	v20 =	vimm.f32 $-Inf;
	v21 =	vimm.f32 $0.0e+00  }
.LBB2_21:
.Ltmp65:
0x3be: {  	v5 =	vimm.f32 $-Inf;
	v6 =	vimm.f32 $0.0e+00;
	(pc) =	sbr.rel .LBB2_23-.Ltmp65, $4  }
0x3bf: {  	v7 =	vimm.f32 $-Inf;
	v8 =	vimm.f32 $0.0e+00;
	v9 =	vimm.f32 $-Inf  }
0x3c0: {  	v10 =	vimm.f32 $0.0e+00;
	v11 =	vimm.f32 $-Inf;
	v12 =	vimm.f32 $0.0e+00  }
0x3c1: {  	v14 =	vimm.f32 $-Inf;
	v15 =	vimm.f32 $0.0e+00;
	v18 =	vimm.f32 $-Inf  }
0x3c2: {  	v20 =	vimm.f32 $0.0e+00;
	v21 =	vimm.f32 $-Inf;
	v22 =	vimm.f32 $0.0e+00  }
.LBB2_29:
.Ltmp66:
0x3c3: {  	v5 =	vimm.f32 $-Inf;
	v6 =	vimm.f32 $0.0e+00;
	(pc) =	sbr.rel .LBB2_31-.Ltmp66, $4  }
0x3c4: {  	v7 =	vimm.f32 $-Inf;
	v8 =	vimm.f32 $0.0e+00;
	v9 =	vimm.f32 $-Inf  }
0x3c5: {  	v10 =	vimm.f32 $0.0e+00;
	v11 =	vimm.f32 $-Inf;
	v12 =	vimm.f32 $0.0e+00  }
0x3c6: {  	v14 =	vimm.f32 $-Inf;
	v15 =	vimm.f32 $0.0e+00;
	v18 =	vimm.f32 $-Inf  }
0x3c7: {  	v20 =	vimm.f32 $0.0e+00;
	v21 =	vimm.f32 $-Inf;
	v22 =	vimm.f32 $0.0e+00  }
.LBB2_36:
.Ltmp67:
0x3c8: {  	(pc) =	sbr.rel .LBB2_38-.Ltmp67, $4  }
0x3c9: {  	v3 =	vimm.f32 $-Inf;
	v7 =	vimm.f32 $0.0e+00;
	v8 =	vimm.f32 $-Inf  }
0x3ca: {  	v9 =	vimm.f32 $0.0e+00;
	v10 =	vimm.f32 $-Inf;
	v11 =	vimm.f32 $0.0e+00  }
0x3cb: {  	v13 =	vimm.f32 $-Inf;
	v14 =	vimm.f32 $0.0e+00;
	v16 =	vimm.f32 $-Inf  }
0x3cc: {  	v19 =	vimm.f32 $0.0e+00;
	v20 =	vimm.f32 $-Inf;
	v21 =	vimm.f32 $0.0e+00  }
.LBB2_44:
.Ltmp68:
0x3cd: {  	(pc) =	sbr.rel .LBB2_46-.Ltmp68, $4  }
0x3ce: {  	v9 =	vimm.f32 $-Inf;
	v11 =	vimm.f32 $0.0e+00;
	v12 =	vimm.f32 $-Inf  }
0x3cf: {  	v13 =	vimm.f32 $0.0e+00;
	v14 =	vimm.f32 $-Inf;
	v15 =	vimm.f32 $0.0e+00  }
0x3d0: {  	v18 =	vimm.f32 $-Inf;
	v19 =	vimm.f32 $0.0e+00;
	v23 =	vimm.f32 $-Inf  }
0x3d1: {  	v26 =	vimm.f32 $0.0e+00;
	v28 =	vimm.f32 $-Inf;
	v29 =	vimm.f32 $0.0e+00  }
.LBB2_51:
.Ltmp69:
0x3d2: {  	(pc) =	sbr.rel .LBB2_53-.Ltmp69, $4  }
0x3d3: {  	v12 =	vimm.f32 $-Inf;
	v13 =	vimm.f32 $0.0e+00;
	v14 =	vimm.f32 $-Inf  }
0x3d4: {  	v15 =	vimm.f32 $0.0e+00;
	v17 =	vimm.f32 $-Inf;
	v18 =	vimm.f32 $0.0e+00  }
0x3d5: {  	v22 =	vimm.f32 $-Inf;
	v23 =	vimm.f32 $0.0e+00;
	v25 =	vimm.f32 $-Inf  }
0x3d6: {  	v29 =	vimm.f32 $0.0e+00;
	v30 =	vimm.f32 $-Inf;
	v31 =	vimm.f32 $0.0e+00  }
.LBB2_59:
.Ltmp70:
0x3d7: {  	(pc) =	sbr.rel .LBB2_62-.Ltmp70, $4  }
0x3d8: {  	v17 =	vimm.f32 $-Inf;
	v18 =	vimm.f32 $0.0e+00;
	v22 =	vimm.f32 $-Inf  }
0x3d9: {  	v23 =	vimm.f32 $0.0e+00;
	v24 =	vimm.f32 $-Inf;
	v28 =	vimm.f32 $0.0e+00  }
0x3da: {  	v31 =	vimm.f32 $-Inf;
	v32 =	vimm.f32 $0.0e+00;
	v34 =	vimm.f32 $-Inf  }
0x3db: {  	v3 =	vmovc v45;
	v37 =	vimm.f32 $0.0e+00;
	v38 =	vimm.f32 $-Inf;
	v39 =	vimm.f32 $0.0e+00  }
.LBB2_66:
0x3dc: {  	v18 =	vimm.f32 $-Inf  }
0x3dd: {  	v22 =	vimm.f32 $0.0e+00;
	v23 =	vimm.f32 $-Inf;
	v28 =	vimm.f32 $0.0e+00  }
0x3de: {  	v29 =	vimm.f32 $-Inf;
	v31 =	vimm.f32 $0.0e+00;
	v32 =	vimm.f32 $-Inf  }
.Ltmp71:
0x3df: {  	v33 =	vimm.f32 $0.0e+00;
	v34 =	vimm.f32 $-Inf;
	v36 =	vimm.f32 $0.0e+00;
	(pc) =	sbr.rel .LBB2_69-.Ltmp71, $4  }
0x3e0: {  	v39 =	vimm.f32 $-Inf;
	v40 =	vimm.f32 $0.0e+00;
	v45 =	vmovc v46;
	v46 =	vmovc v47;
	v47 =	vmov v48  }
0x3e1: {  	v48 =	vmovc v50;
	v50 =	vmovc v51;
	v51 =	vmov v52;
	v52 =	vmov v53;
	v53 =	vmov v54  }
0x3e2: {  	v54 =	vmovc v55;
	v55 =	vmovc v56;
	v56 =	vmov v57;
	v57 =	vmov v58;
	v58 =	vmov v59  }
0x3e3: {  	v59 =	vmovc v60;
	v60 =	vmovc v61;
	v61 =	vmov v62;
	v62 =	vmov v63;
	v63 =	vmov v9  }
.LBB2_72:
.Ltmp72:
0x3e4: {  	v5 =	vimm.f32 $-Inf;
	v10 =	vimm.f32 $0.0e+00;
	(pc) =	sbr.rel .LBB2_74-.Ltmp72, $4  }
0x3e5: {  	v14 =	vimm.f32 $-Inf;
	v15 =	vimm.f32 $0.0e+00;
	v16 =	vimm.f32 $-Inf  }
0x3e6: {  	v17 =	vimm.f32 $0.0e+00;
	v18 =	vimm.f32 $-Inf;
	v20 =	vimm.f32 $0.0e+00  }
0x3e7: {  	v22 =	vimm.f32 $-Inf;
	v23 =	vimm.f32 $0.0e+00;
	v28 =	vimm.f32 $-Inf  }
0x3e8: {  	v31 =	vimm.f32 $0.0e+00;
	v32 =	vimm.f32 $-Inf;
	v34 =	vimm.f32 $0.0e+00  }
.LBB2_76:
.Ltmp73:
0x3e9: {  	v10 =	vimm.f32 $-Inf;
	v11 =	vimm.f32 $0.0e+00;
	(pc) =	sbr.rel .LBB2_78-.Ltmp73, $4  }
0x3ea: {  	v12 =	vimm.f32 $-Inf;
	v14 =	vimm.f32 $0.0e+00;
	v15 =	vimm.f32 $-Inf  }
0x3eb: {  	v16 =	vimm.f32 $0.0e+00;
	v17 =	vimm.f32 $-Inf;
	v18 =	vimm.f32 $0.0e+00  }
0x3ec: {  	v20 =	vimm.f32 $-Inf;
	v21 =	vimm.f32 $0.0e+00;
	v23 =	vimm.f32 $-Inf  }
0x3ed: {  	v28 =	vimm.f32 $0.0e+00;
	v29 =	vimm.f32 $-Inf;
	v32 =	vimm.f32 $0.0e+00  }
.LBB2_81:
.Ltmp74:
0x3ee: {  	v6 =	vimm.f32 $-Inf;
	v7 =	vimm.f32 $0.0e+00;
	(pc) =	sbr.rel .LBB2_83-.Ltmp74, $4  }
0x3ef: {  	v8 =	vimm.f32 $-Inf;
	v10 =	vimm.f32 $0.0e+00;
	v11 =	vimm.f32 $-Inf  }
0x3f0: {  	v12 =	vimm.f32 $0.0e+00;
	v13 =	vimm.f32 $-Inf;
	v14 =	vimm.f32 $0.0e+00  }
0x3f1: {  	v16 =	vimm.f32 $-Inf;
	v17 =	vimm.f32 $0.0e+00;
	v20 =	vimm.f32 $-Inf  }
0x3f2: {  	v22 =	vimm.f32 $0.0e+00;
	v23 =	vimm.f32 $-Inf;
	v24 =	vimm.f32 $0.0e+00  }
.LBB2_86:
0x3f3: {  	_ =	sfence.sel $0x180000  }
0x3f4: {  	[bflag:$0x0] =	sbarrier.arrive $0xFFFF  }
0x3f5: {  	_ =	strace $0x90000047  }
0x3f6: {  	s0 =	stileid.u32;
	[bflag:$0x2] =	sbarrier.arrive $0xFFFF  }
0x3f7: {  	p0 =	sne.s32 s0, $0x0;
	s0 =	rddreg [dreg:$0x6]  }
0x3f8: {  	s0 =	sadd.s32 @!p0 $0x100000, s0  }
0x3f9: {  	[sflag:s0] =	ssyncadd.tile.s32 @!p0 $0x1;
	_ =	shalt  }
.Lfunc_end2:
_tile_overlayer_lowered:
.L_overlay_start_2:
0x3fa: {  	(tag) =	ssettag $0x2  }
0x3fb: {  	s0 =	rddreg [dreg:$0x0];
	s2 =	stileid.u32  }
0x3fc: {  	s1 =	rddreg [dreg:$0x1];
	p0 =	sne.s32 s2, $0x0  }
0x3fd: {  	s3 =	rddreg [dreg:$0x2];
	[bflag:$0x3] =	sbarrier.arrive $0xFFFF;
	s2 =	simm.s32 @!p0 $0x1C02  }
0x3fe: {  	[timem:s3], [sflag:s2] =	dma.local @!p0 [hbm:s0], s1  }
0x3ff: {  	s0 =	simm.s32 @!p0 $0x2  }
0x400: {  	_ =	swait.ge @!p0 [sflag:s0], s1  }
0x401: {  	s1 =	ssub.s32 @!p0 $0x0, s1;
	[sflag:s0] =	ssyncset.done @!p0 $0x0  }
0x402: {  	[sflag:s0] =	ssyncadd.s32 @!p0 s1  }
0x403: {  	[bflag:$0x3] =	sbarrier.arrive $0xFFFF  }
0x404: {  	_ =	shalt  }

</sc_bundles>
